<compile_context>
chip_gen: v7x
topology: tpu7x:2x2x1
jax: 0.10.2.dev20260603
libtpu: 0.0.44.dev20260713+nightly
codegen_flags: <defaults>
</compile_context>

<pallas_src>
import jax
import jax.numpy as jnp
from jax import lax
from jax.experimental import pallas as pl
from jax.experimental.pallas import tpu as pltpu
from jax.experimental.pallas import tpu_sc as plsc
from jax.experimental import layout as jx_layout

BATCH = 16384
SEQ = 200
EMB_DIM = 64
HIDDEN = 256
OUT = 2

NUM_CORES = 2
NUM_SUBCORES = 16
NUM_WORKERS = NUM_CORES * NUM_SUBCORES
ROWS_PER_WORKER = BATCH // NUM_WORKERS
HALF_SEQ = SEQ // 2


GRP = 128
GRP2 = 2 * GRP
NGRP = ROWS_PER_WORKER // GRP


def _pool_body(x_hbm, emb_hbm, out_hbm, idx_v, rows_v, out_v,
               sem_idx, sem0, sem1, sem2, sem3):
  wid = lax.axis_index("s") * NUM_CORES + lax.axis_index("c")
  row_base = wid * ROWS_PER_WORKER
  sems = (sem0, sem1, sem2, sem3)
  scale = jnp.float32(1.0 / SEQ)

  def gather_start(s, chunk, buf):
    pltpu.make_async_copy(
        emb_hbm.at[idx_v.at[s, chunk]], rows_v.at[buf], sems[buf]).start()

  def gather_wait(buf):
    pltpu.make_async_copy(
        emb_hbm.at[idx_v.at[0, 0]], rows_v.at[buf], sems[buf]).wait()

  def accum_store(b0, b1, out_row):
    def step(j, accs):
      a0, a1, a2, a3 = accs
      a0 = a0 + rows_v[b0, j, pl.ds(0, 16)] + rows_v[b1, j, pl.ds(0, 16)]
      a1 = a1 + rows_v[b0, j, pl.ds(16, 16)] + rows_v[b1, j, pl.ds(16, 16)]
      a2 = a2 + rows_v[b0, j, pl.ds(32, 16)] + rows_v[b1, j, pl.ds(32, 16)]
      a3 = a3 + rows_v[b0, j, pl.ds(48, 16)] + rows_v[b1, j, pl.ds(48, 16)]
      return (a0, a1, a2, a3)

    z = jnp.zeros((16,), jnp.float32)
    a0, a1, a2, a3 = lax.fori_loop(0, HALF_SEQ, step, (z, z, z, z))
    out_v[out_row, pl.ds(0, 16)] = a0 * scale
    out_v[out_row, pl.ds(16, 16)] = a1 * scale
    out_v[out_row, pl.ds(32, 16)] = a2 * scale
    out_v[out_row, pl.ds(48, 16)] = a3 * scale

  pltpu.sync_copy(x_hbm.at[pl.ds(row_base * 2, GRP2)], idx_v.at[0])
  pltpu.make_async_copy(
      x_hbm.at[pl.ds(row_base * 2 + GRP2, GRP2)], idx_v.at[1], sem_idx).start()

  for g in range(NGRP):
    s = g % 2
    if g >= 1:
      pltpu.make_async_copy(
          x_hbm.at[pl.ds(row_base * 2, GRP2)], idx_v.at[s], sem_idx).wait()
      if g + 1 < NGRP:
        pltpu.make_async_copy(
            x_hbm.at[pl.ds((row_base + (g + 1) * GRP) * 2, GRP2)],
            idx_v.at[(g + 1) % 2], sem_idx).start()

    for pr in range(2):
      gather_start(s, 2 * pr, 2 * pr)
      gather_start(s, 2 * pr + 1, 2 * pr + 1)

    def pair_body(p, carry, s=s, g=g):
      for pr in range(2):
        r = 2 * p + pr
        b0, b1 = 2 * pr, 2 * pr + 1
        gather_wait(b0)
        gather_wait(b1)
        accum_store(b0, b1, g * GRP + r)
        gather_start(s, 2 * (r + 2), b0)
        gather_start(s, 2 * (r + 2) + 1, b1)
      return carry

    lax.fori_loop(0, GRP // 2 - 1, pair_body, 0)

    for pr in range(2):
      b0, b1 = 2 * pr, 2 * pr + 1
      gather_wait(b0)
      gather_wait(b1)
      accum_store(b0, b1, g * GRP + GRP - 2 + pr)

  pltpu.sync_copy(out_v, out_hbm.at[pl.ds(row_base, ROWS_PER_WORKER)])


def _pool(x2, emb):
  mesh = plsc.VectorSubcoreMesh(core_axis_name="c", subcore_axis_name="s")
  return pl.kernel(
      _pool_body,
      out_type=jax.ShapeDtypeStruct((BATCH, EMB_DIM), jnp.float32),
      mesh=mesh,
      compiler_params=pltpu.CompilerParams(use_tc_tiling_on_sc=False),
      scratch_types=[
          pltpu.VMEM((2, GRP2, HALF_SEQ), jnp.int32),
          pltpu.VMEM((4, HALF_SEQ, EMB_DIM), jnp.float32),
          pltpu.VMEM((ROWS_PER_WORKER, EMB_DIM), jnp.float32),
          pltpu.SemaphoreType.DMA,
          pltpu.SemaphoreType.DMA,
          pltpu.SemaphoreType.DMA,
          pltpu.SemaphoreType.DMA,
          pltpu.SemaphoreType.DMA,
      ],
  )(x2, emb)


def _mlp_body(h_ref, vwt_ref, vb_ref, wwt_ref, wb_ref, o_ref):
  h = h_ref[...]
  z = jnp.tanh(
      jnp.dot(h, vwt_ref[...], preferred_element_type=jnp.float32)
      + vb_ref[...])
  logits = (
      jnp.dot(z, wwt_ref[...], preferred_element_type=jnp.float32)
      + wb_ref[...])
  m = jnp.max(logits, axis=1, keepdims=True)
  lse = jnp.log(jnp.sum(jnp.exp(logits - m), axis=1, keepdims=True)) + m
  o_ref[...] = logits - lse


def _mlp(pooled, VwT, Vb2, WwT, Wb2):
  bb = 2048
  grid = (BATCH // bb,)
  return pl.pallas_call(
      _mlp_body,
      grid=grid,
      in_specs=[
          pl.BlockSpec((bb, EMB_DIM), lambda i: (i, 0)),
          pl.BlockSpec((EMB_DIM, HIDDEN), lambda i: (0, 0)),
          pl.BlockSpec((1, HIDDEN), lambda i: (0, 0)),
          pl.BlockSpec((HIDDEN, OUT), lambda i: (0, 0)),
          pl.BlockSpec((1, OUT), lambda i: (0, 0)),
      ],
      out_specs=pl.BlockSpec((bb, OUT), lambda i: (i, 0)),
      out_shape=jax.ShapeDtypeStruct((BATCH, OUT), jnp.float32),
  )(pooled, VwT, Vb2, WwT, Wb2)


@jax.jit
def kernel(x, emb, Vw, Vb, Ww, Wb):
  x2 = x.astype(jnp.int32).reshape(BATCH * 2, HALF_SEQ)
  emb_lin = jx_layout.with_layout_constraint(
      emb, jx_layout.Layout(major_to_minor=(0, 1), tiling=()))
  pooled = _pool(x2, emb_lin)
  return _mlp(pooled, Vw.T, Vb.reshape(1, HIDDEN), Ww.T, Wb.reshape(1, OUT))

# --- scband reference (transcript-rebuilt; emitter-appended) ---
"""Pipeline reference for scband-dan-3204045603881 (READ-ONLY COPY).

The authoritative reference and input builder live on the scoring server;
editing this copy changes nothing except your own understanding.
"""

import jax, jax.numpy as jnp
import numpy as np

VOCAB = 1000000
EMB_DIM = 64
HIDDEN = 256
OUT = 2
BATCH = 16384
SEQ = 200


def setup_inputs(seed: int = 0) -> dict:
    key = jax.random.key(seed)
    k1, k2, k3, k4 = jax.random.split(key, 4)
    x = jax.random.randint(k1, (BATCH, SEQ), 0, VOCAB, dtype=jnp.int64) if jax.config.jax_enable_x64 else jax.random.randint(k1, (BATCH, SEQ), 0, VOCAB, dtype=jnp.int32)
    emb = jax.random.normal(k2, (VOCAB, EMB_DIM), dtype=jnp.float32) * 0.02
    a_v = float(np.sqrt(6.0 / (EMB_DIM + HIDDEN)))
    Vw = jax.random.uniform(k3, (HIDDEN, EMB_DIM), minval=-a_v, maxval=a_v, dtype=jnp.float32)
    Vb = jnp.zeros((HIDDEN,), dtype=jnp.float32)
    a_w = float(np.sqrt(6.0 / (HIDDEN + OUT)))
    Ww = jax.random.uniform(k4, (OUT, HIDDEN), minval=-a_w, maxval=a_w, dtype=jnp.float32)
    Wb = jnp.zeros((OUT,), dtype=jnp.float32)
    return {"x": x, "emb": emb, "Vw": Vw, "Vb": Vb, "Ww": Ww, "Wb": Wb}


def reference(x, emb, Vw, Vb, Ww, Wb):
    # embedding lookup: [B, L] -> [B, L, D]
    e = jnp.take(emb, x, axis=0)
    # average over sequence dim
    h = e.mean(axis=1)
    # V linear + tanh
    h = jnp.tanh(h @ Vw.T + Vb)
    # W linear
    logits = h @ Ww.T + Wb
    # log softmax over classes (dim=1)
    return jax.nn.log_softmax(logits, axis=1)

if __name__ == "__main__":
    import jax
    _d = setup_inputs()
    print(jax.jit(kernel)(*tuple(_d.values())))

</pallas_src>

<mosaic_0001>
#map = affine_map<(d0, d1) -> (0, 0)>
module attributes {stable_mosaic.version = 14 : i64} {
  func.func @_pool_body(%arg0: i32, %arg1: i32, %arg2: memref<32768x100xi32, #tpu.memory_space<hbm>>, %arg3: memref<1000000x64xf32, #tpu.memory_space<hbm>>, %arg4: memref<16384x64xf32, #tpu.memory_space<hbm>>, %arg5: memref<2x256x100xi32, #tpu.memory_space<vmem>>, %arg6: memref<4x100x64xf32, #tpu.memory_space<vmem>>, %arg7: memref<512x64xf32, #tpu.memory_space<vmem>>, %arg8: memref<!tpu.dma_semaphore, #tpu.memory_space<semaphore_mem>>, %arg9: memref<!tpu.dma_semaphore, #tpu.memory_space<semaphore_mem>>, %arg10: memref<!tpu.dma_semaphore, #tpu.memory_space<semaphore_mem>>, %arg11: memref<!tpu.dma_semaphore, #tpu.memory_space<semaphore_mem>>, %arg12: memref<!tpu.dma_semaphore, #tpu.memory_space<semaphore_mem>>) attributes {dimension_semantics = [#tpu.dimension_semantics<core_parallel>, #tpu.dimension_semantics<subcore_parallel>], iteration_bounds = array<i64: 2, 16>, scalar_prefetch = 0 : i64, scratch_operands = 8 : i64, tpu.core_type = #tpu.core_type<sc_vector_subcore>, window_params = [{transform_indices = #map}, {transform_indices = #map}, {transform_indices = #map}]} {
    %mul3A = arith.constant 2 : i32
    %mul3A_0 = arith.muli %arg1, %mul3A : i32
    %add3A = arith.addi %mul3A_0, %arg0 : i32
    %mul3A_1 = arith.constant 512 : i32
    %mul3A_2 = arith.muli %add3A, %mul3A_1 : i32
    %mul3A_3 = arith.constant 2 : i32
    %mul3A_4 = arith.muli %mul3A_2, %mul3A_3 : i32
    %run_scoped3A = arith.constant 0 : i32
    "tpu.region"() ({
      %run_scoped3A_892 = tpu.sem_alloc : memref<!tpu.dma_semaphore, #tpu.memory_space<semaphore_mem>>
      %dma_start3A_893 = arith.constant 0 : i32
      %dma_start3A_894 = arith.constant 0 : i32
      %dma_start3A_895 = tpu.memref_slice %arg5[%run_scoped3A, %dma_start3A_893, %dma_start3A_894] : memref<2x256x100xi32, #tpu.memory_space<vmem>> -> memref<1x256x100xi32, #tpu.memory_space<vmem>>
      %dma_start3A_896 = tpu.memref_squeeze %dma_start3A_895 : memref<1x256x100xi32, #tpu.memory_space<vmem>> -> memref<256x100xi32, #tpu.memory_space<vmem>>
      %dma_start3A_897 = arith.constant 0 : i32
      %dma_start3A_898 = tpu.memref_slice %arg2[%mul3A_4, %dma_start3A_897] : memref<32768x100xi32, #tpu.memory_space<hbm>> -> memref<256x100xi32, #tpu.memory_space<hbm>>
      %dma_start3A_899 = arith.constant 0 : i32
      %dma_start3A_900 = arith.constant 0 : i32
      %dma_start3A_901 = tpu.memref_slice %arg5[%run_scoped3A, %dma_start3A_899, %dma_start3A_900] : memref<2x256x100xi32, #tpu.memory_space<vmem>> -> memref<1x256x100xi32, #tpu.memory_space<vmem>>
      %dma_start3A_902 = tpu.memref_squeeze %dma_start3A_901 : memref<1x256x100xi32, #tpu.memory_space<vmem>> -> memref<256x100xi32, #tpu.memory_space<vmem>>
      %dma_start3A_903 = arith.constant 0 : i32
      %dma_start3A_904 = tpu.memref_slice %arg2[%mul3A_4, %dma_start3A_903] : memref<32768x100xi32, #tpu.memory_space<hbm>> -> memref<256x100xi32, #tpu.memory_space<hbm>>
      tpu.enqueue_dma source(%dma_start3A_904 : memref<256x100xi32, #tpu.memory_space<hbm>>) target(%dma_start3A_902 : memref<256x100xi32, #tpu.memory_space<vmem>>) target_semaphore(%run_scoped3A_892 : memref<!tpu.dma_semaphore, #tpu.memory_space<semaphore_mem>>)
      %dma_wait3A_905 = arith.constant 0 : i32
      %dma_wait3A_906 = arith.constant 0 : i32
      %dma_wait3A_907 = tpu.memref_slice %arg5[%run_scoped3A, %dma_wait3A_905, %dma_wait3A_906] : memref<2x256x100xi32, #tpu.memory_space<vmem>> -> memref<1x256x100xi32, #tpu.memory_space<vmem>>
      %dma_wait3A_908 = tpu.memref_squeeze %dma_wait3A_907 : memref<1x256x100xi32, #tpu.memory_space<vmem>> -> memref<256x100xi32, #tpu.memory_space<vmem>>
      %dma_wait3A_909 = arith.constant 0 : i32
      %dma_wait3A_910 = tpu.memref_slice %arg2[%mul3A_4, %dma_wait3A_909] : memref<32768x100xi32, #tpu.memory_space<hbm>> -> memref<256x100xi32, #tpu.memory_space<hbm>>
      %dma_wait3A_911 = arith.constant 0 : i32
      %dma_wait3A_912 = arith.constant 0 : i32
      %dma_wait3A_913 = tpu.memref_slice %arg5[%run_scoped3A, %dma_wait3A_911, %dma_wait3A_912] : memref<2x256x100xi32, #tpu.memory_space<vmem>> -> memref<1x256x100xi32, #tpu.memory_space<vmem>>
      %dma_wait3A_914 = tpu.memref_squeeze %dma_wait3A_913 : memref<1x256x100xi32, #tpu.memory_space<vmem>> -> memref<256x100xi32, #tpu.memory_space<vmem>>
      %dma_wait3A_915 = arith.constant 0 : i32
      %dma_wait3A_916 = tpu.memref_slice %arg2[%mul3A_4, %dma_wait3A_915] : memref<32768x100xi32, #tpu.memory_space<hbm>> -> memref<256x100xi32, #tpu.memory_space<hbm>>
      tpu.wait_dma2 semaphore(%run_scoped3A_892 : memref<!tpu.dma_semaphore, #tpu.memory_space<semaphore_mem>>) src(%dma_wait3A_916 : memref<256x100xi32, #tpu.memory_space<hbm>>) dst(%dma_wait3A_914 : memref<256x100xi32, #tpu.memory_space<vmem>>)
      tpu.yield
    }) : () -> ()
    %mul3A_5 = arith.constant 2 : i32
    %mul3A_6 = arith.muli %mul3A_2, %mul3A_5 : i32
    %add3A_7 = arith.constant 256 : i32
    %add3A_8 = arith.addi %mul3A_6, %add3A_7 : i32
    %dma_start3A = arith.constant 1 : i32
    %dma_start3A_9 = arith.constant 0 : i32
    %dma_start3A_10 = arith.constant 0 : i32
    %dma_start3A_11 = tpu.memref_slice %arg5[%dma_start3A, %dma_start3A_9, %dma_start3A_10] : memref<2x256x100xi32, #tpu.memory_space<vmem>> -> memref<1x256x100xi32, #tpu.memory_space<vmem>>
    %dma_start3A_12 = tpu.memref_squeeze %dma_start3A_11 : memref<1x256x100xi32, #tpu.memory_space<vmem>> -> memref<256x100xi32, #tpu.memory_space<vmem>>
    %dma_start3A_13 = arith.constant 0 : i32
    %dma_start3A_14 = tpu.memref_slice %arg2[%add3A_8, %dma_start3A_13] : memref<32768x100xi32, #tpu.memory_space<hbm>> -> memref<256x100xi32, #tpu.memory_space<hbm>>
    %dma_start3A_15 = arith.constant 0 : i32
    %dma_start3A_16 = arith.constant 0 : i32
    %dma_start3A_17 = tpu.memref_slice %arg5[%dma_start3A, %dma_start3A_15, %dma_start3A_16] : memref<2x256x100xi32, #tpu.memory_space<vmem>> -> memref<1x256x100xi32, #tpu.memory_space<vmem>>
    %dma_start3A_18 = tpu.memref_squeeze %dma_start3A_17 : memref<1x256x100xi32, #tpu.memory_space<vmem>> -> memref<256x100xi32, #tpu.memory_space<vmem>>
    %dma_start3A_19 = arith.constant 0 : i32
    %dma_start3A_20 = tpu.memref_slice %arg2[%add3A_8, %dma_start3A_19] : memref<32768x100xi32, #tpu.memory_space<hbm>> -> memref<256x100xi32, #tpu.memory_space<hbm>>
    tpu.enqueue_dma source(%dma_start3A_20 : memref<256x100xi32, #tpu.memory_space<hbm>>) target(%dma_start3A_18 : memref<256x100xi32, #tpu.memory_space<vmem>>) target_semaphore(%arg8 : memref<!tpu.dma_semaphore, #tpu.memory_space<semaphore_mem>>)
    %dma_start3A_21 = arith.constant 0 : i32
    %dma_start3A_22 = arith.constant 0 : i32
    %dma_start3A_23 = arith.constant 0 : i32
    %dma_start3A_24 = arith.constant 0 : i32
    %dma_start3A_25 = arith.constant 0 : i32
    %dma_start3A_26 = tpu.memref_slice %arg6[%dma_start3A_23, %dma_start3A_24, %dma_start3A_25] : memref<4x100x64xf32, #tpu.memory_space<vmem>> -> memref<1x100x64xf32, #tpu.memory_space<vmem>>
    %dma_start3A_27 = tpu.memref_squeeze %dma_start3A_26 : memref<1x100x64xf32, #tpu.memory_space<vmem>> -> memref<100x64xf32, #tpu.memory_space<vmem>>
    %dma_start3A_28 = arith.constant 0 : i32
    %dma_start3A_29 = tpu.memref_slice %arg5[%dma_start3A_21, %dma_start3A_22, %dma_start3A_28] : memref<2x256x100xi32, #tpu.memory_space<vmem>> -> memref<1x1x100xi32, #tpu.memory_space<vmem>>
    %dma_start3A_30 = tpu.memref_squeeze %dma_start3A_29 : memref<1x1x100xi32, #tpu.memory_space<vmem>> -> memref<100xi32, #tpu.memory_space<vmem>>
    %dma_start3A_31 = arith.constant 0 : i32
    %dma_start3A_32 = arith.constant 0 : i32
    %dma_start3A_33 = tpu.memref_slice %arg3[%dma_start3A_31, %dma_start3A_32] : memref<1000000x64xf32, #tpu.memory_space<hbm>> -> memref<1000000x64xf32, #tpu.memory_space<hbm>>
    tpu.enqueue_indirect_dma source(%dma_start3A_33 : memref<1000000x64xf32, #tpu.memory_space<hbm>>) target(%dma_start3A_27 : memref<100x64xf32, #tpu.memory_space<vmem>>) offsets(%dma_start3A_30 : memref<100xi32, #tpu.memory_space<vmem>>) semaphore(%arg9 : memref<!tpu.dma_semaphore, #tpu.memory_space<semaphore_mem>>)
    %dma_start3A_34 = arith.constant 0 : i32
    %dma_start3A_35 = arith.constant 1 : i32
    %dma_start3A_36 = arith.constant 1 : i32
    %dma_start3A_37 = arith.constant 0 : i32
    %dma_start3A_38 = arith.constant 0 : i32
    %dma_start3A_39 = tpu.memref_slice %arg6[%dma_start3A_36, %dma_start3A_37, %dma_start3A_38] : memref<4x100x64xf32, #tpu.memory_space<vmem>> -> memref<1x100x64xf32, #tpu.memory_space<vmem>>
    %dma_start3A_40 = tpu.memref_squeeze %dma_start3A_39 : memref<1x100x64xf32, #tpu.memory_space<vmem>> -> memref<100x64xf32, #tpu.memory_space<vmem>>
    %dma_start3A_41 = arith.constant 0 : i32
    %dma_start3A_42 = tpu.memref_slice %arg5[%dma_start3A_34, %dma_start3A_35, %dma_start3A_41] : memref<2x256x100xi32, #tpu.memory_space<vmem>> -> memref<1x1x100xi32, #tpu.memory_space<vmem>>
    %dma_start3A_43 = tpu.memref_squeeze %dma_start3A_42 : memref<1x1x100xi32, #tpu.memory_space<vmem>> -> memref<100xi32, #tpu.memory_space<vmem>>
    %dma_start3A_44 = arith.constant 0 : i32
    %dma_start3A_45 = arith.constant 0 : i32
    %dma_start3A_46 = tpu.memref_slice %arg3[%dma_start3A_44, %dma_start3A_45] : memref<1000000x64xf32, #tpu.memory_space<hbm>> -> memref<1000000x64xf32, #tpu.memory_space<hbm>>
    tpu.enqueue_indirect_dma source(%dma_start3A_46 : memref<1000000x64xf32, #tpu.memory_space<hbm>>) target(%dma_start3A_40 : memref<100x64xf32, #tpu.memory_space<vmem>>) offsets(%dma_start3A_43 : memref<100xi32, #tpu.memory_space<vmem>>) semaphore(%arg10 : memref<!tpu.dma_semaphore, #tpu.memory_space<semaphore_mem>>)
    %dma_start3A_47 = arith.constant 0 : i32
    %dma_start3A_48 = arith.constant 2 : i32
    %dma_start3A_49 = arith.constant 2 : i32
    %dma_start3A_50 = arith.constant 0 : i32
    %dma_start3A_51 = arith.constant 0 : i32
    %dma_start3A_52 = tpu.memref_slice %arg6[%dma_start3A_49, %dma_start3A_50, %dma_start3A_51] : memref<4x100x64xf32, #tpu.memory_space<vmem>> -> memref<1x100x64xf32, #tpu.memory_space<vmem>>
    %dma_start3A_53 = tpu.memref_squeeze %dma_start3A_52 : memref<1x100x64xf32, #tpu.memory_space<vmem>> -> memref<100x64xf32, #tpu.memory_space<vmem>>
    %dma_start3A_54 = arith.constant 0 : i32
    %dma_start3A_55 = tpu.memref_slice %arg5[%dma_start3A_47, %dma_start3A_48, %dma_start3A_54] : memref<2x256x100xi32, #tpu.memory_space<vmem>> -> memref<1x1x100xi32, #tpu.memory_space<vmem>>
    %dma_start3A_56 = tpu.memref_squeeze %dma_start3A_55 : memref<1x1x100xi32, #tpu.memory_space<vmem>> -> memref<100xi32, #tpu.memory_space<vmem>>
    %dma_start3A_57 = arith.constant 0 : i32
    %dma_start3A_58 = arith.constant 0 : i32
    %dma_start3A_59 = tpu.memref_slice %arg3[%dma_start3A_57, %dma_start3A_58] : memref<1000000x64xf32, #tpu.memory_space<hbm>> -> memref<1000000x64xf32, #tpu.memory_space<hbm>>
    tpu.enqueue_indirect_dma source(%dma_start3A_59 : memref<1000000x64xf32, #tpu.memory_space<hbm>>) target(%dma_start3A_53 : memref<100x64xf32, #tpu.memory_space<vmem>>) offsets(%dma_start3A_56 : memref<100xi32, #tpu.memory_space<vmem>>) semaphore(%arg11 : memref<!tpu.dma_semaphore, #tpu.memory_space<semaphore_mem>>)
    %dma_start3A_60 = arith.constant 0 : i32
    %dma_start3A_61 = arith.constant 3 : i32
    %dma_start3A_62 = arith.constant 3 : i32
    %dma_start3A_63 = arith.constant 0 : i32
    %dma_start3A_64 = arith.constant 0 : i32
    %dma_start3A_65 = tpu.memref_slice %arg6[%dma_start3A_62, %dma_start3A_63, %dma_start3A_64] : memref<4x100x64xf32, #tpu.memory_space<vmem>> -> memref<1x100x64xf32, #tpu.memory_space<vmem>>
    %dma_start3A_66 = tpu.memref_squeeze %dma_start3A_65 : memref<1x100x64xf32, #tpu.memory_space<vmem>> -> memref<100x64xf32, #tpu.memory_space<vmem>>
    %dma_start3A_67 = arith.constant 0 : i32
    %dma_start3A_68 = tpu.memref_slice %arg5[%dma_start3A_60, %dma_start3A_61, %dma_start3A_67] : memref<2x256x100xi32, #tpu.memory_space<vmem>> -> memref<1x1x100xi32, #tpu.memory_space<vmem>>
    %dma_start3A_69 = tpu.memref_squeeze %dma_start3A_68 : memref<1x1x100xi32, #tpu.memory_space<vmem>> -> memref<100xi32, #tpu.memory_space<vmem>>
    %dma_start3A_70 = arith.constant 0 : i32
    %dma_start3A_71 = arith.constant 0 : i32
    %dma_start3A_72 = tpu.memref_slice %arg3[%dma_start3A_70, %dma_start3A_71] : memref<1000000x64xf32, #tpu.memory_space<hbm>> -> memref<1000000x64xf32, #tpu.memory_space<hbm>>
    tpu.enqueue_indirect_dma source(%dma_start3A_72 : memref<1000000x64xf32, #tpu.memory_space<hbm>>) target(%dma_start3A_66 : memref<100x64xf32, #tpu.memory_space<vmem>>) offsets(%dma_start3A_69 : memref<100xi32, #tpu.memory_space<vmem>>) semaphore(%arg12 : memref<!tpu.dma_semaphore, #tpu.memory_space<semaphore_mem>>)
    %scan3A = arith.constant 0 : i32
    %scan3A_73 = arith.constant 5.000000e-03 : f32
    %scan3A_74 = arith.constant 0 : i32
    %scan3A_75 = arith.constant 63 : i32
    %scan3A_76 = arith.addi %scan3A_74, %scan3A_75 : i32
    %scan3A_77 = arith.constant 1 : i32
    scf.for %scan3A_892 = %scan3A_74 to %scan3A_76 step %scan3A_77  : i32 {
      %mul3A_893 = arith.constant 2 : i32
      %mul3A_894 = arith.muli %mul3A_893, %scan3A_892 : i32
      %add3A_895 = arith.constant 0 : i32
      %add3A_896 = arith.addi %mul3A_894, %add3A_895 : i32
      %dma_wait3A_897 = arith.constant 0 : i32
      %dma_wait3A_898 = arith.constant 0 : i32
      %dma_wait3A_899 = arith.constant 0 : i32
      %dma_wait3A_900 = arith.constant 0 : i32
      %dma_wait3A_901 = arith.constant 0 : i32
      %dma_wait3A_902 = tpu.memref_slice %arg6[%dma_wait3A_899, %dma_wait3A_900, %dma_wait3A_901] : memref<4x100x64xf32, #tpu.memory_space<vmem>> -> memref<1x100x64xf32, #tpu.memory_space<vmem>>
      %dma_wait3A_903 = tpu.memref_squeeze %dma_wait3A_902 : memref<1x100x64xf32, #tpu.memory_space<vmem>> -> memref<100x64xf32, #tpu.memory_space<vmem>>
      %dma_wait3A_904 = arith.constant 0 : i32
      %dma_wait3A_905 = tpu.memref_slice %arg5[%dma_wait3A_897, %dma_wait3A_898, %dma_wait3A_904] : memref<2x256x100xi32, #tpu.memory_space<vmem>> -> memref<1x1x100xi32, #tpu.memory_space<vmem>>
      %dma_wait3A_906 = tpu.memref_squeeze %dma_wait3A_905 : memref<1x1x100xi32, #tpu.memory_space<vmem>> -> memref<100xi32, #tpu.memory_space<vmem>>
      %dma_wait3A_907 = arith.constant 0 : i32
      %dma_wait3A_908 = arith.constant 0 : i32
      %dma_wait3A_909 = tpu.memref_slice %arg3[%dma_wait3A_907, %dma_wait3A_908] : memref<1000000x64xf32, #tpu.memory_space<hbm>> -> memref<1000000x64xf32, #tpu.memory_space<hbm>>
      tpu.wait_indirect_dma semaphore(%arg9 : memref<!tpu.dma_semaphore, #tpu.memory_space<semaphore_mem>>) src(%dma_wait3A_909 : memref<1000000x64xf32, #tpu.memory_space<hbm>>) dst(%dma_wait3A_903 : memref<100x64xf32, #tpu.memory_space<vmem>>)
      %dma_wait3A_910 = arith.constant 0 : i32
      %dma_wait3A_911 = arith.constant 0 : i32
      %dma_wait3A_912 = arith.constant 1 : i32
      %dma_wait3A_913 = arith.constant 0 : i32
      %dma_wait3A_914 = arith.constant 0 : i32
      %dma_wait3A_915 = tpu.memref_slice %arg6[%dma_wait3A_912, %dma_wait3A_913, %dma_wait3A_914] : memref<4x100x64xf32, #tpu.memory_space<vmem>> -> memref<1x100x64xf32, #tpu.memory_space<vmem>>
      %dma_wait3A_916 = tpu.memref_squeeze %dma_wait3A_915 : memref<1x100x64xf32, #tpu.memory_space<vmem>> -> memref<100x64xf32, #tpu.memory_space<vmem>>
      %dma_wait3A_917 = arith.constant 0 : i32
      %dma_wait3A_918 = tpu.memref_slice %arg5[%dma_wait3A_910, %dma_wait3A_911, %dma_wait3A_917] : memref<2x256x100xi32, #tpu.memory_space<vmem>> -> memref<1x1x100xi32, #tpu.memory_space<vmem>>
      %dma_wait3A_919 = tpu.memref_squeeze %dma_wait3A_918 : memref<1x1x100xi32, #tpu.memory_space<vmem>> -> memref<100xi32, #tpu.memory_space<vmem>>
      %dma_wait3A_920 = arith.constant 0 : i32
      %dma_wait3A_921 = arith.constant 0 : i32
      %dma_wait3A_922 = tpu.memref_slice %arg3[%dma_wait3A_920, %dma_wait3A_921] : memref<1000000x64xf32, #tpu.memory_space<hbm>> -> memref<1000000x64xf32, #tpu.memory_space<hbm>>
      tpu.wait_indirect_dma semaphore(%arg10 : memref<!tpu.dma_semaphore, #tpu.memory_space<semaphore_mem>>) src(%dma_wait3A_922 : memref<1000000x64xf32, #tpu.memory_space<hbm>>) dst(%dma_wait3A_916 : memref<100x64xf32, #tpu.memory_space<vmem>>)
      %add3A_923 = arith.constant 0 : i32
      %add3A_924 = arith.addi %add3A_923, %add3A_896 : i32
      %broadcast_in_dim3A_925 = arith.constant 0.000000e+00 : f32
      %broadcast_in_dim3A_926 = vector.broadcast %broadcast_in_dim3A_925 : f32 to vector<16xf32>
      %scan3A_927 = arith.constant 0 : i32
      %scan3A_928 = arith.constant 100 : i32
      %scan3A_929 = arith.addi %scan3A_927, %scan3A_928 : i32
      %scan3A_930 = arith.constant 1 : i32
      %scan3A_931:4 = scf.for %scan3A_1097 = %scan3A_927 to %scan3A_929 step %scan3A_930 iter_args(%scan3A_1098 = %broadcast_in_dim3A_926, %scan3A_1099 = %broadcast_in_dim3A_926, %scan3A_1100 = %broadcast_in_dim3A_926, %scan3A_1101 = %broadcast_in_dim3A_926) -> (vector<16xf32>, vector<16xf32>, vector<16xf32>, vector<16xf32>)  : i32 {
        %get3A = arith.constant 0 : i32
        %get3A_1102 = arith.index_cast %get3A : i32 to index
        %get3A_1103 = arith.index_cast %scan3A_1097 : i32 to index
        %get3A_1104 = arith.constant 0 : index
        %get3A_1105 = tpu.vector_load %arg6[%get3A_1102, %get3A_1103, %get3A_1104] {strides = array<i32>} : memref<4x100x64xf32, #tpu.memory_space<vmem>>, vector<1x1x16xf32>,
        %get3A_1106 = vector.shape_cast %get3A_1105 : vector<1x1x16xf32> to vector<16xf32>
        %add3A_1107 = arith.addf %scan3A_1098, %get3A_1106 : vector<16xf32>
        %get3A_1108 = arith.constant 1 : i32
        %get3A_1109 = arith.index_cast %get3A_1108 : i32 to index
        %get3A_1110 = arith.index_cast %scan3A_1097 : i32 to index
        %get3A_1111 = arith.constant 0 : index
        %get3A_1112 = tpu.vector_load %arg6[%get3A_1109, %get3A_1110, %get3A_1111] {strides = array<i32>} : memref<4x100x64xf32, #tpu.memory_space<vmem>>, vector<1x1x16xf32>,
        %get3A_1113 = vector.shape_cast %get3A_1112 : vector<1x1x16xf32> to vector<16xf32>
        %add3A_1114 = arith.addf %add3A_1107, %get3A_1113 : vector<16xf32>
        %get3A_1115 = arith.constant 0 : i32
        %get3A_1116 = arith.index_cast %get3A_1115 : i32 to index
        %get3A_1117 = arith.index_cast %scan3A_1097 : i32 to index
        %get3A_1118 = arith.constant 16 : index
        %get3A_1119 = tpu.vector_load %arg6[%get3A_1116, %get3A_1117, %get3A_1118] {strides = array<i32>} : memref<4x100x64xf32, #tpu.memory_space<vmem>>, vector<1x1x16xf32>,
        %get3A_1120 = vector.shape_cast %get3A_1119 : vector<1x1x16xf32> to vector<16xf32>
        %add3A_1121 = arith.addf %scan3A_1099, %get3A_1120 : vector<16xf32>
        %get3A_1122 = arith.constant 1 : i32
        %get3A_1123 = arith.index_cast %get3A_1122 : i32 to index
        %get3A_1124 = arith.index_cast %scan3A_1097 : i32 to index
        %get3A_1125 = arith.constant 16 : index
        %get3A_1126 = tpu.vector_load %arg6[%get3A_1123, %get3A_1124, %get3A_1125] {strides = array<i32>} : memref<4x100x64xf32, #tpu.memory_space<vmem>>, vector<1x1x16xf32>,
        %get3A_1127 = vector.shape_cast %get3A_1126 : vector<1x1x16xf32> to vector<16xf32>
        %add3A_1128 = arith.addf %add3A_1121, %get3A_1127 : vector<16xf32>
        %get3A_1129 = arith.constant 0 : i32
        %get3A_1130 = arith.index_cast %get3A_1129 : i32 to index
        %get3A_1131 = arith.index_cast %scan3A_1097 : i32 to index
        %get3A_1132 = arith.constant 32 : index
        %get3A_1133 = tpu.vector_load %arg6[%get3A_1130, %get3A_1131, %get3A_1132] {strides = array<i32>} : memref<4x100x64xf32, #tpu.memory_space<vmem>>, vector<1x1x16xf32>,
        %get3A_1134 = vector.shape_cast %get3A_1133 : vector<1x1x16xf32> to vector<16xf32>
        %add3A_1135 = arith.addf %scan3A_1100, %get3A_1134 : vector<16xf32>
        %get3A_1136 = arith.constant 1 : i32
        %get3A_1137 = arith.index_cast %get3A_1136 : i32 to index
        %get3A_1138 = arith.index_cast %scan3A_1097 : i32 to index
        %get3A_1139 = arith.constant 32 : index
        %get3A_1140 = tpu.vector_load %arg6[%get3A_1137, %get3A_1138, %get3A_1139] {strides = array<i32>} : memref<4x100x64xf32, #tpu.memory_space<vmem>>, vector<1x1x16xf32>,
        %get3A_1141 = vector.shape_cast %get3A_1140 : vector<1x1x16xf32> to vector<16xf32>
        %add3A_1142 = arith.addf %add3A_1135, %get3A_1141 : vector<16xf32>
        %get3A_1143 = arith.constant 0 : i32
        %get3A_1144 = arith.index_cast %get3A_1143 : i32 to index
        %get3A_1145 = arith.index_cast %scan3A_1097 : i32 to index
        %get3A_1146 = arith.constant 48 : index
        %get3A_1147 = tpu.vector_load %arg6[%get3A_1144, %get3A_1145, %get3A_1146] {strides = array<i32>} : memref<4x100x64xf32, #tpu.memory_space<vmem>>, vector<1x1x16xf32>,
        %get3A_1148 = vector.shape_cast %get3A_1147 : vector<1x1x16xf32> to vector<16xf32>
        %add3A_1149 = arith.addf %scan3A_1101, %get3A_1148 : vector<16xf32>
        %get3A_1150 = arith.constant 1 : i32
        %get3A_1151 = arith.index_cast %get3A_1150 : i32 to index
        %get3A_1152 = arith.index_cast %scan3A_1097 : i32 to index
        %get3A_1153 = arith.constant 48 : index
        %get3A_1154 = tpu.vector_load %arg6[%get3A_1151, %get3A_1152, %get3A_1153] {strides = array<i32>} : memref<4x100x64xf32, #tpu.memory_space<vmem>>, vector<1x1x16xf32>,
        %get3A_1155 = vector.shape_cast %get3A_1154 : vector<1x1x16xf32> to vector<16xf32>
        %add3A_1156 = arith.addf %add3A_1149, %get3A_1155 : vector<16xf32>
        scf.yield %add3A_1114, %add3A_1128, %add3A_1142, %add3A_1156 : vector<16xf32>, vector<16xf32>, vector<16xf32>, vector<16xf32>
      }
      %scan3A_932 = arith.constant 100 : i32
      %mul3A_933 = vector.broadcast %scan3A_73 : f32 to vector<16xf32>
      %mul3A_934 = arith.mulf %scan3A_931#0, %mul3A_933 : vector<16xf32>
      %swap3A_935 = arith.index_cast %add3A_924 : i32 to index
      %swap3A_936 = arith.constant 0 : index
      %swap3A_937 = tpu.vector_load %arg7[%swap3A_935, %swap3A_936] {strides = array<i32>} : memref<512x64xf32, #tpu.memory_space<vmem>>, vector<1x16xf32>,
      %swap3A_938 = vector.shape_cast %swap3A_937 : vector<1x16xf32> to vector<16xf32>
      %swap3A_939 = vector.shape_cast %mul3A_934 : vector<16xf32> to vector<1x16xf32>
      tpu.vector_store %arg7[%swap3A_935, %swap3A_936], %swap3A_939 {strides = array<i32>} : memref<512x64xf32, #tpu.memory_space<vmem>>, vector<1x16xf32>,
      %mul3A_940 = vector.broadcast %scan3A_73 : f32 to vector<16xf32>
      %mul3A_941 = arith.mulf %scan3A_931#1, %mul3A_940 : vector<16xf32>
      %swap3A_942 = arith.index_cast %add3A_924 : i32 to index
      %swap3A_943 = arith.constant 16 : index
      %swap3A_944 = tpu.vector_load %arg7[%swap3A_942, %swap3A_943] {strides = array<i32>} : memref<512x64xf32, #tpu.memory_space<vmem>>, vector<1x16xf32>,
      %swap3A_945 = vector.shape_cast %swap3A_944 : vector<1x16xf32> to vector<16xf32>
      %swap3A_946 = vector.shape_cast %mul3A_941 : vector<16xf32> to vector<1x16xf32>
      tpu.vector_store %arg7[%swap3A_942, %swap3A_943], %swap3A_946 {strides = array<i32>} : memref<512x64xf32, #tpu.memory_space<vmem>>, vector<1x16xf32>,
      %mul3A_947 = vector.broadcast %scan3A_73 : f32 to vector<16xf32>
      %mul3A_948 = arith.mulf %scan3A_931#2, %mul3A_947 : vector<16xf32>
      %swap3A_949 = arith.index_cast %add3A_924 : i32 to index
      %swap3A_950 = arith.constant 32 : index
      %swap3A_951 = tpu.vector_load %arg7[%swap3A_949, %swap3A_950] {strides = array<i32>} : memref<512x64xf32, #tpu.memory_space<vmem>>, vector<1x16xf32>,
      %swap3A_952 = vector.shape_cast %swap3A_951 : vector<1x16xf32> to vector<16xf32>
      %swap3A_953 = vector.shape_cast %mul3A_948 : vector<16xf32> to vector<1x16xf32>
      tpu.vector_store %arg7[%swap3A_949, %swap3A_950], %swap3A_953 {strides = array<i32>} : memref<512x64xf32, #tpu.memory_space<vmem>>, vector<1x16xf32>,
      %mul3A_954 = vector.broadcast %scan3A_73 : f32 to vector<16xf32>
      %mul3A_955 = arith.mulf %scan3A_931#3, %mul3A_954 : vector<16xf32>
      %swap3A_956 = arith.index_cast %add3A_924 : i32 to index
      %swap3A_957 = arith.constant 48 : index
      %swap3A_958 = tpu.vector_load %arg7[%swap3A_956, %swap3A_957] {strides = array<i32>} : memref<512x64xf32, #tpu.memory_space<vmem>>, vector<1x16xf32>,
      %swap3A_959 = vector.shape_cast %swap3A_958 : vector<1x16xf32> to vector<16xf32>
      %swap3A_960 = vector.shape_cast %mul3A_955 : vector<16xf32> to vector<1x16xf32>
      tpu.vector_store %arg7[%swap3A_956, %swap3A_957], %swap3A_960 {strides = array<i32>} : memref<512x64xf32, #tpu.memory_space<vmem>>, vector<1x16xf32>,
      %add3A_961 = arith.constant 2 : i32
      %add3A_962 = arith.addi %add3A_896, %add3A_961 : i32
      %mul3A_963 = arith.constant 2 : i32
      %mul3A_964 = arith.muli %mul3A_963, %add3A_962 : i32
      %dma_start3A_965 = arith.constant 0 : i32
      %dma_start3A_966 = arith.constant 0 : i32
      %dma_start3A_967 = arith.constant 0 : i32
      %dma_start3A_968 = arith.constant 0 : i32
      %dma_start3A_969 = tpu.memref_slice %arg6[%dma_start3A_966, %dma_start3A_967, %dma_start3A_968] : memref<4x100x64xf32, #tpu.memory_space<vmem>> -> memref<1x100x64xf32, #tpu.memory_space<vmem>>
      %dma_start3A_970 = tpu.memref_squeeze %dma_start3A_969 : memref<1x100x64xf32, #tpu.memory_space<vmem>> -> memref<100x64xf32, #tpu.memory_space<vmem>>
      %dma_start3A_971 = arith.constant 0 : i32
      %dma_start3A_972 = tpu.memref_slice %arg5[%dma_start3A_965, %mul3A_964, %dma_start3A_971] : memref<2x256x100xi32, #tpu.memory_space<vmem>> -> memref<1x1x100xi32, #tpu.memory_space<vmem>>
      %dma_start3A_973 = tpu.memref_squeeze %dma_start3A_972 : memref<1x1x100xi32, #tpu.memory_space<vmem>> -> memref<100xi32, #tpu.memory_space<vmem>>
      %dma_start3A_974 = arith.constant 0 : i32
      %dma_start3A_975 = arith.constant 0 : i32
      %dma_start3A_976 = tpu.memref_slice %arg3[%dma_start3A_974, %dma_start3A_975] : memref<1000000x64xf32, #tpu.memory_space<hbm>> -> memref<1000000x64xf32, #tpu.memory_space<hbm>>
      tpu.enqueue_indirect_dma source(%dma_start3A_976 : memref<1000000x64xf32, #tpu.memory_space<hbm>>) target(%dma_start3A_970 : memref<100x64xf32, #tpu.memory_space<vmem>>) offsets(%dma_start3A_973 : memref<100xi32, #tpu.memory_space<vmem>>) semaphore(%arg9 : memref<!tpu.dma_semaphore, #tpu.memory_space<semaphore_mem>>)
      %add3A_977 = arith.constant 2 : i32
      %add3A_978 = arith.addi %add3A_896, %add3A_977 : i32
      %mul3A_979 = arith.constant 2 : i32
      %mul3A_980 = arith.muli %mul3A_979, %add3A_978 : i32
      %add3A_981 = arith.constant 1 : i32
      %add3A_982 = arith.addi %mul3A_980, %add3A_981 : i32
      %dma_start3A_983 = arith.constant 0 : i32
      %dma_start3A_984 = arith.constant 1 : i32
      %dma_start3A_985 = arith.constant 0 : i32
      %dma_start3A_986 = arith.constant 0 : i32
      %dma_start3A_987 = tpu.memref_slice %arg6[%dma_start3A_984, %dma_start3A_985, %dma_start3A_986] : memref<4x100x64xf32, #tpu.memory_space<vmem>> -> memref<1x100x64xf32, #tpu.memory_space<vmem>>
      %dma_start3A_988 = tpu.memref_squeeze %dma_start3A_987 : memref<1x100x64xf32, #tpu.memory_space<vmem>> -> memref<100x64xf32, #tpu.memory_space<vmem>>
      %dma_start3A_989 = arith.constant 0 : i32
      %dma_start3A_990 = tpu.memref_slice %arg5[%dma_start3A_983, %add3A_982, %dma_start3A_989] : memref<2x256x100xi32, #tpu.memory_space<vmem>> -> memref<1x1x100xi32, #tpu.memory_space<vmem>>
      %dma_start3A_991 = tpu.memref_squeeze %dma_start3A_990 : memref<1x1x100xi32, #tpu.memory_space<vmem>> -> memref<100xi32, #tpu.memory_space<vmem>>
      %dma_start3A_992 = arith.constant 0 : i32
      %dma_start3A_993 = arith.constant 0 : i32
      %dma_start3A_994 = tpu.memref_slice %arg3[%dma_start3A_992, %dma_start3A_993] : memref<1000000x64xf32, #tpu.memory_space<hbm>> -> memref<1000000x64xf32, #tpu.memory_space<hbm>>
      tpu.enqueue_indirect_dma source(%dma_start3A_994 : memref<1000000x64xf32, #tpu.memory_space<hbm>>) target(%dma_start3A_988 : memref<100x64xf32, #tpu.memory_space<vmem>>) offsets(%dma_start3A_991 : memref<100xi32, #tpu.memory_space<vmem>>) semaphore(%arg10 : memref<!tpu.dma_semaphore, #tpu.memory_space<semaphore_mem>>)
      %mul3A_995 = arith.constant 2 : i32
      %mul3A_996 = arith.muli %mul3A_995, %scan3A_892 : i32
      %add3A_997 = arith.constant 1 : i32
      %add3A_998 = arith.addi %mul3A_996, %add3A_997 : i32
      %dma_wait3A_999 = arith.constant 0 : i32
      %dma_wait3A_1000 = arith.constant 0 : i32
      %dma_wait3A_1001 = arith.constant 2 : i32
      %dma_wait3A_1002 = arith.constant 0 : i32
      %dma_wait3A_1003 = arith.constant 0 : i32
      %dma_wait3A_1004 = tpu.memref_slice %arg6[%dma_wait3A_1001, %dma_wait3A_1002, %dma_wait3A_1003] : memref<4x100x64xf32, #tpu.memory_space<vmem>> -> memref<1x100x64xf32, #tpu.memory_space<vmem>>
      %dma_wait3A_1005 = tpu.memref_squeeze %dma_wait3A_1004 : memref<1x100x64xf32, #tpu.memory_space<vmem>> -> memref<100x64xf32, #tpu.memory_space<vmem>>
      %dma_wait3A_1006 = arith.constant 0 : i32
      %dma_wait3A_1007 = tpu.memref_slice %arg5[%dma_wait3A_999, %dma_wait3A_1000, %dma_wait3A_1006] : memref<2x256x100xi32, #tpu.memory_space<vmem>> -> memref<1x1x100xi32, #tpu.memory_space<vmem>>
      %dma_wait3A_1008 = tpu.memref_squeeze %dma_wait3A_1007 : memref<1x1x100xi32, #tpu.memory_space<vmem>> -> memref<100xi32, #tpu.memory_space<vmem>>
      %dma_wait3A_1009 = arith.constant 0 : i32
      %dma_wait3A_1010 = arith.constant 0 : i32
      %dma_wait3A_1011 = tpu.memref_slice %arg3[%dma_wait3A_1009, %dma_wait3A_1010] : memref<1000000x64xf32, #tpu.memory_space<hbm>> -> memref<1000000x64xf32, #tpu.memory_space<hbm>>
      tpu.wait_indirect_dma semaphore(%arg11 : memref<!tpu.dma_semaphore, #tpu.memory_space<semaphore_mem>>) src(%dma_wait3A_1011 : memref<1000000x64xf32, #tpu.memory_space<hbm>>) dst(%dma_wait3A_1005 : memref<100x64xf32, #tpu.memory_space<vmem>>)
      %dma_wait3A_1012 = arith.constant 0 : i32
      %dma_wait3A_1013 = arith.constant 0 : i32
      %dma_wait3A_1014 = arith.constant 3 : i32
      %dma_wait3A_1015 = arith.constant 0 : i32
      %dma_wait3A_1016 = arith.constant 0 : i32
      %dma_wait3A_1017 = tpu.memref_slice %arg6[%dma_wait3A_1014, %dma_wait3A_1015, %dma_wait3A_1016] : memref<4x100x64xf32, #tpu.memory_space<vmem>> -> memref<1x100x64xf32, #tpu.memory_space<vmem>>
      %dma_wait3A_1018 = tpu.memref_squeeze %dma_wait3A_1017 : memref<1x100x64xf32, #tpu.memory_space<vmem>> -> memref<100x64xf32, #tpu.memory_space<vmem>>
      %dma_wait3A_1019 = arith.constant 0 : i32
      %dma_wait3A_1020 = tpu.memref_slice %arg5[%dma_wait3A_1012, %dma_wait3A_1013, %dma_wait3A_1019] : memref<2x256x100xi32, #tpu.memory_space<vmem>> -> memref<1x1x100xi32, #tpu.memory_space<vmem>>
      %dma_wait3A_1021 = tpu.memref_squeeze %dma_wait3A_1020 : memref<1x1x100xi32, #tpu.memory_space<vmem>> -> memref<100xi32, #tpu.memory_space<vmem>>
      %dma_wait3A_1022 = arith.constant 0 : i32
      %dma_wait3A_1023 = arith.constant 0 : i32
      %dma_wait3A_1024 = tpu.memref_slice %arg3[%dma_wait3A_1022, %dma_wait3A_1023] : memref<1000000x64xf32, #tpu.memory_space<hbm>> -> memref<1000000x64xf32, #tpu.memory_space<hbm>>
      tpu.wait_indirect_dma semaphore(%arg12 : memref<!tpu.dma_semaphore, #tpu.memory_space<semaphore_mem>>) src(%dma_wait3A_1024 : memref<1000000x64xf32, #tpu.memory_space<hbm>>) dst(%dma_wait3A_1018 : memref<100x64xf32, #tpu.memory_space<vmem>>)
      %add3A_1025 = arith.constant 0 : i32
      %add3A_1026 = arith.addi %add3A_1025, %add3A_998 : i32
      %broadcast_in_dim3A_1027 = arith.constant 0.000000e+00 : f32
      %broadcast_in_dim3A_1028 = vector.broadcast %broadcast_in_dim3A_1027 : f32 to vector<16xf32>
      %scan3A_1029 = arith.constant 0 : i32
      %scan3A_1030 = arith.constant 100 : i32
      %scan3A_1031 = arith.addi %scan3A_1029, %scan3A_1030 : i32
      %scan3A_1032 = arith.constant 1 : i32
      %scan3A_1033:4 = scf.for %scan3A_1097 = %scan3A_1029 to %scan3A_1031 step %scan3A_1032 iter_args(%scan3A_1098 = %broadcast_in_dim3A_1028, %scan3A_1099 = %broadcast_in_dim3A_1028, %scan3A_1100 = %broadcast_in_dim3A_1028, %scan3A_1101 = %broadcast_in_dim3A_1028) -> (vector<16xf32>, vector<16xf32>, vector<16xf32>, vector<16xf32>)  : i32 {
        %get3A = arith.constant 2 : i32
        %get3A_1102 = arith.index_cast %get3A : i32 to index
        %get3A_1103 = arith.index_cast %scan3A_1097 : i32 to index
        %get3A_1104 = arith.constant 0 : index
        %get3A_1105 = tpu.vector_load %arg6[%get3A_1102, %get3A_1103, %get3A_1104] {strides = array<i32>} : memref<4x100x64xf32, #tpu.memory_space<vmem>>, vector<1x1x16xf32>,
        %get3A_1106 = vector.shape_cast %get3A_1105 : vector<1x1x16xf32> to vector<16xf32>
        %add3A_1107 = arith.addf %scan3A_1098, %get3A_1106 : vector<16xf32>
        %get3A_1108 = arith.constant 3 : i32
        %get3A_1109 = arith.index_cast %get3A_1108 : i32 to index
        %get3A_1110 = arith.index_cast %scan3A_1097 : i32 to index
        %get3A_1111 = arith.constant 0 : index
        %get3A_1112 = tpu.vector_load %arg6[%get3A_1109, %get3A_1110, %get3A_1111] {strides = array<i32>} : memref<4x100x64xf32, #tpu.memory_space<vmem>>, vector<1x1x16xf32>,
        %get3A_1113 = vector.shape_cast %get3A_1112 : vector<1x1x16xf32> to vector<16xf32>
        %add3A_1114 = arith.addf %add3A_1107, %get3A_1113 : vector<16xf32>
        %get3A_1115 = arith.constant 2 : i32
        %get3A_1116 = arith.index_cast %get3A_1115 : i32 to index
        %get3A_1117 = arith.index_cast %scan3A_1097 : i32 to index
        %get3A_1118 = arith.constant 16 : index
        %get3A_1119 = tpu.vector_load %arg6[%get3A_1116, %get3A_1117, %get3A_1118] {strides = array<i32>} : memref<4x100x64xf32, #tpu.memory_space<vmem>>, vector<1x1x16xf32>,
        %get3A_1120 = vector.shape_cast %get3A_1119 : vector<1x1x16xf32> to vector<16xf32>
        %add3A_1121 = arith.addf %scan3A_1099, %get3A_1120 : vector<16xf32>
        %get3A_1122 = arith.constant 3 : i32
        %get3A_1123 = arith.index_cast %get3A_1122 : i32 to index
        %get3A_1124 = arith.index_cast %scan3A_1097 : i32 to index
        %get3A_1125 = arith.constant 16 : index
        %get3A_1126 = tpu.vector_load %arg6[%get3A_1123, %get3A_1124, %get3A_1125] {strides = array<i32>} : memref<4x100x64xf32, #tpu.memory_space<vmem>>, vector<1x1x16xf32>,
        %get3A_1127 = vector.shape_cast %get3A_1126 : vector<1x1x16xf32> to vector<16xf32>
        %add3A_1128 = arith.addf %add3A_1121, %get3A_1127 : vector<16xf32>
        %get3A_1129 = arith.constant 2 : i32
        %get3A_1130 = arith.index_cast %get3A_1129 : i32 to index
        %get3A_1131 = arith.index_cast %scan3A_1097 : i32 to index
        %get3A_1132 = arith.constant 32 : index
        %get3A_1133 = tpu.vector_load %arg6[%get3A_1130, %get3A_1131, %get3A_1132] {strides = array<i32>} : memref<4x100x64xf32, #tpu.memory_space<vmem>>, vector<1x1x16xf32>,
        %get3A_1134 = vector.shape_cast %get3A_1133 : vector<1x1x16xf32> to vector<16xf32>
        %add3A_1135 = arith.addf %scan3A_1100, %get3A_1134 : vector<16xf32>
        %get3A_1136 = arith.constant 3 : i32
        %get3A_1137 = arith.index_cast %get3A_1136 : i32 to index
        %get3A_1138 = arith.index_cast %scan3A_1097 : i32 to index
        %get3A_1139 = arith.constant 32 : index
        %get3A_1140 = tpu.vector_load %arg6[%get3A_1137, %get3A_1138, %get3A_1139] {strides = array<i32>} : memref<4x100x64xf32, #tpu.memory_space<vmem>>, vector<1x1x16xf32>,
        %get3A_1141 = vector.shape_cast %get3A_1140 : vector<1x1x16xf32> to vector<16xf32>
        %add3A_1142 = arith.addf %add3A_1135, %get3A_1141 : vector<16xf32>
        %get3A_1143 = arith.constant 2 : i32
        %get3A_1144 = arith.index_cast %get3A_1143 : i32 to index
        %get3A_1145 = arith.index_cast %scan3A_1097 : i32 to index
        %get3A_1146 = arith.constant 48 : index
        %get3A_1147 = tpu.vector_load %arg6[%get3A_1144, %get3A_1145, %get3A_1146] {strides = array<i32>} : memref<4x100x64xf32, #tpu.memory_space<vmem>>, vector<1x1x16xf32>,
        %get3A_1148 = vector.shape_cast %get3A_1147 : vector<1x1x16xf32> to vector<16xf32>
        %add3A_1149 = arith.addf %scan3A_1101, %get3A_1148 : vector<16xf32>
        %get3A_1150 = arith.constant 3 : i32
        %get3A_1151 = arith.index_cast %get3A_1150 : i32 to index
        %get3A_1152 = arith.index_cast %scan3A_1097 : i32 to index
        %get3A_1153 = arith.constant 48 : index
        %get3A_1154 = tpu.vector_load %arg6[%get3A_1151, %get3A_1152, %get3A_1153] {strides = array<i32>} : memref<4x100x64xf32, #tpu.memory_space<vmem>>, vector<1x1x16xf32>,
        %get3A_1155 = vector.shape_cast %get3A_1154 : vector<1x1x16xf32> to vector<16xf32>
        %add3A_1156 = arith.addf %add3A_1149, %get3A_1155 : vector<16xf32>
        scf.yield %add3A_1114, %add3A_1128, %add3A_1142, %add3A_1156 : vector<16xf32>, vector<16xf32>, vector<16xf32>, vector<16xf32>
      }
      %scan3A_1034 = arith.constant 100 : i32
      %mul3A_1035 = vector.broadcast %scan3A_73 : f32 to vector<16xf32>
      %mul3A_1036 = arith.mulf %scan3A_1033#0, %mul3A_1035 : vector<16xf32>
      %swap3A_1037 = arith.index_cast %add3A_1026 : i32 to index
      %swap3A_1038 = arith.constant 0 : index
      %swap3A_1039 = tpu.vector_load %arg7[%swap3A_1037, %swap3A_1038] {strides = array<i32>} : memref<512x64xf32, #tpu.memory_space<vmem>>, vector<1x16xf32>,
      %swap3A_1040 = vector.shape_cast %swap3A_1039 : vector<1x16xf32> to vector<16xf32>
      %swap3A_1041 = vector.shape_cast %mul3A_1036 : vector<16xf32> to vector<1x16xf32>
      tpu.vector_store %arg7[%swap3A_1037, %swap3A_1038], %swap3A_1041 {strides = array<i32>} : memref<512x64xf32, #tpu.memory_space<vmem>>, vector<1x16xf32>,
      %mul3A_1042 = vector.broadcast %scan3A_73 : f32 to vector<16xf32>
      %mul3A_1043 = arith.mulf %scan3A_1033#1, %mul3A_1042 : vector<16xf32>
      %swap3A_1044 = arith.index_cast %add3A_1026 : i32 to index
      %swap3A_1045 = arith.constant 16 : index
      %swap3A_1046 = tpu.vector_load %arg7[%swap3A_1044, %swap3A_1045] {strides = array<i32>} : memref<512x64xf32, #tpu.memory_space<vmem>>, vector<1x16xf32>,
      %swap3A_1047 = vector.shape_cast %swap3A_1046 : vector<1x16xf32> to vector<16xf32>
      %swap3A_1048 = vector.shape_cast %mul3A_1043 : vector<16xf32> to vector<1x16xf32>
      tpu.vector_store %arg7[%swap3A_1044, %swap3A_1045], %swap3A_1048 {strides = array<i32>} : memref<512x64xf32, #tpu.memory_space<vmem>>, vector<1x16xf32>,
      %mul3A_1049 = vector.broadcast %scan3A_73 : f32 to vector<16xf32>
      %mul3A_1050 = arith.mulf %scan3A_1033#2, %mul3A_1049 : vector<16xf32>
      %swap3A_1051 = arith.index_cast %add3A_1026 : i32 to index
      %swap3A_1052 = arith.constant 32 : index
      %swap3A_1053 = tpu.vector_load %arg7[%swap3A_1051, %swap3A_1052] {strides = array<i32>} : memref<512x64xf32, #tpu.memory_space<vmem>>, vector<1x16xf32>,
      %swap3A_1054 = vector.shape_cast %swap3A_1053 : vector<1x16xf32> to vector<16xf32>
      %swap3A_1055 = vector.shape_cast %mul3A_1050 : vector<16xf32> to vector<1x16xf32>
      tpu.vector_store %arg7[%swap3A_1051, %swap3A_1052], %swap3A_1055 {strides = array<i32>} : memref<512x64xf32, #tpu.memory_space<vmem>>, vector<1x16xf32>,
      %mul3A_1056 = vector.broadcast %scan3A_73 : f32 to vector<16xf32>
      %mul3A_1057 = arith.mulf %scan3A_1033#3, %mul3A_1056 : vector<16xf32>
      %swap3A_1058 = arith.index_cast %add3A_1026 : i32 to index
      %swap3A_1059 = arith.constant 48 : index
      %swap3A_1060 = tpu.vector_load %arg7[%swap3A_1058, %swap3A_1059] {strides = array<i32>} : memref<512x64xf32, #tpu.memory_space<vmem>>, vector<1x16xf32>,
      %swap3A_1061 = vector.shape_cast %swap3A_1060 : vector<1x16xf32> to vector<16xf32>
      %swap3A_1062 = vector.shape_cast %mul3A_1057 : vector<16xf32> to vector<1x16xf32>
      tpu.vector_store %arg7[%swap3A_1058, %swap3A_1059], %swap3A_1062 {strides = array<i32>} : memref<512x64xf32, #tpu.memory_space<vmem>>, vector<1x16xf32>,
      %add3A_1063 = arith.constant 2 : i32
      %add3A_1064 = arith.addi %add3A_998, %add3A_1063 : i32
      %mul3A_1065 = arith.constant 2 : i32
      %mul3A_1066 = arith.muli %mul3A_1065, %add3A_1064 : i32
      %dma_start3A_1067 = arith.constant 0 : i32
      %dma_start3A_1068 = arith.constant 2 : i32
      %dma_start3A_1069 = arith.constant 0 : i32
      %dma_start3A_1070 = arith.constant 0 : i32
      %dma_start3A_1071 = tpu.memref_slice %arg6[%dma_start3A_1068, %dma_start3A_1069, %dma_start3A_1070] : memref<4x100x64xf32, #tpu.memory_space<vmem>> -> memref<1x100x64xf32, #tpu.memory_space<vmem>>
      %dma_start3A_1072 = tpu.memref_squeeze %dma_start3A_1071 : memref<1x100x64xf32, #tpu.memory_space<vmem>> -> memref<100x64xf32, #tpu.memory_space<vmem>>
      %dma_start3A_1073 = arith.constant 0 : i32
      %dma_start3A_1074 = tpu.memref_slice %arg5[%dma_start3A_1067, %mul3A_1066, %dma_start3A_1073] : memref<2x256x100xi32, #tpu.memory_space<vmem>> -> memref<1x1x100xi32, #tpu.memory_space<vmem>>
      %dma_start3A_1075 = tpu.memref_squeeze %dma_start3A_1074 : memref<1x1x100xi32, #tpu.memory_space<vmem>> -> memref<100xi32, #tpu.memory_space<vmem>>
      %dma_start3A_1076 = arith.constant 0 : i32
      %dma_start3A_1077 = arith.constant 0 : i32
      %dma_start3A_1078 = tpu.memref_slice %arg3[%dma_start3A_1076, %dma_start3A_1077] : memref<1000000x64xf32, #tpu.memory_space<hbm>> -> memref<1000000x64xf32, #tpu.memory_space<hbm>>
      tpu.enqueue_indirect_dma source(%dma_start3A_1078 : memref<1000000x64xf32, #tpu.memory_space<hbm>>) target(%dma_start3A_1072 : memref<100x64xf32, #tpu.memory_space<vmem>>) offsets(%dma_start3A_1075 : memref<100xi32, #tpu.memory_space<vmem>>) semaphore(%arg11 : memref<!tpu.dma_semaphore, #tpu.memory_space<semaphore_mem>>)
      %add3A_1079 = arith.constant 2 : i32
      %add3A_1080 = arith.addi %add3A_998, %add3A_1079 : i32
      %mul3A_1081 = arith.constant 2 : i32
      %mul3A_1082 = arith.muli %mul3A_1081, %add3A_1080 : i32
      %add3A_1083 = arith.constant 1 : i32
      %add3A_1084 = arith.addi %mul3A_1082, %add3A_1083 : i32
      %dma_start3A_1085 = arith.constant 0 : i32
      %dma_start3A_1086 = arith.constant 3 : i32
      %dma_start3A_1087 = arith.constant 0 : i32
      %dma_start3A_1088 = arith.constant 0 : i32
      %dma_start3A_1089 = tpu.memref_slice %arg6[%dma_start3A_1086, %dma_start3A_1087, %dma_start3A_1088] : memref<4x100x64xf32, #tpu.memory_space<vmem>> -> memref<1x100x64xf32, #tpu.memory_space<vmem>>
      %dma_start3A_1090 = tpu.memref_squeeze %dma_start3A_1089 : memref<1x100x64xf32, #tpu.memory_space<vmem>> -> memref<100x64xf32, #tpu.memory_space<vmem>>
      %dma_start3A_1091 = arith.constant 0 : i32
      %dma_start3A_1092 = tpu.memref_slice %arg5[%dma_start3A_1085, %add3A_1084, %dma_start3A_1091] : memref<2x256x100xi32, #tpu.memory_space<vmem>> -> memref<1x1x100xi32, #tpu.memory_space<vmem>>
      %dma_start3A_1093 = tpu.memref_squeeze %dma_start3A_1092 : memref<1x1x100xi32, #tpu.memory_space<vmem>> -> memref<100xi32, #tpu.memory_space<vmem>>
      %dma_start3A_1094 = arith.constant 0 : i32
      %dma_start3A_1095 = arith.constant 0 : i32
      %dma_start3A_1096 = tpu.memref_slice %arg3[%dma_start3A_1094, %dma_start3A_1095] : memref<1000000x64xf32, #tpu.memory_space<hbm>> -> memref<1000000x64xf32, #tpu.memory_space<hbm>>
      tpu.enqueue_indirect_dma source(%dma_start3A_1096 : memref<1000000x64xf32, #tpu.memory_space<hbm>>) target(%dma_start3A_1090 : memref<100x64xf32, #tpu.memory_space<vmem>>) offsets(%dma_start3A_1093 : memref<100xi32, #tpu.memory_space<vmem>>) semaphore(%arg12 : memref<!tpu.dma_semaphore, #tpu.memory_space<semaphore_mem>>)
    }
    %scan3A_78 = arith.constant 63 : i32
    %dma_wait3A = arith.constant 0 : i32
    %dma_wait3A_79 = arith.constant 0 : i32
    %dma_wait3A_80 = arith.constant 0 : i32
    %dma_wait3A_81 = arith.constant 0 : i32
    %dma_wait3A_82 = arith.constant 0 : i32
    %dma_wait3A_83 = tpu.memref_slice %arg6[%dma_wait3A_80, %dma_wait3A_81, %dma_wait3A_82] : memref<4x100x64xf32, #tpu.memory_space<vmem>> -> memref<1x100x64xf32, #tpu.memory_space<vmem>>
    %dma_wait3A_84 = tpu.memref_squeeze %dma_wait3A_83 : memref<1x100x64xf32, #tpu.memory_space<vmem>> -> memref<100x64xf32, #tpu.memory_space<vmem>>
    %dma_wait3A_85 = arith.constant 0 : i32
    %dma_wait3A_86 = tpu.memref_slice %arg5[%dma_wait3A, %dma_wait3A_79, %dma_wait3A_85] : memref<2x256x100xi32, #tpu.memory_space<vmem>> -> memref<1x1x100xi32, #tpu.memory_space<vmem>>
    %dma_wait3A_87 = tpu.memref_squeeze %dma_wait3A_86 : memref<1x1x100xi32, #tpu.memory_space<vmem>> -> memref<100xi32, #tpu.memory_space<vmem>>
    %dma_wait3A_88 = arith.constant 0 : i32
    %dma_wait3A_89 = arith.constant 0 : i32
    %dma_wait3A_90 = tpu.memref_slice %arg3[%dma_wait3A_88, %dma_wait3A_89] : memref<1000000x64xf32, #tpu.memory_space<hbm>> -> memref<1000000x64xf32, #tpu.memory_space<hbm>>
    tpu.wait_indirect_dma semaphore(%arg9 : memref<!tpu.dma_semaphore, #tpu.memory_space<semaphore_mem>>) src(%dma_wait3A_90 : memref<1000000x64xf32, #tpu.memory_space<hbm>>) dst(%dma_wait3A_84 : memref<100x64xf32, #tpu.memory_space<vmem>>)
    %dma_wait3A_91 = arith.constant 0 : i32
    %dma_wait3A_92 = arith.constant 0 : i32
    %dma_wait3A_93 = arith.constant 1 : i32
    %dma_wait3A_94 = arith.constant 0 : i32
    %dma_wait3A_95 = arith.constant 0 : i32
    %dma_wait3A_96 = tpu.memref_slice %arg6[%dma_wait3A_93, %dma_wait3A_94, %dma_wait3A_95] : memref<4x100x64xf32, #tpu.memory_space<vmem>> -> memref<1x100x64xf32, #tpu.memory_space<vmem>>
    %dma_wait3A_97 = tpu.memref_squeeze %dma_wait3A_96 : memref<1x100x64xf32, #tpu.memory_space<vmem>> -> memref<100x64xf32, #tpu.memory_space<vmem>>
    %dma_wait3A_98 = arith.constant 0 : i32
    %dma_wait3A_99 = tpu.memref_slice %arg5[%dma_wait3A_91, %dma_wait3A_92, %dma_wait3A_98] : memref<2x256x100xi32, #tpu.memory_space<vmem>> -> memref<1x1x100xi32, #tpu.memory_space<vmem>>
    %dma_wait3A_100 = tpu.memref_squeeze %dma_wait3A_99 : memref<1x1x100xi32, #tpu.memory_space<vmem>> -> memref<100xi32, #tpu.memory_space<vmem>>
    %dma_wait3A_101 = arith.constant 0 : i32
    %dma_wait3A_102 = arith.constant 0 : i32
    %dma_wait3A_103 = tpu.memref_slice %arg3[%dma_wait3A_101, %dma_wait3A_102] : memref<1000000x64xf32, #tpu.memory_space<hbm>> -> memref<1000000x64xf32, #tpu.memory_space<hbm>>
    tpu.wait_indirect_dma semaphore(%arg10 : memref<!tpu.dma_semaphore, #tpu.memory_space<semaphore_mem>>) src(%dma_wait3A_103 : memref<1000000x64xf32, #tpu.memory_space<hbm>>) dst(%dma_wait3A_97 : memref<100x64xf32, #tpu.memory_space<vmem>>)
    %broadcast_in_dim3A = arith.constant 0.000000e+00 : f32
    %broadcast_in_dim3A_104 = vector.broadcast %broadcast_in_dim3A : f32 to vector<16xf32>
    %scan3A_105 = arith.constant 0 : i32
    %scan3A_106 = arith.constant 100 : i32
    %scan3A_107 = arith.addi %scan3A_105, %scan3A_106 : i32
    %scan3A_108 = arith.constant 1 : i32
    %scan3A_109:4 = scf.for %scan3A_892 = %scan3A_105 to %scan3A_107 step %scan3A_108 iter_args(%scan3A_893 = %broadcast_in_dim3A_104, %scan3A_894 = %broadcast_in_dim3A_104, %scan3A_895 = %broadcast_in_dim3A_104, %scan3A_896 = %broadcast_in_dim3A_104) -> (vector<16xf32>, vector<16xf32>, vector<16xf32>, vector<16xf32>)  : i32 {
      %get3A = arith.constant 0 : i32
      %get3A_897 = arith.index_cast %get3A : i32 to index
      %get3A_898 = arith.index_cast %scan3A_892 : i32 to index
      %get3A_899 = arith.constant 0 : index
      %get3A_900 = tpu.vector_load %arg6[%get3A_897, %get3A_898, %get3A_899] {strides = array<i32>} : memref<4x100x64xf32, #tpu.memory_space<vmem>>, vector<1x1x16xf32>,
      %get3A_901 = vector.shape_cast %get3A_900 : vector<1x1x16xf32> to vector<16xf32>
      %add3A_902 = arith.addf %scan3A_893, %get3A_901 : vector<16xf32>
      %get3A_903 = arith.constant 1 : i32
      %get3A_904 = arith.index_cast %get3A_903 : i32 to index
      %get3A_905 = arith.index_cast %scan3A_892 : i32 to index
      %get3A_906 = arith.constant 0 : index
      %get3A_907 = tpu.vector_load %arg6[%get3A_904, %get3A_905, %get3A_906] {strides = array<i32>} : memref<4x100x64xf32, #tpu.memory_space<vmem>>, vector<1x1x16xf32>,
      %get3A_908 = vector.shape_cast %get3A_907 : vector<1x1x16xf32> to vector<16xf32>
      %add3A_909 = arith.addf %add3A_902, %get3A_908 : vector<16xf32>
      %get3A_910 = arith.constant 0 : i32
      %get3A_911 = arith.index_cast %get3A_910 : i32 to index
      %get3A_912 = arith.index_cast %scan3A_892 : i32 to index
      %get3A_913 = arith.constant 16 : index
      %get3A_914 = tpu.vector_load %arg6[%get3A_911, %get3A_912, %get3A_913] {strides = array<i32>} : memref<4x100x64xf32, #tpu.memory_space<vmem>>, vector<1x1x16xf32>,
      %get3A_915 = vector.shape_cast %get3A_914 : vector<1x1x16xf32> to vector<16xf32>
      %add3A_916 = arith.addf %scan3A_894, %get3A_915 : vector<16xf32>
      %get3A_917 = arith.constant 1 : i32
      %get3A_918 = arith.index_cast %get3A_917 : i32 to index
      %get3A_919 = arith.index_cast %scan3A_892 : i32 to index
      %get3A_920 = arith.constant 16 : index
      %get3A_921 = tpu.vector_load %arg6[%get3A_918, %get3A_919, %get3A_920] {strides = array<i32>} : memref<4x100x64xf32, #tpu.memory_space<vmem>>, vector<1x1x16xf32>,
      %get3A_922 = vector.shape_cast %get3A_921 : vector<1x1x16xf32> to vector<16xf32>
      %add3A_923 = arith.addf %add3A_916, %get3A_922 : vector<16xf32>
      %get3A_924 = arith.constant 0 : i32
      %get3A_925 = arith.index_cast %get3A_924 : i32 to index
      %get3A_926 = arith.index_cast %scan3A_892 : i32 to index
      %get3A_927 = arith.constant 32 : index
      %get3A_928 = tpu.vector_load %arg6[%get3A_925, %get3A_926, %get3A_927] {strides = array<i32>} : memref<4x100x64xf32, #tpu.memory_space<vmem>>, vector<1x1x16xf32>,
      %get3A_929 = vector.shape_cast %get3A_928 : vector<1x1x16xf32> to vector<16xf32>
      %add3A_930 = arith.addf %scan3A_895, %get3A_929 : vector<16xf32>
      %get3A_931 = arith.constant 1 : i32
      %get3A_932 = arith.index_cast %get3A_931 : i32 to index
      %get3A_933 = arith.index_cast %scan3A_892 : i32 to index
      %get3A_934 = arith.constant 32 : index
      %get3A_935 = tpu.vector_load %arg6[%get3A_932, %get3A_933, %get3A_934] {strides = array<i32>} : memref<4x100x64xf32, #tpu.memory_space<vmem>>, vector<1x1x16xf32>,
      %get3A_936 = vector.shape_cast %get3A_935 : vector<1x1x16xf32> to vector<16xf32>
      %add3A_937 = arith.addf %add3A_930, %get3A_936 : vector<16xf32>
      %get3A_938 = arith.constant 0 : i32
      %get3A_939 = arith.index_cast %get3A_938 : i32 to index
      %get3A_940 = arith.index_cast %scan3A_892 : i32 to index
      %get3A_941 = arith.constant 48 : index
      %get3A_942 = tpu.vector_load %arg6[%get3A_939, %get3A_940, %get3A_941] {strides = array<i32>} : memref<4x100x64xf32, #tpu.memory_space<vmem>>, vector<1x1x16xf32>,
      %get3A_943 = vector.shape_cast %get3A_942 : vector<1x1x16xf32> to vector<16xf32>
      %add3A_944 = arith.addf %scan3A_896, %get3A_943 : vector<16xf32>
      %get3A_945 = arith.constant 1 : i32
      %get3A_946 = arith.index_cast %get3A_945 : i32 to index
      %get3A_947 = arith.index_cast %scan3A_892 : i32 to index
      %get3A_948 = arith.constant 48 : index
      %get3A_949 = tpu.vector_load %arg6[%get3A_946, %get3A_947, %get3A_948] {strides = array<i32>} : memref<4x100x64xf32, #tpu.memory_space<vmem>>, vector<1x1x16xf32>,
      %get3A_950 = vector.shape_cast %get3A_949 : vector<1x1x16xf32> to vector<16xf32>
      %add3A_951 = arith.addf %add3A_944, %get3A_950 : vector<16xf32>
      scf.yield %add3A_909, %add3A_923, %add3A_937, %add3A_951 : vector<16xf32>, vector<16xf32>, vector<16xf32>, vector<16xf32>
    }
    %scan3A_110 = arith.constant 100 : i32
    %mul3A_111 = arith.constant 5.000000e-03 : f32
    %mul3A_112 = vector.broadcast %mul3A_111 : f32 to vector<16xf32>
    %mul3A_113 = arith.mulf %scan3A_109#0, %mul3A_112 : vector<16xf32>
    %swap3A = arith.constant 126 : i32
    %swap3A_114 = arith.index_cast %swap3A : i32 to index
    %swap3A_115 = arith.constant 0 : index
    %swap3A_116 = tpu.vector_load %arg7[%swap3A_114, %swap3A_115] {strides = array<i32>} : memref<512x64xf32, #tpu.memory_space<vmem>>, vector<1x16xf32>,
    %swap3A_117 = vector.shape_cast %swap3A_116 : vector<1x16xf32> to vector<16xf32>
    %swap3A_118 = vector.shape_cast %mul3A_113 : vector<16xf32> to vector<1x16xf32>
    tpu.vector_store %arg7[%swap3A_114, %swap3A_115], %swap3A_118 {strides = array<i32>} : memref<512x64xf32, #tpu.memory_space<vmem>>, vector<1x16xf32>,
    %mul3A_119 = arith.constant 5.000000e-03 : f32
    %mul3A_120 = vector.broadcast %mul3A_119 : f32 to vector<16xf32>
    %mul3A_121 = arith.mulf %scan3A_109#1, %mul3A_120 : vector<16xf32>
    %swap3A_122 = arith.constant 126 : i32
    %swap3A_123 = arith.index_cast %swap3A_122 : i32 to index
    %swap3A_124 = arith.constant 16 : index
    %swap3A_125 = tpu.vector_load %arg7[%swap3A_123, %swap3A_124] {strides = array<i32>} : memref<512x64xf32, #tpu.memory_space<vmem>>, vector<1x16xf32>,
    %swap3A_126 = vector.shape_cast %swap3A_125 : vector<1x16xf32> to vector<16xf32>
    %swap3A_127 = vector.shape_cast %mul3A_121 : vector<16xf32> to vector<1x16xf32>
    tpu.vector_store %arg7[%swap3A_123, %swap3A_124], %swap3A_127 {strides = array<i32>} : memref<512x64xf32, #tpu.memory_space<vmem>>, vector<1x16xf32>,
    %mul3A_128 = arith.constant 5.000000e-03 : f32
    %mul3A_129 = vector.broadcast %mul3A_128 : f32 to vector<16xf32>
    %mul3A_130 = arith.mulf %scan3A_109#2, %mul3A_129 : vector<16xf32>
    %swap3A_131 = arith.constant 126 : i32
    %swap3A_132 = arith.index_cast %swap3A_131 : i32 to index
    %swap3A_133 = arith.constant 32 : index
    %swap3A_134 = tpu.vector_load %arg7[%swap3A_132, %swap3A_133] {strides = array<i32>} : memref<512x64xf32, #tpu.memory_space<vmem>>, vector<1x16xf32>,
    %swap3A_135 = vector.shape_cast %swap3A_134 : vector<1x16xf32> to vector<16xf32>
    %swap3A_136 = vector.shape_cast %mul3A_130 : vector<16xf32> to vector<1x16xf32>
    tpu.vector_store %arg7[%swap3A_132, %swap3A_133], %swap3A_136 {strides = array<i32>} : memref<512x64xf32, #tpu.memory_space<vmem>>, vector<1x16xf32>,
    %mul3A_137 = arith.constant 5.000000e-03 : f32
    %mul3A_138 = vector.broadcast %mul3A_137 : f32 to vector<16xf32>
    %mul3A_139 = arith.mulf %scan3A_109#3, %mul3A_138 : vector<16xf32>
    %swap3A_140 = arith.constant 126 : i32
    %swap3A_141 = arith.index_cast %swap3A_140 : i32 to index
    %swap3A_142 = arith.constant 48 : index
    %swap3A_143 = tpu.vector_load %arg7[%swap3A_141, %swap3A_142] {strides = array<i32>} : memref<512x64xf32, #tpu.memory_space<vmem>>, vector<1x16xf32>,
    %swap3A_144 = vector.shape_cast %swap3A_143 : vector<1x16xf32> to vector<16xf32>
    %swap3A_145 = vector.shape_cast %mul3A_139 : vector<16xf32> to vector<1x16xf32>
    tpu.vector_store %arg7[%swap3A_141, %swap3A_142], %swap3A_145 {strides = array<i32>} : memref<512x64xf32, #tpu.memory_space<vmem>>, vector<1x16xf32>,
    %dma_wait3A_146 = arith.constant 0 : i32
    %dma_wait3A_147 = arith.constant 0 : i32
    %dma_wait3A_148 = arith.constant 2 : i32
    %dma_wait3A_149 = arith.constant 0 : i32
    %dma_wait3A_150 = arith.constant 0 : i32
    %dma_wait3A_151 = tpu.memref_slice %arg6[%dma_wait3A_148, %dma_wait3A_149, %dma_wait3A_150] : memref<4x100x64xf32, #tpu.memory_space<vmem>> -> memref<1x100x64xf32, #tpu.memory_space<vmem>>
    %dma_wait3A_152 = tpu.memref_squeeze %dma_wait3A_151 : memref<1x100x64xf32, #tpu.memory_space<vmem>> -> memref<100x64xf32, #tpu.memory_space<vmem>>
    %dma_wait3A_153 = arith.constant 0 : i32
    %dma_wait3A_154 = tpu.memref_slice %arg5[%dma_wait3A_146, %dma_wait3A_147, %dma_wait3A_153] : memref<2x256x100xi32, #tpu.memory_space<vmem>> -> memref<1x1x100xi32, #tpu.memory_space<vmem>>
    %dma_wait3A_155 = tpu.memref_squeeze %dma_wait3A_154 : memref<1x1x100xi32, #tpu.memory_space<vmem>> -> memref<100xi32, #tpu.memory_space<vmem>>
    %dma_wait3A_156 = arith.constant 0 : i32
    %dma_wait3A_157 = arith.constant 0 : i32
    %dma_wait3A_158 = tpu.memref_slice %arg3[%dma_wait3A_156, %dma_wait3A_157] : memref<1000000x64xf32, #tpu.memory_space<hbm>> -> memref<1000000x64xf32, #tpu.memory_space<hbm>>
    tpu.wait_indirect_dma semaphore(%arg11 : memref<!tpu.dma_semaphore, #tpu.memory_space<semaphore_mem>>) src(%dma_wait3A_158 : memref<1000000x64xf32, #tpu.memory_space<hbm>>) dst(%dma_wait3A_152 : memref<100x64xf32, #tpu.memory_space<vmem>>)
    %dma_wait3A_159 = arith.constant 0 : i32
    %dma_wait3A_160 = arith.constant 0 : i32
    %dma_wait3A_161 = arith.constant 3 : i32
    %dma_wait3A_162 = arith.constant 0 : i32
    %dma_wait3A_163 = arith.constant 0 : i32
    %dma_wait3A_164 = tpu.memref_slice %arg6[%dma_wait3A_161, %dma_wait3A_162, %dma_wait3A_163] : memref<4x100x64xf32, #tpu.memory_space<vmem>> -> memref<1x100x64xf32, #tpu.memory_space<vmem>>
    %dma_wait3A_165 = tpu.memref_squeeze %dma_wait3A_164 : memref<1x100x64xf32, #tpu.memory_space<vmem>> -> memref<100x64xf32, #tpu.memory_space<vmem>>
    %dma_wait3A_166 = arith.constant 0 : i32
    %dma_wait3A_167 = tpu.memref_slice %arg5[%dma_wait3A_159, %dma_wait3A_160, %dma_wait3A_166] : memref<2x256x100xi32, #tpu.memory_space<vmem>> -> memref<1x1x100xi32, #tpu.memory_space<vmem>>
    %dma_wait3A_168 = tpu.memref_squeeze %dma_wait3A_167 : memref<1x1x100xi32, #tpu.memory_space<vmem>> -> memref<100xi32, #tpu.memory_space<vmem>>
    %dma_wait3A_169 = arith.constant 0 : i32
    %dma_wait3A_170 = arith.constant 0 : i32
    %dma_wait3A_171 = tpu.memref_slice %arg3[%dma_wait3A_169, %dma_wait3A_170] : memref<1000000x64xf32, #tpu.memory_space<hbm>> -> memref<1000000x64xf32, #tpu.memory_space<hbm>>
    tpu.wait_indirect_dma semaphore(%arg12 : memref<!tpu.dma_semaphore, #tpu.memory_space<semaphore_mem>>) src(%dma_wait3A_171 : memref<1000000x64xf32, #tpu.memory_space<hbm>>) dst(%dma_wait3A_165 : memref<100x64xf32, #tpu.memory_space<vmem>>)
    %broadcast_in_dim3A_172 = arith.constant 0.000000e+00 : f32
    %broadcast_in_dim3A_173 = vector.broadcast %broadcast_in_dim3A_172 : f32 to vector<16xf32>
    %scan3A_174 = arith.constant 0 : i32
    %scan3A_175 = arith.constant 100 : i32
    %scan3A_176 = arith.addi %scan3A_174, %scan3A_175 : i32
    %scan3A_177 = arith.constant 1 : i32
    %scan3A_178:4 = scf.for %scan3A_892 = %scan3A_174 to %scan3A_176 step %scan3A_177 iter_args(%scan3A_893 = %broadcast_in_dim3A_173, %scan3A_894 = %broadcast_in_dim3A_173, %scan3A_895 = %broadcast_in_dim3A_173, %scan3A_896 = %broadcast_in_dim3A_173) -> (vector<16xf32>, vector<16xf32>, vector<16xf32>, vector<16xf32>)  : i32 {
      %get3A = arith.constant 2 : i32
      %get3A_897 = arith.index_cast %get3A : i32 to index
      %get3A_898 = arith.index_cast %scan3A_892 : i32 to index
      %get3A_899 = arith.constant 0 : index
      %get3A_900 = tpu.vector_load %arg6[%get3A_897, %get3A_898, %get3A_899] {strides = array<i32>} : memref<4x100x64xf32, #tpu.memory_space<vmem>>, vector<1x1x16xf32>,
      %get3A_901 = vector.shape_cast %get3A_900 : vector<1x1x16xf32> to vector<16xf32>
      %add3A_902 = arith.addf %scan3A_893, %get3A_901 : vector<16xf32>
      %get3A_903 = arith.constant 3 : i32
      %get3A_904 = arith.index_cast %get3A_903 : i32 to index
      %get3A_905 = arith.index_cast %scan3A_892 : i32 to index
      %get3A_906 = arith.constant 0 : index
      %get3A_907 = tpu.vector_load %arg6[%get3A_904, %get3A_905, %get3A_906] {strides = array<i32>} : memref<4x100x64xf32, #tpu.memory_space<vmem>>, vector<1x1x16xf32>,
      %get3A_908 = vector.shape_cast %get3A_907 : vector<1x1x16xf32> to vector<16xf32>
      %add3A_909 = arith.addf %add3A_902, %get3A_908 : vector<16xf32>
      %get3A_910 = arith.constant 2 : i32
      %get3A_911 = arith.index_cast %get3A_910 : i32 to index
      %get3A_912 = arith.index_cast %scan3A_892 : i32 to index
      %get3A_913 = arith.constant 16 : index
      %get3A_914 = tpu.vector_load %arg6[%get3A_911, %get3A_912, %get3A_913] {strides = array<i32>} : memref<4x100x64xf32, #tpu.memory_space<vmem>>, vector<1x1x16xf32>,
      %get3A_915 = vector.shape_cast %get3A_914 : vector<1x1x16xf32> to vector<16xf32>
      %add3A_916 = arith.addf %scan3A_894, %get3A_915 : vector<16xf32>
      %get3A_917 = arith.constant 3 : i32
      %get3A_918 = arith.index_cast %get3A_917 : i32 to index
      %get3A_919 = arith.index_cast %scan3A_892 : i32 to index
      %get3A_920 = arith.constant 16 : index
      %get3A_921 = tpu.vector_load %arg6[%get3A_918, %get3A_919, %get3A_920] {strides = array<i32>} : memref<4x100x64xf32, #tpu.memory_space<vmem>>, vector<1x1x16xf32>,
      %get3A_922 = vector.shape_cast %get3A_921 : vector<1x1x16xf32> to vector<16xf32>
      %add3A_923 = arith.addf %add3A_916, %get3A_922 : vector<16xf32>
      %get3A_924 = arith.constant 2 : i32
      %get3A_925 = arith.index_cast %get3A_924 : i32 to index
      %get3A_926 = arith.index_cast %scan3A_892 : i32 to index
      %get3A_927 = arith.constant 32 : index
      %get3A_928 = tpu.vector_load %arg6[%get3A_925, %get3A_926, %get3A_927] {strides = array<i32>} : memref<4x100x64xf32, #tpu.memory_space<vmem>>, vector<1x1x16xf32>,
      %get3A_929 = vector.shape_cast %get3A_928 : vector<1x1x16xf32> to vector<16xf32>
      %add3A_930 = arith.addf %scan3A_895, %get3A_929 : vector<16xf32>
      %get3A_931 = arith.constant 3 : i32
      %get3A_932 = arith.index_cast %get3A_931 : i32 to index
      %get3A_933 = arith.index_cast %scan3A_892 : i32 to index
      %get3A_934 = arith.constant 32 : index
      %get3A_935 = tpu.vector_load %arg6[%get3A_932, %get3A_933, %get3A_934] {strides = array<i32>} : memref<4x100x64xf32, #tpu.memory_space<vmem>>, vector<1x1x16xf32>,
      %get3A_936 = vector.shape_cast %get3A_935 : vector<1x1x16xf32> to vector<16xf32>
      %add3A_937 = arith.addf %add3A_930, %get3A_936 : vector<16xf32>
      %get3A_938 = arith.constant 2 : i32
      %get3A_939 = arith.index_cast %get3A_938 : i32 to index
      %get3A_940 = arith.index_cast %scan3A_892 : i32 to index
      %get3A_941 = arith.constant 48 : index
      %get3A_942 = tpu.vector_load %arg6[%get3A_939, %get3A_940, %get3A_941] {strides = array<i32>} : memref<4x100x64xf32, #tpu.memory_space<vmem>>, vector<1x1x16xf32>,
      %get3A_943 = vector.shape_cast %get3A_942 : vector<1x1x16xf32> to vector<16xf32>
      %add3A_944 = arith.addf %scan3A_896, %get3A_943 : vector<16xf32>
      %get3A_945 = arith.constant 3 : i32
      %get3A_946 = arith.index_cast %get3A_945 : i32 to index
      %get3A_947 = arith.index_cast %scan3A_892 : i32 to index
      %get3A_948 = arith.constant 48 : index
      %get3A_949 = tpu.vector_load %arg6[%get3A_946, %get3A_947, %get3A_948] {strides = array<i32>} : memref<4x100x64xf32, #tpu.memory_space<vmem>>, vector<1x1x16xf32>,
      %get3A_950 = vector.shape_cast %get3A_949 : vector<1x1x16xf32> to vector<16xf32>
      %add3A_951 = arith.addf %add3A_944, %get3A_950 : vector<16xf32>
      scf.yield %add3A_909, %add3A_923, %add3A_937, %add3A_951 : vector<16xf32>, vector<16xf32>, vector<16xf32>, vector<16xf32>
    }
    %scan3A_179 = arith.constant 100 : i32
    %mul3A_180 = arith.constant 5.000000e-03 : f32
    %mul3A_181 = vector.broadcast %mul3A_180 : f32 to vector<16xf32>
    %mul3A_182 = arith.mulf %scan3A_178#0, %mul3A_181 : vector<16xf32>
    %swap3A_183 = arith.constant 127 : i32
    %swap3A_184 = arith.index_cast %swap3A_183 : i32 to index
    %swap3A_185 = arith.constant 0 : index
    %swap3A_186 = tpu.vector_load %arg7[%swap3A_184, %swap3A_185] {strides = array<i32>} : memref<512x64xf32, #tpu.memory_space<vmem>>, vector<1x16xf32>,
    %swap3A_187 = vector.shape_cast %swap3A_186 : vector<1x16xf32> to vector<16xf32>
    %swap3A_188 = vector.shape_cast %mul3A_182 : vector<16xf32> to vector<1x16xf32>
    tpu.vector_store %arg7[%swap3A_184, %swap3A_185], %swap3A_188 {strides = array<i32>} : memref<512x64xf32, #tpu.memory_space<vmem>>, vector<1x16xf32>,
    %mul3A_189 = arith.constant 5.000000e-03 : f32
    %mul3A_190 = vector.broadcast %mul3A_189 : f32 to vector<16xf32>
    %mul3A_191 = arith.mulf %scan3A_178#1, %mul3A_190 : vector<16xf32>
    %swap3A_192 = arith.constant 127 : i32
    %swap3A_193 = arith.index_cast %swap3A_192 : i32 to index
    %swap3A_194 = arith.constant 16 : index
    %swap3A_195 = tpu.vector_load %arg7[%swap3A_193, %swap3A_194] {strides = array<i32>} : memref<512x64xf32, #tpu.memory_space<vmem>>, vector<1x16xf32>,
    %swap3A_196 = vector.shape_cast %swap3A_195 : vector<1x16xf32> to vector<16xf32>
    %swap3A_197 = vector.shape_cast %mul3A_191 : vector<16xf32> to vector<1x16xf32>
    tpu.vector_store %arg7[%swap3A_193, %swap3A_194], %swap3A_197 {strides = array<i32>} : memref<512x64xf32, #tpu.memory_space<vmem>>, vector<1x16xf32>,
    %mul3A_198 = arith.constant 5.000000e-03 : f32
    %mul3A_199 = vector.broadcast %mul3A_198 : f32 to vector<16xf32>
    %mul3A_200 = arith.mulf %scan3A_178#2, %mul3A_199 : vector<16xf32>
    %swap3A_201 = arith.constant 127 : i32
    %swap3A_202 = arith.index_cast %swap3A_201 : i32 to index
    %swap3A_203 = arith.constant 32 : index
    %swap3A_204 = tpu.vector_load %arg7[%swap3A_202, %swap3A_203] {strides = array<i32>} : memref<512x64xf32, #tpu.memory_space<vmem>>, vector<1x16xf32>,
    %swap3A_205 = vector.shape_cast %swap3A_204 : vector<1x16xf32> to vector<16xf32>
    %swap3A_206 = vector.shape_cast %mul3A_200 : vector<16xf32> to vector<1x16xf32>
    tpu.vector_store %arg7[%swap3A_202, %swap3A_203], %swap3A_206 {strides = array<i32>} : memref<512x64xf32, #tpu.memory_space<vmem>>, vector<1x16xf32>,
    %mul3A_207 = arith.constant 5.000000e-03 : f32
    %mul3A_208 = vector.broadcast %mul3A_207 : f32 to vector<16xf32>
    %mul3A_209 = arith.mulf %scan3A_178#3, %mul3A_208 : vector<16xf32>
    %swap3A_210 = arith.constant 127 : i32
    %swap3A_211 = arith.index_cast %swap3A_210 : i32 to index
    %swap3A_212 = arith.constant 48 : index
    %swap3A_213 = tpu.vector_load %arg7[%swap3A_211, %swap3A_212] {strides = array<i32>} : memref<512x64xf32, #tpu.memory_space<vmem>>, vector<1x16xf32>,
    %swap3A_214 = vector.shape_cast %swap3A_213 : vector<1x16xf32> to vector<16xf32>
    %swap3A_215 = vector.shape_cast %mul3A_209 : vector<16xf32> to vector<1x16xf32>
    tpu.vector_store %arg7[%swap3A_211, %swap3A_212], %swap3A_215 {strides = array<i32>} : memref<512x64xf32, #tpu.memory_space<vmem>>, vector<1x16xf32>,
    %mul3A_216 = arith.constant 2 : i32
    %mul3A_217 = arith.muli %mul3A_2, %mul3A_216 : i32
    %dma_wait3A_218 = arith.constant 1 : i32
    %dma_wait3A_219 = arith.constant 0 : i32
    %dma_wait3A_220 = arith.constant 0 : i32
    %dma_wait3A_221 = tpu.memref_slice %arg5[%dma_wait3A_218, %dma_wait3A_219, %dma_wait3A_220] : memref<2x256x100xi32, #tpu.memory_space<vmem>> -> memref<1x256x100xi32, #tpu.memory_space<vmem>>
    %dma_wait3A_222 = tpu.memref_squeeze %dma_wait3A_221 : memref<1x256x100xi32, #tpu.memory_space<vmem>> -> memref<256x100xi32, #tpu.memory_space<vmem>>
    %dma_wait3A_223 = arith.constant 0 : i32
    %dma_wait3A_224 = tpu.memref_slice %arg2[%mul3A_217, %dma_wait3A_223] : memref<32768x100xi32, #tpu.memory_space<hbm>> -> memref<256x100xi32, #tpu.memory_space<hbm>>
    %dma_wait3A_225 = arith.constant 0 : i32
    %dma_wait3A_226 = arith.constant 0 : i32
    %dma_wait3A_227 = tpu.memref_slice %arg5[%dma_wait3A_218, %dma_wait3A_225, %dma_wait3A_226] : memref<2x256x100xi32, #tpu.memory_space<vmem>> -> memref<1x256x100xi32, #tpu.memory_space<vmem>>
    %dma_wait3A_228 = tpu.memref_squeeze %dma_wait3A_227 : memref<1x256x100xi32, #tpu.memory_space<vmem>> -> memref<256x100xi32, #tpu.memory_space<vmem>>
    %dma_wait3A_229 = arith.constant 0 : i32
    %dma_wait3A_230 = tpu.memref_slice %arg2[%mul3A_217, %dma_wait3A_229] : memref<32768x100xi32, #tpu.memory_space<hbm>> -> memref<256x100xi32, #tpu.memory_space<hbm>>
    tpu.wait_dma2 semaphore(%arg8 : memref<!tpu.dma_semaphore, #tpu.memory_space<semaphore_mem>>) src(%dma_wait3A_230 : memref<256x100xi32, #tpu.memory_space<hbm>>) dst(%dma_wait3A_228 : memref<256x100xi32, #tpu.memory_space<vmem>>)
    %add3A_231 = arith.constant 256 : i32
    %add3A_232 = arith.addi %mul3A_2, %add3A_231 : i32
    %mul3A_233 = arith.constant 2 : i32
    %mul3A_234 = arith.muli %add3A_232, %mul3A_233 : i32
    %dma_start3A_235 = arith.constant 0 : i32
    %dma_start3A_236 = arith.constant 0 : i32
    %dma_start3A_237 = arith.constant 0 : i32
    %dma_start3A_238 = tpu.memref_slice %arg5[%dma_start3A_235, %dma_start3A_236, %dma_start3A_237] : memref<2x256x100xi32, #tpu.memory_space<vmem>> -> memref<1x256x100xi32, #tpu.memory_space<vmem>>
    %dma_start3A_239 = tpu.memref_squeeze %dma_start3A_238 : memref<1x256x100xi32, #tpu.memory_space<vmem>> -> memref<256x100xi32, #tpu.memory_space<vmem>>
    %dma_start3A_240 = arith.constant 0 : i32
    %dma_start3A_241 = tpu.memref_slice %arg2[%mul3A_234, %dma_start3A_240] : memref<32768x100xi32, #tpu.memory_space<hbm>> -> memref<256x100xi32, #tpu.memory_space<hbm>>
    %dma_start3A_242 = arith.constant 0 : i32
    %dma_start3A_243 = arith.constant 0 : i32
    %dma_start3A_244 = tpu.memref_slice %arg5[%dma_start3A_235, %dma_start3A_242, %dma_start3A_243] : memref<2x256x100xi32, #tpu.memory_space<vmem>> -> memref<1x256x100xi32, #tpu.memory_space<vmem>>
    %dma_start3A_245 = tpu.memref_squeeze %dma_start3A_244 : memref<1x256x100xi32, #tpu.memory_space<vmem>> -> memref<256x100xi32, #tpu.memory_space<vmem>>
    %dma_start3A_246 = arith.constant 0 : i32
    %dma_start3A_247 = tpu.memref_slice %arg2[%mul3A_234, %dma_start3A_246] : memref<32768x100xi32, #tpu.memory_space<hbm>> -> memref<256x100xi32, #tpu.memory_space<hbm>>
    tpu.enqueue_dma source(%dma_start3A_247 : memref<256x100xi32, #tpu.memory_space<hbm>>) target(%dma_start3A_245 : memref<256x100xi32, #tpu.memory_space<vmem>>) target_semaphore(%arg8 : memref<!tpu.dma_semaphore, #tpu.memory_space<semaphore_mem>>)
    %dma_start3A_248 = arith.constant 1 : i32
    %dma_start3A_249 = arith.constant 0 : i32
    %dma_start3A_250 = arith.constant 0 : i32
    %dma_start3A_251 = arith.constant 0 : i32
    %dma_start3A_252 = arith.constant 0 : i32
    %dma_start3A_253 = tpu.memref_slice %arg6[%dma_start3A_250, %dma_start3A_251, %dma_start3A_252] : memref<4x100x64xf32, #tpu.memory_space<vmem>> -> memref<1x100x64xf32, #tpu.memory_space<vmem>>
    %dma_start3A_254 = tpu.memref_squeeze %dma_start3A_253 : memref<1x100x64xf32, #tpu.memory_space<vmem>> -> memref<100x64xf32, #tpu.memory_space<vmem>>
    %dma_start3A_255 = arith.constant 0 : i32
    %dma_start3A_256 = tpu.memref_slice %arg5[%dma_start3A_248, %dma_start3A_249, %dma_start3A_255] : memref<2x256x100xi32, #tpu.memory_space<vmem>> -> memref<1x1x100xi32, #tpu.memory_space<vmem>>
    %dma_start3A_257 = tpu.memref_squeeze %dma_start3A_256 : memref<1x1x100xi32, #tpu.memory_space<vmem>> -> memref<100xi32, #tpu.memory_space<vmem>>
    %dma_start3A_258 = arith.constant 0 : i32
    %dma_start3A_259 = arith.constant 0 : i32
    %dma_start3A_260 = tpu.memref_slice %arg3[%dma_start3A_258, %dma_start3A_259] : memref<1000000x64xf32, #tpu.memory_space<hbm>> -> memref<1000000x64xf32, #tpu.memory_space<hbm>>
    tpu.enqueue_indirect_dma source(%dma_start3A_260 : memref<1000000x64xf32, #tpu.memory_space<hbm>>) target(%dma_start3A_254 : memref<100x64xf32, #tpu.memory_space<vmem>>) offsets(%dma_start3A_257 : memref<100xi32, #tpu.memory_space<vmem>>) semaphore(%arg9 : memref<!tpu.dma_semaphore, #tpu.memory_space<semaphore_mem>>)
    %dma_start3A_261 = arith.constant 1 : i32
    %dma_start3A_262 = arith.constant 1 : i32
    %dma_start3A_263 = arith.constant 1 : i32
    %dma_start3A_264 = arith.constant 0 : i32
    %dma_start3A_265 = arith.constant 0 : i32
    %dma_start3A_266 = tpu.memref_slice %arg6[%dma_start3A_263, %dma_start3A_264, %dma_start3A_265] : memref<4x100x64xf32, #tpu.memory_space<vmem>> -> memref<1x100x64xf32, #tpu.memory_space<vmem>>
    %dma_start3A_267 = tpu.memref_squeeze %dma_start3A_266 : memref<1x100x64xf32, #tpu.memory_space<vmem>> -> memref<100x64xf32, #tpu.memory_space<vmem>>
    %dma_start3A_268 = arith.constant 0 : i32
    %dma_start3A_269 = tpu.memref_slice %arg5[%dma_start3A_261, %dma_start3A_262, %dma_start3A_268] : memref<2x256x100xi32, #tpu.memory_space<vmem>> -> memref<1x1x100xi32, #tpu.memory_space<vmem>>
    %dma_start3A_270 = tpu.memref_squeeze %dma_start3A_269 : memref<1x1x100xi32, #tpu.memory_space<vmem>> -> memref<100xi32, #tpu.memory_space<vmem>>
    %dma_start3A_271 = arith.constant 0 : i32
    %dma_start3A_272 = arith.constant 0 : i32
    %dma_start3A_273 = tpu.memref_slice %arg3[%dma_start3A_271, %dma_start3A_272] : memref<1000000x64xf32, #tpu.memory_space<hbm>> -> memref<1000000x64xf32, #tpu.memory_space<hbm>>
    tpu.enqueue_indirect_dma source(%dma_start3A_273 : memref<1000000x64xf32, #tpu.memory_space<hbm>>) target(%dma_start3A_267 : memref<100x64xf32, #tpu.memory_space<vmem>>) offsets(%dma_start3A_270 : memref<100xi32, #tpu.memory_space<vmem>>) semaphore(%arg10 : memref<!tpu.dma_semaphore, #tpu.memory_space<semaphore_mem>>)
    %dma_start3A_274 = arith.constant 1 : i32
    %dma_start3A_275 = arith.constant 2 : i32
    %dma_start3A_276 = arith.constant 2 : i32
    %dma_start3A_277 = arith.constant 0 : i32
    %dma_start3A_278 = arith.constant 0 : i32
    %dma_start3A_279 = tpu.memref_slice %arg6[%dma_start3A_276, %dma_start3A_277, %dma_start3A_278] : memref<4x100x64xf32, #tpu.memory_space<vmem>> -> memref<1x100x64xf32, #tpu.memory_space<vmem>>
    %dma_start3A_280 = tpu.memref_squeeze %dma_start3A_279 : memref<1x100x64xf32, #tpu.memory_space<vmem>> -> memref<100x64xf32, #tpu.memory_space<vmem>>
    %dma_start3A_281 = arith.constant 0 : i32
    %dma_start3A_282 = tpu.memref_slice %arg5[%dma_start3A_274, %dma_start3A_275, %dma_start3A_281] : memref<2x256x100xi32, #tpu.memory_space<vmem>> -> memref<1x1x100xi32, #tpu.memory_space<vmem>>
    %dma_start3A_283 = tpu.memref_squeeze %dma_start3A_282 : memref<1x1x100xi32, #tpu.memory_space<vmem>> -> memref<100xi32, #tpu.memory_space<vmem>>
    %dma_start3A_284 = arith.constant 0 : i32
    %dma_start3A_285 = arith.constant 0 : i32
    %dma_start3A_286 = tpu.memref_slice %arg3[%dma_start3A_284, %dma_start3A_285] : memref<1000000x64xf32, #tpu.memory_space<hbm>> -> memref<1000000x64xf32, #tpu.memory_space<hbm>>
    tpu.enqueue_indirect_dma source(%dma_start3A_286 : memref<1000000x64xf32, #tpu.memory_space<hbm>>) target(%dma_start3A_280 : memref<100x64xf32, #tpu.memory_space<vmem>>) offsets(%dma_start3A_283 : memref<100xi32, #tpu.memory_space<vmem>>) semaphore(%arg11 : memref<!tpu.dma_semaphore, #tpu.memory_space<semaphore_mem>>)
    %dma_start3A_287 = arith.constant 1 : i32
    %dma_start3A_288 = arith.constant 3 : i32
    %dma_start3A_289 = arith.constant 3 : i32
    %dma_start3A_290 = arith.constant 0 : i32
    %dma_start3A_291 = arith.constant 0 : i32
    %dma_start3A_292 = tpu.memref_slice %arg6[%dma_start3A_289, %dma_start3A_290, %dma_start3A_291] : memref<4x100x64xf32, #tpu.memory_space<vmem>> -> memref<1x100x64xf32, #tpu.memory_space<vmem>>
    %dma_start3A_293 = tpu.memref_squeeze %dma_start3A_292 : memref<1x100x64xf32, #tpu.memory_space<vmem>> -> memref<100x64xf32, #tpu.memory_space<vmem>>
    %dma_start3A_294 = arith.constant 0 : i32
    %dma_start3A_295 = tpu.memref_slice %arg5[%dma_start3A_287, %dma_start3A_288, %dma_start3A_294] : memref<2x256x100xi32, #tpu.memory_space<vmem>> -> memref<1x1x100xi32, #tpu.memory_space<vmem>>
    %dma_start3A_296 = tpu.memref_squeeze %dma_start3A_295 : memref<1x1x100xi32, #tpu.memory_space<vmem>> -> memref<100xi32, #tpu.memory_space<vmem>>
    %dma_start3A_297 = arith.constant 0 : i32
    %dma_start3A_298 = arith.constant 0 : i32
    %dma_start3A_299 = tpu.memref_slice %arg3[%dma_start3A_297, %dma_start3A_298] : memref<1000000x64xf32, #tpu.memory_space<hbm>> -> memref<1000000x64xf32, #tpu.memory_space<hbm>>
    tpu.enqueue_indirect_dma source(%dma_start3A_299 : memref<1000000x64xf32, #tpu.memory_space<hbm>>) target(%dma_start3A_293 : memref<100x64xf32, #tpu.memory_space<vmem>>) offsets(%dma_start3A_296 : memref<100xi32, #tpu.memory_space<vmem>>) semaphore(%arg12 : memref<!tpu.dma_semaphore, #tpu.memory_space<semaphore_mem>>)
    %scan3A_300 = arith.constant 0 : i32
    %scan3A_301 = arith.constant 5.000000e-03 : f32
    %scan3A_302 = arith.constant 0 : i32
    %scan3A_303 = arith.constant 63 : i32
    %scan3A_304 = arith.addi %scan3A_302, %scan3A_303 : i32
    %scan3A_305 = arith.constant 1 : i32
    scf.for %scan3A_892 = %scan3A_302 to %scan3A_304 step %scan3A_305  : i32 {
      %mul3A_893 = arith.constant 2 : i32
      %mul3A_894 = arith.muli %mul3A_893, %scan3A_892 : i32
      %add3A_895 = arith.constant 0 : i32
      %add3A_896 = arith.addi %mul3A_894, %add3A_895 : i32
      %dma_wait3A_897 = arith.constant 0 : i32
      %dma_wait3A_898 = arith.constant 0 : i32
      %dma_wait3A_899 = arith.constant 0 : i32
      %dma_wait3A_900 = arith.constant 0 : i32
      %dma_wait3A_901 = arith.constant 0 : i32
      %dma_wait3A_902 = tpu.memref_slice %arg6[%dma_wait3A_899, %dma_wait3A_900, %dma_wait3A_901] : memref<4x100x64xf32, #tpu.memory_space<vmem>> -> memref<1x100x64xf32, #tpu.memory_space<vmem>>
      %dma_wait3A_903 = tpu.memref_squeeze %dma_wait3A_902 : memref<1x100x64xf32, #tpu.memory_space<vmem>> -> memref<100x64xf32, #tpu.memory_space<vmem>>
      %dma_wait3A_904 = arith.constant 0 : i32
      %dma_wait3A_905 = tpu.memref_slice %arg5[%dma_wait3A_897, %dma_wait3A_898, %dma_wait3A_904] : memref<2x256x100xi32, #tpu.memory_space<vmem>> -> memref<1x1x100xi32, #tpu.memory_space<vmem>>
      %dma_wait3A_906 = tpu.memref_squeeze %dma_wait3A_905 : memref<1x1x100xi32, #tpu.memory_space<vmem>> -> memref<100xi32, #tpu.memory_space<vmem>>
      %dma_wait3A_907 = arith.constant 0 : i32
      %dma_wait3A_908 = arith.constant 0 : i32
      %dma_wait3A_909 = tpu.memref_slice %arg3[%dma_wait3A_907, %dma_wait3A_908] : memref<1000000x64xf32, #tpu.memory_space<hbm>> -> memref<1000000x64xf32, #tpu.memory_space<hbm>>
      tpu.wait_indirect_dma semaphore(%arg9 : memref<!tpu.dma_semaphore, #tpu.memory_space<semaphore_mem>>) src(%dma_wait3A_909 : memref<1000000x64xf32, #tpu.memory_space<hbm>>) dst(%dma_wait3A_903 : memref<100x64xf32, #tpu.memory_space<vmem>>)
      %dma_wait3A_910 = arith.constant 0 : i32
      %dma_wait3A_911 = arith.constant 0 : i32
      %dma_wait3A_912 = arith.constant 1 : i32
      %dma_wait3A_913 = arith.constant 0 : i32
      %dma_wait3A_914 = arith.constant 0 : i32
      %dma_wait3A_915 = tpu.memref_slice %arg6[%dma_wait3A_912, %dma_wait3A_913, %dma_wait3A_914] : memref<4x100x64xf32, #tpu.memory_space<vmem>> -> memref<1x100x64xf32, #tpu.memory_space<vmem>>
      %dma_wait3A_916 = tpu.memref_squeeze %dma_wait3A_915 : memref<1x100x64xf32, #tpu.memory_space<vmem>> -> memref<100x64xf32, #tpu.memory_space<vmem>>
      %dma_wait3A_917 = arith.constant 0 : i32
      %dma_wait3A_918 = tpu.memref_slice %arg5[%dma_wait3A_910, %dma_wait3A_911, %dma_wait3A_917] : memref<2x256x100xi32, #tpu.memory_space<vmem>> -> memref<1x1x100xi32, #tpu.memory_space<vmem>>
      %dma_wait3A_919 = tpu.memref_squeeze %dma_wait3A_918 : memref<1x1x100xi32, #tpu.memory_space<vmem>> -> memref<100xi32, #tpu.memory_space<vmem>>
      %dma_wait3A_920 = arith.constant 0 : i32
      %dma_wait3A_921 = arith.constant 0 : i32
      %dma_wait3A_922 = tpu.memref_slice %arg3[%dma_wait3A_920, %dma_wait3A_921] : memref<1000000x64xf32, #tpu.memory_space<hbm>> -> memref<1000000x64xf32, #tpu.memory_space<hbm>>
      tpu.wait_indirect_dma semaphore(%arg10 : memref<!tpu.dma_semaphore, #tpu.memory_space<semaphore_mem>>) src(%dma_wait3A_922 : memref<1000000x64xf32, #tpu.memory_space<hbm>>) dst(%dma_wait3A_916 : memref<100x64xf32, #tpu.memory_space<vmem>>)
      %add3A_923 = arith.constant 128 : i32
      %add3A_924 = arith.addi %add3A_923, %add3A_896 : i32
      %broadcast_in_dim3A_925 = arith.constant 0.000000e+00 : f32
      %broadcast_in_dim3A_926 = vector.broadcast %broadcast_in_dim3A_925 : f32 to vector<16xf32>
      %scan3A_927 = arith.constant 0 : i32
      %scan3A_928 = arith.constant 100 : i32
      %scan3A_929 = arith.addi %scan3A_927, %scan3A_928 : i32
      %scan3A_930 = arith.constant 1 : i32
      %scan3A_931:4 = scf.for %scan3A_1097 = %scan3A_927 to %scan3A_929 step %scan3A_930 iter_args(%scan3A_1098 = %broadcast_in_dim3A_926, %scan3A_1099 = %broadcast_in_dim3A_926, %scan3A_1100 = %broadcast_in_dim3A_926, %scan3A_1101 = %broadcast_in_dim3A_926) -> (vector<16xf32>, vector<16xf32>, vector<16xf32>, vector<16xf32>)  : i32 {
        %get3A = arith.constant 0 : i32
        %get3A_1102 = arith.index_cast %get3A : i32 to index
        %get3A_1103 = arith.index_cast %scan3A_1097 : i32 to index
        %get3A_1104 = arith.constant 0 : index
        %get3A_1105 = tpu.vector_load %arg6[%get3A_1102, %get3A_1103, %get3A_1104] {strides = array<i32>} : memref<4x100x64xf32, #tpu.memory_space<vmem>>, vector<1x1x16xf32>,
        %get3A_1106 = vector.shape_cast %get3A_1105 : vector<1x1x16xf32> to vector<16xf32>
        %add3A_1107 = arith.addf %scan3A_1098, %get3A_1106 : vector<16xf32>
        %get3A_1108 = arith.constant 1 : i32
        %get3A_1109 = arith.index_cast %get3A_1108 : i32 to index
        %get3A_1110 = arith.index_cast %scan3A_1097 : i32 to index
        %get3A_1111 = arith.constant 0 : index
        %get3A_1112 = tpu.vector_load %arg6[%get3A_1109, %get3A_1110, %get3A_1111] {strides = array<i32>} : memref<4x100x64xf32, #tpu.memory_space<vmem>>, vector<1x1x16xf32>,
        %get3A_1113 = vector.shape_cast %get3A_1112 : vector<1x1x16xf32> to vector<16xf32>
        %add3A_1114 = arith.addf %add3A_1107, %get3A_1113 : vector<16xf32>
        %get3A_1115 = arith.constant 0 : i32
        %get3A_1116 = arith.index_cast %get3A_1115 : i32 to index
        %get3A_1117 = arith.index_cast %scan3A_1097 : i32 to index
        %get3A_1118 = arith.constant 16 : index
        %get3A_1119 = tpu.vector_load %arg6[%get3A_1116, %get3A_1117, %get3A_1118] {strides = array<i32>} : memref<4x100x64xf32, #tpu.memory_space<vmem>>, vector<1x1x16xf32>,
        %get3A_1120 = vector.shape_cast %get3A_1119 : vector<1x1x16xf32> to vector<16xf32>
        %add3A_1121 = arith.addf %scan3A_1099, %get3A_1120 : vector<16xf32>
        %get3A_1122 = arith.constant 1 : i32
        %get3A_1123 = arith.index_cast %get3A_1122 : i32 to index
        %get3A_1124 = arith.index_cast %scan3A_1097 : i32 to index
        %get3A_1125 = arith.constant 16 : index
        %get3A_1126 = tpu.vector_load %arg6[%get3A_1123, %get3A_1124, %get3A_1125] {strides = array<i32>} : memref<4x100x64xf32, #tpu.memory_space<vmem>>, vector<1x1x16xf32>,
        %get3A_1127 = vector.shape_cast %get3A_1126 : vector<1x1x16xf32> to vector<16xf32>
        %add3A_1128 = arith.addf %add3A_1121, %get3A_1127 : vector<16xf32>
        %get3A_1129 = arith.constant 0 : i32
        %get3A_1130 = arith.index_cast %get3A_1129 : i32 to index
        %get3A_1131 = arith.index_cast %scan3A_1097 : i32 to index
        %get3A_1132 = arith.constant 32 : index
        %get3A_1133 = tpu.vector_load %arg6[%get3A_1130, %get3A_1131, %get3A_1132] {strides = array<i32>} : memref<4x100x64xf32, #tpu.memory_space<vmem>>, vector<1x1x16xf32>,
        %get3A_1134 = vector.shape_cast %get3A_1133 : vector<1x1x16xf32> to vector<16xf32>
        %add3A_1135 = arith.addf %scan3A_1100, %get3A_1134 : vector<16xf32>
        %get3A_1136 = arith.constant 1 : i32
        %get3A_1137 = arith.index_cast %get3A_1136 : i32 to index
        %get3A_1138 = arith.index_cast %scan3A_1097 : i32 to index
        %get3A_1139 = arith.constant 32 : index
        %get3A_1140 = tpu.vector_load %arg6[%get3A_1137, %get3A_1138, %get3A_1139] {strides = array<i32>} : memref<4x100x64xf32, #tpu.memory_space<vmem>>, vector<1x1x16xf32>,
        %get3A_1141 = vector.shape_cast %get3A_1140 : vector<1x1x16xf32> to vector<16xf32>
        %add3A_1142 = arith.addf %add3A_1135, %get3A_1141 : vector<16xf32>
        %get3A_1143 = arith.constant 0 : i32
        %get3A_1144 = arith.index_cast %get3A_1143 : i32 to index
        %get3A_1145 = arith.index_cast %scan3A_1097 : i32 to index
        %get3A_1146 = arith.constant 48 : index
        %get3A_1147 = tpu.vector_load %arg6[%get3A_1144, %get3A_1145, %get3A_1146] {strides = array<i32>} : memref<4x100x64xf32, #tpu.memory_space<vmem>>, vector<1x1x16xf32>,
        %get3A_1148 = vector.shape_cast %get3A_1147 : vector<1x1x16xf32> to vector<16xf32>
        %add3A_1149 = arith.addf %scan3A_1101, %get3A_1148 : vector<16xf32>
        %get3A_1150 = arith.constant 1 : i32
        %get3A_1151 = arith.index_cast %get3A_1150 : i32 to index
        %get3A_1152 = arith.index_cast %scan3A_1097 : i32 to index
        %get3A_1153 = arith.constant 48 : index
        %get3A_1154 = tpu.vector_load %arg6[%get3A_1151, %get3A_1152, %get3A_1153] {strides = array<i32>} : memref<4x100x64xf32, #tpu.memory_space<vmem>>, vector<1x1x16xf32>,
        %get3A_1155 = vector.shape_cast %get3A_1154 : vector<1x1x16xf32> to vector<16xf32>
        %add3A_1156 = arith.addf %add3A_1149, %get3A_1155 : vector<16xf32>
        scf.yield %add3A_1114, %add3A_1128, %add3A_1142, %add3A_1156 : vector<16xf32>, vector<16xf32>, vector<16xf32>, vector<16xf32>
      }
      %scan3A_932 = arith.constant 100 : i32
      %mul3A_933 = vector.broadcast %scan3A_301 : f32 to vector<16xf32>
      %mul3A_934 = arith.mulf %scan3A_931#0, %mul3A_933 : vector<16xf32>
      %swap3A_935 = arith.index_cast %add3A_924 : i32 to index
      %swap3A_936 = arith.constant 0 : index
      %swap3A_937 = tpu.vector_load %arg7[%swap3A_935, %swap3A_936] {strides = array<i32>} : memref<512x64xf32, #tpu.memory_space<vmem>>, vector<1x16xf32>,
      %swap3A_938 = vector.shape_cast %swap3A_937 : vector<1x16xf32> to vector<16xf32>
      %swap3A_939 = vector.shape_cast %mul3A_934 : vector<16xf32> to vector<1x16xf32>
      tpu.vector_store %arg7[%swap3A_935, %swap3A_936], %swap3A_939 {strides = array<i32>} : memref<512x64xf32, #tpu.memory_space<vmem>>, vector<1x16xf32>,
      %mul3A_940 = vector.broadcast %scan3A_301 : f32 to vector<16xf32>
      %mul3A_941 = arith.mulf %scan3A_931#1, %mul3A_940 : vector<16xf32>
      %swap3A_942 = arith.index_cast %add3A_924 : i32 to index
      %swap3A_943 = arith.constant 16 : index
      %swap3A_944 = tpu.vector_load %arg7[%swap3A_942, %swap3A_943] {strides = array<i32>} : memref<512x64xf32, #tpu.memory_space<vmem>>, vector<1x16xf32>,
      %swap3A_945 = vector.shape_cast %swap3A_944 : vector<1x16xf32> to vector<16xf32>
      %swap3A_946 = vector.shape_cast %mul3A_941 : vector<16xf32> to vector<1x16xf32>
      tpu.vector_store %arg7[%swap3A_942, %swap3A_943], %swap3A_946 {strides = array<i32>} : memref<512x64xf32, #tpu.memory_space<vmem>>, vector<1x16xf32>,
      %mul3A_947 = vector.broadcast %scan3A_301 : f32 to vector<16xf32>
      %mul3A_948 = arith.mulf %scan3A_931#2, %mul3A_947 : vector<16xf32>
      %swap3A_949 = arith.index_cast %add3A_924 : i32 to index
      %swap3A_950 = arith.constant 32 : index
      %swap3A_951 = tpu.vector_load %arg7[%swap3A_949, %swap3A_950] {strides = array<i32>} : memref<512x64xf32, #tpu.memory_space<vmem>>, vector<1x16xf32>,
      %swap3A_952 = vector.shape_cast %swap3A_951 : vector<1x16xf32> to vector<16xf32>
      %swap3A_953 = vector.shape_cast %mul3A_948 : vector<16xf32> to vector<1x16xf32>
      tpu.vector_store %arg7[%swap3A_949, %swap3A_950], %swap3A_953 {strides = array<i32>} : memref<512x64xf32, #tpu.memory_space<vmem>>, vector<1x16xf32>,
      %mul3A_954 = vector.broadcast %scan3A_301 : f32 to vector<16xf32>
      %mul3A_955 = arith.mulf %scan3A_931#3, %mul3A_954 : vector<16xf32>
      %swap3A_956 = arith.index_cast %add3A_924 : i32 to index
      %swap3A_957 = arith.constant 48 : index
      %swap3A_958 = tpu.vector_load %arg7[%swap3A_956, %swap3A_957] {strides = array<i32>} : memref<512x64xf32, #tpu.memory_space<vmem>>, vector<1x16xf32>,
      %swap3A_959 = vector.shape_cast %swap3A_958 : vector<1x16xf32> to vector<16xf32>
      %swap3A_960 = vector.shape_cast %mul3A_955 : vector<16xf32> to vector<1x16xf32>
      tpu.vector_store %arg7[%swap3A_956, %swap3A_957], %swap3A_960 {strides = array<i32>} : memref<512x64xf32, #tpu.memory_space<vmem>>, vector<1x16xf32>,
      %add3A_961 = arith.constant 2 : i32
      %add3A_962 = arith.addi %add3A_896, %add3A_961 : i32
      %mul3A_963 = arith.constant 2 : i32
      %mul3A_964 = arith.muli %mul3A_963, %add3A_962 : i32
      %dma_start3A_965 = arith.constant 1 : i32
      %dma_start3A_966 = arith.constant 0 : i32
      %dma_start3A_967 = arith.constant 0 : i32
      %dma_start3A_968 = arith.constant 0 : i32
      %dma_start3A_969 = tpu.memref_slice %arg6[%dma_start3A_966, %dma_start3A_967, %dma_start3A_968] : memref<4x100x64xf32, #tpu.memory_space<vmem>> -> memref<1x100x64xf32, #tpu.memory_space<vmem>>
      %dma_start3A_970 = tpu.memref_squeeze %dma_start3A_969 : memref<1x100x64xf32, #tpu.memory_space<vmem>> -> memref<100x64xf32, #tpu.memory_space<vmem>>
      %dma_start3A_971 = arith.constant 0 : i32
      %dma_start3A_972 = tpu.memref_slice %arg5[%dma_start3A_965, %mul3A_964, %dma_start3A_971] : memref<2x256x100xi32, #tpu.memory_space<vmem>> -> memref<1x1x100xi32, #tpu.memory_space<vmem>>
      %dma_start3A_973 = tpu.memref_squeeze %dma_start3A_972 : memref<1x1x100xi32, #tpu.memory_space<vmem>> -> memref<100xi32, #tpu.memory_space<vmem>>
      %dma_start3A_974 = arith.constant 0 : i32
      %dma_start3A_975 = arith.constant 0 : i32
      %dma_start3A_976 = tpu.memref_slice %arg3[%dma_start3A_974, %dma_start3A_975] : memref<1000000x64xf32, #tpu.memory_space<hbm>> -> memref<1000000x64xf32, #tpu.memory_space<hbm>>
      tpu.enqueue_indirect_dma source(%dma_start3A_976 : memref<1000000x64xf32, #tpu.memory_space<hbm>>) target(%dma_start3A_970 : memref<100x64xf32, #tpu.memory_space<vmem>>) offsets(%dma_start3A_973 : memref<100xi32, #tpu.memory_space<vmem>>) semaphore(%arg9 : memref<!tpu.dma_semaphore, #tpu.memory_space<semaphore_mem>>)
      %add3A_977 = arith.constant 2 : i32
      %add3A_978 = arith.addi %add3A_896, %add3A_977 : i32
      %mul3A_979 = arith.constant 2 : i32
      %mul3A_980 = arith.muli %mul3A_979, %add3A_978 : i32
      %add3A_981 = arith.constant 1 : i32
      %add3A_982 = arith.addi %mul3A_980, %add3A_981 : i32
      %dma_start3A_983 = arith.constant 1 : i32
      %dma_start3A_984 = arith.constant 1 : i32
      %dma_start3A_985 = arith.constant 0 : i32
      %dma_start3A_986 = arith.constant 0 : i32
      %dma_start3A_987 = tpu.memref_slice %arg6[%dma_start3A_984, %dma_start3A_985, %dma_start3A_986] : memref<4x100x64xf32, #tpu.memory_space<vmem>> -> memref<1x100x64xf32, #tpu.memory_space<vmem>>
      %dma_start3A_988 = tpu.memref_squeeze %dma_start3A_987 : memref<1x100x64xf32, #tpu.memory_space<vmem>> -> memref<100x64xf32, #tpu.memory_space<vmem>>
      %dma_start3A_989 = arith.constant 0 : i32
      %dma_start3A_990 = tpu.memref_slice %arg5[%dma_start3A_983, %add3A_982, %dma_start3A_989] : memref<2x256x100xi32, #tpu.memory_space<vmem>> -> memref<1x1x100xi32, #tpu.memory_space<vmem>>
      %dma_start3A_991 = tpu.memref_squeeze %dma_start3A_990 : memref<1x1x100xi32, #tpu.memory_space<vmem>> -> memref<100xi32, #tpu.memory_space<vmem>>
      %dma_start3A_992 = arith.constant 0 : i32
      %dma_start3A_993 = arith.constant 0 : i32
      %dma_start3A_994 = tpu.memref_slice %arg3[%dma_start3A_992, %dma_start3A_993] : memref<1000000x64xf32, #tpu.memory_space<hbm>> -> memref<1000000x64xf32, #tpu.memory_space<hbm>>
      tpu.enqueue_indirect_dma source(%dma_start3A_994 : memref<1000000x64xf32, #tpu.memory_space<hbm>>) target(%dma_start3A_988 : memref<100x64xf32, #tpu.memory_space<vmem>>) offsets(%dma_start3A_991 : memref<100xi32, #tpu.memory_space<vmem>>) semaphore(%arg10 : memref<!tpu.dma_semaphore, #tpu.memory_space<semaphore_mem>>)
      %mul3A_995 = arith.constant 2 : i32
      %mul3A_996 = arith.muli %mul3A_995, %scan3A_892 : i32
      %add3A_997 = arith.constant 1 : i32
      %add3A_998 = arith.addi %mul3A_996, %add3A_997 : i32
      %dma_wait3A_999 = arith.constant 0 : i32
      %dma_wait3A_1000 = arith.constant 0 : i32
      %dma_wait3A_1001 = arith.constant 2 : i32
      %dma_wait3A_1002 = arith.constant 0 : i32
      %dma_wait3A_1003 = arith.constant 0 : i32
      %dma_wait3A_1004 = tpu.memref_slice %arg6[%dma_wait3A_1001, %dma_wait3A_1002, %dma_wait3A_1003] : memref<4x100x64xf32, #tpu.memory_space<vmem>> -> memref<1x100x64xf32, #tpu.memory_space<vmem>>
      %dma_wait3A_1005 = tpu.memref_squeeze %dma_wait3A_1004 : memref<1x100x64xf32, #tpu.memory_space<vmem>> -> memref<100x64xf32, #tpu.memory_space<vmem>>
      %dma_wait3A_1006 = arith.constant 0 : i32
      %dma_wait3A_1007 = tpu.memref_slice %arg5[%dma_wait3A_999, %dma_wait3A_1000, %dma_wait3A_1006] : memref<2x256x100xi32, #tpu.memory_space<vmem>> -> memref<1x1x100xi32, #tpu.memory_space<vmem>>
      %dma_wait3A_1008 = tpu.memref_squeeze %dma_wait3A_1007 : memref<1x1x100xi32, #tpu.memory_space<vmem>> -> memref<100xi32, #tpu.memory_space<vmem>>
      %dma_wait3A_1009 = arith.constant 0 : i32
      %dma_wait3A_1010 = arith.constant 0 : i32
      %dma_wait3A_1011 = tpu.memref_slice %arg3[%dma_wait3A_1009, %dma_wait3A_1010] : memref<1000000x64xf32, #tpu.memory_space<hbm>> -> memref<1000000x64xf32, #tpu.memory_space<hbm>>
      tpu.wait_indirect_dma semaphore(%arg11 : memref<!tpu.dma_semaphore, #tpu.memory_space<semaphore_mem>>) src(%dma_wait3A_1011 : memref<1000000x64xf32, #tpu.memory_space<hbm>>) dst(%dma_wait3A_1005 : memref<100x64xf32, #tpu.memory_space<vmem>>)
      %dma_wait3A_1012 = arith.constant 0 : i32
      %dma_wait3A_1013 = arith.constant 0 : i32
      %dma_wait3A_1014 = arith.constant 3 : i32
      %dma_wait3A_1015 = arith.constant 0 : i32
      %dma_wait3A_1016 = arith.constant 0 : i32
      %dma_wait3A_1017 = tpu.memref_slice %arg6[%dma_wait3A_1014, %dma_wait3A_1015, %dma_wait3A_1016] : memref<4x100x64xf32, #tpu.memory_space<vmem>> -> memref<1x100x64xf32, #tpu.memory_space<vmem>>
      %dma_wait3A_1018 = tpu.memref_squeeze %dma_wait3A_1017 : memref<1x100x64xf32, #tpu.memory_space<vmem>> -> memref<100x64xf32, #tpu.memory_space<vmem>>
      %dma_wait3A_1019 = arith.constant 0 : i32
      %dma_wait3A_1020 = tpu.memref_slice %arg5[%dma_wait3A_1012, %dma_wait3A_1013, %dma_wait3A_1019] : memref<2x256x100xi32, #tpu.memory_space<vmem>> -> memref<1x1x100xi32, #tpu.memory_space<vmem>>
      %dma_wait3A_1021 = tpu.memref_squeeze %dma_wait3A_1020 : memref<1x1x100xi32, #tpu.memory_space<vmem>> -> memref<100xi32, #tpu.memory_space<vmem>>
      %dma_wait3A_1022 = arith.constant 0 : i32
      %dma_wait3A_1023 = arith.constant 0 : i32
      %dma_wait3A_1024 = tpu.memref_slice %arg3[%dma_wait3A_1022, %dma_wait3A_1023] : memref<1000000x64xf32, #tpu.memory_space<hbm>> -> memref<1000000x64xf32, #tpu.memory_space<hbm>>
      tpu.wait_indirect_dma semaphore(%arg12 : memref<!tpu.dma_semaphore, #tpu.memory_space<semaphore_mem>>) src(%dma_wait3A_1024 : memref<1000000x64xf32, #tpu.memory_space<hbm>>) dst(%dma_wait3A_1018 : memref<100x64xf32, #tpu.memory_space<vmem>>)
      %add3A_1025 = arith.constant 128 : i32
      %add3A_1026 = arith.addi %add3A_1025, %add3A_998 : i32
      %broadcast_in_dim3A_1027 = arith.constant 0.000000e+00 : f32
      %broadcast_in_dim3A_1028 = vector.broadcast %broadcast_in_dim3A_1027 : f32 to vector<16xf32>
      %scan3A_1029 = arith.constant 0 : i32
      %scan3A_1030 = arith.constant 100 : i32
      %scan3A_1031 = arith.addi %scan3A_1029, %scan3A_1030 : i32
      %scan3A_1032 = arith.constant 1 : i32
      %scan3A_1033:4 = scf.for %scan3A_1097 = %scan3A_1029 to %scan3A_1031 step %scan3A_1032 iter_args(%scan3A_1098 = %broadcast_in_dim3A_1028, %scan3A_1099 = %broadcast_in_dim3A_1028, %scan3A_1100 = %broadcast_in_dim3A_1028, %scan3A_1101 = %broadcast_in_dim3A_1028) -> (vector<16xf32>, vector<16xf32>, vector<16xf32>, vector<16xf32>)  : i32 {
        %get3A = arith.constant 2 : i32
        %get3A_1102 = arith.index_cast %get3A : i32 to index
        %get3A_1103 = arith.index_cast %scan3A_1097 : i32 to index
        %get3A_1104 = arith.constant 0 : index
        %get3A_1105 = tpu.vector_load %arg6[%get3A_1102, %get3A_1103, %get3A_1104] {strides = array<i32>} : memref<4x100x64xf32, #tpu.memory_space<vmem>>, vector<1x1x16xf32>,
        %get3A_1106 = vector.shape_cast %get3A_1105 : vector<1x1x16xf32> to vector<16xf32>
        %add3A_1107 = arith.addf %scan3A_1098, %get3A_1106 : vector<16xf32>
        %get3A_1108 = arith.constant 3 : i32
        %get3A_1109 = arith.index_cast %get3A_1108 : i32 to index
        %get3A_1110 = arith.index_cast %scan3A_1097 : i32 to index
        %get3A_1111 = arith.constant 0 : index
        %get3A_1112 = tpu.vector_load %arg6[%get3A_1109, %get3A_1110, %get3A_1111] {strides = array<i32>} : memref<4x100x64xf32, #tpu.memory_space<vmem>>, vector<1x1x16xf32>,
        %get3A_1113 = vector.shape_cast %get3A_1112 : vector<1x1x16xf32> to vector<16xf32>
        %add3A_1114 = arith.addf %add3A_1107, %get3A_1113 : vector<16xf32>
        %get3A_1115 = arith.constant 2 : i32
        %get3A_1116 = arith.index_cast %get3A_1115 : i32 to index
        %get3A_1117 = arith.index_cast %scan3A_1097 : i32 to index
        %get3A_1118 = arith.constant 16 : index
        %get3A_1119 = tpu.vector_load %arg6[%get3A_1116, %get3A_1117, %get3A_1118] {strides = array<i32>} : memref<4x100x64xf32, #tpu.memory_space<vmem>>, vector<1x1x16xf32>,
        %get3A_1120 = vector.shape_cast %get3A_1119 : vector<1x1x16xf32> to vector<16xf32>
        %add3A_1121 = arith.addf %scan3A_1099, %get3A_1120 : vector<16xf32>
        %get3A_1122 = arith.constant 3 : i32
        %get3A_1123 = arith.index_cast %get3A_1122 : i32 to index
        %get3A_1124 = arith.index_cast %scan3A_1097 : i32 to index
        %get3A_1125 = arith.constant 16 : index
        %get3A_1126 = tpu.vector_load %arg6[%get3A_1123, %get3A_1124, %get3A_1125] {strides = array<i32>} : memref<4x100x64xf32, #tpu.memory_space<vmem>>, vector<1x1x16xf32>,
        %get3A_1127 = vector.shape_cast %get3A_1126 : vector<1x1x16xf32> to vector<16xf32>
        %add3A_1128 = arith.addf %add3A_1121, %get3A_1127 : vector<16xf32>
        %get3A_1129 = arith.constant 2 : i32
        %get3A_1130 = arith.index_cast %get3A_1129 : i32 to index
        %get3A_1131 = arith.index_cast %scan3A_1097 : i32 to index
        %get3A_1132 = arith.constant 32 : index
        %get3A_1133 = tpu.vector_load %arg6[%get3A_1130, %get3A_1131, %get3A_1132] {strides = array<i32>} : memref<4x100x64xf32, #tpu.memory_space<vmem>>, vector<1x1x16xf32>,
        %get3A_1134 = vector.shape_cast %get3A_1133 : vector<1x1x16xf32> to vector<16xf32>
        %add3A_1135 = arith.addf %scan3A_1100, %get3A_1134 : vector<16xf32>
        %get3A_1136 = arith.constant 3 : i32
        %get3A_1137 = arith.index_cast %get3A_1136 : i32 to index
        %get3A_1138 = arith.index_cast %scan3A_1097 : i32 to index
        %get3A_1139 = arith.constant 32 : index
        %get3A_1140 = tpu.vector_load %arg6[%get3A_1137, %get3A_1138, %get3A_1139] {strides = array<i32>} : memref<4x100x64xf32, #tpu.memory_space<vmem>>, vector<1x1x16xf32>,
        %get3A_1141 = vector.shape_cast %get3A_1140 : vector<1x1x16xf32> to vector<16xf32>
        %add3A_1142 = arith.addf %add3A_1135, %get3A_1141 : vector<16xf32>
        %get3A_1143 = arith.constant 2 : i32
        %get3A_1144 = arith.index_cast %get3A_1143 : i32 to index
        %get3A_1145 = arith.index_cast %scan3A_1097 : i32 to index
        %get3A_1146 = arith.constant 48 : index
        %get3A_1147 = tpu.vector_load %arg6[%get3A_1144, %get3A_1145, %get3A_1146] {strides = array<i32>} : memref<4x100x64xf32, #tpu.memory_space<vmem>>, vector<1x1x16xf32>,
        %get3A_1148 = vector.shape_cast %get3A_1147 : vector<1x1x16xf32> to vector<16xf32>
        %add3A_1149 = arith.addf %scan3A_1101, %get3A_1148 : vector<16xf32>
        %get3A_1150 = arith.constant 3 : i32
        %get3A_1151 = arith.index_cast %get3A_1150 : i32 to index
        %get3A_1152 = arith.index_cast %scan3A_1097 : i32 to index
        %get3A_1153 = arith.constant 48 : index
        %get3A_1154 = tpu.vector_load %arg6[%get3A_1151, %get3A_1152, %get3A_1153] {strides = array<i32>} : memref<4x100x64xf32, #tpu.memory_space<vmem>>, vector<1x1x16xf32>,
        %get3A_1155 = vector.shape_cast %get3A_1154 : vector<1x1x16xf32> to vector<16xf32>
        %add3A_1156 = arith.addf %add3A_1149, %get3A_1155 : vector<16xf32>
        scf.yield %add3A_1114, %add3A_1128, %add3A_1142, %add3A_1156 : vector<16xf32>, vector<16xf32>, vector<16xf32>, vector<16xf32>
      }
      %scan3A_1034 = arith.constant 100 : i32
      %mul3A_1035 = vector.broadcast %scan3A_301 : f32 to vector<16xf32>
      %mul3A_1036 = arith.mulf %scan3A_1033#0, %mul3A_1035 : vector<16xf32>
      %swap3A_1037 = arith.index_cast %add3A_1026 : i32 to index
      %swap3A_1038 = arith.constant 0 : index
      %swap3A_1039 = tpu.vector_load %arg7[%swap3A_1037, %swap3A_1038] {strides = array<i32>} : memref<512x64xf32, #tpu.memory_space<vmem>>, vector<1x16xf32>,
      %swap3A_1040 = vector.shape_cast %swap3A_1039 : vector<1x16xf32> to vector<16xf32>
      %swap3A_1041 = vector.shape_cast %mul3A_1036 : vector<16xf32> to vector<1x16xf32>
      tpu.vector_store %arg7[%swap3A_1037, %swap3A_1038], %swap3A_1041 {strides = array<i32>} : memref<512x64xf32, #tpu.memory_space<vmem>>, vector<1x16xf32>,
      %mul3A_1042 = vector.broadcast %scan3A_301 : f32 to vector<16xf32>
      %mul3A_1043 = arith.mulf %scan3A_1033#1, %mul3A_1042 : vector<16xf32>
      %swap3A_1044 = arith.index_cast %add3A_1026 : i32 to index
      %swap3A_1045 = arith.constant 16 : index
      %swap3A_1046 = tpu.vector_load %arg7[%swap3A_1044, %swap3A_1045] {strides = array<i32>} : memref<512x64xf32, #tpu.memory_space<vmem>>, vector<1x16xf32>,
      %swap3A_1047 = vector.shape_cast %swap3A_1046 : vector<1x16xf32> to vector<16xf32>
      %swap3A_1048 = vector.shape_cast %mul3A_1043 : vector<16xf32> to vector<1x16xf32>
      tpu.vector_store %arg7[%swap3A_1044, %swap3A_1045], %swap3A_1048 {strides = array<i32>} : memref<512x64xf32, #tpu.memory_space<vmem>>, vector<1x16xf32>,
      %mul3A_1049 = vector.broadcast %scan3A_301 : f32 to vector<16xf32>
      %mul3A_1050 = arith.mulf %scan3A_1033#2, %mul3A_1049 : vector<16xf32>
      %swap3A_1051 = arith.index_cast %add3A_1026 : i32 to index
      %swap3A_1052 = arith.constant 32 : index
      %swap3A_1053 = tpu.vector_load %arg7[%swap3A_1051, %swap3A_1052] {strides = array<i32>} : memref<512x64xf32, #tpu.memory_space<vmem>>, vector<1x16xf32>,
      %swap3A_1054 = vector.shape_cast %swap3A_1053 : vector<1x16xf32> to vector<16xf32>
      %swap3A_1055 = vector.shape_cast %mul3A_1050 : vector<16xf32> to vector<1x16xf32>
      tpu.vector_store %arg7[%swap3A_1051, %swap3A_1052], %swap3A_1055 {strides = array<i32>} : memref<512x64xf32, #tpu.memory_space<vmem>>, vector<1x16xf32>,
      %mul3A_1056 = vector.broadcast %scan3A_301 : f32 to vector<16xf32>
      %mul3A_1057 = arith.mulf %scan3A_1033#3, %mul3A_1056 : vector<16xf32>
      %swap3A_1058 = arith.index_cast %add3A_1026 : i32 to index
      %swap3A_1059 = arith.constant 48 : index
      %swap3A_1060 = tpu.vector_load %arg7[%swap3A_1058, %swap3A_1059] {strides = array<i32>} : memref<512x64xf32, #tpu.memory_space<vmem>>, vector<1x16xf32>,
      %swap3A_1061 = vector.shape_cast %swap3A_1060 : vector<1x16xf32> to vector<16xf32>
      %swap3A_1062 = vector.shape_cast %mul3A_1057 : vector<16xf32> to vector<1x16xf32>
      tpu.vector_store %arg7[%swap3A_1058, %swap3A_1059], %swap3A_1062 {strides = array<i32>} : memref<512x64xf32, #tpu.memory_space<vmem>>, vector<1x16xf32>,
      %add3A_1063 = arith.constant 2 : i32
      %add3A_1064 = arith.addi %add3A_998, %add3A_1063 : i32
      %mul3A_1065 = arith.constant 2 : i32
      %mul3A_1066 = arith.muli %mul3A_1065, %add3A_1064 : i32
      %dma_start3A_1067 = arith.constant 1 : i32
      %dma_start3A_1068 = arith.constant 2 : i32
      %dma_start3A_1069 = arith.constant 0 : i32
      %dma_start3A_1070 = arith.constant 0 : i32
      %dma_start3A_1071 = tpu.memref_slice %arg6[%dma_start3A_1068, %dma_start3A_1069, %dma_start3A_1070] : memref<4x100x64xf32, #tpu.memory_space<vmem>> -> memref<1x100x64xf32, #tpu.memory_space<vmem>>
      %dma_start3A_1072 = tpu.memref_squeeze %dma_start3A_1071 : memref<1x100x64xf32, #tpu.memory_space<vmem>> -> memref<100x64xf32, #tpu.memory_space<vmem>>
      %dma_start3A_1073 = arith.constant 0 : i32
      %dma_start3A_1074 = tpu.memref_slice %arg5[%dma_start3A_1067, %mul3A_1066, %dma_start3A_1073] : memref<2x256x100xi32, #tpu.memory_space<vmem>> -> memref<1x1x100xi32, #tpu.memory_space<vmem>>
      %dma_start3A_1075 = tpu.memref_squeeze %dma_start3A_1074 : memref<1x1x100xi32, #tpu.memory_space<vmem>> -> memref<100xi32, #tpu.memory_space<vmem>>
      %dma_start3A_1076 = arith.constant 0 : i32
      %dma_start3A_1077 = arith.constant 0 : i32
      %dma_start3A_1078 = tpu.memref_slice %arg3[%dma_start3A_1076, %dma_start3A_1077] : memref<1000000x64xf32, #tpu.memory_space<hbm>> -> memref<1000000x64xf32, #tpu.memory_space<hbm>>
      tpu.enqueue_indirect_dma source(%dma_start3A_1078 : memref<1000000x64xf32, #tpu.memory_space<hbm>>) target(%dma_start3A_1072 : memref<100x64xf32, #tpu.memory_space<vmem>>) offsets(%dma_start3A_1075 : memref<100xi32, #tpu.memory_space<vmem>>) semaphore(%arg11 : memref<!tpu.dma_semaphore, #tpu.memory_space<semaphore_mem>>)
      %add3A_1079 = arith.constant 2 : i32
      %add3A_1080 = arith.addi %add3A_998, %add3A_1079 : i32
      %mul3A_1081 = arith.constant 2 : i32
      %mul3A_1082 = arith.muli %mul3A_1081, %add3A_1080 : i32
      %add3A_1083 = arith.constant 1 : i32
      %add3A_1084 = arith.addi %mul3A_1082, %add3A_1083 : i32
      %dma_start3A_1085 = arith.constant 1 : i32
      %dma_start3A_1086 = arith.constant 3 : i32
      %dma_start3A_1087 = arith.constant 0 : i32
      %dma_start3A_1088 = arith.constant 0 : i32
      %dma_start3A_1089 = tpu.memref_slice %arg6[%dma_start3A_1086, %dma_start3A_1087, %dma_start3A_1088] : memref<4x100x64xf32, #tpu.memory_space<vmem>> -> memref<1x100x64xf32, #tpu.memory_space<vmem>>
      %dma_start3A_1090 = tpu.memref_squeeze %dma_start3A_1089 : memref<1x100x64xf32, #tpu.memory_space<vmem>> -> memref<100x64xf32, #tpu.memory_space<vmem>>
      %dma_start3A_1091 = arith.constant 0 : i32
      %dma_start3A_1092 = tpu.memref_slice %arg5[%dma_start3A_1085, %add3A_1084, %dma_start3A_1091] : memref<2x256x100xi32, #tpu.memory_space<vmem>> -> memref<1x1x100xi32, #tpu.memory_space<vmem>>
      %dma_start3A_1093 = tpu.memref_squeeze %dma_start3A_1092 : memref<1x1x100xi32, #tpu.memory_space<vmem>> -> memref<100xi32, #tpu.memory_space<vmem>>
      %dma_start3A_1094 = arith.constant 0 : i32
      %dma_start3A_1095 = arith.constant 0 : i32
      %dma_start3A_1096 = tpu.memref_slice %arg3[%dma_start3A_1094, %dma_start3A_1095] : memref<1000000x64xf32, #tpu.memory_space<hbm>> -> memref<1000000x64xf32, #tpu.memory_space<hbm>>
      tpu.enqueue_indirect_dma source(%dma_start3A_1096 : memref<1000000x64xf32, #tpu.memory_space<hbm>>) target(%dma_start3A_1090 : memref<100x64xf32, #tpu.memory_space<vmem>>) offsets(%dma_start3A_1093 : memref<100xi32, #tpu.memory_space<vmem>>) semaphore(%arg12 : memref<!tpu.dma_semaphore, #tpu.memory_space<semaphore_mem>>)
    }
    %scan3A_306 = arith.constant 63 : i32
    %dma_wait3A_307 = arith.constant 0 : i32
    %dma_wait3A_308 = arith.constant 0 : i32
    %dma_wait3A_309 = arith.constant 0 : i32
    %dma_wait3A_310 = arith.constant 0 : i32
    %dma_wait3A_311 = arith.constant 0 : i32
    %dma_wait3A_312 = tpu.memref_slice %arg6[%dma_wait3A_309, %dma_wait3A_310, %dma_wait3A_311] : memref<4x100x64xf32, #tpu.memory_space<vmem>> -> memref<1x100x64xf32, #tpu.memory_space<vmem>>
    %dma_wait3A_313 = tpu.memref_squeeze %dma_wait3A_312 : memref<1x100x64xf32, #tpu.memory_space<vmem>> -> memref<100x64xf32, #tpu.memory_space<vmem>>
    %dma_wait3A_314 = arith.constant 0 : i32
    %dma_wait3A_315 = tpu.memref_slice %arg5[%dma_wait3A_307, %dma_wait3A_308, %dma_wait3A_314] : memref<2x256x100xi32, #tpu.memory_space<vmem>> -> memref<1x1x100xi32, #tpu.memory_space<vmem>>
    %dma_wait3A_316 = tpu.memref_squeeze %dma_wait3A_315 : memref<1x1x100xi32, #tpu.memory_space<vmem>> -> memref<100xi32, #tpu.memory_space<vmem>>
    %dma_wait3A_317 = arith.constant 0 : i32
    %dma_wait3A_318 = arith.constant 0 : i32
    %dma_wait3A_319 = tpu.memref_slice %arg3[%dma_wait3A_317, %dma_wait3A_318] : memref<1000000x64xf32, #tpu.memory_space<hbm>> -> memref<1000000x64xf32, #tpu.memory_space<hbm>>
    tpu.wait_indirect_dma semaphore(%arg9 : memref<!tpu.dma_semaphore, #tpu.memory_space<semaphore_mem>>) src(%dma_wait3A_319 : memref<1000000x64xf32, #tpu.memory_space<hbm>>) dst(%dma_wait3A_313 : memref<100x64xf32, #tpu.memory_space<vmem>>)
    %dma_wait3A_320 = arith.constant 0 : i32
    %dma_wait3A_321 = arith.constant 0 : i32
    %dma_wait3A_322 = arith.constant 1 : i32
    %dma_wait3A_323 = arith.constant 0 : i32
    %dma_wait3A_324 = arith.constant 0 : i32
    %dma_wait3A_325 = tpu.memref_slice %arg6[%dma_wait3A_322, %dma_wait3A_323, %dma_wait3A_324] : memref<4x100x64xf32, #tpu.memory_space<vmem>> -> memref<1x100x64xf32, #tpu.memory_space<vmem>>
    %dma_wait3A_326 = tpu.memref_squeeze %dma_wait3A_325 : memref<1x100x64xf32, #tpu.memory_space<vmem>> -> memref<100x64xf32, #tpu.memory_space<vmem>>
    %dma_wait3A_327 = arith.constant 0 : i32
    %dma_wait3A_328 = tpu.memref_slice %arg5[%dma_wait3A_320, %dma_wait3A_321, %dma_wait3A_327] : memref<2x256x100xi32, #tpu.memory_space<vmem>> -> memref<1x1x100xi32, #tpu.memory_space<vmem>>
    %dma_wait3A_329 = tpu.memref_squeeze %dma_wait3A_328 : memref<1x1x100xi32, #tpu.memory_space<vmem>> -> memref<100xi32, #tpu.memory_space<vmem>>
    %dma_wait3A_330 = arith.constant 0 : i32
    %dma_wait3A_331 = arith.constant 0 : i32
    %dma_wait3A_332 = tpu.memref_slice %arg3[%dma_wait3A_330, %dma_wait3A_331] : memref<1000000x64xf32, #tpu.memory_space<hbm>> -> memref<1000000x64xf32, #tpu.memory_space<hbm>>
    tpu.wait_indirect_dma semaphore(%arg10 : memref<!tpu.dma_semaphore, #tpu.memory_space<semaphore_mem>>) src(%dma_wait3A_332 : memref<1000000x64xf32, #tpu.memory_space<hbm>>) dst(%dma_wait3A_326 : memref<100x64xf32, #tpu.memory_space<vmem>>)
    %broadcast_in_dim3A_333 = arith.constant 0.000000e+00 : f32
    %broadcast_in_dim3A_334 = vector.broadcast %broadcast_in_dim3A_333 : f32 to vector<16xf32>
    %scan3A_335 = arith.constant 0 : i32
    %scan3A_336 = arith.constant 100 : i32
    %scan3A_337 = arith.addi %scan3A_335, %scan3A_336 : i32
    %scan3A_338 = arith.constant 1 : i32
    %scan3A_339:4 = scf.for %scan3A_892 = %scan3A_335 to %scan3A_337 step %scan3A_338 iter_args(%scan3A_893 = %broadcast_in_dim3A_334, %scan3A_894 = %broadcast_in_dim3A_334, %scan3A_895 = %broadcast_in_dim3A_334, %scan3A_896 = %broadcast_in_dim3A_334) -> (vector<16xf32>, vector<16xf32>, vector<16xf32>, vector<16xf32>)  : i32 {
      %get3A = arith.constant 0 : i32
      %get3A_897 = arith.index_cast %get3A : i32 to index
      %get3A_898 = arith.index_cast %scan3A_892 : i32 to index
      %get3A_899 = arith.constant 0 : index
      %get3A_900 = tpu.vector_load %arg6[%get3A_897, %get3A_898, %get3A_899] {strides = array<i32>} : memref<4x100x64xf32, #tpu.memory_space<vmem>>, vector<1x1x16xf32>,
      %get3A_901 = vector.shape_cast %get3A_900 : vector<1x1x16xf32> to vector<16xf32>
      %add3A_902 = arith.addf %scan3A_893, %get3A_901 : vector<16xf32>
      %get3A_903 = arith.constant 1 : i32
      %get3A_904 = arith.index_cast %get3A_903 : i32 to index
      %get3A_905 = arith.index_cast %scan3A_892 : i32 to index
      %get3A_906 = arith.constant 0 : index
      %get3A_907 = tpu.vector_load %arg6[%get3A_904, %get3A_905, %get3A_906] {strides = array<i32>} : memref<4x100x64xf32, #tpu.memory_space<vmem>>, vector<1x1x16xf32>,
      %get3A_908 = vector.shape_cast %get3A_907 : vector<1x1x16xf32> to vector<16xf32>
      %add3A_909 = arith.addf %add3A_902, %get3A_908 : vector<16xf32>
      %get3A_910 = arith.constant 0 : i32
      %get3A_911 = arith.index_cast %get3A_910 : i32 to index
      %get3A_912 = arith.index_cast %scan3A_892 : i32 to index
      %get3A_913 = arith.constant 16 : index
      %get3A_914 = tpu.vector_load %arg6[%get3A_911, %get3A_912, %get3A_913] {strides = array<i32>} : memref<4x100x64xf32, #tpu.memory_space<vmem>>, vector<1x1x16xf32>,
      %get3A_915 = vector.shape_cast %get3A_914 : vector<1x1x16xf32> to vector<16xf32>
      %add3A_916 = arith.addf %scan3A_894, %get3A_915 : vector<16xf32>
      %get3A_917 = arith.constant 1 : i32
      %get3A_918 = arith.index_cast %get3A_917 : i32 to index
      %get3A_919 = arith.index_cast %scan3A_892 : i32 to index
      %get3A_920 = arith.constant 16 : index
      %get3A_921 = tpu.vector_load %arg6[%get3A_918, %get3A_919, %get3A_920] {strides = array<i32>} : memref<4x100x64xf32, #tpu.memory_space<vmem>>, vector<1x1x16xf32>,
      %get3A_922 = vector.shape_cast %get3A_921 : vector<1x1x16xf32> to vector<16xf32>
      %add3A_923 = arith.addf %add3A_916, %get3A_922 : vector<16xf32>
      %get3A_924 = arith.constant 0 : i32
      %get3A_925 = arith.index_cast %get3A_924 : i32 to index
      %get3A_926 = arith.index_cast %scan3A_892 : i32 to index
      %get3A_927 = arith.constant 32 : index
      %get3A_928 = tpu.vector_load %arg6[%get3A_925, %get3A_926, %get3A_927] {strides = array<i32>} : memref<4x100x64xf32, #tpu.memory_space<vmem>>, vector<1x1x16xf32>,
      %get3A_929 = vector.shape_cast %get3A_928 : vector<1x1x16xf32> to vector<16xf32>
      %add3A_930 = arith.addf %scan3A_895, %get3A_929 : vector<16xf32>
      %get3A_931 = arith.constant 1 : i32
      %get3A_932 = arith.index_cast %get3A_931 : i32 to index
      %get3A_933 = arith.index_cast %scan3A_892 : i32 to index
      %get3A_934 = arith.constant 32 : index
      %get3A_935 = tpu.vector_load %arg6[%get3A_932, %get3A_933, %get3A_934] {strides = array<i32>} : memref<4x100x64xf32, #tpu.memory_space<vmem>>, vector<1x1x16xf32>,
      %get3A_936 = vector.shape_cast %get3A_935 : vector<1x1x16xf32> to vector<16xf32>
      %add3A_937 = arith.addf %add3A_930, %get3A_936 : vector<16xf32>
      %get3A_938 = arith.constant 0 : i32
      %get3A_939 = arith.index_cast %get3A_938 : i32 to index
      %get3A_940 = arith.index_cast %scan3A_892 : i32 to index
      %get3A_941 = arith.constant 48 : index
      %get3A_942 = tpu.vector_load %arg6[%get3A_939, %get3A_940, %get3A_941] {strides = array<i32>} : memref<4x100x64xf32, #tpu.memory_space<vmem>>, vector<1x1x16xf32>,
      %get3A_943 = vector.shape_cast %get3A_942 : vector<1x1x16xf32> to vector<16xf32>
      %add3A_944 = arith.addf %scan3A_896, %get3A_943 : vector<16xf32>
      %get3A_945 = arith.constant 1 : i32
      %get3A_946 = arith.index_cast %get3A_945 : i32 to index
      %get3A_947 = arith.index_cast %scan3A_892 : i32 to index
      %get3A_948 = arith.constant 48 : index
      %get3A_949 = tpu.vector_load %arg6[%get3A_946, %get3A_947, %get3A_948] {strides = array<i32>} : memref<4x100x64xf32, #tpu.memory_space<vmem>>, vector<1x1x16xf32>,
      %get3A_950 = vector.shape_cast %get3A_949 : vector<1x1x16xf32> to vector<16xf32>
      %add3A_951 = arith.addf %add3A_944, %get3A_950 : vector<16xf32>
      scf.yield %add3A_909, %add3A_923, %add3A_937, %add3A_951 : vector<16xf32>, vector<16xf32>, vector<16xf32>, vector<16xf32>
    }
    %scan3A_340 = arith.constant 100 : i32
    %mul3A_341 = arith.constant 5.000000e-03 : f32
    %mul3A_342 = vector.broadcast %mul3A_341 : f32 to vector<16xf32>
    %mul3A_343 = arith.mulf %scan3A_339#0, %mul3A_342 : vector<16xf32>
    %swap3A_344 = arith.constant 254 : i32
    %swap3A_345 = arith.index_cast %swap3A_344 : i32 to index
    %swap3A_346 = arith.constant 0 : index
    %swap3A_347 = tpu.vector_load %arg7[%swap3A_345, %swap3A_346] {strides = array<i32>} : memref<512x64xf32, #tpu.memory_space<vmem>>, vector<1x16xf32>,
    %swap3A_348 = vector.shape_cast %swap3A_347 : vector<1x16xf32> to vector<16xf32>
    %swap3A_349 = vector.shape_cast %mul3A_343 : vector<16xf32> to vector<1x16xf32>
    tpu.vector_store %arg7[%swap3A_345, %swap3A_346], %swap3A_349 {strides = array<i32>} : memref<512x64xf32, #tpu.memory_space<vmem>>, vector<1x16xf32>,
    %mul3A_350 = arith.constant 5.000000e-03 : f32
    %mul3A_351 = vector.broadcast %mul3A_350 : f32 to vector<16xf32>
    %mul3A_352 = arith.mulf %scan3A_339#1, %mul3A_351 : vector<16xf32>
    %swap3A_353 = arith.constant 254 : i32
    %swap3A_354 = arith.index_cast %swap3A_353 : i32 to index
    %swap3A_355 = arith.constant 16 : index
    %swap3A_356 = tpu.vector_load %arg7[%swap3A_354, %swap3A_355] {strides = array<i32>} : memref<512x64xf32, #tpu.memory_space<vmem>>, vector<1x16xf32>,
    %swap3A_357 = vector.shape_cast %swap3A_356 : vector<1x16xf32> to vector<16xf32>
    %swap3A_358 = vector.shape_cast %mul3A_352 : vector<16xf32> to vector<1x16xf32>
    tpu.vector_store %arg7[%swap3A_354, %swap3A_355], %swap3A_358 {strides = array<i32>} : memref<512x64xf32, #tpu.memory_space<vmem>>, vector<1x16xf32>,
    %mul3A_359 = arith.constant 5.000000e-03 : f32
    %mul3A_360 = vector.broadcast %mul3A_359 : f32 to vector<16xf32>
    %mul3A_361 = arith.mulf %scan3A_339#2, %mul3A_360 : vector<16xf32>
    %swap3A_362 = arith.constant 254 : i32
    %swap3A_363 = arith.index_cast %swap3A_362 : i32 to index
    %swap3A_364 = arith.constant 32 : index
    %swap3A_365 = tpu.vector_load %arg7[%swap3A_363, %swap3A_364] {strides = array<i32>} : memref<512x64xf32, #tpu.memory_space<vmem>>, vector<1x16xf32>,
    %swap3A_366 = vector.shape_cast %swap3A_365 : vector<1x16xf32> to vector<16xf32>
    %swap3A_367 = vector.shape_cast %mul3A_361 : vector<16xf32> to vector<1x16xf32>
    tpu.vector_store %arg7[%swap3A_363, %swap3A_364], %swap3A_367 {strides = array<i32>} : memref<512x64xf32, #tpu.memory_space<vmem>>, vector<1x16xf32>,
    %mul3A_368 = arith.constant 5.000000e-03 : f32
    %mul3A_369 = vector.broadcast %mul3A_368 : f32 to vector<16xf32>
    %mul3A_370 = arith.mulf %scan3A_339#3, %mul3A_369 : vector<16xf32>
    %swap3A_371 = arith.constant 254 : i32
    %swap3A_372 = arith.index_cast %swap3A_371 : i32 to index
    %swap3A_373 = arith.constant 48 : index
    %swap3A_374 = tpu.vector_load %arg7[%swap3A_372, %swap3A_373] {strides = array<i32>} : memref<512x64xf32, #tpu.memory_space<vmem>>, vector<1x16xf32>,
    %swap3A_375 = vector.shape_cast %swap3A_374 : vector<1x16xf32> to vector<16xf32>
    %swap3A_376 = vector.shape_cast %mul3A_370 : vector<16xf32> to vector<1x16xf32>
    tpu.vector_store %arg7[%swap3A_372, %swap3A_373], %swap3A_376 {strides = array<i32>} : memref<512x64xf32, #tpu.memory_space<vmem>>, vector<1x16xf32>,
    %dma_wait3A_377 = arith.constant 0 : i32
    %dma_wait3A_378 = arith.constant 0 : i32
    %dma_wait3A_379 = arith.constant 2 : i32
    %dma_wait3A_380 = arith.constant 0 : i32
    %dma_wait3A_381 = arith.constant 0 : i32
    %dma_wait3A_382 = tpu.memref_slice %arg6[%dma_wait3A_379, %dma_wait3A_380, %dma_wait3A_381] : memref<4x100x64xf32, #tpu.memory_space<vmem>> -> memref<1x100x64xf32, #tpu.memory_space<vmem>>
    %dma_wait3A_383 = tpu.memref_squeeze %dma_wait3A_382 : memref<1x100x64xf32, #tpu.memory_space<vmem>> -> memref<100x64xf32, #tpu.memory_space<vmem>>
    %dma_wait3A_384 = arith.constant 0 : i32
    %dma_wait3A_385 = tpu.memref_slice %arg5[%dma_wait3A_377, %dma_wait3A_378, %dma_wait3A_384] : memref<2x256x100xi32, #tpu.memory_space<vmem>> -> memref<1x1x100xi32, #tpu.memory_space<vmem>>
    %dma_wait3A_386 = tpu.memref_squeeze %dma_wait3A_385 : memref<1x1x100xi32, #tpu.memory_space<vmem>> -> memref<100xi32, #tpu.memory_space<vmem>>
    %dma_wait3A_387 = arith.constant 0 : i32
    %dma_wait3A_388 = arith.constant 0 : i32
    %dma_wait3A_389 = tpu.memref_slice %arg3[%dma_wait3A_387, %dma_wait3A_388] : memref<1000000x64xf32, #tpu.memory_space<hbm>> -> memref<1000000x64xf32, #tpu.memory_space<hbm>>
    tpu.wait_indirect_dma semaphore(%arg11 : memref<!tpu.dma_semaphore, #tpu.memory_space<semaphore_mem>>) src(%dma_wait3A_389 : memref<1000000x64xf32, #tpu.memory_space<hbm>>) dst(%dma_wait3A_383 : memref<100x64xf32, #tpu.memory_space<vmem>>)
    %dma_wait3A_390 = arith.constant 0 : i32
    %dma_wait3A_391 = arith.constant 0 : i32
    %dma_wait3A_392 = arith.constant 3 : i32
    %dma_wait3A_393 = arith.constant 0 : i32
    %dma_wait3A_394 = arith.constant 0 : i32
    %dma_wait3A_395 = tpu.memref_slice %arg6[%dma_wait3A_392, %dma_wait3A_393, %dma_wait3A_394] : memref<4x100x64xf32, #tpu.memory_space<vmem>> -> memref<1x100x64xf32, #tpu.memory_space<vmem>>
    %dma_wait3A_396 = tpu.memref_squeeze %dma_wait3A_395 : memref<1x100x64xf32, #tpu.memory_space<vmem>> -> memref<100x64xf32, #tpu.memory_space<vmem>>
    %dma_wait3A_397 = arith.constant 0 : i32
    %dma_wait3A_398 = tpu.memref_slice %arg5[%dma_wait3A_390, %dma_wait3A_391, %dma_wait3A_397] : memref<2x256x100xi32, #tpu.memory_space<vmem>> -> memref<1x1x100xi32, #tpu.memory_space<vmem>>
    %dma_wait3A_399 = tpu.memref_squeeze %dma_wait3A_398 : memref<1x1x100xi32, #tpu.memory_space<vmem>> -> memref<100xi32, #tpu.memory_space<vmem>>
    %dma_wait3A_400 = arith.constant 0 : i32
    %dma_wait3A_401 = arith.constant 0 : i32
    %dma_wait3A_402 = tpu.memref_slice %arg3[%dma_wait3A_400, %dma_wait3A_401] : memref<1000000x64xf32, #tpu.memory_space<hbm>> -> memref<1000000x64xf32, #tpu.memory_space<hbm>>
    tpu.wait_indirect_dma semaphore(%arg12 : memref<!tpu.dma_semaphore, #tpu.memory_space<semaphore_mem>>) src(%dma_wait3A_402 : memref<1000000x64xf32, #tpu.memory_space<hbm>>) dst(%dma_wait3A_396 : memref<100x64xf32, #tpu.memory_space<vmem>>)
    %broadcast_in_dim3A_403 = arith.constant 0.000000e+00 : f32
    %broadcast_in_dim3A_404 = vector.broadcast %broadcast_in_dim3A_403 : f32 to vector<16xf32>
    %scan3A_405 = arith.constant 0 : i32
    %scan3A_406 = arith.constant 100 : i32
    %scan3A_407 = arith.addi %scan3A_405, %scan3A_406 : i32
    %scan3A_408 = arith.constant 1 : i32
    %scan3A_409:4 = scf.for %scan3A_892 = %scan3A_405 to %scan3A_407 step %scan3A_408 iter_args(%scan3A_893 = %broadcast_in_dim3A_404, %scan3A_894 = %broadcast_in_dim3A_404, %scan3A_895 = %broadcast_in_dim3A_404, %scan3A_896 = %broadcast_in_dim3A_404) -> (vector<16xf32>, vector<16xf32>, vector<16xf32>, vector<16xf32>)  : i32 {
      %get3A = arith.constant 2 : i32
      %get3A_897 = arith.index_cast %get3A : i32 to index
      %get3A_898 = arith.index_cast %scan3A_892 : i32 to index
      %get3A_899 = arith.constant 0 : index
      %get3A_900 = tpu.vector_load %arg6[%get3A_897, %get3A_898, %get3A_899] {strides = array<i32>} : memref<4x100x64xf32, #tpu.memory_space<vmem>>, vector<1x1x16xf32>,
      %get3A_901 = vector.shape_cast %get3A_900 : vector<1x1x16xf32> to vector<16xf32>
      %add3A_902 = arith.addf %scan3A_893, %get3A_901 : vector<16xf32>
      %get3A_903 = arith.constant 3 : i32
      %get3A_904 = arith.index_cast %get3A_903 : i32 to index
      %get3A_905 = arith.index_cast %scan3A_892 : i32 to index
      %get3A_906 = arith.constant 0 : index
      %get3A_907 = tpu.vector_load %arg6[%get3A_904, %get3A_905, %get3A_906] {strides = array<i32>} : memref<4x100x64xf32, #tpu.memory_space<vmem>>, vector<1x1x16xf32>,
      %get3A_908 = vector.shape_cast %get3A_907 : vector<1x1x16xf32> to vector<16xf32>
      %add3A_909 = arith.addf %add3A_902, %get3A_908 : vector<16xf32>
      %get3A_910 = arith.constant 2 : i32
      %get3A_911 = arith.index_cast %get3A_910 : i32 to index
      %get3A_912 = arith.index_cast %scan3A_892 : i32 to index
      %get3A_913 = arith.constant 16 : index
      %get3A_914 = tpu.vector_load %arg6[%get3A_911, %get3A_912, %get3A_913] {strides = array<i32>} : memref<4x100x64xf32, #tpu.memory_space<vmem>>, vector<1x1x16xf32>,
      %get3A_915 = vector.shape_cast %get3A_914 : vector<1x1x16xf32> to vector<16xf32>
      %add3A_916 = arith.addf %scan3A_894, %get3A_915 : vector<16xf32>
      %get3A_917 = arith.constant 3 : i32
      %get3A_918 = arith.index_cast %get3A_917 : i32 to index
      %get3A_919 = arith.index_cast %scan3A_892 : i32 to index
      %get3A_920 = arith.constant 16 : index
      %get3A_921 = tpu.vector_load %arg6[%get3A_918, %get3A_919, %get3A_920] {strides = array<i32>} : memref<4x100x64xf32, #tpu.memory_space<vmem>>, vector<1x1x16xf32>,
      %get3A_922 = vector.shape_cast %get3A_921 : vector<1x1x16xf32> to vector<16xf32>
      %add3A_923 = arith.addf %add3A_916, %get3A_922 : vector<16xf32>
      %get3A_924 = arith.constant 2 : i32
      %get3A_925 = arith.index_cast %get3A_924 : i32 to index
      %get3A_926 = arith.index_cast %scan3A_892 : i32 to index
      %get3A_927 = arith.constant 32 : index
      %get3A_928 = tpu.vector_load %arg6[%get3A_925, %get3A_926, %get3A_927] {strides = array<i32>} : memref<4x100x64xf32, #tpu.memory_space<vmem>>, vector<1x1x16xf32>,
      %get3A_929 = vector.shape_cast %get3A_928 : vector<1x1x16xf32> to vector<16xf32>
      %add3A_930 = arith.addf %scan3A_895, %get3A_929 : vector<16xf32>
      %get3A_931 = arith.constant 3 : i32
      %get3A_932 = arith.index_cast %get3A_931 : i32 to index
      %get3A_933 = arith.index_cast %scan3A_892 : i32 to index
      %get3A_934 = arith.constant 32 : index
      %get3A_935 = tpu.vector_load %arg6[%get3A_932, %get3A_933, %get3A_934] {strides = array<i32>} : memref<4x100x64xf32, #tpu.memory_space<vmem>>, vector<1x1x16xf32>,
      %get3A_936 = vector.shape_cast %get3A_935 : vector<1x1x16xf32> to vector<16xf32>
      %add3A_937 = arith.addf %add3A_930, %get3A_936 : vector<16xf32>
      %get3A_938 = arith.constant 2 : i32
      %get3A_939 = arith.index_cast %get3A_938 : i32 to index
      %get3A_940 = arith.index_cast %scan3A_892 : i32 to index
      %get3A_941 = arith.constant 48 : index
      %get3A_942 = tpu.vector_load %arg6[%get3A_939, %get3A_940, %get3A_941] {strides = array<i32>} : memref<4x100x64xf32, #tpu.memory_space<vmem>>, vector<1x1x16xf32>,
      %get3A_943 = vector.shape_cast %get3A_942 : vector<1x1x16xf32> to vector<16xf32>
      %add3A_944 = arith.addf %scan3A_896, %get3A_943 : vector<16xf32>
      %get3A_945 = arith.constant 3 : i32
      %get3A_946 = arith.index_cast %get3A_945 : i32 to index
      %get3A_947 = arith.index_cast %scan3A_892 : i32 to index
      %get3A_948 = arith.constant 48 : index
      %get3A_949 = tpu.vector_load %arg6[%get3A_946, %get3A_947, %get3A_948] {strides = array<i32>} : memref<4x100x64xf32, #tpu.memory_space<vmem>>, vector<1x1x16xf32>,
      %get3A_950 = vector.shape_cast %get3A_949 : vector<1x1x16xf32> to vector<16xf32>
      %add3A_951 = arith.addf %add3A_944, %get3A_950 : vector<16xf32>
      scf.yield %add3A_909, %add3A_923, %add3A_937, %add3A_951 : vector<16xf32>, vector<16xf32>, vector<16xf32>, vector<16xf32>
    }
    %scan3A_410 = arith.constant 100 : i32
    %mul3A_411 = arith.constant 5.000000e-03 : f32
    %mul3A_412 = vector.broadcast %mul3A_411 : f32 to vector<16xf32>
    %mul3A_413 = arith.mulf %scan3A_409#0, %mul3A_412 : vector<16xf32>
    %swap3A_414 = arith.constant 255 : i32
    %swap3A_415 = arith.index_cast %swap3A_414 : i32 to index
    %swap3A_416 = arith.constant 0 : index
    %swap3A_417 = tpu.vector_load %arg7[%swap3A_415, %swap3A_416] {strides = array<i32>} : memref<512x64xf32, #tpu.memory_space<vmem>>, vector<1x16xf32>,
    %swap3A_418 = vector.shape_cast %swap3A_417 : vector<1x16xf32> to vector<16xf32>
    %swap3A_419 = vector.shape_cast %mul3A_413 : vector<16xf32> to vector<1x16xf32>
    tpu.vector_store %arg7[%swap3A_415, %swap3A_416], %swap3A_419 {strides = array<i32>} : memref<512x64xf32, #tpu.memory_space<vmem>>, vector<1x16xf32>,
    %mul3A_420 = arith.constant 5.000000e-03 : f32
    %mul3A_421 = vector.broadcast %mul3A_420 : f32 to vector<16xf32>
    %mul3A_422 = arith.mulf %scan3A_409#1, %mul3A_421 : vector<16xf32>
    %swap3A_423 = arith.constant 255 : i32
    %swap3A_424 = arith.index_cast %swap3A_423 : i32 to index
    %swap3A_425 = arith.constant 16 : index
    %swap3A_426 = tpu.vector_load %arg7[%swap3A_424, %swap3A_425] {strides = array<i32>} : memref<512x64xf32, #tpu.memory_space<vmem>>, vector<1x16xf32>,
    %swap3A_427 = vector.shape_cast %swap3A_426 : vector<1x16xf32> to vector<16xf32>
    %swap3A_428 = vector.shape_cast %mul3A_422 : vector<16xf32> to vector<1x16xf32>
    tpu.vector_store %arg7[%swap3A_424, %swap3A_425], %swap3A_428 {strides = array<i32>} : memref<512x64xf32, #tpu.memory_space<vmem>>, vector<1x16xf32>,
    %mul3A_429 = arith.constant 5.000000e-03 : f32
    %mul3A_430 = vector.broadcast %mul3A_429 : f32 to vector<16xf32>
    %mul3A_431 = arith.mulf %scan3A_409#2, %mul3A_430 : vector<16xf32>
    %swap3A_432 = arith.constant 255 : i32
    %swap3A_433 = arith.index_cast %swap3A_432 : i32 to index
    %swap3A_434 = arith.constant 32 : index
    %swap3A_435 = tpu.vector_load %arg7[%swap3A_433, %swap3A_434] {strides = array<i32>} : memref<512x64xf32, #tpu.memory_space<vmem>>, vector<1x16xf32>,
    %swap3A_436 = vector.shape_cast %swap3A_435 : vector<1x16xf32> to vector<16xf32>
    %swap3A_437 = vector.shape_cast %mul3A_431 : vector<16xf32> to vector<1x16xf32>
    tpu.vector_store %arg7[%swap3A_433, %swap3A_434], %swap3A_437 {strides = array<i32>} : memref<512x64xf32, #tpu.memory_space<vmem>>, vector<1x16xf32>,
    %mul3A_438 = arith.constant 5.000000e-03 : f32
    %mul3A_439 = vector.broadcast %mul3A_438 : f32 to vector<16xf32>
    %mul3A_440 = arith.mulf %scan3A_409#3, %mul3A_439 : vector<16xf32>
    %swap3A_441 = arith.constant 255 : i32
    %swap3A_442 = arith.index_cast %swap3A_441 : i32 to index
    %swap3A_443 = arith.constant 48 : index
    %swap3A_444 = tpu.vector_load %arg7[%swap3A_442, %swap3A_443] {strides = array<i32>} : memref<512x64xf32, #tpu.memory_space<vmem>>, vector<1x16xf32>,
    %swap3A_445 = vector.shape_cast %swap3A_444 : vector<1x16xf32> to vector<16xf32>
    %swap3A_446 = vector.shape_cast %mul3A_440 : vector<16xf32> to vector<1x16xf32>
    tpu.vector_store %arg7[%swap3A_442, %swap3A_443], %swap3A_446 {strides = array<i32>} : memref<512x64xf32, #tpu.memory_space<vmem>>, vector<1x16xf32>,
    %mul3A_447 = arith.constant 2 : i32
    %mul3A_448 = arith.muli %mul3A_2, %mul3A_447 : i32
    %dma_wait3A_449 = arith.constant 0 : i32
    %dma_wait3A_450 = arith.constant 0 : i32
    %dma_wait3A_451 = arith.constant 0 : i32
    %dma_wait3A_452 = tpu.memref_slice %arg5[%dma_wait3A_449, %dma_wait3A_450, %dma_wait3A_451] : memref<2x256x100xi32, #tpu.memory_space<vmem>> -> memref<1x256x100xi32, #tpu.memory_space<vmem>>
    %dma_wait3A_453 = tpu.memref_squeeze %dma_wait3A_452 : memref<1x256x100xi32, #tpu.memory_space<vmem>> -> memref<256x100xi32, #tpu.memory_space<vmem>>
    %dma_wait3A_454 = arith.constant 0 : i32
    %dma_wait3A_455 = tpu.memref_slice %arg2[%mul3A_448, %dma_wait3A_454] : memref<32768x100xi32, #tpu.memory_space<hbm>> -> memref<256x100xi32, #tpu.memory_space<hbm>>
    %dma_wait3A_456 = arith.constant 0 : i32
    %dma_wait3A_457 = arith.constant 0 : i32
    %dma_wait3A_458 = tpu.memref_slice %arg5[%dma_wait3A_449, %dma_wait3A_456, %dma_wait3A_457] : memref<2x256x100xi32, #tpu.memory_space<vmem>> -> memref<1x256x100xi32, #tpu.memory_space<vmem>>
    %dma_wait3A_459 = tpu.memref_squeeze %dma_wait3A_458 : memref<1x256x100xi32, #tpu.memory_space<vmem>> -> memref<256x100xi32, #tpu.memory_space<vmem>>
    %dma_wait3A_460 = arith.constant 0 : i32
    %dma_wait3A_461 = tpu.memref_slice %arg2[%mul3A_448, %dma_wait3A_460] : memref<32768x100xi32, #tpu.memory_space<hbm>> -> memref<256x100xi32, #tpu.memory_space<hbm>>
    tpu.wait_dma2 semaphore(%arg8 : memref<!tpu.dma_semaphore, #tpu.memory_space<semaphore_mem>>) src(%dma_wait3A_461 : memref<256x100xi32, #tpu.memory_space<hbm>>) dst(%dma_wait3A_459 : memref<256x100xi32, #tpu.memory_space<vmem>>)
    %add3A_462 = arith.constant 384 : i32
    %add3A_463 = arith.addi %mul3A_2, %add3A_462 : i32
    %mul3A_464 = arith.constant 2 : i32
    %mul3A_465 = arith.muli %add3A_463, %mul3A_464 : i32
    %dma_start3A_466 = arith.constant 1 : i32
    %dma_start3A_467 = arith.constant 0 : i32
    %dma_start3A_468 = arith.constant 0 : i32
    %dma_start3A_469 = tpu.memref_slice %arg5[%dma_start3A_466, %dma_start3A_467, %dma_start3A_468] : memref<2x256x100xi32, #tpu.memory_space<vmem>> -> memref<1x256x100xi32, #tpu.memory_space<vmem>>
    %dma_start3A_470 = tpu.memref_squeeze %dma_start3A_469 : memref<1x256x100xi32, #tpu.memory_space<vmem>> -> memref<256x100xi32, #tpu.memory_space<vmem>>
    %dma_start3A_471 = arith.constant 0 : i32
    %dma_start3A_472 = tpu.memref_slice %arg2[%mul3A_465, %dma_start3A_471] : memref<32768x100xi32, #tpu.memory_space<hbm>> -> memref<256x100xi32, #tpu.memory_space<hbm>>
    %dma_start3A_473 = arith.constant 0 : i32
    %dma_start3A_474 = arith.constant 0 : i32
    %dma_start3A_475 = tpu.memref_slice %arg5[%dma_start3A_466, %dma_start3A_473, %dma_start3A_474] : memref<2x256x100xi32, #tpu.memory_space<vmem>> -> memref<1x256x100xi32, #tpu.memory_space<vmem>>
    %dma_start3A_476 = tpu.memref_squeeze %dma_start3A_475 : memref<1x256x100xi32, #tpu.memory_space<vmem>> -> memref<256x100xi32, #tpu.memory_space<vmem>>
    %dma_start3A_477 = arith.constant 0 : i32
    %dma_start3A_478 = tpu.memref_slice %arg2[%mul3A_465, %dma_start3A_477] : memref<32768x100xi32, #tpu.memory_space<hbm>> -> memref<256x100xi32, #tpu.memory_space<hbm>>
    tpu.enqueue_dma source(%dma_start3A_478 : memref<256x100xi32, #tpu.memory_space<hbm>>) target(%dma_start3A_476 : memref<256x100xi32, #tpu.memory_space<vmem>>) target_semaphore(%arg8 : memref<!tpu.dma_semaphore, #tpu.memory_space<semaphore_mem>>)
    %dma_start3A_479 = arith.constant 0 : i32
    %dma_start3A_480 = arith.constant 0 : i32
    %dma_start3A_481 = arith.constant 0 : i32
    %dma_start3A_482 = arith.constant 0 : i32
    %dma_start3A_483 = arith.constant 0 : i32
    %dma_start3A_484 = tpu.memref_slice %arg6[%dma_start3A_481, %dma_start3A_482, %dma_start3A_483] : memref<4x100x64xf32, #tpu.memory_space<vmem>> -> memref<1x100x64xf32, #tpu.memory_space<vmem>>
    %dma_start3A_485 = tpu.memref_squeeze %dma_start3A_484 : memref<1x100x64xf32, #tpu.memory_space<vmem>> -> memref<100x64xf32, #tpu.memory_space<vmem>>
    %dma_start3A_486 = arith.constant 0 : i32
    %dma_start3A_487 = tpu.memref_slice %arg5[%dma_start3A_479, %dma_start3A_480, %dma_start3A_486] : memref<2x256x100xi32, #tpu.memory_space<vmem>> -> memref<1x1x100xi32, #tpu.memory_space<vmem>>
    %dma_start3A_488 = tpu.memref_squeeze %dma_start3A_487 : memref<1x1x100xi32, #tpu.memory_space<vmem>> -> memref<100xi32, #tpu.memory_space<vmem>>
    %dma_start3A_489 = arith.constant 0 : i32
    %dma_start3A_490 = arith.constant 0 : i32
    %dma_start3A_491 = tpu.memref_slice %arg3[%dma_start3A_489, %dma_start3A_490] : memref<1000000x64xf32, #tpu.memory_space<hbm>> -> memref<1000000x64xf32, #tpu.memory_space<hbm>>
    tpu.enqueue_indirect_dma source(%dma_start3A_491 : memref<1000000x64xf32, #tpu.memory_space<hbm>>) target(%dma_start3A_485 : memref<100x64xf32, #tpu.memory_space<vmem>>) offsets(%dma_start3A_488 : memref<100xi32, #tpu.memory_space<vmem>>) semaphore(%arg9 : memref<!tpu.dma_semaphore, #tpu.memory_space<semaphore_mem>>)
    %dma_start3A_492 = arith.constant 0 : i32
    %dma_start3A_493 = arith.constant 1 : i32
    %dma_start3A_494 = arith.constant 1 : i32
    %dma_start3A_495 = arith.constant 0 : i32
    %dma_start3A_496 = arith.constant 0 : i32
    %dma_start3A_497 = tpu.memref_slice %arg6[%dma_start3A_494, %dma_start3A_495, %dma_start3A_496] : memref<4x100x64xf32, #tpu.memory_space<vmem>> -> memref<1x100x64xf32, #tpu.memory_space<vmem>>
    %dma_start3A_498 = tpu.memref_squeeze %dma_start3A_497 : memref<1x100x64xf32, #tpu.memory_space<vmem>> -> memref<100x64xf32, #tpu.memory_space<vmem>>
    %dma_start3A_499 = arith.constant 0 : i32
    %dma_start3A_500 = tpu.memref_slice %arg5[%dma_start3A_492, %dma_start3A_493, %dma_start3A_499] : memref<2x256x100xi32, #tpu.memory_space<vmem>> -> memref<1x1x100xi32, #tpu.memory_space<vmem>>
    %dma_start3A_501 = tpu.memref_squeeze %dma_start3A_500 : memref<1x1x100xi32, #tpu.memory_space<vmem>> -> memref<100xi32, #tpu.memory_space<vmem>>
    %dma_start3A_502 = arith.constant 0 : i32
    %dma_start3A_503 = arith.constant 0 : i32
    %dma_start3A_504 = tpu.memref_slice %arg3[%dma_start3A_502, %dma_start3A_503] : memref<1000000x64xf32, #tpu.memory_space<hbm>> -> memref<1000000x64xf32, #tpu.memory_space<hbm>>
    tpu.enqueue_indirect_dma source(%dma_start3A_504 : memref<1000000x64xf32, #tpu.memory_space<hbm>>) target(%dma_start3A_498 : memref<100x64xf32, #tpu.memory_space<vmem>>) offsets(%dma_start3A_501 : memref<100xi32, #tpu.memory_space<vmem>>) semaphore(%arg10 : memref<!tpu.dma_semaphore, #tpu.memory_space<semaphore_mem>>)
    %dma_start3A_505 = arith.constant 0 : i32
    %dma_start3A_506 = arith.constant 2 : i32
    %dma_start3A_507 = arith.constant 2 : i32
    %dma_start3A_508 = arith.constant 0 : i32
    %dma_start3A_509 = arith.constant 0 : i32
    %dma_start3A_510 = tpu.memref_slice %arg6[%dma_start3A_507, %dma_start3A_508, %dma_start3A_509] : memref<4x100x64xf32, #tpu.memory_space<vmem>> -> memref<1x100x64xf32, #tpu.memory_space<vmem>>
    %dma_start3A_511 = tpu.memref_squeeze %dma_start3A_510 : memref<1x100x64xf32, #tpu.memory_space<vmem>> -> memref<100x64xf32, #tpu.memory_space<vmem>>
    %dma_start3A_512 = arith.constant 0 : i32
    %dma_start3A_513 = tpu.memref_slice %arg5[%dma_start3A_505, %dma_start3A_506, %dma_start3A_512] : memref<2x256x100xi32, #tpu.memory_space<vmem>> -> memref<1x1x100xi32, #tpu.memory_space<vmem>>
    %dma_start3A_514 = tpu.memref_squeeze %dma_start3A_513 : memref<1x1x100xi32, #tpu.memory_space<vmem>> -> memref<100xi32, #tpu.memory_space<vmem>>
    %dma_start3A_515 = arith.constant 0 : i32
    %dma_start3A_516 = arith.constant 0 : i32
    %dma_start3A_517 = tpu.memref_slice %arg3[%dma_start3A_515, %dma_start3A_516] : memref<1000000x64xf32, #tpu.memory_space<hbm>> -> memref<1000000x64xf32, #tpu.memory_space<hbm>>
    tpu.enqueue_indirect_dma source(%dma_start3A_517 : memref<1000000x64xf32, #tpu.memory_space<hbm>>) target(%dma_start3A_511 : memref<100x64xf32, #tpu.memory_space<vmem>>) offsets(%dma_start3A_514 : memref<100xi32, #tpu.memory_space<vmem>>) semaphore(%arg11 : memref<!tpu.dma_semaphore, #tpu.memory_space<semaphore_mem>>)
    %dma_start3A_518 = arith.constant 0 : i32
    %dma_start3A_519 = arith.constant 3 : i32
    %dma_start3A_520 = arith.constant 3 : i32
    %dma_start3A_521 = arith.constant 0 : i32
    %dma_start3A_522 = arith.constant 0 : i32
    %dma_start3A_523 = tpu.memref_slice %arg6[%dma_start3A_520, %dma_start3A_521, %dma_start3A_522] : memref<4x100x64xf32, #tpu.memory_space<vmem>> -> memref<1x100x64xf32, #tpu.memory_space<vmem>>
    %dma_start3A_524 = tpu.memref_squeeze %dma_start3A_523 : memref<1x100x64xf32, #tpu.memory_space<vmem>> -> memref<100x64xf32, #tpu.memory_space<vmem>>
    %dma_start3A_525 = arith.constant 0 : i32
    %dma_start3A_526 = tpu.memref_slice %arg5[%dma_start3A_518, %dma_start3A_519, %dma_start3A_525] : memref<2x256x100xi32, #tpu.memory_space<vmem>> -> memref<1x1x100xi32, #tpu.memory_space<vmem>>
    %dma_start3A_527 = tpu.memref_squeeze %dma_start3A_526 : memref<1x1x100xi32, #tpu.memory_space<vmem>> -> memref<100xi32, #tpu.memory_space<vmem>>
    %dma_start3A_528 = arith.constant 0 : i32
    %dma_start3A_529 = arith.constant 0 : i32
    %dma_start3A_530 = tpu.memref_slice %arg3[%dma_start3A_528, %dma_start3A_529] : memref<1000000x64xf32, #tpu.memory_space<hbm>> -> memref<1000000x64xf32, #tpu.memory_space<hbm>>
    tpu.enqueue_indirect_dma source(%dma_start3A_530 : memref<1000000x64xf32, #tpu.memory_space<hbm>>) target(%dma_start3A_524 : memref<100x64xf32, #tpu.memory_space<vmem>>) offsets(%dma_start3A_527 : memref<100xi32, #tpu.memory_space<vmem>>) semaphore(%arg12 : memref<!tpu.dma_semaphore, #tpu.memory_space<semaphore_mem>>)
    %scan3A_531 = arith.constant 0 : i32
    %scan3A_532 = arith.constant 5.000000e-03 : f32
    %scan3A_533 = arith.constant 0 : i32
    %scan3A_534 = arith.constant 63 : i32
    %scan3A_535 = arith.addi %scan3A_533, %scan3A_534 : i32
    %scan3A_536 = arith.constant 1 : i32
    scf.for %scan3A_892 = %scan3A_533 to %scan3A_535 step %scan3A_536  : i32 {
      %mul3A_893 = arith.constant 2 : i32
      %mul3A_894 = arith.muli %mul3A_893, %scan3A_892 : i32
      %add3A_895 = arith.constant 0 : i32
      %add3A_896 = arith.addi %mul3A_894, %add3A_895 : i32
      %dma_wait3A_897 = arith.constant 0 : i32
      %dma_wait3A_898 = arith.constant 0 : i32
      %dma_wait3A_899 = arith.constant 0 : i32
      %dma_wait3A_900 = arith.constant 0 : i32
      %dma_wait3A_901 = arith.constant 0 : i32
      %dma_wait3A_902 = tpu.memref_slice %arg6[%dma_wait3A_899, %dma_wait3A_900, %dma_wait3A_901] : memref<4x100x64xf32, #tpu.memory_space<vmem>> -> memref<1x100x64xf32, #tpu.memory_space<vmem>>
      %dma_wait3A_903 = tpu.memref_squeeze %dma_wait3A_902 : memref<1x100x64xf32, #tpu.memory_space<vmem>> -> memref<100x64xf32, #tpu.memory_space<vmem>>
      %dma_wait3A_904 = arith.constant 0 : i32
      %dma_wait3A_905 = tpu.memref_slice %arg5[%dma_wait3A_897, %dma_wait3A_898, %dma_wait3A_904] : memref<2x256x100xi32, #tpu.memory_space<vmem>> -> memref<1x1x100xi32, #tpu.memory_space<vmem>>
      %dma_wait3A_906 = tpu.memref_squeeze %dma_wait3A_905 : memref<1x1x100xi32, #tpu.memory_space<vmem>> -> memref<100xi32, #tpu.memory_space<vmem>>
      %dma_wait3A_907 = arith.constant 0 : i32
      %dma_wait3A_908 = arith.constant 0 : i32
      %dma_wait3A_909 = tpu.memref_slice %arg3[%dma_wait3A_907, %dma_wait3A_908] : memref<1000000x64xf32, #tpu.memory_space<hbm>> -> memref<1000000x64xf32, #tpu.memory_space<hbm>>
      tpu.wait_indirect_dma semaphore(%arg9 : memref<!tpu.dma_semaphore, #tpu.memory_space<semaphore_mem>>) src(%dma_wait3A_909 : memref<1000000x64xf32, #tpu.memory_space<hbm>>) dst(%dma_wait3A_903 : memref<100x64xf32, #tpu.memory_space<vmem>>)
      %dma_wait3A_910 = arith.constant 0 : i32
      %dma_wait3A_911 = arith.constant 0 : i32
      %dma_wait3A_912 = arith.constant 1 : i32
      %dma_wait3A_913 = arith.constant 0 : i32
      %dma_wait3A_914 = arith.constant 0 : i32
      %dma_wait3A_915 = tpu.memref_slice %arg6[%dma_wait3A_912, %dma_wait3A_913, %dma_wait3A_914] : memref<4x100x64xf32, #tpu.memory_space<vmem>> -> memref<1x100x64xf32, #tpu.memory_space<vmem>>
      %dma_wait3A_916 = tpu.memref_squeeze %dma_wait3A_915 : memref<1x100x64xf32, #tpu.memory_space<vmem>> -> memref<100x64xf32, #tpu.memory_space<vmem>>
      %dma_wait3A_917 = arith.constant 0 : i32
      %dma_wait3A_918 = tpu.memref_slice %arg5[%dma_wait3A_910, %dma_wait3A_911, %dma_wait3A_917] : memref<2x256x100xi32, #tpu.memory_space<vmem>> -> memref<1x1x100xi32, #tpu.memory_space<vmem>>
      %dma_wait3A_919 = tpu.memref_squeeze %dma_wait3A_918 : memref<1x1x100xi32, #tpu.memory_space<vmem>> -> memref<100xi32, #tpu.memory_space<vmem>>
      %dma_wait3A_920 = arith.constant 0 : i32
      %dma_wait3A_921 = arith.constant 0 : i32
      %dma_wait3A_922 = tpu.memref_slice %arg3[%dma_wait3A_920, %dma_wait3A_921] : memref<1000000x64xf32, #tpu.memory_space<hbm>> -> memref<1000000x64xf32, #tpu.memory_space<hbm>>
      tpu.wait_indirect_dma semaphore(%arg10 : memref<!tpu.dma_semaphore, #tpu.memory_space<semaphore_mem>>) src(%dma_wait3A_922 : memref<1000000x64xf32, #tpu.memory_space<hbm>>) dst(%dma_wait3A_916 : memref<100x64xf32, #tpu.memory_space<vmem>>)
      %add3A_923 = arith.constant 256 : i32
      %add3A_924 = arith.addi %add3A_923, %add3A_896 : i32
      %broadcast_in_dim3A_925 = arith.constant 0.000000e+00 : f32
      %broadcast_in_dim3A_926 = vector.broadcast %broadcast_in_dim3A_925 : f32 to vector<16xf32>
      %scan3A_927 = arith.constant 0 : i32
      %scan3A_928 = arith.constant 100 : i32
      %scan3A_929 = arith.addi %scan3A_927, %scan3A_928 : i32
      %scan3A_930 = arith.constant 1 : i32
      %scan3A_931:4 = scf.for %scan3A_1097 = %scan3A_927 to %scan3A_929 step %scan3A_930 iter_args(%scan3A_1098 = %broadcast_in_dim3A_926, %scan3A_1099 = %broadcast_in_dim3A_926, %scan3A_1100 = %broadcast_in_dim3A_926, %scan3A_1101 = %broadcast_in_dim3A_926) -> (vector<16xf32>, vector<16xf32>, vector<16xf32>, vector<16xf32>)  : i32 {
        %get3A = arith.constant 0 : i32
        %get3A_1102 = arith.index_cast %get3A : i32 to index
        %get3A_1103 = arith.index_cast %scan3A_1097 : i32 to index
        %get3A_1104 = arith.constant 0 : index
        %get3A_1105 = tpu.vector_load %arg6[%get3A_1102, %get3A_1103, %get3A_1104] {strides = array<i32>} : memref<4x100x64xf32, #tpu.memory_space<vmem>>, vector<1x1x16xf32>,
        %get3A_1106 = vector.shape_cast %get3A_1105 : vector<1x1x16xf32> to vector<16xf32>
        %add3A_1107 = arith.addf %scan3A_1098, %get3A_1106 : vector<16xf32>
        %get3A_1108 = arith.constant 1 : i32
        %get3A_1109 = arith.index_cast %get3A_1108 : i32 to index
        %get3A_1110 = arith.index_cast %scan3A_1097 : i32 to index
        %get3A_1111 = arith.constant 0 : index
        %get3A_1112 = tpu.vector_load %arg6[%get3A_1109, %get3A_1110, %get3A_1111] {strides = array<i32>} : memref<4x100x64xf32, #tpu.memory_space<vmem>>, vector<1x1x16xf32>,
        %get3A_1113 = vector.shape_cast %get3A_1112 : vector<1x1x16xf32> to vector<16xf32>
        %add3A_1114 = arith.addf %add3A_1107, %get3A_1113 : vector<16xf32>
        %get3A_1115 = arith.constant 0 : i32
        %get3A_1116 = arith.index_cast %get3A_1115 : i32 to index
        %get3A_1117 = arith.index_cast %scan3A_1097 : i32 to index
        %get3A_1118 = arith.constant 16 : index
        %get3A_1119 = tpu.vector_load %arg6[%get3A_1116, %get3A_1117, %get3A_1118] {strides = array<i32>} : memref<4x100x64xf32, #tpu.memory_space<vmem>>, vector<1x1x16xf32>,
        %get3A_1120 = vector.shape_cast %get3A_1119 : vector<1x1x16xf32> to vector<16xf32>
        %add3A_1121 = arith.addf %scan3A_1099, %get3A_1120 : vector<16xf32>
        %get3A_1122 = arith.constant 1 : i32
        %get3A_1123 = arith.index_cast %get3A_1122 : i32 to index
        %get3A_1124 = arith.index_cast %scan3A_1097 : i32 to index
        %get3A_1125 = arith.constant 16 : index
        %get3A_1126 = tpu.vector_load %arg6[%get3A_1123, %get3A_1124, %get3A_1125] {strides = array<i32>} : memref<4x100x64xf32, #tpu.memory_space<vmem>>, vector<1x1x16xf32>,
        %get3A_1127 = vector.shape_cast %get3A_1126 : vector<1x1x16xf32> to vector<16xf32>
        %add3A_1128 = arith.addf %add3A_1121, %get3A_1127 : vector<16xf32>
        %get3A_1129 = arith.constant 0 : i32
        %get3A_1130 = arith.index_cast %get3A_1129 : i32 to index
        %get3A_1131 = arith.index_cast %scan3A_1097 : i32 to index
        %get3A_1132 = arith.constant 32 : index
        %get3A_1133 = tpu.vector_load %arg6[%get3A_1130, %get3A_1131, %get3A_1132] {strides = array<i32>} : memref<4x100x64xf32, #tpu.memory_space<vmem>>, vector<1x1x16xf32>,
        %get3A_1134 = vector.shape_cast %get3A_1133 : vector<1x1x16xf32> to vector<16xf32>
        %add3A_1135 = arith.addf %scan3A_1100, %get3A_1134 : vector<16xf32>
        %get3A_1136 = arith.constant 1 : i32
        %get3A_1137 = arith.index_cast %get3A_1136 : i32 to index
        %get3A_1138 = arith.index_cast %scan3A_1097 : i32 to index
        %get3A_1139 = arith.constant 32 : index
        %get3A_1140 = tpu.vector_load %arg6[%get3A_1137, %get3A_1138, %get3A_1139] {strides = array<i32>} : memref<4x100x64xf32, #tpu.memory_space<vmem>>, vector<1x1x16xf32>,
        %get3A_1141 = vector.shape_cast %get3A_1140 : vector<1x1x16xf32> to vector<16xf32>
        %add3A_1142 = arith.addf %add3A_1135, %get3A_1141 : vector<16xf32>
        %get3A_1143 = arith.constant 0 : i32
        %get3A_1144 = arith.index_cast %get3A_1143 : i32 to index
        %get3A_1145 = arith.index_cast %scan3A_1097 : i32 to index
        %get3A_1146 = arith.constant 48 : index
        %get3A_1147 = tpu.vector_load %arg6[%get3A_1144, %get3A_1145, %get3A_1146] {strides = array<i32>} : memref<4x100x64xf32, #tpu.memory_space<vmem>>, vector<1x1x16xf32>,
        %get3A_1148 = vector.shape_cast %get3A_1147 : vector<1x1x16xf32> to vector<16xf32>
        %add3A_1149 = arith.addf %scan3A_1101, %get3A_1148 : vector<16xf32>
        %get3A_1150 = arith.constant 1 : i32
        %get3A_1151 = arith.index_cast %get3A_1150 : i32 to index
        %get3A_1152 = arith.index_cast %scan3A_1097 : i32 to index
        %get3A_1153 = arith.constant 48 : index
        %get3A_1154 = tpu.vector_load %arg6[%get3A_1151, %get3A_1152, %get3A_1153] {strides = array<i32>} : memref<4x100x64xf32, #tpu.memory_space<vmem>>, vector<1x1x16xf32>,
        %get3A_1155 = vector.shape_cast %get3A_1154 : vector<1x1x16xf32> to vector<16xf32>
        %add3A_1156 = arith.addf %add3A_1149, %get3A_1155 : vector<16xf32>
        scf.yield %add3A_1114, %add3A_1128, %add3A_1142, %add3A_1156 : vector<16xf32>, vector<16xf32>, vector<16xf32>, vector<16xf32>
      }
      %scan3A_932 = arith.constant 100 : i32
      %mul3A_933 = vector.broadcast %scan3A_532 : f32 to vector<16xf32>
      %mul3A_934 = arith.mulf %scan3A_931#0, %mul3A_933 : vector<16xf32>
      %swap3A_935 = arith.index_cast %add3A_924 : i32 to index
      %swap3A_936 = arith.constant 0 : index
      %swap3A_937 = tpu.vector_load %arg7[%swap3A_935, %swap3A_936] {strides = array<i32>} : memref<512x64xf32, #tpu.memory_space<vmem>>, vector<1x16xf32>,
      %swap3A_938 = vector.shape_cast %swap3A_937 : vector<1x16xf32> to vector<16xf32>
      %swap3A_939 = vector.shape_cast %mul3A_934 : vector<16xf32> to vector<1x16xf32>
      tpu.vector_store %arg7[%swap3A_935, %swap3A_936], %swap3A_939 {strides = array<i32>} : memref<512x64xf32, #tpu.memory_space<vmem>>, vector<1x16xf32>,
      %mul3A_940 = vector.broadcast %scan3A_532 : f32 to vector<16xf32>
      %mul3A_941 = arith.mulf %scan3A_931#1, %mul3A_940 : vector<16xf32>
      %swap3A_942 = arith.index_cast %add3A_924 : i32 to index
      %swap3A_943 = arith.constant 16 : index
      %swap3A_944 = tpu.vector_load %arg7[%swap3A_942, %swap3A_943] {strides = array<i32>} : memref<512x64xf32, #tpu.memory_space<vmem>>, vector<1x16xf32>,
      %swap3A_945 = vector.shape_cast %swap3A_944 : vector<1x16xf32> to vector<16xf32>
      %swap3A_946 = vector.shape_cast %mul3A_941 : vector<16xf32> to vector<1x16xf32>
      tpu.vector_store %arg7[%swap3A_942, %swap3A_943], %swap3A_946 {strides = array<i32>} : memref<512x64xf32, #tpu.memory_space<vmem>>, vector<1x16xf32>,
      %mul3A_947 = vector.broadcast %scan3A_532 : f32 to vector<16xf32>
      %mul3A_948 = arith.mulf %scan3A_931#2, %mul3A_947 : vector<16xf32>
      %swap3A_949 = arith.index_cast %add3A_924 : i32 to index
      %swap3A_950 = arith.constant 32 : index
      %swap3A_951 = tpu.vector_load %arg7[%swap3A_949, %swap3A_950] {strides = array<i32>} : memref<512x64xf32, #tpu.memory_space<vmem>>, vector<1x16xf32>,
      %swap3A_952 = vector.shape_cast %swap3A_951 : vector<1x16xf32> to vector<16xf32>
      %swap3A_953 = vector.shape_cast %mul3A_948 : vector<16xf32> to vector<1x16xf32>
      tpu.vector_store %arg7[%swap3A_949, %swap3A_950], %swap3A_953 {strides = array<i32>} : memref<512x64xf32, #tpu.memory_space<vmem>>, vector<1x16xf32>,
      %mul3A_954 = vector.broadcast %scan3A_532 : f32 to vector<16xf32>
      %mul3A_955 = arith.mulf %scan3A_931#3, %mul3A_954 : vector<16xf32>
      %swap3A_956 = arith.index_cast %add3A_924 : i32 to index
      %swap3A_957 = arith.constant 48 : index
      %swap3A_958 = tpu.vector_load %arg7[%swap3A_956, %swap3A_957] {strides = array<i32>} : memref<512x64xf32, #tpu.memory_space<vmem>>, vector<1x16xf32>,
      %swap3A_959 = vector.shape_cast %swap3A_958 : vector<1x16xf32> to vector<16xf32>
      %swap3A_960 = vector.shape_cast %mul3A_955 : vector<16xf32> to vector<1x16xf32>
      tpu.vector_store %arg7[%swap3A_956, %swap3A_957], %swap3A_960 {strides = array<i32>} : memref<512x64xf32, #tpu.memory_space<vmem>>, vector<1x16xf32>,
      %add3A_961 = arith.constant 2 : i32
      %add3A_962 = arith.addi %add3A_896, %add3A_961 : i32
      %mul3A_963 = arith.constant 2 : i32
      %mul3A_964 = arith.muli %mul3A_963, %add3A_962 : i32
      %dma_start3A_965 = arith.constant 0 : i32
      %dma_start3A_966 = arith.constant 0 : i32
      %dma_start3A_967 = arith.constant 0 : i32
      %dma_start3A_968 = arith.constant 0 : i32
      %dma_start3A_969 = tpu.memref_slice %arg6[%dma_start3A_966, %dma_start3A_967, %dma_start3A_968] : memref<4x100x64xf32, #tpu.memory_space<vmem>> -> memref<1x100x64xf32, #tpu.memory_space<vmem>>
      %dma_start3A_970 = tpu.memref_squeeze %dma_start3A_969 : memref<1x100x64xf32, #tpu.memory_space<vmem>> -> memref<100x64xf32, #tpu.memory_space<vmem>>
      %dma_start3A_971 = arith.constant 0 : i32
      %dma_start3A_972 = tpu.memref_slice %arg5[%dma_start3A_965, %mul3A_964, %dma_start3A_971] : memref<2x256x100xi32, #tpu.memory_space<vmem>> -> memref<1x1x100xi32, #tpu.memory_space<vmem>>
      %dma_start3A_973 = tpu.memref_squeeze %dma_start3A_972 : memref<1x1x100xi32, #tpu.memory_space<vmem>> -> memref<100xi32, #tpu.memory_space<vmem>>
      %dma_start3A_974 = arith.constant 0 : i32
      %dma_start3A_975 = arith.constant 0 : i32
      %dma_start3A_976 = tpu.memref_slice %arg3[%dma_start3A_974, %dma_start3A_975] : memref<1000000x64xf32, #tpu.memory_space<hbm>> -> memref<1000000x64xf32, #tpu.memory_space<hbm>>
      tpu.enqueue_indirect_dma source(%dma_start3A_976 : memref<1000000x64xf32, #tpu.memory_space<hbm>>) target(%dma_start3A_970 : memref<100x64xf32, #tpu.memory_space<vmem>>) offsets(%dma_start3A_973 : memref<100xi32, #tpu.memory_space<vmem>>) semaphore(%arg9 : memref<!tpu.dma_semaphore, #tpu.memory_space<semaphore_mem>>)
      %add3A_977 = arith.constant 2 : i32
      %add3A_978 = arith.addi %add3A_896, %add3A_977 : i32
      %mul3A_979 = arith.constant 2 : i32
      %mul3A_980 = arith.muli %mul3A_979, %add3A_978 : i32
      %add3A_981 = arith.constant 1 : i32
      %add3A_982 = arith.addi %mul3A_980, %add3A_981 : i32
      %dma_start3A_983 = arith.constant 0 : i32
      %dma_start3A_984 = arith.constant 1 : i32
      %dma_start3A_985 = arith.constant 0 : i32
      %dma_start3A_986 = arith.constant 0 : i32
      %dma_start3A_987 = tpu.memref_slice %arg6[%dma_start3A_984, %dma_start3A_985, %dma_start3A_986] : memref<4x100x64xf32, #tpu.memory_space<vmem>> -> memref<1x100x64xf32, #tpu.memory_space<vmem>>
      %dma_start3A_988 = tpu.memref_squeeze %dma_start3A_987 : memref<1x100x64xf32, #tpu.memory_space<vmem>> -> memref<100x64xf32, #tpu.memory_space<vmem>>
      %dma_start3A_989 = arith.constant 0 : i32
      %dma_start3A_990 = tpu.memref_slice %arg5[%dma_start3A_983, %add3A_982, %dma_start3A_989] : memref<2x256x100xi32, #tpu.memory_space<vmem>> -> memref<1x1x100xi32, #tpu.memory_space<vmem>>
      %dma_start3A_991 = tpu.memref_squeeze %dma_start3A_990 : memref<1x1x100xi32, #tpu.memory_space<vmem>> -> memref<100xi32, #tpu.memory_space<vmem>>
      %dma_start3A_992 = arith.constant 0 : i32
      %dma_start3A_993 = arith.constant 0 : i32
      %dma_start3A_994 = tpu.memref_slice %arg3[%dma_start3A_992, %dma_start3A_993] : memref<1000000x64xf32, #tpu.memory_space<hbm>> -> memref<1000000x64xf32, #tpu.memory_space<hbm>>
      tpu.enqueue_indirect_dma source(%dma_start3A_994 : memref<1000000x64xf32, #tpu.memory_space<hbm>>) target(%dma_start3A_988 : memref<100x64xf32, #tpu.memory_space<vmem>>) offsets(%dma_start3A_991 : memref<100xi32, #tpu.memory_space<vmem>>) semaphore(%arg10 : memref<!tpu.dma_semaphore, #tpu.memory_space<semaphore_mem>>)
      %mul3A_995 = arith.constant 2 : i32
      %mul3A_996 = arith.muli %mul3A_995, %scan3A_892 : i32
      %add3A_997 = arith.constant 1 : i32
      %add3A_998 = arith.addi %mul3A_996, %add3A_997 : i32
      %dma_wait3A_999 = arith.constant 0 : i32
      %dma_wait3A_1000 = arith.constant 0 : i32
      %dma_wait3A_1001 = arith.constant 2 : i32
      %dma_wait3A_1002 = arith.constant 0 : i32
      %dma_wait3A_1003 = arith.constant 0 : i32
      %dma_wait3A_1004 = tpu.memref_slice %arg6[%dma_wait3A_1001, %dma_wait3A_1002, %dma_wait3A_1003] : memref<4x100x64xf32, #tpu.memory_space<vmem>> -> memref<1x100x64xf32, #tpu.memory_space<vmem>>
      %dma_wait3A_1005 = tpu.memref_squeeze %dma_wait3A_1004 : memref<1x100x64xf32, #tpu.memory_space<vmem>> -> memref<100x64xf32, #tpu.memory_space<vmem>>
      %dma_wait3A_1006 = arith.constant 0 : i32
      %dma_wait3A_1007 = tpu.memref_slice %arg5[%dma_wait3A_999, %dma_wait3A_1000, %dma_wait3A_1006] : memref<2x256x100xi32, #tpu.memory_space<vmem>> -> memref<1x1x100xi32, #tpu.memory_space<vmem>>
      %dma_wait3A_1008 = tpu.memref_squeeze %dma_wait3A_1007 : memref<1x1x100xi32, #tpu.memory_space<vmem>> -> memref<100xi32, #tpu.memory_space<vmem>>
      %dma_wait3A_1009 = arith.constant 0 : i32
      %dma_wait3A_1010 = arith.constant 0 : i32
      %dma_wait3A_1011 = tpu.memref_slice %arg3[%dma_wait3A_1009, %dma_wait3A_1010] : memref<1000000x64xf32, #tpu.memory_space<hbm>> -> memref<1000000x64xf32, #tpu.memory_space<hbm>>
      tpu.wait_indirect_dma semaphore(%arg11 : memref<!tpu.dma_semaphore, #tpu.memory_space<semaphore_mem>>) src(%dma_wait3A_1011 : memref<1000000x64xf32, #tpu.memory_space<hbm>>) dst(%dma_wait3A_1005 : memref<100x64xf32, #tpu.memory_space<vmem>>)
      %dma_wait3A_1012 = arith.constant 0 : i32
      %dma_wait3A_1013 = arith.constant 0 : i32
      %dma_wait3A_1014 = arith.constant 3 : i32
      %dma_wait3A_1015 = arith.constant 0 : i32
      %dma_wait3A_1016 = arith.constant 0 : i32
      %dma_wait3A_1017 = tpu.memref_slice %arg6[%dma_wait3A_1014, %dma_wait3A_1015, %dma_wait3A_1016] : memref<4x100x64xf32, #tpu.memory_space<vmem>> -> memref<1x100x64xf32, #tpu.memory_space<vmem>>
      %dma_wait3A_1018 = tpu.memref_squeeze %dma_wait3A_1017 : memref<1x100x64xf32, #tpu.memory_space<vmem>> -> memref<100x64xf32, #tpu.memory_space<vmem>>
      %dma_wait3A_1019 = arith.constant 0 : i32
      %dma_wait3A_1020 = tpu.memref_slice %arg5[%dma_wait3A_1012, %dma_wait3A_1013, %dma_wait3A_1019] : memref<2x256x100xi32, #tpu.memory_space<vmem>> -> memref<1x1x100xi32, #tpu.memory_space<vmem>>
      %dma_wait3A_1021 = tpu.memref_squeeze %dma_wait3A_1020 : memref<1x1x100xi32, #tpu.memory_space<vmem>> -> memref<100xi32, #tpu.memory_space<vmem>>
      %dma_wait3A_1022 = arith.constant 0 : i32
      %dma_wait3A_1023 = arith.constant 0 : i32
      %dma_wait3A_1024 = tpu.memref_slice %arg3[%dma_wait3A_1022, %dma_wait3A_1023] : memref<1000000x64xf32, #tpu.memory_space<hbm>> -> memref<1000000x64xf32, #tpu.memory_space<hbm>>
      tpu.wait_indirect_dma semaphore(%arg12 : memref<!tpu.dma_semaphore, #tpu.memory_space<semaphore_mem>>) src(%dma_wait3A_1024 : memref<1000000x64xf32, #tpu.memory_space<hbm>>) dst(%dma_wait3A_1018 : memref<100x64xf32, #tpu.memory_space<vmem>>)
      %add3A_1025 = arith.constant 256 : i32
      %add3A_1026 = arith.addi %add3A_1025, %add3A_998 : i32
      %broadcast_in_dim3A_1027 = arith.constant 0.000000e+00 : f32
      %broadcast_in_dim3A_1028 = vector.broadcast %broadcast_in_dim3A_1027 : f32 to vector<16xf32>
      %scan3A_1029 = arith.constant 0 : i32
      %scan3A_1030 = arith.constant 100 : i32
      %scan3A_1031 = arith.addi %scan3A_1029, %scan3A_1030 : i32
      %scan3A_1032 = arith.constant 1 : i32
      %scan3A_1033:4 = scf.for %scan3A_1097 = %scan3A_1029 to %scan3A_1031 step %scan3A_1032 iter_args(%scan3A_1098 = %broadcast_in_dim3A_1028, %scan3A_1099 = %broadcast_in_dim3A_1028, %scan3A_1100 = %broadcast_in_dim3A_1028, %scan3A_1101 = %broadcast_in_dim3A_1028) -> (vector<16xf32>, vector<16xf32>, vector<16xf32>, vector<16xf32>)  : i32 {
        %get3A = arith.constant 2 : i32
        %get3A_1102 = arith.index_cast %get3A : i32 to index
        %get3A_1103 = arith.index_cast %scan3A_1097 : i32 to index
        %get3A_1104 = arith.constant 0 : index
        %get3A_1105 = tpu.vector_load %arg6[%get3A_1102, %get3A_1103, %get3A_1104] {strides = array<i32>} : memref<4x100x64xf32, #tpu.memory_space<vmem>>, vector<1x1x16xf32>,
        %get3A_1106 = vector.shape_cast %get3A_1105 : vector<1x1x16xf32> to vector<16xf32>
        %add3A_1107 = arith.addf %scan3A_1098, %get3A_1106 : vector<16xf32>
        %get3A_1108 = arith.constant 3 : i32
        %get3A_1109 = arith.index_cast %get3A_1108 : i32 to index
        %get3A_1110 = arith.index_cast %scan3A_1097 : i32 to index
        %get3A_1111 = arith.constant 0 : index
        %get3A_1112 = tpu.vector_load %arg6[%get3A_1109, %get3A_1110, %get3A_1111] {strides = array<i32>} : memref<4x100x64xf32, #tpu.memory_space<vmem>>, vector<1x1x16xf32>,
        %get3A_1113 = vector.shape_cast %get3A_1112 : vector<1x1x16xf32> to vector<16xf32>
        %add3A_1114 = arith.addf %add3A_1107, %get3A_1113 : vector<16xf32>
        %get3A_1115 = arith.constant 2 : i32
        %get3A_1116 = arith.index_cast %get3A_1115 : i32 to index
        %get3A_1117 = arith.index_cast %scan3A_1097 : i32 to index
        %get3A_1118 = arith.constant 16 : index
        %get3A_1119 = tpu.vector_load %arg6[%get3A_1116, %get3A_1117, %get3A_1118] {strides = array<i32>} : memref<4x100x64xf32, #tpu.memory_space<vmem>>, vector<1x1x16xf32>,
        %get3A_1120 = vector.shape_cast %get3A_1119 : vector<1x1x16xf32> to vector<16xf32>
        %add3A_1121 = arith.addf %scan3A_1099, %get3A_1120 : vector<16xf32>
        %get3A_1122 = arith.constant 3 : i32
        %get3A_1123 = arith.index_cast %get3A_1122 : i32 to index
        %get3A_1124 = arith.index_cast %scan3A_1097 : i32 to index
        %get3A_1125 = arith.constant 16 : index
        %get3A_1126 = tpu.vector_load %arg6[%get3A_1123, %get3A_1124, %get3A_1125] {strides = array<i32>} : memref<4x100x64xf32, #tpu.memory_space<vmem>>, vector<1x1x16xf32>,
        %get3A_1127 = vector.shape_cast %get3A_1126 : vector<1x1x16xf32> to vector<16xf32>
        %add3A_1128 = arith.addf %add3A_1121, %get3A_1127 : vector<16xf32>
        %get3A_1129 = arith.constant 2 : i32
        %get3A_1130 = arith.index_cast %get3A_1129 : i32 to index
        %get3A_1131 = arith.index_cast %scan3A_1097 : i32 to index
        %get3A_1132 = arith.constant 32 : index
        %get3A_1133 = tpu.vector_load %arg6[%get3A_1130, %get3A_1131, %get3A_1132] {strides = array<i32>} : memref<4x100x64xf32, #tpu.memory_space<vmem>>, vector<1x1x16xf32>,
        %get3A_1134 = vector.shape_cast %get3A_1133 : vector<1x1x16xf32> to vector<16xf32>
        %add3A_1135 = arith.addf %scan3A_1100, %get3A_1134 : vector<16xf32>
        %get3A_1136 = arith.constant 3 : i32
        %get3A_1137 = arith.index_cast %get3A_1136 : i32 to index
        %get3A_1138 = arith.index_cast %scan3A_1097 : i32 to index
        %get3A_1139 = arith.constant 32 : index
        %get3A_1140 = tpu.vector_load %arg6[%get3A_1137, %get3A_1138, %get3A_1139] {strides = array<i32>} : memref<4x100x64xf32, #tpu.memory_space<vmem>>, vector<1x1x16xf32>,
        %get3A_1141 = vector.shape_cast %get3A_1140 : vector<1x1x16xf32> to vector<16xf32>
        %add3A_1142 = arith.addf %add3A_1135, %get3A_1141 : vector<16xf32>
        %get3A_1143 = arith.constant 2 : i32
        %get3A_1144 = arith.index_cast %get3A_1143 : i32 to index
        %get3A_1145 = arith.index_cast %scan3A_1097 : i32 to index
        %get3A_1146 = arith.constant 48 : index
        %get3A_1147 = tpu.vector_load %arg6[%get3A_1144, %get3A_1145, %get3A_1146] {strides = array<i32>} : memref<4x100x64xf32, #tpu.memory_space<vmem>>, vector<1x1x16xf32>,
        %get3A_1148 = vector.shape_cast %get3A_1147 : vector<1x1x16xf32> to vector<16xf32>
        %add3A_1149 = arith.addf %scan3A_1101, %get3A_1148 : vector<16xf32>
        %get3A_1150 = arith.constant 3 : i32
        %get3A_1151 = arith.index_cast %get3A_1150 : i32 to index
        %get3A_1152 = arith.index_cast %scan3A_1097 : i32 to index
        %get3A_1153 = arith.constant 48 : index
        %get3A_1154 = tpu.vector_load %arg6[%get3A_1151, %get3A_1152, %get3A_1153] {strides = array<i32>} : memref<4x100x64xf32, #tpu.memory_space<vmem>>, vector<1x1x16xf32>,
        %get3A_1155 = vector.shape_cast %get3A_1154 : vector<1x1x16xf32> to vector<16xf32>
        %add3A_1156 = arith.addf %add3A_1149, %get3A_1155 : vector<16xf32>
        scf.yield %add3A_1114, %add3A_1128, %add3A_1142, %add3A_1156 : vector<16xf32>, vector<16xf32>, vector<16xf32>, vector<16xf32>
      }
      %scan3A_1034 = arith.constant 100 : i32
      %mul3A_1035 = vector.broadcast %scan3A_532 : f32 to vector<16xf32>
      %mul3A_1036 = arith.mulf %scan3A_1033#0, %mul3A_1035 : vector<16xf32>
      %swap3A_1037 = arith.index_cast %add3A_1026 : i32 to index
      %swap3A_1038 = arith.constant 0 : index
      %swap3A_1039 = tpu.vector_load %arg7[%swap3A_1037, %swap3A_1038] {strides = array<i32>} : memref<512x64xf32, #tpu.memory_space<vmem>>, vector<1x16xf32>,
      %swap3A_1040 = vector.shape_cast %swap3A_1039 : vector<1x16xf32> to vector<16xf32>
      %swap3A_1041 = vector.shape_cast %mul3A_1036 : vector<16xf32> to vector<1x16xf32>
      tpu.vector_store %arg7[%swap3A_1037, %swap3A_1038], %swap3A_1041 {strides = array<i32>} : memref<512x64xf32, #tpu.memory_space<vmem>>, vector<1x16xf32>,
      %mul3A_1042 = vector.broadcast %scan3A_532 : f32 to vector<16xf32>
      %mul3A_1043 = arith.mulf %scan3A_1033#1, %mul3A_1042 : vector<16xf32>
      %swap3A_1044 = arith.index_cast %add3A_1026 : i32 to index
      %swap3A_1045 = arith.constant 16 : index
      %swap3A_1046 = tpu.vector_load %arg7[%swap3A_1044, %swap3A_1045] {strides = array<i32>} : memref<512x64xf32, #tpu.memory_space<vmem>>, vector<1x16xf32>,
      %swap3A_1047 = vector.shape_cast %swap3A_1046 : vector<1x16xf32> to vector<16xf32>
      %swap3A_1048 = vector.shape_cast %mul3A_1043 : vector<16xf32> to vector<1x16xf32>
      tpu.vector_store %arg7[%swap3A_1044, %swap3A_1045], %swap3A_1048 {strides = array<i32>} : memref<512x64xf32, #tpu.memory_space<vmem>>, vector<1x16xf32>,
      %mul3A_1049 = vector.broadcast %scan3A_532 : f32 to vector<16xf32>
      %mul3A_1050 = arith.mulf %scan3A_1033#2, %mul3A_1049 : vector<16xf32>
      %swap3A_1051 = arith.index_cast %add3A_1026 : i32 to index
      %swap3A_1052 = arith.constant 32 : index
      %swap3A_1053 = tpu.vector_load %arg7[%swap3A_1051, %swap3A_1052] {strides = array<i32>} : memref<512x64xf32, #tpu.memory_space<vmem>>, vector<1x16xf32>,
      %swap3A_1054 = vector.shape_cast %swap3A_1053 : vector<1x16xf32> to vector<16xf32>
      %swap3A_1055 = vector.shape_cast %mul3A_1050 : vector<16xf32> to vector<1x16xf32>
      tpu.vector_store %arg7[%swap3A_1051, %swap3A_1052], %swap3A_1055 {strides = array<i32>} : memref<512x64xf32, #tpu.memory_space<vmem>>, vector<1x16xf32>,
      %mul3A_1056 = vector.broadcast %scan3A_532 : f32 to vector<16xf32>
      %mul3A_1057 = arith.mulf %scan3A_1033#3, %mul3A_1056 : vector<16xf32>
      %swap3A_1058 = arith.index_cast %add3A_1026 : i32 to index
      %swap3A_1059 = arith.constant 48 : index
      %swap3A_1060 = tpu.vector_load %arg7[%swap3A_1058, %swap3A_1059] {strides = array<i32>} : memref<512x64xf32, #tpu.memory_space<vmem>>, vector<1x16xf32>,
      %swap3A_1061 = vector.shape_cast %swap3A_1060 : vector<1x16xf32> to vector<16xf32>
      %swap3A_1062 = vector.shape_cast %mul3A_1057 : vector<16xf32> to vector<1x16xf32>
      tpu.vector_store %arg7[%swap3A_1058, %swap3A_1059], %swap3A_1062 {strides = array<i32>} : memref<512x64xf32, #tpu.memory_space<vmem>>, vector<1x16xf32>,
      %add3A_1063 = arith.constant 2 : i32
      %add3A_1064 = arith.addi %add3A_998, %add3A_1063 : i32
      %mul3A_1065 = arith.constant 2 : i32
      %mul3A_1066 = arith.muli %mul3A_1065, %add3A_1064 : i32
      %dma_start3A_1067 = arith.constant 0 : i32
      %dma_start3A_1068 = arith.constant 2 : i32
      %dma_start3A_1069 = arith.constant 0 : i32
      %dma_start3A_1070 = arith.constant 0 : i32
      %dma_start3A_1071 = tpu.memref_slice %arg6[%dma_start3A_1068, %dma_start3A_1069, %dma_start3A_1070] : memref<4x100x64xf32, #tpu.memory_space<vmem>> -> memref<1x100x64xf32, #tpu.memory_space<vmem>>
      %dma_start3A_1072 = tpu.memref_squeeze %dma_start3A_1071 : memref<1x100x64xf32, #tpu.memory_space<vmem>> -> memref<100x64xf32, #tpu.memory_space<vmem>>
      %dma_start3A_1073 = arith.constant 0 : i32
      %dma_start3A_1074 = tpu.memref_slice %arg5[%dma_start3A_1067, %mul3A_1066, %dma_start3A_1073] : memref<2x256x100xi32, #tpu.memory_space<vmem>> -> memref<1x1x100xi32, #tpu.memory_space<vmem>>
      %dma_start3A_1075 = tpu.memref_squeeze %dma_start3A_1074 : memref<1x1x100xi32, #tpu.memory_space<vmem>> -> memref<100xi32, #tpu.memory_space<vmem>>
      %dma_start3A_1076 = arith.constant 0 : i32
      %dma_start3A_1077 = arith.constant 0 : i32
      %dma_start3A_1078 = tpu.memref_slice %arg3[%dma_start3A_1076, %dma_start3A_1077] : memref<1000000x64xf32, #tpu.memory_space<hbm>> -> memref<1000000x64xf32, #tpu.memory_space<hbm>>
      tpu.enqueue_indirect_dma source(%dma_start3A_1078 : memref<1000000x64xf32, #tpu.memory_space<hbm>>) target(%dma_start3A_1072 : memref<100x64xf32, #tpu.memory_space<vmem>>) offsets(%dma_start3A_1075 : memref<100xi32, #tpu.memory_space<vmem>>) semaphore(%arg11 : memref<!tpu.dma_semaphore, #tpu.memory_space<semaphore_mem>>)
      %add3A_1079 = arith.constant 2 : i32
      %add3A_1080 = arith.addi %add3A_998, %add3A_1079 : i32
      %mul3A_1081 = arith.constant 2 : i32
      %mul3A_1082 = arith.muli %mul3A_1081, %add3A_1080 : i32
      %add3A_1083 = arith.constant 1 : i32
      %add3A_1084 = arith.addi %mul3A_1082, %add3A_1083 : i32
      %dma_start3A_1085 = arith.constant 0 : i32
      %dma_start3A_1086 = arith.constant 3 : i32
      %dma_start3A_1087 = arith.constant 0 : i32
      %dma_start3A_1088 = arith.constant 0 : i32
      %dma_start3A_1089 = tpu.memref_slice %arg6[%dma_start3A_1086, %dma_start3A_1087, %dma_start3A_1088] : memref<4x100x64xf32, #tpu.memory_space<vmem>> -> memref<1x100x64xf32, #tpu.memory_space<vmem>>
      %dma_start3A_1090 = tpu.memref_squeeze %dma_start3A_1089 : memref<1x100x64xf32, #tpu.memory_space<vmem>> -> memref<100x64xf32, #tpu.memory_space<vmem>>
      %dma_start3A_1091 = arith.constant 0 : i32
      %dma_start3A_1092 = tpu.memref_slice %arg5[%dma_start3A_1085, %add3A_1084, %dma_start3A_1091] : memref<2x256x100xi32, #tpu.memory_space<vmem>> -> memref<1x1x100xi32, #tpu.memory_space<vmem>>
      %dma_start3A_1093 = tpu.memref_squeeze %dma_start3A_1092 : memref<1x1x100xi32, #tpu.memory_space<vmem>> -> memref<100xi32, #tpu.memory_space<vmem>>
      %dma_start3A_1094 = arith.constant 0 : i32
      %dma_start3A_1095 = arith.constant 0 : i32
      %dma_start3A_1096 = tpu.memref_slice %arg3[%dma_start3A_1094, %dma_start3A_1095] : memref<1000000x64xf32, #tpu.memory_space<hbm>> -> memref<1000000x64xf32, #tpu.memory_space<hbm>>
      tpu.enqueue_indirect_dma source(%dma_start3A_1096 : memref<1000000x64xf32, #tpu.memory_space<hbm>>) target(%dma_start3A_1090 : memref<100x64xf32, #tpu.memory_space<vmem>>) offsets(%dma_start3A_1093 : memref<100xi32, #tpu.memory_space<vmem>>) semaphore(%arg12 : memref<!tpu.dma_semaphore, #tpu.memory_space<semaphore_mem>>)
    }
    %scan3A_537 = arith.constant 63 : i32
    %dma_wait3A_538 = arith.constant 0 : i32
    %dma_wait3A_539 = arith.constant 0 : i32
    %dma_wait3A_540 = arith.constant 0 : i32
    %dma_wait3A_541 = arith.constant 0 : i32
    %dma_wait3A_542 = arith.constant 0 : i32
    %dma_wait3A_543 = tpu.memref_slice %arg6[%dma_wait3A_540, %dma_wait3A_541, %dma_wait3A_542] : memref<4x100x64xf32, #tpu.memory_space<vmem>> -> memref<1x100x64xf32, #tpu.memory_space<vmem>>
    %dma_wait3A_544 = tpu.memref_squeeze %dma_wait3A_543 : memref<1x100x64xf32, #tpu.memory_space<vmem>> -> memref<100x64xf32, #tpu.memory_space<vmem>>
    %dma_wait3A_545 = arith.constant 0 : i32
    %dma_wait3A_546 = tpu.memref_slice %arg5[%dma_wait3A_538, %dma_wait3A_539, %dma_wait3A_545] : memref<2x256x100xi32, #tpu.memory_space<vmem>> -> memref<1x1x100xi32, #tpu.memory_space<vmem>>
    %dma_wait3A_547 = tpu.memref_squeeze %dma_wait3A_546 : memref<1x1x100xi32, #tpu.memory_space<vmem>> -> memref<100xi32, #tpu.memory_space<vmem>>
    %dma_wait3A_548 = arith.constant 0 : i32
    %dma_wait3A_549 = arith.constant 0 : i32
    %dma_wait3A_550 = tpu.memref_slice %arg3[%dma_wait3A_548, %dma_wait3A_549] : memref<1000000x64xf32, #tpu.memory_space<hbm>> -> memref<1000000x64xf32, #tpu.memory_space<hbm>>
    tpu.wait_indirect_dma semaphore(%arg9 : memref<!tpu.dma_semaphore, #tpu.memory_space<semaphore_mem>>) src(%dma_wait3A_550 : memref<1000000x64xf32, #tpu.memory_space<hbm>>) dst(%dma_wait3A_544 : memref<100x64xf32, #tpu.memory_space<vmem>>)
    %dma_wait3A_551 = arith.constant 0 : i32
    %dma_wait3A_552 = arith.constant 0 : i32
    %dma_wait3A_553 = arith.constant 1 : i32
    %dma_wait3A_554 = arith.constant 0 : i32
    %dma_wait3A_555 = arith.constant 0 : i32
    %dma_wait3A_556 = tpu.memref_slice %arg6[%dma_wait3A_553, %dma_wait3A_554, %dma_wait3A_555] : memref<4x100x64xf32, #tpu.memory_space<vmem>> -> memref<1x100x64xf32, #tpu.memory_space<vmem>>
    %dma_wait3A_557 = tpu.memref_squeeze %dma_wait3A_556 : memref<1x100x64xf32, #tpu.memory_space<vmem>> -> memref<100x64xf32, #tpu.memory_space<vmem>>
    %dma_wait3A_558 = arith.constant 0 : i32
    %dma_wait3A_559 = tpu.memref_slice %arg5[%dma_wait3A_551, %dma_wait3A_552, %dma_wait3A_558] : memref<2x256x100xi32, #tpu.memory_space<vmem>> -> memref<1x1x100xi32, #tpu.memory_space<vmem>>
    %dma_wait3A_560 = tpu.memref_squeeze %dma_wait3A_559 : memref<1x1x100xi32, #tpu.memory_space<vmem>> -> memref<100xi32, #tpu.memory_space<vmem>>
    %dma_wait3A_561 = arith.constant 0 : i32
    %dma_wait3A_562 = arith.constant 0 : i32
    %dma_wait3A_563 = tpu.memref_slice %arg3[%dma_wait3A_561, %dma_wait3A_562] : memref<1000000x64xf32, #tpu.memory_space<hbm>> -> memref<1000000x64xf32, #tpu.memory_space<hbm>>
    tpu.wait_indirect_dma semaphore(%arg10 : memref<!tpu.dma_semaphore, #tpu.memory_space<semaphore_mem>>) src(%dma_wait3A_563 : memref<1000000x64xf32, #tpu.memory_space<hbm>>) dst(%dma_wait3A_557 : memref<100x64xf32, #tpu.memory_space<vmem>>)
    %broadcast_in_dim3A_564 = arith.constant 0.000000e+00 : f32
    %broadcast_in_dim3A_565 = vector.broadcast %broadcast_in_dim3A_564 : f32 to vector<16xf32>
    %scan3A_566 = arith.constant 0 : i32
    %scan3A_567 = arith.constant 100 : i32
    %scan3A_568 = arith.addi %scan3A_566, %scan3A_567 : i32
    %scan3A_569 = arith.constant 1 : i32
    %scan3A_570:4 = scf.for %scan3A_892 = %scan3A_566 to %scan3A_568 step %scan3A_569 iter_args(%scan3A_893 = %broadcast_in_dim3A_565, %scan3A_894 = %broadcast_in_dim3A_565, %scan3A_895 = %broadcast_in_dim3A_565, %scan3A_896 = %broadcast_in_dim3A_565) -> (vector<16xf32>, vector<16xf32>, vector<16xf32>, vector<16xf32>)  : i32 {
      %get3A = arith.constant 0 : i32
      %get3A_897 = arith.index_cast %get3A : i32 to index
      %get3A_898 = arith.index_cast %scan3A_892 : i32 to index
      %get3A_899 = arith.constant 0 : index
      %get3A_900 = tpu.vector_load %arg6[%get3A_897, %get3A_898, %get3A_899] {strides = array<i32>} : memref<4x100x64xf32, #tpu.memory_space<vmem>>, vector<1x1x16xf32>,
      %get3A_901 = vector.shape_cast %get3A_900 : vector<1x1x16xf32> to vector<16xf32>
      %add3A_902 = arith.addf %scan3A_893, %get3A_901 : vector<16xf32>
      %get3A_903 = arith.constant 1 : i32
      %get3A_904 = arith.index_cast %get3A_903 : i32 to index
      %get3A_905 = arith.index_cast %scan3A_892 : i32 to index
      %get3A_906 = arith.constant 0 : index
      %get3A_907 = tpu.vector_load %arg6[%get3A_904, %get3A_905, %get3A_906] {strides = array<i32>} : memref<4x100x64xf32, #tpu.memory_space<vmem>>, vector<1x1x16xf32>,
      %get3A_908 = vector.shape_cast %get3A_907 : vector<1x1x16xf32> to vector<16xf32>
      %add3A_909 = arith.addf %add3A_902, %get3A_908 : vector<16xf32>
      %get3A_910 = arith.constant 0 : i32
      %get3A_911 = arith.index_cast %get3A_910 : i32 to index
      %get3A_912 = arith.index_cast %scan3A_892 : i32 to index
      %get3A_913 = arith.constant 16 : index
      %get3A_914 = tpu.vector_load %arg6[%get3A_911, %get3A_912, %get3A_913] {strides = array<i32>} : memref<4x100x64xf32, #tpu.memory_space<vmem>>, vector<1x1x16xf32>,
      %get3A_915 = vector.shape_cast %get3A_914 : vector<1x1x16xf32> to vector<16xf32>
      %add3A_916 = arith.addf %scan3A_894, %get3A_915 : vector<16xf32>
      %get3A_917 = arith.constant 1 : i32
      %get3A_918 = arith.index_cast %get3A_917 : i32 to index
      %get3A_919 = arith.index_cast %scan3A_892 : i32 to index
      %get3A_920 = arith.constant 16 : index
      %get3A_921 = tpu.vector_load %arg6[%get3A_918, %get3A_919, %get3A_920] {strides = array<i32>} : memref<4x100x64xf32, #tpu.memory_space<vmem>>, vector<1x1x16xf32>,
      %get3A_922 = vector.shape_cast %get3A_921 : vector<1x1x16xf32> to vector<16xf32>
      %add3A_923 = arith.addf %add3A_916, %get3A_922 : vector<16xf32>
      %get3A_924 = arith.constant 0 : i32
      %get3A_925 = arith.index_cast %get3A_924 : i32 to index
      %get3A_926 = arith.index_cast %scan3A_892 : i32 to index
      %get3A_927 = arith.constant 32 : index
      %get3A_928 = tpu.vector_load %arg6[%get3A_925, %get3A_926, %get3A_927] {strides = array<i32>} : memref<4x100x64xf32, #tpu.memory_space<vmem>>, vector<1x1x16xf32>,
      %get3A_929 = vector.shape_cast %get3A_928 : vector<1x1x16xf32> to vector<16xf32>
      %add3A_930 = arith.addf %scan3A_895, %get3A_929 : vector<16xf32>
      %get3A_931 = arith.constant 1 : i32
      %get3A_932 = arith.index_cast %get3A_931 : i32 to index
      %get3A_933 = arith.index_cast %scan3A_892 : i32 to index
      %get3A_934 = arith.constant 32 : index
      %get3A_935 = tpu.vector_load %arg6[%get3A_932, %get3A_933, %get3A_934] {strides = array<i32>} : memref<4x100x64xf32, #tpu.memory_space<vmem>>, vector<1x1x16xf32>,
      %get3A_936 = vector.shape_cast %get3A_935 : vector<1x1x16xf32> to vector<16xf32>
      %add3A_937 = arith.addf %add3A_930, %get3A_936 : vector<16xf32>
      %get3A_938 = arith.constant 0 : i32
      %get3A_939 = arith.index_cast %get3A_938 : i32 to index
      %get3A_940 = arith.index_cast %scan3A_892 : i32 to index
      %get3A_941 = arith.constant 48 : index
      %get3A_942 = tpu.vector_load %arg6[%get3A_939, %get3A_940, %get3A_941] {strides = array<i32>} : memref<4x100x64xf32, #tpu.memory_space<vmem>>, vector<1x1x16xf32>,
      %get3A_943 = vector.shape_cast %get3A_942 : vector<1x1x16xf32> to vector<16xf32>
      %add3A_944 = arith.addf %scan3A_896, %get3A_943 : vector<16xf32>
      %get3A_945 = arith.constant 1 : i32
      %get3A_946 = arith.index_cast %get3A_945 : i32 to index
      %get3A_947 = arith.index_cast %scan3A_892 : i32 to index
      %get3A_948 = arith.constant 48 : index
      %get3A_949 = tpu.vector_load %arg6[%get3A_946, %get3A_947, %get3A_948] {strides = array<i32>} : memref<4x100x64xf32, #tpu.memory_space<vmem>>, vector<1x1x16xf32>,
      %get3A_950 = vector.shape_cast %get3A_949 : vector<1x1x16xf32> to vector<16xf32>
      %add3A_951 = arith.addf %add3A_944, %get3A_950 : vector<16xf32>
      scf.yield %add3A_909, %add3A_923, %add3A_937, %add3A_951 : vector<16xf32>, vector<16xf32>, vector<16xf32>, vector<16xf32>
    }
    %scan3A_571 = arith.constant 100 : i32
    %mul3A_572 = arith.constant 5.000000e-03 : f32
    %mul3A_573 = vector.broadcast %mul3A_572 : f32 to vector<16xf32>
    %mul3A_574 = arith.mulf %scan3A_570#0, %mul3A_573 : vector<16xf32>
    %swap3A_575 = arith.constant 382 : i32
    %swap3A_576 = arith.index_cast %swap3A_575 : i32 to index
    %swap3A_577 = arith.constant 0 : index
    %swap3A_578 = tpu.vector_load %arg7[%swap3A_576, %swap3A_577] {strides = array<i32>} : memref<512x64xf32, #tpu.memory_space<vmem>>, vector<1x16xf32>,
    %swap3A_579 = vector.shape_cast %swap3A_578 : vector<1x16xf32> to vector<16xf32>
    %swap3A_580 = vector.shape_cast %mul3A_574 : vector<16xf32> to vector<1x16xf32>
    tpu.vector_store %arg7[%swap3A_576, %swap3A_577], %swap3A_580 {strides = array<i32>} : memref<512x64xf32, #tpu.memory_space<vmem>>, vector<1x16xf32>,
    %mul3A_581 = arith.constant 5.000000e-03 : f32
    %mul3A_582 = vector.broadcast %mul3A_581 : f32 to vector<16xf32>
    %mul3A_583 = arith.mulf %scan3A_570#1, %mul3A_582 : vector<16xf32>
    %swap3A_584 = arith.constant 382 : i32
    %swap3A_585 = arith.index_cast %swap3A_584 : i32 to index
    %swap3A_586 = arith.constant 16 : index
    %swap3A_587 = tpu.vector_load %arg7[%swap3A_585, %swap3A_586] {strides = array<i32>} : memref<512x64xf32, #tpu.memory_space<vmem>>, vector<1x16xf32>,
    %swap3A_588 = vector.shape_cast %swap3A_587 : vector<1x16xf32> to vector<16xf32>
    %swap3A_589 = vector.shape_cast %mul3A_583 : vector<16xf32> to vector<1x16xf32>
    tpu.vector_store %arg7[%swap3A_585, %swap3A_586], %swap3A_589 {strides = array<i32>} : memref<512x64xf32, #tpu.memory_space<vmem>>, vector<1x16xf32>,
    %mul3A_590 = arith.constant 5.000000e-03 : f32
    %mul3A_591 = vector.broadcast %mul3A_590 : f32 to vector<16xf32>
    %mul3A_592 = arith.mulf %scan3A_570#2, %mul3A_591 : vector<16xf32>
    %swap3A_593 = arith.constant 382 : i32
    %swap3A_594 = arith.index_cast %swap3A_593 : i32 to index
    %swap3A_595 = arith.constant 32 : index
    %swap3A_596 = tpu.vector_load %arg7[%swap3A_594, %swap3A_595] {strides = array<i32>} : memref<512x64xf32, #tpu.memory_space<vmem>>, vector<1x16xf32>,
    %swap3A_597 = vector.shape_cast %swap3A_596 : vector<1x16xf32> to vector<16xf32>
    %swap3A_598 = vector.shape_cast %mul3A_592 : vector<16xf32> to vector<1x16xf32>
    tpu.vector_store %arg7[%swap3A_594, %swap3A_595], %swap3A_598 {strides = array<i32>} : memref<512x64xf32, #tpu.memory_space<vmem>>, vector<1x16xf32>,
    %mul3A_599 = arith.constant 5.000000e-03 : f32
    %mul3A_600 = vector.broadcast %mul3A_599 : f32 to vector<16xf32>
    %mul3A_601 = arith.mulf %scan3A_570#3, %mul3A_600 : vector<16xf32>
    %swap3A_602 = arith.constant 382 : i32
    %swap3A_603 = arith.index_cast %swap3A_602 : i32 to index
    %swap3A_604 = arith.constant 48 : index
    %swap3A_605 = tpu.vector_load %arg7[%swap3A_603, %swap3A_604] {strides = array<i32>} : memref<512x64xf32, #tpu.memory_space<vmem>>, vector<1x16xf32>,
    %swap3A_606 = vector.shape_cast %swap3A_605 : vector<1x16xf32> to vector<16xf32>
    %swap3A_607 = vector.shape_cast %mul3A_601 : vector<16xf32> to vector<1x16xf32>
    tpu.vector_store %arg7[%swap3A_603, %swap3A_604], %swap3A_607 {strides = array<i32>} : memref<512x64xf32, #tpu.memory_space<vmem>>, vector<1x16xf32>,
    %dma_wait3A_608 = arith.constant 0 : i32
    %dma_wait3A_609 = arith.constant 0 : i32
    %dma_wait3A_610 = arith.constant 2 : i32
    %dma_wait3A_611 = arith.constant 0 : i32
    %dma_wait3A_612 = arith.constant 0 : i32
    %dma_wait3A_613 = tpu.memref_slice %arg6[%dma_wait3A_610, %dma_wait3A_611, %dma_wait3A_612] : memref<4x100x64xf32, #tpu.memory_space<vmem>> -> memref<1x100x64xf32, #tpu.memory_space<vmem>>
    %dma_wait3A_614 = tpu.memref_squeeze %dma_wait3A_613 : memref<1x100x64xf32, #tpu.memory_space<vmem>> -> memref<100x64xf32, #tpu.memory_space<vmem>>
    %dma_wait3A_615 = arith.constant 0 : i32
    %dma_wait3A_616 = tpu.memref_slice %arg5[%dma_wait3A_608, %dma_wait3A_609, %dma_wait3A_615] : memref<2x256x100xi32, #tpu.memory_space<vmem>> -> memref<1x1x100xi32, #tpu.memory_space<vmem>>
    %dma_wait3A_617 = tpu.memref_squeeze %dma_wait3A_616 : memref<1x1x100xi32, #tpu.memory_space<vmem>> -> memref<100xi32, #tpu.memory_space<vmem>>
    %dma_wait3A_618 = arith.constant 0 : i32
    %dma_wait3A_619 = arith.constant 0 : i32
    %dma_wait3A_620 = tpu.memref_slice %arg3[%dma_wait3A_618, %dma_wait3A_619] : memref<1000000x64xf32, #tpu.memory_space<hbm>> -> memref<1000000x64xf32, #tpu.memory_space<hbm>>
    tpu.wait_indirect_dma semaphore(%arg11 : memref<!tpu.dma_semaphore, #tpu.memory_space<semaphore_mem>>) src(%dma_wait3A_620 : memref<1000000x64xf32, #tpu.memory_space<hbm>>) dst(%dma_wait3A_614 : memref<100x64xf32, #tpu.memory_space<vmem>>)
    %dma_wait3A_621 = arith.constant 0 : i32
    %dma_wait3A_622 = arith.constant 0 : i32
    %dma_wait3A_623 = arith.constant 3 : i32
    %dma_wait3A_624 = arith.constant 0 : i32
    %dma_wait3A_625 = arith.constant 0 : i32
    %dma_wait3A_626 = tpu.memref_slice %arg6[%dma_wait3A_623, %dma_wait3A_624, %dma_wait3A_625] : memref<4x100x64xf32, #tpu.memory_space<vmem>> -> memref<1x100x64xf32, #tpu.memory_space<vmem>>
    %dma_wait3A_627 = tpu.memref_squeeze %dma_wait3A_626 : memref<1x100x64xf32, #tpu.memory_space<vmem>> -> memref<100x64xf32, #tpu.memory_space<vmem>>
    %dma_wait3A_628 = arith.constant 0 : i32
    %dma_wait3A_629 = tpu.memref_slice %arg5[%dma_wait3A_621, %dma_wait3A_622, %dma_wait3A_628] : memref<2x256x100xi32, #tpu.memory_space<vmem>> -> memref<1x1x100xi32, #tpu.memory_space<vmem>>
    %dma_wait3A_630 = tpu.memref_squeeze %dma_wait3A_629 : memref<1x1x100xi32, #tpu.memory_space<vmem>> -> memref<100xi32, #tpu.memory_space<vmem>>
    %dma_wait3A_631 = arith.constant 0 : i32
    %dma_wait3A_632 = arith.constant 0 : i32
    %dma_wait3A_633 = tpu.memref_slice %arg3[%dma_wait3A_631, %dma_wait3A_632] : memref<1000000x64xf32, #tpu.memory_space<hbm>> -> memref<1000000x64xf32, #tpu.memory_space<hbm>>
    tpu.wait_indirect_dma semaphore(%arg12 : memref<!tpu.dma_semaphore, #tpu.memory_space<semaphore_mem>>) src(%dma_wait3A_633 : memref<1000000x64xf32, #tpu.memory_space<hbm>>) dst(%dma_wait3A_627 : memref<100x64xf32, #tpu.memory_space<vmem>>)
    %broadcast_in_dim3A_634 = arith.constant 0.000000e+00 : f32
    %broadcast_in_dim3A_635 = vector.broadcast %broadcast_in_dim3A_634 : f32 to vector<16xf32>
    %scan3A_636 = arith.constant 0 : i32
    %scan3A_637 = arith.constant 100 : i32
    %scan3A_638 = arith.addi %scan3A_636, %scan3A_637 : i32
    %scan3A_639 = arith.constant 1 : i32
    %scan3A_640:4 = scf.for %scan3A_892 = %scan3A_636 to %scan3A_638 step %scan3A_639 iter_args(%scan3A_893 = %broadcast_in_dim3A_635, %scan3A_894 = %broadcast_in_dim3A_635, %scan3A_895 = %broadcast_in_dim3A_635, %scan3A_896 = %broadcast_in_dim3A_635) -> (vector<16xf32>, vector<16xf32>, vector<16xf32>, vector<16xf32>)  : i32 {
      %get3A = arith.constant 2 : i32
      %get3A_897 = arith.index_cast %get3A : i32 to index
      %get3A_898 = arith.index_cast %scan3A_892 : i32 to index
      %get3A_899 = arith.constant 0 : index
      %get3A_900 = tpu.vector_load %arg6[%get3A_897, %get3A_898, %get3A_899] {strides = array<i32>} : memref<4x100x64xf32, #tpu.memory_space<vmem>>, vector<1x1x16xf32>,
      %get3A_901 = vector.shape_cast %get3A_900 : vector<1x1x16xf32> to vector<16xf32>
      %add3A_902 = arith.addf %scan3A_893, %get3A_901 : vector<16xf32>
      %get3A_903 = arith.constant 3 : i32
      %get3A_904 = arith.index_cast %get3A_903 : i32 to index
      %get3A_905 = arith.index_cast %scan3A_892 : i32 to index
      %get3A_906 = arith.constant 0 : index
      %get3A_907 = tpu.vector_load %arg6[%get3A_904, %get3A_905, %get3A_906] {strides = array<i32>} : memref<4x100x64xf32, #tpu.memory_space<vmem>>, vector<1x1x16xf32>,
      %get3A_908 = vector.shape_cast %get3A_907 : vector<1x1x16xf32> to vector<16xf32>
      %add3A_909 = arith.addf %add3A_902, %get3A_908 : vector<16xf32>
      %get3A_910 = arith.constant 2 : i32
      %get3A_911 = arith.index_cast %get3A_910 : i32 to index
      %get3A_912 = arith.index_cast %scan3A_892 : i32 to index
      %get3A_913 = arith.constant 16 : index
      %get3A_914 = tpu.vector_load %arg6[%get3A_911, %get3A_912, %get3A_913] {strides = array<i32>} : memref<4x100x64xf32, #tpu.memory_space<vmem>>, vector<1x1x16xf32>,
      %get3A_915 = vector.shape_cast %get3A_914 : vector<1x1x16xf32> to vector<16xf32>
      %add3A_916 = arith.addf %scan3A_894, %get3A_915 : vector<16xf32>
      %get3A_917 = arith.constant 3 : i32
      %get3A_918 = arith.index_cast %get3A_917 : i32 to index
      %get3A_919 = arith.index_cast %scan3A_892 : i32 to index
      %get3A_920 = arith.constant 16 : index
      %get3A_921 = tpu.vector_load %arg6[%get3A_918, %get3A_919, %get3A_920] {strides = array<i32>} : memref<4x100x64xf32, #tpu.memory_space<vmem>>, vector<1x1x16xf32>,
      %get3A_922 = vector.shape_cast %get3A_921 : vector<1x1x16xf32> to vector<16xf32>
      %add3A_923 = arith.addf %add3A_916, %get3A_922 : vector<16xf32>
      %get3A_924 = arith.constant 2 : i32
      %get3A_925 = arith.index_cast %get3A_924 : i32 to index
      %get3A_926 = arith.index_cast %scan3A_892 : i32 to index
      %get3A_927 = arith.constant 32 : index
      %get3A_928 = tpu.vector_load %arg6[%get3A_925, %get3A_926, %get3A_927] {strides = array<i32>} : memref<4x100x64xf32, #tpu.memory_space<vmem>>, vector<1x1x16xf32>,
      %get3A_929 = vector.shape_cast %get3A_928 : vector<1x1x16xf32> to vector<16xf32>
      %add3A_930 = arith.addf %scan3A_895, %get3A_929 : vector<16xf32>
      %get3A_931 = arith.constant 3 : i32
      %get3A_932 = arith.index_cast %get3A_931 : i32 to index
      %get3A_933 = arith.index_cast %scan3A_892 : i32 to index
      %get3A_934 = arith.constant 32 : index
      %get3A_935 = tpu.vector_load %arg6[%get3A_932, %get3A_933, %get3A_934] {strides = array<i32>} : memref<4x100x64xf32, #tpu.memory_space<vmem>>, vector<1x1x16xf32>,
      %get3A_936 = vector.shape_cast %get3A_935 : vector<1x1x16xf32> to vector<16xf32>
      %add3A_937 = arith.addf %add3A_930, %get3A_936 : vector<16xf32>
      %get3A_938 = arith.constant 2 : i32
      %get3A_939 = arith.index_cast %get3A_938 : i32 to index
      %get3A_940 = arith.index_cast %scan3A_892 : i32 to index
      %get3A_941 = arith.constant 48 : index
      %get3A_942 = tpu.vector_load %arg6[%get3A_939, %get3A_940, %get3A_941] {strides = array<i32>} : memref<4x100x64xf32, #tpu.memory_space<vmem>>, vector<1x1x16xf32>,
      %get3A_943 = vector.shape_cast %get3A_942 : vector<1x1x16xf32> to vector<16xf32>
      %add3A_944 = arith.addf %scan3A_896, %get3A_943 : vector<16xf32>
      %get3A_945 = arith.constant 3 : i32
      %get3A_946 = arith.index_cast %get3A_945 : i32 to index
      %get3A_947 = arith.index_cast %scan3A_892 : i32 to index
      %get3A_948 = arith.constant 48 : index
      %get3A_949 = tpu.vector_load %arg6[%get3A_946, %get3A_947, %get3A_948] {strides = array<i32>} : memref<4x100x64xf32, #tpu.memory_space<vmem>>, vector<1x1x16xf32>,
      %get3A_950 = vector.shape_cast %get3A_949 : vector<1x1x16xf32> to vector<16xf32>
      %add3A_951 = arith.addf %add3A_944, %get3A_950 : vector<16xf32>
      scf.yield %add3A_909, %add3A_923, %add3A_937, %add3A_951 : vector<16xf32>, vector<16xf32>, vector<16xf32>, vector<16xf32>
    }
    %scan3A_641 = arith.constant 100 : i32
    %mul3A_642 = arith.constant 5.000000e-03 : f32
    %mul3A_643 = vector.broadcast %mul3A_642 : f32 to vector<16xf32>
    %mul3A_644 = arith.mulf %scan3A_640#0, %mul3A_643 : vector<16xf32>
    %swap3A_645 = arith.constant 383 : i32
    %swap3A_646 = arith.index_cast %swap3A_645 : i32 to index
    %swap3A_647 = arith.constant 0 : index
    %swap3A_648 = tpu.vector_load %arg7[%swap3A_646, %swap3A_647] {strides = array<i32>} : memref<512x64xf32, #tpu.memory_space<vmem>>, vector<1x16xf32>,
    %swap3A_649 = vector.shape_cast %swap3A_648 : vector<1x16xf32> to vector<16xf32>
    %swap3A_650 = vector.shape_cast %mul3A_644 : vector<16xf32> to vector<1x16xf32>
    tpu.vector_store %arg7[%swap3A_646, %swap3A_647], %swap3A_650 {strides = array<i32>} : memref<512x64xf32, #tpu.memory_space<vmem>>, vector<1x16xf32>,
    %mul3A_651 = arith.constant 5.000000e-03 : f32
    %mul3A_652 = vector.broadcast %mul3A_651 : f32 to vector<16xf32>
    %mul3A_653 = arith.mulf %scan3A_640#1, %mul3A_652 : vector<16xf32>
    %swap3A_654 = arith.constant 383 : i32
    %swap3A_655 = arith.index_cast %swap3A_654 : i32 to index
    %swap3A_656 = arith.constant 16 : index
    %swap3A_657 = tpu.vector_load %arg7[%swap3A_655, %swap3A_656] {strides = array<i32>} : memref<512x64xf32, #tpu.memory_space<vmem>>, vector<1x16xf32>,
    %swap3A_658 = vector.shape_cast %swap3A_657 : vector<1x16xf32> to vector<16xf32>
    %swap3A_659 = vector.shape_cast %mul3A_653 : vector<16xf32> to vector<1x16xf32>
    tpu.vector_store %arg7[%swap3A_655, %swap3A_656], %swap3A_659 {strides = array<i32>} : memref<512x64xf32, #tpu.memory_space<vmem>>, vector<1x16xf32>,
    %mul3A_660 = arith.constant 5.000000e-03 : f32
    %mul3A_661 = vector.broadcast %mul3A_660 : f32 to vector<16xf32>
    %mul3A_662 = arith.mulf %scan3A_640#2, %mul3A_661 : vector<16xf32>
    %swap3A_663 = arith.constant 383 : i32
    %swap3A_664 = arith.index_cast %swap3A_663 : i32 to index
    %swap3A_665 = arith.constant 32 : index
    %swap3A_666 = tpu.vector_load %arg7[%swap3A_664, %swap3A_665] {strides = array<i32>} : memref<512x64xf32, #tpu.memory_space<vmem>>, vector<1x16xf32>,
    %swap3A_667 = vector.shape_cast %swap3A_666 : vector<1x16xf32> to vector<16xf32>
    %swap3A_668 = vector.shape_cast %mul3A_662 : vector<16xf32> to vector<1x16xf32>
    tpu.vector_store %arg7[%swap3A_664, %swap3A_665], %swap3A_668 {strides = array<i32>} : memref<512x64xf32, #tpu.memory_space<vmem>>, vector<1x16xf32>,
    %mul3A_669 = arith.constant 5.000000e-03 : f32
    %mul3A_670 = vector.broadcast %mul3A_669 : f32 to vector<16xf32>
    %mul3A_671 = arith.mulf %scan3A_640#3, %mul3A_670 : vector<16xf32>
    %swap3A_672 = arith.constant 383 : i32
    %swap3A_673 = arith.index_cast %swap3A_672 : i32 to index
    %swap3A_674 = arith.constant 48 : index
    %swap3A_675 = tpu.vector_load %arg7[%swap3A_673, %swap3A_674] {strides = array<i32>} : memref<512x64xf32, #tpu.memory_space<vmem>>, vector<1x16xf32>,
    %swap3A_676 = vector.shape_cast %swap3A_675 : vector<1x16xf32> to vector<16xf32>
    %swap3A_677 = vector.shape_cast %mul3A_671 : vector<16xf32> to vector<1x16xf32>
    tpu.vector_store %arg7[%swap3A_673, %swap3A_674], %swap3A_677 {strides = array<i32>} : memref<512x64xf32, #tpu.memory_space<vmem>>, vector<1x16xf32>,
    %mul3A_678 = arith.constant 2 : i32
    %mul3A_679 = arith.muli %mul3A_2, %mul3A_678 : i32
    %dma_wait3A_680 = arith.constant 1 : i32
    %dma_wait3A_681 = arith.constant 0 : i32
    %dma_wait3A_682 = arith.constant 0 : i32
    %dma_wait3A_683 = tpu.memref_slice %arg5[%dma_wait3A_680, %dma_wait3A_681, %dma_wait3A_682] : memref<2x256x100xi32, #tpu.memory_space<vmem>> -> memref<1x256x100xi32, #tpu.memory_space<vmem>>
    %dma_wait3A_684 = tpu.memref_squeeze %dma_wait3A_683 : memref<1x256x100xi32, #tpu.memory_space<vmem>> -> memref<256x100xi32, #tpu.memory_space<vmem>>
    %dma_wait3A_685 = arith.constant 0 : i32
    %dma_wait3A_686 = tpu.memref_slice %arg2[%mul3A_679, %dma_wait3A_685] : memref<32768x100xi32, #tpu.memory_space<hbm>> -> memref<256x100xi32, #tpu.memory_space<hbm>>
    %dma_wait3A_687 = arith.constant 0 : i32
    %dma_wait3A_688 = arith.constant 0 : i32
    %dma_wait3A_689 = tpu.memref_slice %arg5[%dma_wait3A_680, %dma_wait3A_687, %dma_wait3A_688] : memref<2x256x100xi32, #tpu.memory_space<vmem>> -> memref<1x256x100xi32, #tpu.memory_space<vmem>>
    %dma_wait3A_690 = tpu.memref_squeeze %dma_wait3A_689 : memref<1x256x100xi32, #tpu.memory_space<vmem>> -> memref<256x100xi32, #tpu.memory_space<vmem>>
    %dma_wait3A_691 = arith.constant 0 : i32
    %dma_wait3A_692 = tpu.memref_slice %arg2[%mul3A_679, %dma_wait3A_691] : memref<32768x100xi32, #tpu.memory_space<hbm>> -> memref<256x100xi32, #tpu.memory_space<hbm>>
    tpu.wait_dma2 semaphore(%arg8 : memref<!tpu.dma_semaphore, #tpu.memory_space<semaphore_mem>>) src(%dma_wait3A_692 : memref<256x100xi32, #tpu.memory_space<hbm>>) dst(%dma_wait3A_690 : memref<256x100xi32, #tpu.memory_space<vmem>>)
    %dma_start3A_693 = arith.constant 1 : i32
    %dma_start3A_694 = arith.constant 0 : i32
    %dma_start3A_695 = arith.constant 0 : i32
    %dma_start3A_696 = arith.constant 0 : i32
    %dma_start3A_697 = arith.constant 0 : i32
    %dma_start3A_698 = tpu.memref_slice %arg6[%dma_start3A_695, %dma_start3A_696, %dma_start3A_697] : memref<4x100x64xf32, #tpu.memory_space<vmem>> -> memref<1x100x64xf32, #tpu.memory_space<vmem>>
    %dma_start3A_699 = tpu.memref_squeeze %dma_start3A_698 : memref<1x100x64xf32, #tpu.memory_space<vmem>> -> memref<100x64xf32, #tpu.memory_space<vmem>>
    %dma_start3A_700 = arith.constant 0 : i32
    %dma_start3A_701 = tpu.memref_slice %arg5[%dma_start3A_693, %dma_start3A_694, %dma_start3A_700] : memref<2x256x100xi32, #tpu.memory_space<vmem>> -> memref<1x1x100xi32, #tpu.memory_space<vmem>>
    %dma_start3A_702 = tpu.memref_squeeze %dma_start3A_701 : memref<1x1x100xi32, #tpu.memory_space<vmem>> -> memref<100xi32, #tpu.memory_space<vmem>>
    %dma_start3A_703 = arith.constant 0 : i32
    %dma_start3A_704 = arith.constant 0 : i32
    %dma_start3A_705 = tpu.memref_slice %arg3[%dma_start3A_703, %dma_start3A_704] : memref<1000000x64xf32, #tpu.memory_space<hbm>> -> memref<1000000x64xf32, #tpu.memory_space<hbm>>
    tpu.enqueue_indirect_dma source(%dma_start3A_705 : memref<1000000x64xf32, #tpu.memory_space<hbm>>) target(%dma_start3A_699 : memref<100x64xf32, #tpu.memory_space<vmem>>) offsets(%dma_start3A_702 : memref<100xi32, #tpu.memory_space<vmem>>) semaphore(%arg9 : memref<!tpu.dma_semaphore, #tpu.memory_space<semaphore_mem>>)
    %dma_start3A_706 = arith.constant 1 : i32
    %dma_start3A_707 = arith.constant 1 : i32
    %dma_start3A_708 = arith.constant 1 : i32
    %dma_start3A_709 = arith.constant 0 : i32
    %dma_start3A_710 = arith.constant 0 : i32
    %dma_start3A_711 = tpu.memref_slice %arg6[%dma_start3A_708, %dma_start3A_709, %dma_start3A_710] : memref<4x100x64xf32, #tpu.memory_space<vmem>> -> memref<1x100x64xf32, #tpu.memory_space<vmem>>
    %dma_start3A_712 = tpu.memref_squeeze %dma_start3A_711 : memref<1x100x64xf32, #tpu.memory_space<vmem>> -> memref<100x64xf32, #tpu.memory_space<vmem>>
    %dma_start3A_713 = arith.constant 0 : i32
    %dma_start3A_714 = tpu.memref_slice %arg5[%dma_start3A_706, %dma_start3A_707, %dma_start3A_713] : memref<2x256x100xi32, #tpu.memory_space<vmem>> -> memref<1x1x100xi32, #tpu.memory_space<vmem>>
    %dma_start3A_715 = tpu.memref_squeeze %dma_start3A_714 : memref<1x1x100xi32, #tpu.memory_space<vmem>> -> memref<100xi32, #tpu.memory_space<vmem>>
    %dma_start3A_716 = arith.constant 0 : i32
    %dma_start3A_717 = arith.constant 0 : i32
    %dma_start3A_718 = tpu.memref_slice %arg3[%dma_start3A_716, %dma_start3A_717] : memref<1000000x64xf32, #tpu.memory_space<hbm>> -> memref<1000000x64xf32, #tpu.memory_space<hbm>>
    tpu.enqueue_indirect_dma source(%dma_start3A_718 : memref<1000000x64xf32, #tpu.memory_space<hbm>>) target(%dma_start3A_712 : memref<100x64xf32, #tpu.memory_space<vmem>>) offsets(%dma_start3A_715 : memref<100xi32, #tpu.memory_space<vmem>>) semaphore(%arg10 : memref<!tpu.dma_semaphore, #tpu.memory_space<semaphore_mem>>)
    %dma_start3A_719 = arith.constant 1 : i32
    %dma_start3A_720 = arith.constant 2 : i32
    %dma_start3A_721 = arith.constant 2 : i32
    %dma_start3A_722 = arith.constant 0 : i32
    %dma_start3A_723 = arith.constant 0 : i32
    %dma_start3A_724 = tpu.memref_slice %arg6[%dma_start3A_721, %dma_start3A_722, %dma_start3A_723] : memref<4x100x64xf32, #tpu.memory_space<vmem>> -> memref<1x100x64xf32, #tpu.memory_space<vmem>>
    %dma_start3A_725 = tpu.memref_squeeze %dma_start3A_724 : memref<1x100x64xf32, #tpu.memory_space<vmem>> -> memref<100x64xf32, #tpu.memory_space<vmem>>
    %dma_start3A_726 = arith.constant 0 : i32
    %dma_start3A_727 = tpu.memref_slice %arg5[%dma_start3A_719, %dma_start3A_720, %dma_start3A_726] : memref<2x256x100xi32, #tpu.memory_space<vmem>> -> memref<1x1x100xi32, #tpu.memory_space<vmem>>
    %dma_start3A_728 = tpu.memref_squeeze %dma_start3A_727 : memref<1x1x100xi32, #tpu.memory_space<vmem>> -> memref<100xi32, #tpu.memory_space<vmem>>
    %dma_start3A_729 = arith.constant 0 : i32
    %dma_start3A_730 = arith.constant 0 : i32
    %dma_start3A_731 = tpu.memref_slice %arg3[%dma_start3A_729, %dma_start3A_730] : memref<1000000x64xf32, #tpu.memory_space<hbm>> -> memref<1000000x64xf32, #tpu.memory_space<hbm>>
    tpu.enqueue_indirect_dma source(%dma_start3A_731 : memref<1000000x64xf32, #tpu.memory_space<hbm>>) target(%dma_start3A_725 : memref<100x64xf32, #tpu.memory_space<vmem>>) offsets(%dma_start3A_728 : memref<100xi32, #tpu.memory_space<vmem>>) semaphore(%arg11 : memref<!tpu.dma_semaphore, #tpu.memory_space<semaphore_mem>>)
    %dma_start3A_732 = arith.constant 1 : i32
    %dma_start3A_733 = arith.constant 3 : i32
    %dma_start3A_734 = arith.constant 3 : i32
    %dma_start3A_735 = arith.constant 0 : i32
    %dma_start3A_736 = arith.constant 0 : i32
    %dma_start3A_737 = tpu.memref_slice %arg6[%dma_start3A_734, %dma_start3A_735, %dma_start3A_736] : memref<4x100x64xf32, #tpu.memory_space<vmem>> -> memref<1x100x64xf32, #tpu.memory_space<vmem>>
    %dma_start3A_738 = tpu.memref_squeeze %dma_start3A_737 : memref<1x100x64xf32, #tpu.memory_space<vmem>> -> memref<100x64xf32, #tpu.memory_space<vmem>>
    %dma_start3A_739 = arith.constant 0 : i32
    %dma_start3A_740 = tpu.memref_slice %arg5[%dma_start3A_732, %dma_start3A_733, %dma_start3A_739] : memref<2x256x100xi32, #tpu.memory_space<vmem>> -> memref<1x1x100xi32, #tpu.memory_space<vmem>>
    %dma_start3A_741 = tpu.memref_squeeze %dma_start3A_740 : memref<1x1x100xi32, #tpu.memory_space<vmem>> -> memref<100xi32, #tpu.memory_space<vmem>>
    %dma_start3A_742 = arith.constant 0 : i32
    %dma_start3A_743 = arith.constant 0 : i32
    %dma_start3A_744 = tpu.memref_slice %arg3[%dma_start3A_742, %dma_start3A_743] : memref<1000000x64xf32, #tpu.memory_space<hbm>> -> memref<1000000x64xf32, #tpu.memory_space<hbm>>
    tpu.enqueue_indirect_dma source(%dma_start3A_744 : memref<1000000x64xf32, #tpu.memory_space<hbm>>) target(%dma_start3A_738 : memref<100x64xf32, #tpu.memory_space<vmem>>) offsets(%dma_start3A_741 : memref<100xi32, #tpu.memory_space<vmem>>) semaphore(%arg12 : memref<!tpu.dma_semaphore, #tpu.memory_space<semaphore_mem>>)
    %scan3A_745 = arith.constant 0 : i32
    %scan3A_746 = arith.constant 5.000000e-03 : f32
    %scan3A_747 = arith.constant 0 : i32
    %scan3A_748 = arith.constant 63 : i32
    %scan3A_749 = arith.addi %scan3A_747, %scan3A_748 : i32
    %scan3A_750 = arith.constant 1 : i32
    scf.for %scan3A_892 = %scan3A_747 to %scan3A_749 step %scan3A_750  : i32 {
      %mul3A_893 = arith.constant 2 : i32
      %mul3A_894 = arith.muli %mul3A_893, %scan3A_892 : i32
      %add3A_895 = arith.constant 0 : i32
      %add3A_896 = arith.addi %mul3A_894, %add3A_895 : i32
      %dma_wait3A_897 = arith.constant 0 : i32
      %dma_wait3A_898 = arith.constant 0 : i32
      %dma_wait3A_899 = arith.constant 0 : i32
      %dma_wait3A_900 = arith.constant 0 : i32
      %dma_wait3A_901 = arith.constant 0 : i32
      %dma_wait3A_902 = tpu.memref_slice %arg6[%dma_wait3A_899, %dma_wait3A_900, %dma_wait3A_901] : memref<4x100x64xf32, #tpu.memory_space<vmem>> -> memref<1x100x64xf32, #tpu.memory_space<vmem>>
      %dma_wait3A_903 = tpu.memref_squeeze %dma_wait3A_902 : memref<1x100x64xf32, #tpu.memory_space<vmem>> -> memref<100x64xf32, #tpu.memory_space<vmem>>
      %dma_wait3A_904 = arith.constant 0 : i32
      %dma_wait3A_905 = tpu.memref_slice %arg5[%dma_wait3A_897, %dma_wait3A_898, %dma_wait3A_904] : memref<2x256x100xi32, #tpu.memory_space<vmem>> -> memref<1x1x100xi32, #tpu.memory_space<vmem>>
      %dma_wait3A_906 = tpu.memref_squeeze %dma_wait3A_905 : memref<1x1x100xi32, #tpu.memory_space<vmem>> -> memref<100xi32, #tpu.memory_space<vmem>>
      %dma_wait3A_907 = arith.constant 0 : i32
      %dma_wait3A_908 = arith.constant 0 : i32
      %dma_wait3A_909 = tpu.memref_slice %arg3[%dma_wait3A_907, %dma_wait3A_908] : memref<1000000x64xf32, #tpu.memory_space<hbm>> -> memref<1000000x64xf32, #tpu.memory_space<hbm>>
      tpu.wait_indirect_dma semaphore(%arg9 : memref<!tpu.dma_semaphore, #tpu.memory_space<semaphore_mem>>) src(%dma_wait3A_909 : memref<1000000x64xf32, #tpu.memory_space<hbm>>) dst(%dma_wait3A_903 : memref<100x64xf32, #tpu.memory_space<vmem>>)
      %dma_wait3A_910 = arith.constant 0 : i32
      %dma_wait3A_911 = arith.constant 0 : i32
      %dma_wait3A_912 = arith.constant 1 : i32
      %dma_wait3A_913 = arith.constant 0 : i32
      %dma_wait3A_914 = arith.constant 0 : i32
      %dma_wait3A_915 = tpu.memref_slice %arg6[%dma_wait3A_912, %dma_wait3A_913, %dma_wait3A_914] : memref<4x100x64xf32, #tpu.memory_space<vmem>> -> memref<1x100x64xf32, #tpu.memory_space<vmem>>
      %dma_wait3A_916 = tpu.memref_squeeze %dma_wait3A_915 : memref<1x100x64xf32, #tpu.memory_space<vmem>> -> memref<100x64xf32, #tpu.memory_space<vmem>>
      %dma_wait3A_917 = arith.constant 0 : i32
      %dma_wait3A_918 = tpu.memref_slice %arg5[%dma_wait3A_910, %dma_wait3A_911, %dma_wait3A_917] : memref<2x256x100xi32, #tpu.memory_space<vmem>> -> memref<1x1x100xi32, #tpu.memory_space<vmem>>
      %dma_wait3A_919 = tpu.memref_squeeze %dma_wait3A_918 : memref<1x1x100xi32, #tpu.memory_space<vmem>> -> memref<100xi32, #tpu.memory_space<vmem>>
      %dma_wait3A_920 = arith.constant 0 : i32
      %dma_wait3A_921 = arith.constant 0 : i32
      %dma_wait3A_922 = tpu.memref_slice %arg3[%dma_wait3A_920, %dma_wait3A_921] : memref<1000000x64xf32, #tpu.memory_space<hbm>> -> memref<1000000x64xf32, #tpu.memory_space<hbm>>
      tpu.wait_indirect_dma semaphore(%arg10 : memref<!tpu.dma_semaphore, #tpu.memory_space<semaphore_mem>>) src(%dma_wait3A_922 : memref<1000000x64xf32, #tpu.memory_space<hbm>>) dst(%dma_wait3A_916 : memref<100x64xf32, #tpu.memory_space<vmem>>)
      %add3A_923 = arith.constant 384 : i32
      %add3A_924 = arith.addi %add3A_923, %add3A_896 : i32
      %broadcast_in_dim3A_925 = arith.constant 0.000000e+00 : f32
      %broadcast_in_dim3A_926 = vector.broadcast %broadcast_in_dim3A_925 : f32 to vector<16xf32>
      %scan3A_927 = arith.constant 0 : i32
      %scan3A_928 = arith.constant 100 : i32
      %scan3A_929 = arith.addi %scan3A_927, %scan3A_928 : i32
      %scan3A_930 = arith.constant 1 : i32
      %scan3A_931:4 = scf.for %scan3A_1097 = %scan3A_927 to %scan3A_929 step %scan3A_930 iter_args(%scan3A_1098 = %broadcast_in_dim3A_926, %scan3A_1099 = %broadcast_in_dim3A_926, %scan3A_1100 = %broadcast_in_dim3A_926, %scan3A_1101 = %broadcast_in_dim3A_926) -> (vector<16xf32>, vector<16xf32>, vector<16xf32>, vector<16xf32>)  : i32 {
        %get3A = arith.constant 0 : i32
        %get3A_1102 = arith.index_cast %get3A : i32 to index
        %get3A_1103 = arith.index_cast %scan3A_1097 : i32 to index
        %get3A_1104 = arith.constant 0 : index
        %get3A_1105 = tpu.vector_load %arg6[%get3A_1102, %get3A_1103, %get3A_1104] {strides = array<i32>} : memref<4x100x64xf32, #tpu.memory_space<vmem>>, vector<1x1x16xf32>,
        %get3A_1106 = vector.shape_cast %get3A_1105 : vector<1x1x16xf32> to vector<16xf32>
        %add3A_1107 = arith.addf %scan3A_1098, %get3A_1106 : vector<16xf32>
        %get3A_1108 = arith.constant 1 : i32
        %get3A_1109 = arith.index_cast %get3A_1108 : i32 to index
        %get3A_1110 = arith.index_cast %scan3A_1097 : i32 to index
        %get3A_1111 = arith.constant 0 : index
        %get3A_1112 = tpu.vector_load %arg6[%get3A_1109, %get3A_1110, %get3A_1111] {strides = array<i32>} : memref<4x100x64xf32, #tpu.memory_space<vmem>>, vector<1x1x16xf32>,
        %get3A_1113 = vector.shape_cast %get3A_1112 : vector<1x1x16xf32> to vector<16xf32>
        %add3A_1114 = arith.addf %add3A_1107, %get3A_1113 : vector<16xf32>
        %get3A_1115 = arith.constant 0 : i32
        %get3A_1116 = arith.index_cast %get3A_1115 : i32 to index
        %get3A_1117 = arith.index_cast %scan3A_1097 : i32 to index
        %get3A_1118 = arith.constant 16 : index
        %get3A_1119 = tpu.vector_load %arg6[%get3A_1116, %get3A_1117, %get3A_1118] {strides = array<i32>} : memref<4x100x64xf32, #tpu.memory_space<vmem>>, vector<1x1x16xf32>,
        %get3A_1120 = vector.shape_cast %get3A_1119 : vector<1x1x16xf32> to vector<16xf32>
        %add3A_1121 = arith.addf %scan3A_1099, %get3A_1120 : vector<16xf32>
        %get3A_1122 = arith.constant 1 : i32
        %get3A_1123 = arith.index_cast %get3A_1122 : i32 to index
        %get3A_1124 = arith.index_cast %scan3A_1097 : i32 to index
        %get3A_1125 = arith.constant 16 : index
        %get3A_1126 = tpu.vector_load %arg6[%get3A_1123, %get3A_1124, %get3A_1125] {strides = array<i32>} : memref<4x100x64xf32, #tpu.memory_space<vmem>>, vector<1x1x16xf32>,
        %get3A_1127 = vector.shape_cast %get3A_1126 : vector<1x1x16xf32> to vector<16xf32>
        %add3A_1128 = arith.addf %add3A_1121, %get3A_1127 : vector<16xf32>
        %get3A_1129 = arith.constant 0 : i32
        %get3A_1130 = arith.index_cast %get3A_1129 : i32 to index
        %get3A_1131 = arith.index_cast %scan3A_1097 : i32 to index
        %get3A_1132 = arith.constant 32 : index
        %get3A_1133 = tpu.vector_load %arg6[%get3A_1130, %get3A_1131, %get3A_1132] {strides = array<i32>} : memref<4x100x64xf32, #tpu.memory_space<vmem>>, vector<1x1x16xf32>,
        %get3A_1134 = vector.shape_cast %get3A_1133 : vector<1x1x16xf32> to vector<16xf32>
        %add3A_1135 = arith.addf %scan3A_1100, %get3A_1134 : vector<16xf32>
        %get3A_1136 = arith.constant 1 : i32
        %get3A_1137 = arith.index_cast %get3A_1136 : i32 to index
        %get3A_1138 = arith.index_cast %scan3A_1097 : i32 to index
        %get3A_1139 = arith.constant 32 : index
        %get3A_1140 = tpu.vector_load %arg6[%get3A_1137, %get3A_1138, %get3A_1139] {strides = array<i32>} : memref<4x100x64xf32, #tpu.memory_space<vmem>>, vector<1x1x16xf32>,
        %get3A_1141 = vector.shape_cast %get3A_1140 : vector<1x1x16xf32> to vector<16xf32>
        %add3A_1142 = arith.addf %add3A_1135, %get3A_1141 : vector<16xf32>
        %get3A_1143 = arith.constant 0 : i32
        %get3A_1144 = arith.index_cast %get3A_1143 : i32 to index
        %get3A_1145 = arith.index_cast %scan3A_1097 : i32 to index
        %get3A_1146 = arith.constant 48 : index
        %get3A_1147 = tpu.vector_load %arg6[%get3A_1144, %get3A_1145, %get3A_1146] {strides = array<i32>} : memref<4x100x64xf32, #tpu.memory_space<vmem>>, vector<1x1x16xf32>,
        %get3A_1148 = vector.shape_cast %get3A_1147 : vector<1x1x16xf32> to vector<16xf32>
        %add3A_1149 = arith.addf %scan3A_1101, %get3A_1148 : vector<16xf32>
        %get3A_1150 = arith.constant 1 : i32
        %get3A_1151 = arith.index_cast %get3A_1150 : i32 to index
        %get3A_1152 = arith.index_cast %scan3A_1097 : i32 to index
        %get3A_1153 = arith.constant 48 : index
        %get3A_1154 = tpu.vector_load %arg6[%get3A_1151, %get3A_1152, %get3A_1153] {strides = array<i32>} : memref<4x100x64xf32, #tpu.memory_space<vmem>>, vector<1x1x16xf32>,
        %get3A_1155 = vector.shape_cast %get3A_1154 : vector<1x1x16xf32> to vector<16xf32>
        %add3A_1156 = arith.addf %add3A_1149, %get3A_1155 : vector<16xf32>
        scf.yield %add3A_1114, %add3A_1128, %add3A_1142, %add3A_1156 : vector<16xf32>, vector<16xf32>, vector<16xf32>, vector<16xf32>
      }
      %scan3A_932 = arith.constant 100 : i32
      %mul3A_933 = vector.broadcast %scan3A_746 : f32 to vector<16xf32>
      %mul3A_934 = arith.mulf %scan3A_931#0, %mul3A_933 : vector<16xf32>
      %swap3A_935 = arith.index_cast %add3A_924 : i32 to index
      %swap3A_936 = arith.constant 0 : index
      %swap3A_937 = tpu.vector_load %arg7[%swap3A_935, %swap3A_936] {strides = array<i32>} : memref<512x64xf32, #tpu.memory_space<vmem>>, vector<1x16xf32>,
      %swap3A_938 = vector.shape_cast %swap3A_937 : vector<1x16xf32> to vector<16xf32>
      %swap3A_939 = vector.shape_cast %mul3A_934 : vector<16xf32> to vector<1x16xf32>
      tpu.vector_store %arg7[%swap3A_935, %swap3A_936], %swap3A_939 {strides = array<i32>} : memref<512x64xf32, #tpu.memory_space<vmem>>, vector<1x16xf32>,
      %mul3A_940 = vector.broadcast %scan3A_746 : f32 to vector<16xf32>
      %mul3A_941 = arith.mulf %scan3A_931#1, %mul3A_940 : vector<16xf32>
      %swap3A_942 = arith.index_cast %add3A_924 : i32 to index
      %swap3A_943 = arith.constant 16 : index
      %swap3A_944 = tpu.vector_load %arg7[%swap3A_942, %swap3A_943] {strides = array<i32>} : memref<512x64xf32, #tpu.memory_space<vmem>>, vector<1x16xf32>,
      %swap3A_945 = vector.shape_cast %swap3A_944 : vector<1x16xf32> to vector<16xf32>
      %swap3A_946 = vector.shape_cast %mul3A_941 : vector<16xf32> to vector<1x16xf32>
      tpu.vector_store %arg7[%swap3A_942, %swap3A_943], %swap3A_946 {strides = array<i32>} : memref<512x64xf32, #tpu.memory_space<vmem>>, vector<1x16xf32>,
      %mul3A_947 = vector.broadcast %scan3A_746 : f32 to vector<16xf32>
      %mul3A_948 = arith.mulf %scan3A_931#2, %mul3A_947 : vector<16xf32>
      %swap3A_949 = arith.index_cast %add3A_924 : i32 to index
      %swap3A_950 = arith.constant 32 : index
      %swap3A_951 = tpu.vector_load %arg7[%swap3A_949, %swap3A_950] {strides = array<i32>} : memref<512x64xf32, #tpu.memory_space<vmem>>, vector<1x16xf32>,
      %swap3A_952 = vector.shape_cast %swap3A_951 : vector<1x16xf32> to vector<16xf32>
      %swap3A_953 = vector.shape_cast %mul3A_948 : vector<16xf32> to vector<1x16xf32>
      tpu.vector_store %arg7[%swap3A_949, %swap3A_950], %swap3A_953 {strides = array<i32>} : memref<512x64xf32, #tpu.memory_space<vmem>>, vector<1x16xf32>,
      %mul3A_954 = vector.broadcast %scan3A_746 : f32 to vector<16xf32>
      %mul3A_955 = arith.mulf %scan3A_931#3, %mul3A_954 : vector<16xf32>
      %swap3A_956 = arith.index_cast %add3A_924 : i32 to index
      %swap3A_957 = arith.constant 48 : index
      %swap3A_958 = tpu.vector_load %arg7[%swap3A_956, %swap3A_957] {strides = array<i32>} : memref<512x64xf32, #tpu.memory_space<vmem>>, vector<1x16xf32>,
      %swap3A_959 = vector.shape_cast %swap3A_958 : vector<1x16xf32> to vector<16xf32>
      %swap3A_960 = vector.shape_cast %mul3A_955 : vector<16xf32> to vector<1x16xf32>
      tpu.vector_store %arg7[%swap3A_956, %swap3A_957], %swap3A_960 {strides = array<i32>} : memref<512x64xf32, #tpu.memory_space<vmem>>, vector<1x16xf32>,
      %add3A_961 = arith.constant 2 : i32
      %add3A_962 = arith.addi %add3A_896, %add3A_961 : i32
      %mul3A_963 = arith.constant 2 : i32
      %mul3A_964 = arith.muli %mul3A_963, %add3A_962 : i32
      %dma_start3A_965 = arith.constant 1 : i32
      %dma_start3A_966 = arith.constant 0 : i32
      %dma_start3A_967 = arith.constant 0 : i32
      %dma_start3A_968 = arith.constant 0 : i32
      %dma_start3A_969 = tpu.memref_slice %arg6[%dma_start3A_966, %dma_start3A_967, %dma_start3A_968] : memref<4x100x64xf32, #tpu.memory_space<vmem>> -> memref<1x100x64xf32, #tpu.memory_space<vmem>>
      %dma_start3A_970 = tpu.memref_squeeze %dma_start3A_969 : memref<1x100x64xf32, #tpu.memory_space<vmem>> -> memref<100x64xf32, #tpu.memory_space<vmem>>
      %dma_start3A_971 = arith.constant 0 : i32
      %dma_start3A_972 = tpu.memref_slice %arg5[%dma_start3A_965, %mul3A_964, %dma_start3A_971] : memref<2x256x100xi32, #tpu.memory_space<vmem>> -> memref<1x1x100xi32, #tpu.memory_space<vmem>>
      %dma_start3A_973 = tpu.memref_squeeze %dma_start3A_972 : memref<1x1x100xi32, #tpu.memory_space<vmem>> -> memref<100xi32, #tpu.memory_space<vmem>>
      %dma_start3A_974 = arith.constant 0 : i32
      %dma_start3A_975 = arith.constant 0 : i32
      %dma_start3A_976 = tpu.memref_slice %arg3[%dma_start3A_974, %dma_start3A_975] : memref<1000000x64xf32, #tpu.memory_space<hbm>> -> memref<1000000x64xf32, #tpu.memory_space<hbm>>
      tpu.enqueue_indirect_dma source(%dma_start3A_976 : memref<1000000x64xf32, #tpu.memory_space<hbm>>) target(%dma_start3A_970 : memref<100x64xf32, #tpu.memory_space<vmem>>) offsets(%dma_start3A_973 : memref<100xi32, #tpu.memory_space<vmem>>) semaphore(%arg9 : memref<!tpu.dma_semaphore, #tpu.memory_space<semaphore_mem>>)
      %add3A_977 = arith.constant 2 : i32
      %add3A_978 = arith.addi %add3A_896, %add3A_977 : i32
      %mul3A_979 = arith.constant 2 : i32
      %mul3A_980 = arith.muli %mul3A_979, %add3A_978 : i32
      %add3A_981 = arith.constant 1 : i32
      %add3A_982 = arith.addi %mul3A_980, %add3A_981 : i32
      %dma_start3A_983 = arith.constant 1 : i32
      %dma_start3A_984 = arith.constant 1 : i32
      %dma_start3A_985 = arith.constant 0 : i32
      %dma_start3A_986 = arith.constant 0 : i32
      %dma_start3A_987 = tpu.memref_slice %arg6[%dma_start3A_984, %dma_start3A_985, %dma_start3A_986] : memref<4x100x64xf32, #tpu.memory_space<vmem>> -> memref<1x100x64xf32, #tpu.memory_space<vmem>>
      %dma_start3A_988 = tpu.memref_squeeze %dma_start3A_987 : memref<1x100x64xf32, #tpu.memory_space<vmem>> -> memref<100x64xf32, #tpu.memory_space<vmem>>
      %dma_start3A_989 = arith.constant 0 : i32
      %dma_start3A_990 = tpu.memref_slice %arg5[%dma_start3A_983, %add3A_982, %dma_start3A_989] : memref<2x256x100xi32, #tpu.memory_space<vmem>> -> memref<1x1x100xi32, #tpu.memory_space<vmem>>
      %dma_start3A_991 = tpu.memref_squeeze %dma_start3A_990 : memref<1x1x100xi32, #tpu.memory_space<vmem>> -> memref<100xi32, #tpu.memory_space<vmem>>
      %dma_start3A_992 = arith.constant 0 : i32
      %dma_start3A_993 = arith.constant 0 : i32
      %dma_start3A_994 = tpu.memref_slice %arg3[%dma_start3A_992, %dma_start3A_993] : memref<1000000x64xf32, #tpu.memory_space<hbm>> -> memref<1000000x64xf32, #tpu.memory_space<hbm>>
      tpu.enqueue_indirect_dma source(%dma_start3A_994 : memref<1000000x64xf32, #tpu.memory_space<hbm>>) target(%dma_start3A_988 : memref<100x64xf32, #tpu.memory_space<vmem>>) offsets(%dma_start3A_991 : memref<100xi32, #tpu.memory_space<vmem>>) semaphore(%arg10 : memref<!tpu.dma_semaphore, #tpu.memory_space<semaphore_mem>>)
      %mul3A_995 = arith.constant 2 : i32
      %mul3A_996 = arith.muli %mul3A_995, %scan3A_892 : i32
      %add3A_997 = arith.constant 1 : i32
      %add3A_998 = arith.addi %mul3A_996, %add3A_997 : i32
      %dma_wait3A_999 = arith.constant 0 : i32
      %dma_wait3A_1000 = arith.constant 0 : i32
      %dma_wait3A_1001 = arith.constant 2 : i32
      %dma_wait3A_1002 = arith.constant 0 : i32
      %dma_wait3A_1003 = arith.constant 0 : i32
      %dma_wait3A_1004 = tpu.memref_slice %arg6[%dma_wait3A_1001, %dma_wait3A_1002, %dma_wait3A_1003] : memref<4x100x64xf32, #tpu.memory_space<vmem>> -> memref<1x100x64xf32, #tpu.memory_space<vmem>>
      %dma_wait3A_1005 = tpu.memref_squeeze %dma_wait3A_1004 : memref<1x100x64xf32, #tpu.memory_space<vmem>> -> memref<100x64xf32, #tpu.memory_space<vmem>>
      %dma_wait3A_1006 = arith.constant 0 : i32
      %dma_wait3A_1007 = tpu.memref_slice %arg5[%dma_wait3A_999, %dma_wait3A_1000, %dma_wait3A_1006] : memref<2x256x100xi32, #tpu.memory_space<vmem>> -> memref<1x1x100xi32, #tpu.memory_space<vmem>>
      %dma_wait3A_1008 = tpu.memref_squeeze %dma_wait3A_1007 : memref<1x1x100xi32, #tpu.memory_space<vmem>> -> memref<100xi32, #tpu.memory_space<vmem>>
      %dma_wait3A_1009 = arith.constant 0 : i32
      %dma_wait3A_1010 = arith.constant 0 : i32
      %dma_wait3A_1011 = tpu.memref_slice %arg3[%dma_wait3A_1009, %dma_wait3A_1010] : memref<1000000x64xf32, #tpu.memory_space<hbm>> -> memref<1000000x64xf32, #tpu.memory_space<hbm>>
      tpu.wait_indirect_dma semaphore(%arg11 : memref<!tpu.dma_semaphore, #tpu.memory_space<semaphore_mem>>) src(%dma_wait3A_1011 : memref<1000000x64xf32, #tpu.memory_space<hbm>>) dst(%dma_wait3A_1005 : memref<100x64xf32, #tpu.memory_space<vmem>>)
      %dma_wait3A_1012 = arith.constant 0 : i32
      %dma_wait3A_1013 = arith.constant 0 : i32
      %dma_wait3A_1014 = arith.constant 3 : i32
      %dma_wait3A_1015 = arith.constant 0 : i32
      %dma_wait3A_1016 = arith.constant 0 : i32
      %dma_wait3A_1017 = tpu.memref_slice %arg6[%dma_wait3A_1014, %dma_wait3A_1015, %dma_wait3A_1016] : memref<4x100x64xf32, #tpu.memory_space<vmem>> -> memref<1x100x64xf32, #tpu.memory_space<vmem>>
      %dma_wait3A_1018 = tpu.memref_squeeze %dma_wait3A_1017 : memref<1x100x64xf32, #tpu.memory_space<vmem>> -> memref<100x64xf32, #tpu.memory_space<vmem>>
      %dma_wait3A_1019 = arith.constant 0 : i32
      %dma_wait3A_1020 = tpu.memref_slice %arg5[%dma_wait3A_1012, %dma_wait3A_1013, %dma_wait3A_1019] : memref<2x256x100xi32, #tpu.memory_space<vmem>> -> memref<1x1x100xi32, #tpu.memory_space<vmem>>
      %dma_wait3A_1021 = tpu.memref_squeeze %dma_wait3A_1020 : memref<1x1x100xi32, #tpu.memory_space<vmem>> -> memref<100xi32, #tpu.memory_space<vmem>>
      %dma_wait3A_1022 = arith.constant 0 : i32
      %dma_wait3A_1023 = arith.constant 0 : i32
      %dma_wait3A_1024 = tpu.memref_slice %arg3[%dma_wait3A_1022, %dma_wait3A_1023] : memref<1000000x64xf32, #tpu.memory_space<hbm>> -> memref<1000000x64xf32, #tpu.memory_space<hbm>>
      tpu.wait_indirect_dma semaphore(%arg12 : memref<!tpu.dma_semaphore, #tpu.memory_space<semaphore_mem>>) src(%dma_wait3A_1024 : memref<1000000x64xf32, #tpu.memory_space<hbm>>) dst(%dma_wait3A_1018 : memref<100x64xf32, #tpu.memory_space<vmem>>)
      %add3A_1025 = arith.constant 384 : i32
      %add3A_1026 = arith.addi %add3A_1025, %add3A_998 : i32
      %broadcast_in_dim3A_1027 = arith.constant 0.000000e+00 : f32
      %broadcast_in_dim3A_1028 = vector.broadcast %broadcast_in_dim3A_1027 : f32 to vector<16xf32>
      %scan3A_1029 = arith.constant 0 : i32
      %scan3A_1030 = arith.constant 100 : i32
      %scan3A_1031 = arith.addi %scan3A_1029, %scan3A_1030 : i32
      %scan3A_1032 = arith.constant 1 : i32
      %scan3A_1033:4 = scf.for %scan3A_1097 = %scan3A_1029 to %scan3A_1031 step %scan3A_1032 iter_args(%scan3A_1098 = %broadcast_in_dim3A_1028, %scan3A_1099 = %broadcast_in_dim3A_1028, %scan3A_1100 = %broadcast_in_dim3A_1028, %scan3A_1101 = %broadcast_in_dim3A_1028) -> (vector<16xf32>, vector<16xf32>, vector<16xf32>, vector<16xf32>)  : i32 {
        %get3A = arith.constant 2 : i32
        %get3A_1102 = arith.index_cast %get3A : i32 to index
        %get3A_1103 = arith.index_cast %scan3A_1097 : i32 to index
        %get3A_1104 = arith.constant 0 : index
        %get3A_1105 = tpu.vector_load %arg6[%get3A_1102, %get3A_1103, %get3A_1104] {strides = array<i32>} : memref<4x100x64xf32, #tpu.memory_space<vmem>>, vector<1x1x16xf32>,
        %get3A_1106 = vector.shape_cast %get3A_1105 : vector<1x1x16xf32> to vector<16xf32>
        %add3A_1107 = arith.addf %scan3A_1098, %get3A_1106 : vector<16xf32>
        %get3A_1108 = arith.constant 3 : i32
        %get3A_1109 = arith.index_cast %get3A_1108 : i32 to index
        %get3A_1110 = arith.index_cast %scan3A_1097 : i32 to index
        %get3A_1111 = arith.constant 0 : index
        %get3A_1112 = tpu.vector_load %arg6[%get3A_1109, %get3A_1110, %get3A_1111] {strides = array<i32>} : memref<4x100x64xf32, #tpu.memory_space<vmem>>, vector<1x1x16xf32>,
        %get3A_1113 = vector.shape_cast %get3A_1112 : vector<1x1x16xf32> to vector<16xf32>
        %add3A_1114 = arith.addf %add3A_1107, %get3A_1113 : vector<16xf32>
        %get3A_1115 = arith.constant 2 : i32
        %get3A_1116 = arith.index_cast %get3A_1115 : i32 to index
        %get3A_1117 = arith.index_cast %scan3A_1097 : i32 to index
        %get3A_1118 = arith.constant 16 : index
        %get3A_1119 = tpu.vector_load %arg6[%get3A_1116, %get3A_1117, %get3A_1118] {strides = array<i32>} : memref<4x100x64xf32, #tpu.memory_space<vmem>>, vector<1x1x16xf32>,
        %get3A_1120 = vector.shape_cast %get3A_1119 : vector<1x1x16xf32> to vector<16xf32>
        %add3A_1121 = arith.addf %scan3A_1099, %get3A_1120 : vector<16xf32>
        %get3A_1122 = arith.constant 3 : i32
        %get3A_1123 = arith.index_cast %get3A_1122 : i32 to index
        %get3A_1124 = arith.index_cast %scan3A_1097 : i32 to index
        %get3A_1125 = arith.constant 16 : index
        %get3A_1126 = tpu.vector_load %arg6[%get3A_1123, %get3A_1124, %get3A_1125] {strides = array<i32>} : memref<4x100x64xf32, #tpu.memory_space<vmem>>, vector<1x1x16xf32>,
        %get3A_1127 = vector.shape_cast %get3A_1126 : vector<1x1x16xf32> to vector<16xf32>
        %add3A_1128 = arith.addf %add3A_1121, %get3A_1127 : vector<16xf32>
        %get3A_1129 = arith.constant 2 : i32
        %get3A_1130 = arith.index_cast %get3A_1129 : i32 to index
        %get3A_1131 = arith.index_cast %scan3A_1097 : i32 to index
        %get3A_1132 = arith.constant 32 : index
        %get3A_1133 = tpu.vector_load %arg6[%get3A_1130, %get3A_1131, %get3A_1132] {strides = array<i32>} : memref<4x100x64xf32, #tpu.memory_space<vmem>>, vector<1x1x16xf32>,
        %get3A_1134 = vector.shape_cast %get3A_1133 : vector<1x1x16xf32> to vector<16xf32>
        %add3A_1135 = arith.addf %scan3A_1100, %get3A_1134 : vector<16xf32>
        %get3A_1136 = arith.constant 3 : i32
        %get3A_1137 = arith.index_cast %get3A_1136 : i32 to index
        %get3A_1138 = arith.index_cast %scan3A_1097 : i32 to index
        %get3A_1139 = arith.constant 32 : index
        %get3A_1140 = tpu.vector_load %arg6[%get3A_1137, %get3A_1138, %get3A_1139] {strides = array<i32>} : memref<4x100x64xf32, #tpu.memory_space<vmem>>, vector<1x1x16xf32>,
        %get3A_1141 = vector.shape_cast %get3A_1140 : vector<1x1x16xf32> to vector<16xf32>
        %add3A_1142 = arith.addf %add3A_1135, %get3A_1141 : vector<16xf32>
        %get3A_1143 = arith.constant 2 : i32
        %get3A_1144 = arith.index_cast %get3A_1143 : i32 to index
        %get3A_1145 = arith.index_cast %scan3A_1097 : i32 to index
        %get3A_1146 = arith.constant 48 : index
        %get3A_1147 = tpu.vector_load %arg6[%get3A_1144, %get3A_1145, %get3A_1146] {strides = array<i32>} : memref<4x100x64xf32, #tpu.memory_space<vmem>>, vector<1x1x16xf32>,
        %get3A_1148 = vector.shape_cast %get3A_1147 : vector<1x1x16xf32> to vector<16xf32>
        %add3A_1149 = arith.addf %scan3A_1101, %get3A_1148 : vector<16xf32>
        %get3A_1150 = arith.constant 3 : i32
        %get3A_1151 = arith.index_cast %get3A_1150 : i32 to index
        %get3A_1152 = arith.index_cast %scan3A_1097 : i32 to index
        %get3A_1153 = arith.constant 48 : index
        %get3A_1154 = tpu.vector_load %arg6[%get3A_1151, %get3A_1152, %get3A_1153] {strides = array<i32>} : memref<4x100x64xf32, #tpu.memory_space<vmem>>, vector<1x1x16xf32>,
        %get3A_1155 = vector.shape_cast %get3A_1154 : vector<1x1x16xf32> to vector<16xf32>
        %add3A_1156 = arith.addf %add3A_1149, %get3A_1155 : vector<16xf32>
        scf.yield %add3A_1114, %add3A_1128, %add3A_1142, %add3A_1156 : vector<16xf32>, vector<16xf32>, vector<16xf32>, vector<16xf32>
      }
      %scan3A_1034 = arith.constant 100 : i32
      %mul3A_1035 = vector.broadcast %scan3A_746 : f32 to vector<16xf32>
      %mul3A_1036 = arith.mulf %scan3A_1033#0, %mul3A_1035 : vector<16xf32>
      %swap3A_1037 = arith.index_cast %add3A_1026 : i32 to index
      %swap3A_1038 = arith.constant 0 : index
      %swap3A_1039 = tpu.vector_load %arg7[%swap3A_1037, %swap3A_1038] {strides = array<i32>} : memref<512x64xf32, #tpu.memory_space<vmem>>, vector<1x16xf32>,
      %swap3A_1040 = vector.shape_cast %swap3A_1039 : vector<1x16xf32> to vector<16xf32>
      %swap3A_1041 = vector.shape_cast %mul3A_1036 : vector<16xf32> to vector<1x16xf32>
      tpu.vector_store %arg7[%swap3A_1037, %swap3A_1038], %swap3A_1041 {strides = array<i32>} : memref<512x64xf32, #tpu.memory_space<vmem>>, vector<1x16xf32>,
      %mul3A_1042 = vector.broadcast %scan3A_746 : f32 to vector<16xf32>
      %mul3A_1043 = arith.mulf %scan3A_1033#1, %mul3A_1042 : vector<16xf32>
      %swap3A_1044 = arith.index_cast %add3A_1026 : i32 to index
      %swap3A_1045 = arith.constant 16 : index
      %swap3A_1046 = tpu.vector_load %arg7[%swap3A_1044, %swap3A_1045] {strides = array<i32>} : memref<512x64xf32, #tpu.memory_space<vmem>>, vector<1x16xf32>,
      %swap3A_1047 = vector.shape_cast %swap3A_1046 : vector<1x16xf32> to vector<16xf32>
      %swap3A_1048 = vector.shape_cast %mul3A_1043 : vector<16xf32> to vector<1x16xf32>
      tpu.vector_store %arg7[%swap3A_1044, %swap3A_1045], %swap3A_1048 {strides = array<i32>} : memref<512x64xf32, #tpu.memory_space<vmem>>, vector<1x16xf32>,
      %mul3A_1049 = vector.broadcast %scan3A_746 : f32 to vector<16xf32>
      %mul3A_1050 = arith.mulf %scan3A_1033#2, %mul3A_1049 : vector<16xf32>
      %swap3A_1051 = arith.index_cast %add3A_1026 : i32 to index
      %swap3A_1052 = arith.constant 32 : index
      %swap3A_1053 = tpu.vector_load %arg7[%swap3A_1051, %swap3A_1052] {strides = array<i32>} : memref<512x64xf32, #tpu.memory_space<vmem>>, vector<1x16xf32>,
      %swap3A_1054 = vector.shape_cast %swap3A_1053 : vector<1x16xf32> to vector<16xf32>
      %swap3A_1055 = vector.shape_cast %mul3A_1050 : vector<16xf32> to vector<1x16xf32>
      tpu.vector_store %arg7[%swap3A_1051, %swap3A_1052], %swap3A_1055 {strides = array<i32>} : memref<512x64xf32, #tpu.memory_space<vmem>>, vector<1x16xf32>,
      %mul3A_1056 = vector.broadcast %scan3A_746 : f32 to vector<16xf32>
      %mul3A_1057 = arith.mulf %scan3A_1033#3, %mul3A_1056 : vector<16xf32>
      %swap3A_1058 = arith.index_cast %add3A_1026 : i32 to index
      %swap3A_1059 = arith.constant 48 : index
      %swap3A_1060 = tpu.vector_load %arg7[%swap3A_1058, %swap3A_1059] {strides = array<i32>} : memref<512x64xf32, #tpu.memory_space<vmem>>, vector<1x16xf32>,
      %swap3A_1061 = vector.shape_cast %swap3A_1060 : vector<1x16xf32> to vector<16xf32>
      %swap3A_1062 = vector.shape_cast %mul3A_1057 : vector<16xf32> to vector<1x16xf32>
      tpu.vector_store %arg7[%swap3A_1058, %swap3A_1059], %swap3A_1062 {strides = array<i32>} : memref<512x64xf32, #tpu.memory_space<vmem>>, vector<1x16xf32>,
      %add3A_1063 = arith.constant 2 : i32
      %add3A_1064 = arith.addi %add3A_998, %add3A_1063 : i32
      %mul3A_1065 = arith.constant 2 : i32
      %mul3A_1066 = arith.muli %mul3A_1065, %add3A_1064 : i32
      %dma_start3A_1067 = arith.constant 1 : i32
      %dma_start3A_1068 = arith.constant 2 : i32
      %dma_start3A_1069 = arith.constant 0 : i32
      %dma_start3A_1070 = arith.constant 0 : i32
      %dma_start3A_1071 = tpu.memref_slice %arg6[%dma_start3A_1068, %dma_start3A_1069, %dma_start3A_1070] : memref<4x100x64xf32, #tpu.memory_space<vmem>> -> memref<1x100x64xf32, #tpu.memory_space<vmem>>
      %dma_start3A_1072 = tpu.memref_squeeze %dma_start3A_1071 : memref<1x100x64xf32, #tpu.memory_space<vmem>> -> memref<100x64xf32, #tpu.memory_space<vmem>>
      %dma_start3A_1073 = arith.constant 0 : i32
      %dma_start3A_1074 = tpu.memref_slice %arg5[%dma_start3A_1067, %mul3A_1066, %dma_start3A_1073] : memref<2x256x100xi32, #tpu.memory_space<vmem>> -> memref<1x1x100xi32, #tpu.memory_space<vmem>>
      %dma_start3A_1075 = tpu.memref_squeeze %dma_start3A_1074 : memref<1x1x100xi32, #tpu.memory_space<vmem>> -> memref<100xi32, #tpu.memory_space<vmem>>
      %dma_start3A_1076 = arith.constant 0 : i32
      %dma_start3A_1077 = arith.constant 0 : i32
      %dma_start3A_1078 = tpu.memref_slice %arg3[%dma_start3A_1076, %dma_start3A_1077] : memref<1000000x64xf32, #tpu.memory_space<hbm>> -> memref<1000000x64xf32, #tpu.memory_space<hbm>>
      tpu.enqueue_indirect_dma source(%dma_start3A_1078 : memref<1000000x64xf32, #tpu.memory_space<hbm>>) target(%dma_start3A_1072 : memref<100x64xf32, #tpu.memory_space<vmem>>) offsets(%dma_start3A_1075 : memref<100xi32, #tpu.memory_space<vmem>>) semaphore(%arg11 : memref<!tpu.dma_semaphore, #tpu.memory_space<semaphore_mem>>)
      %add3A_1079 = arith.constant 2 : i32
      %add3A_1080 = arith.addi %add3A_998, %add3A_1079 : i32
      %mul3A_1081 = arith.constant 2 : i32
      %mul3A_1082 = arith.muli %mul3A_1081, %add3A_1080 : i32
      %add3A_1083 = arith.constant 1 : i32
      %add3A_1084 = arith.addi %mul3A_1082, %add3A_1083 : i32
      %dma_start3A_1085 = arith.constant 1 : i32
      %dma_start3A_1086 = arith.constant 3 : i32
      %dma_start3A_1087 = arith.constant 0 : i32
      %dma_start3A_1088 = arith.constant 0 : i32
      %dma_start3A_1089 = tpu.memref_slice %arg6[%dma_start3A_1086, %dma_start3A_1087, %dma_start3A_1088] : memref<4x100x64xf32, #tpu.memory_space<vmem>> -> memref<1x100x64xf32, #tpu.memory_space<vmem>>
      %dma_start3A_1090 = tpu.memref_squeeze %dma_start3A_1089 : memref<1x100x64xf32, #tpu.memory_space<vmem>> -> memref<100x64xf32, #tpu.memory_space<vmem>>
      %dma_start3A_1091 = arith.constant 0 : i32
      %dma_start3A_1092 = tpu.memref_slice %arg5[%dma_start3A_1085, %add3A_1084, %dma_start3A_1091] : memref<2x256x100xi32, #tpu.memory_space<vmem>> -> memref<1x1x100xi32, #tpu.memory_space<vmem>>
      %dma_start3A_1093 = tpu.memref_squeeze %dma_start3A_1092 : memref<1x1x100xi32, #tpu.memory_space<vmem>> -> memref<100xi32, #tpu.memory_space<vmem>>
      %dma_start3A_1094 = arith.constant 0 : i32
      %dma_start3A_1095 = arith.constant 0 : i32
      %dma_start3A_1096 = tpu.memref_slice %arg3[%dma_start3A_1094, %dma_start3A_1095] : memref<1000000x64xf32, #tpu.memory_space<hbm>> -> memref<1000000x64xf32, #tpu.memory_space<hbm>>
      tpu.enqueue_indirect_dma source(%dma_start3A_1096 : memref<1000000x64xf32, #tpu.memory_space<hbm>>) target(%dma_start3A_1090 : memref<100x64xf32, #tpu.memory_space<vmem>>) offsets(%dma_start3A_1093 : memref<100xi32, #tpu.memory_space<vmem>>) semaphore(%arg12 : memref<!tpu.dma_semaphore, #tpu.memory_space<semaphore_mem>>)
    }
    %scan3A_751 = arith.constant 63 : i32
    %dma_wait3A_752 = arith.constant 0 : i32
    %dma_wait3A_753 = arith.constant 0 : i32
    %dma_wait3A_754 = arith.constant 0 : i32
    %dma_wait3A_755 = arith.constant 0 : i32
    %dma_wait3A_756 = arith.constant 0 : i32
    %dma_wait3A_757 = tpu.memref_slice %arg6[%dma_wait3A_754, %dma_wait3A_755, %dma_wait3A_756] : memref<4x100x64xf32, #tpu.memory_space<vmem>> -> memref<1x100x64xf32, #tpu.memory_space<vmem>>
    %dma_wait3A_758 = tpu.memref_squeeze %dma_wait3A_757 : memref<1x100x64xf32, #tpu.memory_space<vmem>> -> memref<100x64xf32, #tpu.memory_space<vmem>>
    %dma_wait3A_759 = arith.constant 0 : i32
    %dma_wait3A_760 = tpu.memref_slice %arg5[%dma_wait3A_752, %dma_wait3A_753, %dma_wait3A_759] : memref<2x256x100xi32, #tpu.memory_space<vmem>> -> memref<1x1x100xi32, #tpu.memory_space<vmem>>
    %dma_wait3A_761 = tpu.memref_squeeze %dma_wait3A_760 : memref<1x1x100xi32, #tpu.memory_space<vmem>> -> memref<100xi32, #tpu.memory_space<vmem>>
    %dma_wait3A_762 = arith.constant 0 : i32
    %dma_wait3A_763 = arith.constant 0 : i32
    %dma_wait3A_764 = tpu.memref_slice %arg3[%dma_wait3A_762, %dma_wait3A_763] : memref<1000000x64xf32, #tpu.memory_space<hbm>> -> memref<1000000x64xf32, #tpu.memory_space<hbm>>
    tpu.wait_indirect_dma semaphore(%arg9 : memref<!tpu.dma_semaphore, #tpu.memory_space<semaphore_mem>>) src(%dma_wait3A_764 : memref<1000000x64xf32, #tpu.memory_space<hbm>>) dst(%dma_wait3A_758 : memref<100x64xf32, #tpu.memory_space<vmem>>)
    %dma_wait3A_765 = arith.constant 0 : i32
    %dma_wait3A_766 = arith.constant 0 : i32
    %dma_wait3A_767 = arith.constant 1 : i32
    %dma_wait3A_768 = arith.constant 0 : i32
    %dma_wait3A_769 = arith.constant 0 : i32
    %dma_wait3A_770 = tpu.memref_slice %arg6[%dma_wait3A_767, %dma_wait3A_768, %dma_wait3A_769] : memref<4x100x64xf32, #tpu.memory_space<vmem>> -> memref<1x100x64xf32, #tpu.memory_space<vmem>>
    %dma_wait3A_771 = tpu.memref_squeeze %dma_wait3A_770 : memref<1x100x64xf32, #tpu.memory_space<vmem>> -> memref<100x64xf32, #tpu.memory_space<vmem>>
    %dma_wait3A_772 = arith.constant 0 : i32
    %dma_wait3A_773 = tpu.memref_slice %arg5[%dma_wait3A_765, %dma_wait3A_766, %dma_wait3A_772] : memref<2x256x100xi32, #tpu.memory_space<vmem>> -> memref<1x1x100xi32, #tpu.memory_space<vmem>>
    %dma_wait3A_774 = tpu.memref_squeeze %dma_wait3A_773 : memref<1x1x100xi32, #tpu.memory_space<vmem>> -> memref<100xi32, #tpu.memory_space<vmem>>
    %dma_wait3A_775 = arith.constant 0 : i32
    %dma_wait3A_776 = arith.constant 0 : i32
    %dma_wait3A_777 = tpu.memref_slice %arg3[%dma_wait3A_775, %dma_wait3A_776] : memref<1000000x64xf32, #tpu.memory_space<hbm>> -> memref<1000000x64xf32, #tpu.memory_space<hbm>>
    tpu.wait_indirect_dma semaphore(%arg10 : memref<!tpu.dma_semaphore, #tpu.memory_space<semaphore_mem>>) src(%dma_wait3A_777 : memref<1000000x64xf32, #tpu.memory_space<hbm>>) dst(%dma_wait3A_771 : memref<100x64xf32, #tpu.memory_space<vmem>>)
    %broadcast_in_dim3A_778 = arith.constant 0.000000e+00 : f32
    %broadcast_in_dim3A_779 = vector.broadcast %broadcast_in_dim3A_778 : f32 to vector<16xf32>
    %scan3A_780 = arith.constant 0 : i32
    %scan3A_781 = arith.constant 100 : i32
    %scan3A_782 = arith.addi %scan3A_780, %scan3A_781 : i32
    %scan3A_783 = arith.constant 1 : i32
    %scan3A_784:4 = scf.for %scan3A_892 = %scan3A_780 to %scan3A_782 step %scan3A_783 iter_args(%scan3A_893 = %broadcast_in_dim3A_779, %scan3A_894 = %broadcast_in_dim3A_779, %scan3A_895 = %broadcast_in_dim3A_779, %scan3A_896 = %broadcast_in_dim3A_779) -> (vector<16xf32>, vector<16xf32>, vector<16xf32>, vector<16xf32>)  : i32 {
      %get3A = arith.constant 0 : i32
      %get3A_897 = arith.index_cast %get3A : i32 to index
      %get3A_898 = arith.index_cast %scan3A_892 : i32 to index
      %get3A_899 = arith.constant 0 : index
      %get3A_900 = tpu.vector_load %arg6[%get3A_897, %get3A_898, %get3A_899] {strides = array<i32>} : memref<4x100x64xf32, #tpu.memory_space<vmem>>, vector<1x1x16xf32>,
      %get3A_901 = vector.shape_cast %get3A_900 : vector<1x1x16xf32> to vector<16xf32>
      %add3A_902 = arith.addf %scan3A_893, %get3A_901 : vector<16xf32>
      %get3A_903 = arith.constant 1 : i32
      %get3A_904 = arith.index_cast %get3A_903 : i32 to index
      %get3A_905 = arith.index_cast %scan3A_892 : i32 to index
      %get3A_906 = arith.constant 0 : index
      %get3A_907 = tpu.vector_load %arg6[%get3A_904, %get3A_905, %get3A_906] {strides = array<i32>} : memref<4x100x64xf32, #tpu.memory_space<vmem>>, vector<1x1x16xf32>,
      %get3A_908 = vector.shape_cast %get3A_907 : vector<1x1x16xf32> to vector<16xf32>
      %add3A_909 = arith.addf %add3A_902, %get3A_908 : vector<16xf32>
      %get3A_910 = arith.constant 0 : i32
      %get3A_911 = arith.index_cast %get3A_910 : i32 to index
      %get3A_912 = arith.index_cast %scan3A_892 : i32 to index
      %get3A_913 = arith.constant 16 : index
      %get3A_914 = tpu.vector_load %arg6[%get3A_911, %get3A_912, %get3A_913] {strides = array<i32>} : memref<4x100x64xf32, #tpu.memory_space<vmem>>, vector<1x1x16xf32>,
      %get3A_915 = vector.shape_cast %get3A_914 : vector<1x1x16xf32> to vector<16xf32>
      %add3A_916 = arith.addf %scan3A_894, %get3A_915 : vector<16xf32>
      %get3A_917 = arith.constant 1 : i32
      %get3A_918 = arith.index_cast %get3A_917 : i32 to index
      %get3A_919 = arith.index_cast %scan3A_892 : i32 to index
      %get3A_920 = arith.constant 16 : index
      %get3A_921 = tpu.vector_load %arg6[%get3A_918, %get3A_919, %get3A_920] {strides = array<i32>} : memref<4x100x64xf32, #tpu.memory_space<vmem>>, vector<1x1x16xf32>,
      %get3A_922 = vector.shape_cast %get3A_921 : vector<1x1x16xf32> to vector<16xf32>
      %add3A_923 = arith.addf %add3A_916, %get3A_922 : vector<16xf32>
      %get3A_924 = arith.constant 0 : i32
      %get3A_925 = arith.index_cast %get3A_924 : i32 to index
      %get3A_926 = arith.index_cast %scan3A_892 : i32 to index
      %get3A_927 = arith.constant 32 : index
      %get3A_928 = tpu.vector_load %arg6[%get3A_925, %get3A_926, %get3A_927] {strides = array<i32>} : memref<4x100x64xf32, #tpu.memory_space<vmem>>, vector<1x1x16xf32>,
      %get3A_929 = vector.shape_cast %get3A_928 : vector<1x1x16xf32> to vector<16xf32>
      %add3A_930 = arith.addf %scan3A_895, %get3A_929 : vector<16xf32>
      %get3A_931 = arith.constant 1 : i32
      %get3A_932 = arith.index_cast %get3A_931 : i32 to index
      %get3A_933 = arith.index_cast %scan3A_892 : i32 to index
      %get3A_934 = arith.constant 32 : index
      %get3A_935 = tpu.vector_load %arg6[%get3A_932, %get3A_933, %get3A_934] {strides = array<i32>} : memref<4x100x64xf32, #tpu.memory_space<vmem>>, vector<1x1x16xf32>,
      %get3A_936 = vector.shape_cast %get3A_935 : vector<1x1x16xf32> to vector<16xf32>
      %add3A_937 = arith.addf %add3A_930, %get3A_936 : vector<16xf32>
      %get3A_938 = arith.constant 0 : i32
      %get3A_939 = arith.index_cast %get3A_938 : i32 to index
      %get3A_940 = arith.index_cast %scan3A_892 : i32 to index
      %get3A_941 = arith.constant 48 : index
      %get3A_942 = tpu.vector_load %arg6[%get3A_939, %get3A_940, %get3A_941] {strides = array<i32>} : memref<4x100x64xf32, #tpu.memory_space<vmem>>, vector<1x1x16xf32>,
      %get3A_943 = vector.shape_cast %get3A_942 : vector<1x1x16xf32> to vector<16xf32>
      %add3A_944 = arith.addf %scan3A_896, %get3A_943 : vector<16xf32>
      %get3A_945 = arith.constant 1 : i32
      %get3A_946 = arith.index_cast %get3A_945 : i32 to index
      %get3A_947 = arith.index_cast %scan3A_892 : i32 to index
      %get3A_948 = arith.constant 48 : index
      %get3A_949 = tpu.vector_load %arg6[%get3A_946, %get3A_947, %get3A_948] {strides = array<i32>} : memref<4x100x64xf32, #tpu.memory_space<vmem>>, vector<1x1x16xf32>,
      %get3A_950 = vector.shape_cast %get3A_949 : vector<1x1x16xf32> to vector<16xf32>
      %add3A_951 = arith.addf %add3A_944, %get3A_950 : vector<16xf32>
      scf.yield %add3A_909, %add3A_923, %add3A_937, %add3A_951 : vector<16xf32>, vector<16xf32>, vector<16xf32>, vector<16xf32>
    }
    %scan3A_785 = arith.constant 100 : i32
    %mul3A_786 = arith.constant 5.000000e-03 : f32
    %mul3A_787 = vector.broadcast %mul3A_786 : f32 to vector<16xf32>
    %mul3A_788 = arith.mulf %scan3A_784#0, %mul3A_787 : vector<16xf32>
    %swap3A_789 = arith.constant 510 : i32
    %swap3A_790 = arith.index_cast %swap3A_789 : i32 to index
    %swap3A_791 = arith.constant 0 : index
    %swap3A_792 = tpu.vector_load %arg7[%swap3A_790, %swap3A_791] {strides = array<i32>} : memref<512x64xf32, #tpu.memory_space<vmem>>, vector<1x16xf32>,
    %swap3A_793 = vector.shape_cast %swap3A_792 : vector<1x16xf32> to vector<16xf32>
    %swap3A_794 = vector.shape_cast %mul3A_788 : vector<16xf32> to vector<1x16xf32>
    tpu.vector_store %arg7[%swap3A_790, %swap3A_791], %swap3A_794 {strides = array<i32>} : memref<512x64xf32, #tpu.memory_space<vmem>>, vector<1x16xf32>,
    %mul3A_795 = arith.constant 5.000000e-03 : f32
    %mul3A_796 = vector.broadcast %mul3A_795 : f32 to vector<16xf32>
    %mul3A_797 = arith.mulf %scan3A_784#1, %mul3A_796 : vector<16xf32>
    %swap3A_798 = arith.constant 510 : i32
    %swap3A_799 = arith.index_cast %swap3A_798 : i32 to index
    %swap3A_800 = arith.constant 16 : index
    %swap3A_801 = tpu.vector_load %arg7[%swap3A_799, %swap3A_800] {strides = array<i32>} : memref<512x64xf32, #tpu.memory_space<vmem>>, vector<1x16xf32>,
    %swap3A_802 = vector.shape_cast %swap3A_801 : vector<1x16xf32> to vector<16xf32>
    %swap3A_803 = vector.shape_cast %mul3A_797 : vector<16xf32> to vector<1x16xf32>
    tpu.vector_store %arg7[%swap3A_799, %swap3A_800], %swap3A_803 {strides = array<i32>} : memref<512x64xf32, #tpu.memory_space<vmem>>, vector<1x16xf32>,
    %mul3A_804 = arith.constant 5.000000e-03 : f32
    %mul3A_805 = vector.broadcast %mul3A_804 : f32 to vector<16xf32>
    %mul3A_806 = arith.mulf %scan3A_784#2, %mul3A_805 : vector<16xf32>
    %swap3A_807 = arith.constant 510 : i32
    %swap3A_808 = arith.index_cast %swap3A_807 : i32 to index
    %swap3A_809 = arith.constant 32 : index
    %swap3A_810 = tpu.vector_load %arg7[%swap3A_808, %swap3A_809] {strides = array<i32>} : memref<512x64xf32, #tpu.memory_space<vmem>>, vector<1x16xf32>,
    %swap3A_811 = vector.shape_cast %swap3A_810 : vector<1x16xf32> to vector<16xf32>
    %swap3A_812 = vector.shape_cast %mul3A_806 : vector<16xf32> to vector<1x16xf32>
    tpu.vector_store %arg7[%swap3A_808, %swap3A_809], %swap3A_812 {strides = array<i32>} : memref<512x64xf32, #tpu.memory_space<vmem>>, vector<1x16xf32>,
    %mul3A_813 = arith.constant 5.000000e-03 : f32
    %mul3A_814 = vector.broadcast %mul3A_813 : f32 to vector<16xf32>
    %mul3A_815 = arith.mulf %scan3A_784#3, %mul3A_814 : vector<16xf32>
    %swap3A_816 = arith.constant 510 : i32
    %swap3A_817 = arith.index_cast %swap3A_816 : i32 to index
    %swap3A_818 = arith.constant 48 : index
    %swap3A_819 = tpu.vector_load %arg7[%swap3A_817, %swap3A_818] {strides = array<i32>} : memref<512x64xf32, #tpu.memory_space<vmem>>, vector<1x16xf32>,
    %swap3A_820 = vector.shape_cast %swap3A_819 : vector<1x16xf32> to vector<16xf32>
    %swap3A_821 = vector.shape_cast %mul3A_815 : vector<16xf32> to vector<1x16xf32>
    tpu.vector_store %arg7[%swap3A_817, %swap3A_818], %swap3A_821 {strides = array<i32>} : memref<512x64xf32, #tpu.memory_space<vmem>>, vector<1x16xf32>,
    %dma_wait3A_822 = arith.constant 0 : i32
    %dma_wait3A_823 = arith.constant 0 : i32
    %dma_wait3A_824 = arith.constant 2 : i32
    %dma_wait3A_825 = arith.constant 0 : i32
    %dma_wait3A_826 = arith.constant 0 : i32
    %dma_wait3A_827 = tpu.memref_slice %arg6[%dma_wait3A_824, %dma_wait3A_825, %dma_wait3A_826] : memref<4x100x64xf32, #tpu.memory_space<vmem>> -> memref<1x100x64xf32, #tpu.memory_space<vmem>>
    %dma_wait3A_828 = tpu.memref_squeeze %dma_wait3A_827 : memref<1x100x64xf32, #tpu.memory_space<vmem>> -> memref<100x64xf32, #tpu.memory_space<vmem>>
    %dma_wait3A_829 = arith.constant 0 : i32
    %dma_wait3A_830 = tpu.memref_slice %arg5[%dma_wait3A_822, %dma_wait3A_823, %dma_wait3A_829] : memref<2x256x100xi32, #tpu.memory_space<vmem>> -> memref<1x1x100xi32, #tpu.memory_space<vmem>>
    %dma_wait3A_831 = tpu.memref_squeeze %dma_wait3A_830 : memref<1x1x100xi32, #tpu.memory_space<vmem>> -> memref<100xi32, #tpu.memory_space<vmem>>
    %dma_wait3A_832 = arith.constant 0 : i32
    %dma_wait3A_833 = arith.constant 0 : i32
    %dma_wait3A_834 = tpu.memref_slice %arg3[%dma_wait3A_832, %dma_wait3A_833] : memref<1000000x64xf32, #tpu.memory_space<hbm>> -> memref<1000000x64xf32, #tpu.memory_space<hbm>>
    tpu.wait_indirect_dma semaphore(%arg11 : memref<!tpu.dma_semaphore, #tpu.memory_space<semaphore_mem>>) src(%dma_wait3A_834 : memref<1000000x64xf32, #tpu.memory_space<hbm>>) dst(%dma_wait3A_828 : memref<100x64xf32, #tpu.memory_space<vmem>>)
    %dma_wait3A_835 = arith.constant 0 : i32
    %dma_wait3A_836 = arith.constant 0 : i32
    %dma_wait3A_837 = arith.constant 3 : i32
    %dma_wait3A_838 = arith.constant 0 : i32
    %dma_wait3A_839 = arith.constant 0 : i32
    %dma_wait3A_840 = tpu.memref_slice %arg6[%dma_wait3A_837, %dma_wait3A_838, %dma_wait3A_839] : memref<4x100x64xf32, #tpu.memory_space<vmem>> -> memref<1x100x64xf32, #tpu.memory_space<vmem>>
    %dma_wait3A_841 = tpu.memref_squeeze %dma_wait3A_840 : memref<1x100x64xf32, #tpu.memory_space<vmem>> -> memref<100x64xf32, #tpu.memory_space<vmem>>
    %dma_wait3A_842 = arith.constant 0 : i32
    %dma_wait3A_843 = tpu.memref_slice %arg5[%dma_wait3A_835, %dma_wait3A_836, %dma_wait3A_842] : memref<2x256x100xi32, #tpu.memory_space<vmem>> -> memref<1x1x100xi32, #tpu.memory_space<vmem>>
    %dma_wait3A_844 = tpu.memref_squeeze %dma_wait3A_843 : memref<1x1x100xi32, #tpu.memory_space<vmem>> -> memref<100xi32, #tpu.memory_space<vmem>>
    %dma_wait3A_845 = arith.constant 0 : i32
    %dma_wait3A_846 = arith.constant 0 : i32
    %dma_wait3A_847 = tpu.memref_slice %arg3[%dma_wait3A_845, %dma_wait3A_846] : memref<1000000x64xf32, #tpu.memory_space<hbm>> -> memref<1000000x64xf32, #tpu.memory_space<hbm>>
    tpu.wait_indirect_dma semaphore(%arg12 : memref<!tpu.dma_semaphore, #tpu.memory_space<semaphore_mem>>) src(%dma_wait3A_847 : memref<1000000x64xf32, #tpu.memory_space<hbm>>) dst(%dma_wait3A_841 : memref<100x64xf32, #tpu.memory_space<vmem>>)
    %broadcast_in_dim3A_848 = arith.constant 0.000000e+00 : f32
    %broadcast_in_dim3A_849 = vector.broadcast %broadcast_in_dim3A_848 : f32 to vector<16xf32>
    %scan3A_850 = arith.constant 0 : i32
    %scan3A_851 = arith.constant 100 : i32
    %scan3A_852 = arith.addi %scan3A_850, %scan3A_851 : i32
    %scan3A_853 = arith.constant 1 : i32
    %scan3A_854:4 = scf.for %scan3A_892 = %scan3A_850 to %scan3A_852 step %scan3A_853 iter_args(%scan3A_893 = %broadcast_in_dim3A_849, %scan3A_894 = %broadcast_in_dim3A_849, %scan3A_895 = %broadcast_in_dim3A_849, %scan3A_896 = %broadcast_in_dim3A_849) -> (vector<16xf32>, vector<16xf32>, vector<16xf32>, vector<16xf32>)  : i32 {
      %get3A = arith.constant 2 : i32
      %get3A_897 = arith.index_cast %get3A : i32 to index
      %get3A_898 = arith.index_cast %scan3A_892 : i32 to index
      %get3A_899 = arith.constant 0 : index
      %get3A_900 = tpu.vector_load %arg6[%get3A_897, %get3A_898, %get3A_899] {strides = array<i32>} : memref<4x100x64xf32, #tpu.memory_space<vmem>>, vector<1x1x16xf32>,
      %get3A_901 = vector.shape_cast %get3A_900 : vector<1x1x16xf32> to vector<16xf32>
      %add3A_902 = arith.addf %scan3A_893, %get3A_901 : vector<16xf32>
      %get3A_903 = arith.constant 3 : i32
      %get3A_904 = arith.index_cast %get3A_903 : i32 to index
      %get3A_905 = arith.index_cast %scan3A_892 : i32 to index
      %get3A_906 = arith.constant 0 : index
      %get3A_907 = tpu.vector_load %arg6[%get3A_904, %get3A_905, %get3A_906] {strides = array<i32>} : memref<4x100x64xf32, #tpu.memory_space<vmem>>, vector<1x1x16xf32>,
      %get3A_908 = vector.shape_cast %get3A_907 : vector<1x1x16xf32> to vector<16xf32>
      %add3A_909 = arith.addf %add3A_902, %get3A_908 : vector<16xf32>
      %get3A_910 = arith.constant 2 : i32
      %get3A_911 = arith.index_cast %get3A_910 : i32 to index
      %get3A_912 = arith.index_cast %scan3A_892 : i32 to index
      %get3A_913 = arith.constant 16 : index
      %get3A_914 = tpu.vector_load %arg6[%get3A_911, %get3A_912, %get3A_913] {strides = array<i32>} : memref<4x100x64xf32, #tpu.memory_space<vmem>>, vector<1x1x16xf32>,
      %get3A_915 = vector.shape_cast %get3A_914 : vector<1x1x16xf32> to vector<16xf32>
      %add3A_916 = arith.addf %scan3A_894, %get3A_915 : vector<16xf32>
      %get3A_917 = arith.constant 3 : i32
      %get3A_918 = arith.index_cast %get3A_917 : i32 to index
      %get3A_919 = arith.index_cast %scan3A_892 : i32 to index
      %get3A_920 = arith.constant 16 : index
      %get3A_921 = tpu.vector_load %arg6[%get3A_918, %get3A_919, %get3A_920] {strides = array<i32>} : memref<4x100x64xf32, #tpu.memory_space<vmem>>, vector<1x1x16xf32>,
      %get3A_922 = vector.shape_cast %get3A_921 : vector<1x1x16xf32> to vector<16xf32>
      %add3A_923 = arith.addf %add3A_916, %get3A_922 : vector<16xf32>
      %get3A_924 = arith.constant 2 : i32
      %get3A_925 = arith.index_cast %get3A_924 : i32 to index
      %get3A_926 = arith.index_cast %scan3A_892 : i32 to index
      %get3A_927 = arith.constant 32 : index
      %get3A_928 = tpu.vector_load %arg6[%get3A_925, %get3A_926, %get3A_927] {strides = array<i32>} : memref<4x100x64xf32, #tpu.memory_space<vmem>>, vector<1x1x16xf32>,
      %get3A_929 = vector.shape_cast %get3A_928 : vector<1x1x16xf32> to vector<16xf32>
      %add3A_930 = arith.addf %scan3A_895, %get3A_929 : vector<16xf32>
      %get3A_931 = arith.constant 3 : i32
      %get3A_932 = arith.index_cast %get3A_931 : i32 to index
      %get3A_933 = arith.index_cast %scan3A_892 : i32 to index
      %get3A_934 = arith.constant 32 : index
      %get3A_935 = tpu.vector_load %arg6[%get3A_932, %get3A_933, %get3A_934] {strides = array<i32>} : memref<4x100x64xf32, #tpu.memory_space<vmem>>, vector<1x1x16xf32>,
      %get3A_936 = vector.shape_cast %get3A_935 : vector<1x1x16xf32> to vector<16xf32>
      %add3A_937 = arith.addf %add3A_930, %get3A_936 : vector<16xf32>
      %get3A_938 = arith.constant 2 : i32
      %get3A_939 = arith.index_cast %get3A_938 : i32 to index
      %get3A_940 = arith.index_cast %scan3A_892 : i32 to index
      %get3A_941 = arith.constant 48 : index
      %get3A_942 = tpu.vector_load %arg6[%get3A_939, %get3A_940, %get3A_941] {strides = array<i32>} : memref<4x100x64xf32, #tpu.memory_space<vmem>>, vector<1x1x16xf32>,
      %get3A_943 = vector.shape_cast %get3A_942 : vector<1x1x16xf32> to vector<16xf32>
      %add3A_944 = arith.addf %scan3A_896, %get3A_943 : vector<16xf32>
      %get3A_945 = arith.constant 3 : i32
      %get3A_946 = arith.index_cast %get3A_945 : i32 to index
      %get3A_947 = arith.index_cast %scan3A_892 : i32 to index
      %get3A_948 = arith.constant 48 : index
      %get3A_949 = tpu.vector_load %arg6[%get3A_946, %get3A_947, %get3A_948] {strides = array<i32>} : memref<4x100x64xf32, #tpu.memory_space<vmem>>, vector<1x1x16xf32>,
      %get3A_950 = vector.shape_cast %get3A_949 : vector<1x1x16xf32> to vector<16xf32>
      %add3A_951 = arith.addf %add3A_944, %get3A_950 : vector<16xf32>
      scf.yield %add3A_909, %add3A_923, %add3A_937, %add3A_951 : vector<16xf32>, vector<16xf32>, vector<16xf32>, vector<16xf32>
    }
    %scan3A_855 = arith.constant 100 : i32
    %mul3A_856 = arith.constant 5.000000e-03 : f32
    %mul3A_857 = vector.broadcast %mul3A_856 : f32 to vector<16xf32>
    %mul3A_858 = arith.mulf %scan3A_854#0, %mul3A_857 : vector<16xf32>
    %swap3A_859 = arith.constant 511 : i32
    %swap3A_860 = arith.index_cast %swap3A_859 : i32 to index
    %swap3A_861 = arith.constant 0 : index
    %swap3A_862 = tpu.vector_load %arg7[%swap3A_860, %swap3A_861] {strides = array<i32>} : memref<512x64xf32, #tpu.memory_space<vmem>>, vector<1x16xf32>,
    %swap3A_863 = vector.shape_cast %swap3A_862 : vector<1x16xf32> to vector<16xf32>
    %swap3A_864 = vector.shape_cast %mul3A_858 : vector<16xf32> to vector<1x16xf32>
    tpu.vector_store %arg7[%swap3A_860, %swap3A_861], %swap3A_864 {strides = array<i32>} : memref<512x64xf32, #tpu.memory_space<vmem>>, vector<1x16xf32>,
    %mul3A_865 = arith.constant 5.000000e-03 : f32
    %mul3A_866 = vector.broadcast %mul3A_865 : f32 to vector<16xf32>
    %mul3A_867 = arith.mulf %scan3A_854#1, %mul3A_866 : vector<16xf32>
    %swap3A_868 = arith.constant 511 : i32
    %swap3A_869 = arith.index_cast %swap3A_868 : i32 to index
    %swap3A_870 = arith.constant 16 : index
    %swap3A_871 = tpu.vector_load %arg7[%swap3A_869, %swap3A_870] {strides = array<i32>} : memref<512x64xf32, #tpu.memory_space<vmem>>, vector<1x16xf32>,
    %swap3A_872 = vector.shape_cast %swap3A_871 : vector<1x16xf32> to vector<16xf32>
    %swap3A_873 = vector.shape_cast %mul3A_867 : vector<16xf32> to vector<1x16xf32>
    tpu.vector_store %arg7[%swap3A_869, %swap3A_870], %swap3A_873 {strides = array<i32>} : memref<512x64xf32, #tpu.memory_space<vmem>>, vector<1x16xf32>,
    %mul3A_874 = arith.constant 5.000000e-03 : f32
    %mul3A_875 = vector.broadcast %mul3A_874 : f32 to vector<16xf32>
    %mul3A_876 = arith.mulf %scan3A_854#2, %mul3A_875 : vector<16xf32>
    %swap3A_877 = arith.constant 511 : i32
    %swap3A_878 = arith.index_cast %swap3A_877 : i32 to index
    %swap3A_879 = arith.constant 32 : index
    %swap3A_880 = tpu.vector_load %arg7[%swap3A_878, %swap3A_879] {strides = array<i32>} : memref<512x64xf32, #tpu.memory_space<vmem>>, vector<1x16xf32>,
    %swap3A_881 = vector.shape_cast %swap3A_880 : vector<1x16xf32> to vector<16xf32>
    %swap3A_882 = vector.shape_cast %mul3A_876 : vector<16xf32> to vector<1x16xf32>
    tpu.vector_store %arg7[%swap3A_878, %swap3A_879], %swap3A_882 {strides = array<i32>} : memref<512x64xf32, #tpu.memory_space<vmem>>, vector<1x16xf32>,
    %mul3A_883 = arith.constant 5.000000e-03 : f32
    %mul3A_884 = vector.broadcast %mul3A_883 : f32 to vector<16xf32>
    %mul3A_885 = arith.mulf %scan3A_854#3, %mul3A_884 : vector<16xf32>
    %swap3A_886 = arith.constant 511 : i32
    %swap3A_887 = arith.index_cast %swap3A_886 : i32 to index
    %swap3A_888 = arith.constant 48 : index
    %swap3A_889 = tpu.vector_load %arg7[%swap3A_887, %swap3A_888] {strides = array<i32>} : memref<512x64xf32, #tpu.memory_space<vmem>>, vector<1x16xf32>,
    %swap3A_890 = vector.shape_cast %swap3A_889 : vector<1x16xf32> to vector<16xf32>
    %swap3A_891 = vector.shape_cast %mul3A_885 : vector<16xf32> to vector<1x16xf32>
    tpu.vector_store %arg7[%swap3A_887, %swap3A_888], %swap3A_891 {strides = array<i32>} : memref<512x64xf32, #tpu.memory_space<vmem>>, vector<1x16xf32>,
    "tpu.region"() ({
      %run_scoped3A_892 = tpu.sem_alloc : memref<!tpu.dma_semaphore, #tpu.memory_space<semaphore_mem>>
      %dma_start3A_893 = arith.constant 0 : i32
      %dma_start3A_894 = tpu.memref_slice %arg4[%mul3A_2, %dma_start3A_893] : memref<16384x64xf32, #tpu.memory_space<hbm>> -> memref<512x64xf32, #tpu.memory_space<hbm>>
      %dma_start3A_895 = arith.constant 0 : i32
      %dma_start3A_896 = tpu.memref_slice %arg4[%mul3A_2, %dma_start3A_895] : memref<16384x64xf32, #tpu.memory_space<hbm>> -> memref<512x64xf32, #tpu.memory_space<hbm>>
      tpu.enqueue_dma source(%arg7 : memref<512x64xf32, #tpu.memory_space<vmem>>) target(%dma_start3A_896 : memref<512x64xf32, #tpu.memory_space<hbm>>) target_semaphore(%run_scoped3A_892 : memref<!tpu.dma_semaphore, #tpu.memory_space<semaphore_mem>>)
      %dma_wait3A_897 = arith.constant 0 : i32
      %dma_wait3A_898 = tpu.memref_slice %arg4[%mul3A_2, %dma_wait3A_897] : memref<16384x64xf32, #tpu.memory_space<hbm>> -> memref<512x64xf32, #tpu.memory_space<hbm>>
      %dma_wait3A_899 = arith.constant 0 : i32
      %dma_wait3A_900 = tpu.memref_slice %arg4[%mul3A_2, %dma_wait3A_899] : memref<16384x64xf32, #tpu.memory_space<hbm>> -> memref<512x64xf32, #tpu.memory_space<hbm>>
      tpu.wait_dma2 semaphore(%run_scoped3A_892 : memref<!tpu.dma_semaphore, #tpu.memory_space<semaphore_mem>>) src(%arg7 : memref<512x64xf32, #tpu.memory_space<vmem>>) dst(%dma_wait3A_900 : memref<512x64xf32, #tpu.memory_space<hbm>>)
      tpu.yield
    }) : () -> ()
    return
  }
}

module attributes {stable_mosaic.version = 14 : i64} {
  func.func @_mlp_body(%arg0: i32, %arg1: memref<2048x64xf32, #tpu.memory_space<vmem>>, %arg2: memref<64x256xf32, #tpu.memory_space<vmem>>, %arg3: memref<1x256xf32, #tpu.memory_space<vmem>>, %arg4: memref<256x2xf32, #tpu.memory_space<vmem>>, %arg5: memref<1x2xf32, #tpu.memory_space<vmem>>, %arg6: memref<2048x2xf32, #tpu.memory_space<vmem>>) attributes {dimension_semantics = [#tpu.dimension_semantics<arbitrary>], iteration_bounds = array<i64: 8>, scalar_prefetch = 0 : i64, scratch_operands = 0 : i64, tpu.core_type = #tpu.core_type<tc>, window_params = [{transform_indices = @transform_0, window_bounds = array<i64: 2048, 64>}, {pipeline_mode = #tpu.pipeline_mode<synchronous>, transform_indices = @transform_1, window_bounds = array<i64: 64, 256>}, {pipeline_mode = #tpu.pipeline_mode<synchronous>, transform_indices = @transform_2, window_bounds = array<i64: 1, 256>}, {pipeline_mode = #tpu.pipeline_mode<synchronous>, transform_indices = @transform_3, window_bounds = array<i64: 256, 2>}, {pipeline_mode = #tpu.pipeline_mode<synchronous>, transform_indices = @transform_4, window_bounds = array<i64: 1, 2>}, {transform_indices = @transform_5, window_bounds = array<i64: 2048, 2>}]} {
    %get3A = arith.constant 0 : index
    %get3A_0 = arith.constant 0 : index
    %get3A_1 = vector.load %arg1[%get3A, %get3A_0] : memref<2048x64xf32, #tpu.memory_space<vmem>>, vector<2048x64xf32>
    %get3A_2 = arith.constant 0 : index
    %get3A_3 = arith.constant 0 : index
    %get3A_4 = vector.load %arg2[%get3A_2, %get3A_3] : memref<64x256xf32, #tpu.memory_space<vmem>>, vector<64x256xf32>
    %dot_general3A = arith.constant dense<0.000000e+00> : vector<2048x256xf32>
    %dot_general3A_5 = tpu.matmul %get3A_1, %get3A_4, %dot_general3A {dimension_numbers = #tpu.dot_dimension_numbers<[1], [0], [0], [1], [0, 0, 1, 1], [], []>, transpose_lhs_hint = false} : vector<2048x64xf32>, vector<64x256xf32>, vector<2048x256xf32> -> vector<2048x256xf32>
    %get3A_6 = arith.constant 0 : index
    %get3A_7 = arith.constant 0 : index
    %get3A_8 = vector.load %arg3[%get3A_6, %get3A_7] : memref<1x256xf32, #tpu.memory_space<vmem>>, vector<1x256xf32>
    %add3A = vector.broadcast %get3A_8 : vector<1x256xf32> to vector<2048x256xf32>
    %add3A_9 = arith.addf %dot_general3A_5, %add3A : vector<2048x256xf32>
    %tanh3A = math.tanh %add3A_9 : vector<2048x256xf32>
    %get3A_10 = arith.constant 0 : index
    %get3A_11 = arith.constant 0 : index
    %get3A_12 = vector.load %arg4[%get3A_10, %get3A_11] : memref<256x2xf32, #tpu.memory_space<vmem>>, vector<256x2xf32>
    %dot_general3A_13 = arith.constant dense<0.000000e+00> : vector<2048x2xf32>
    %dot_general3A_14 = tpu.matmul %tanh3A, %get3A_12, %dot_general3A_13 {dimension_numbers = #tpu.dot_dimension_numbers<[1], [0], [0], [1], [0, 0, 1, 1], [], []>, transpose_lhs_hint = false} : vector<2048x256xf32>, vector<256x2xf32>, vector<2048x2xf32> -> vector<2048x2xf32>
    %get3A_15 = arith.constant 0 : index
    %get3A_16 = arith.constant 0 : index
    %get3A_17 = vector.load %arg5[%get3A_15, %get3A_16] : memref<1x2xf32, #tpu.memory_space<vmem>>, vector<1x2xf32>
    %add3A_18 = vector.broadcast %get3A_17 : vector<1x2xf32> to vector<2048x2xf32>
    %add3A_19 = arith.addf %dot_general3A_14, %add3A_18 : vector<2048x2xf32>
    %reduce_max3A = arith.constant dense<0xFF800000> : vector<2048xf32>
    %reduce_max3A_20 = vector.multi_reduction <maximumf>, %add3A_19, %reduce_max3A [1] : vector<2048x2xf32> to vector<2048xf32>
    %broadcast_in_dim3A = vector.shape_cast %reduce_max3A_20 : vector<2048xf32> to vector<2048x1xf32>
    %sub3A = vector.broadcast %broadcast_in_dim3A : vector<2048x1xf32> to vector<2048x2xf32>
    %sub3A_21 = arith.subf %add3A_19, %sub3A : vector<2048x2xf32>
    %exp3A = math.exp %sub3A_21 : vector<2048x2xf32>
    %reduce_sum3A = arith.constant dense<0.000000e+00> : vector<2048xf32>
    %reduce_sum3A_22 = vector.multi_reduction <add>, %exp3A, %reduce_sum3A [1] : vector<2048x2xf32> to vector<2048xf32>
    %broadcast_in_dim3A_23 = vector.shape_cast %reduce_sum3A_22 : vector<2048xf32> to vector<2048x1xf32>
    %log3A = math.log %broadcast_in_dim3A_23 : vector<2048x1xf32>
    %add3A_24 = arith.addf %log3A, %broadcast_in_dim3A : vector<2048x1xf32>
    %sub3A_25 = vector.broadcast %add3A_24 : vector<2048x1xf32> to vector<2048x2xf32>
    %sub3A_26 = arith.subf %add3A_19, %sub3A_25 : vector<2048x2xf32>
    %swap3A = arith.constant 0 : index
    %swap3A_27 = arith.constant 0 : index
    %swap3A_28 = vector.load %arg6[%swap3A, %swap3A_27] : memref<2048x2xf32, #tpu.memory_space<vmem>>, vector<2048x2xf32>
    tpu.vector_store %arg6[%swap3A, %swap3A_27], %sub3A_26 {strides = array<i32>} : memref<2048x2xf32, #tpu.memory_space<vmem>>, vector<2048x2xf32>,
    return
  }
  func.func @transform_0(%arg0: i32) -> (i32, i32) {
    %c0_i32 = arith.constant 0 : i32
    %c0_i32_0 = arith.constant 0 : i32
    return %arg0, %c0_i32 : i32, i32
  }
  func.func @transform_1(%arg0: i32) -> (i32, i32) {
    %c0_i32 = arith.constant 0 : i32
    %c0_i32_0 = arith.constant 0 : i32
    %c0_i32_1 = arith.constant 0 : i32
    return %c0_i32, %c0_i32_0 : i32, i32
  }
  func.func @transform_2(%arg0: i32) -> (i32, i32) {
    %c0_i32 = arith.constant 0 : i32
    %c0_i32_0 = arith.constant 0 : i32
    %c0_i32_1 = arith.constant 0 : i32
    return %c0_i32, %c0_i32_0 : i32, i32
  }
  func.func @transform_3(%arg0: i32) -> (i32, i32) {
    %c0_i32 = arith.constant 0 : i32
    %c0_i32_0 = arith.constant 0 : i32
    %c0_i32_1 = arith.constant 0 : i32
    return %c0_i32, %c0_i32_0 : i32, i32
  }
  func.func @transform_4(%arg0: i32) -> (i32, i32) {
    %c0_i32 = arith.constant 0 : i32
    %c0_i32_0 = arith.constant 0 : i32
    %c0_i32_1 = arith.constant 0 : i32
    return %c0_i32, %c0_i32_0 : i32, i32
  }
  func.func @transform_5(%arg0: i32) -> (i32, i32) {
    %c0_i32 = arith.constant 0 : i32
    %c0_i32_0 = arith.constant 0 : i32
    return %arg0, %c0_i32 : i32, i32
  }
}

</mosaic_0001>

<sc_bundles>
// kernel: kernel.4.cloned.1.call-start
scs
__scs_entry_jumppad:
0x0: {  	(pc) =	sbr.rel $0x88, $3  }
0x1: {  	(tag) =	ssettag $0x0;
	lr =	simm.s32 $0x1  }
0x2: {  	[smem:$0x3F9B] =	sst lr;
	_ =	strace $0xD0000000  }
0x3: {  	_ = 	snop  }
0x4: {  	_ = 	snop  }
0x5: {  	_ = 	snop  }
0x6: {  	_ = 	snop  }
0x7: {  	_ = 	snop  }
__scs_overlays_trampoline_lowered:
0x8: {  	[smem:$0x3FAA] =	sst s0  }
0x9: {  	[smem:$0x3FAB] =	sst s1  }
0xa: {  	[smem:$0x3FAC] =	sst s2  }
0xb: {  	[smem:$0x3FAD] =	sst s3  }
0xc: {  	[smem:$0x3FAE] =	sst s4  }
0xd: {  	[smem:$0x3FAF] =	sst s5  }
0xe: {  	[smem:$0x3FB0] =	sst s6  }
0xf: {  	[smem:$0x3FB1] =	sst s7  }
0x10: {  	[smem:$0x3FB2] =	sst s8  }
0x11: {  	[smem:$0x3FB3] =	sst s9;
	s0 =	simm.s32 @!p0 $0x0  }
0x12: {  	s1 =	sld [smem:$0x3F99];
	s0 =	simm.s32 @p0 $0x1  }
0x13: {  	[smem:$0x3FB4] =	sst s0;
	s0 =	simm.s32 @!p1 $0x0  }
0x14: {  	s2 =	sld [smem:$0x3F98];
	s0 =	simm.s32 @p1 $0x1  }
0x15: {  	[smem:$0x3FB5] =	sst s0;
	s0 =	simm.s32 @!p2 $0x0  }
0x16: {  	s3 =	sld [smem:$0x3FDB];
	s0 =	simm.s32 @p2 $0x1  }
0x17: {  	s4 =	simm.s32 $0x1BF5;
	[smem:$0x3FB7] =	sst s0  }
0x18: {  	s0 =	sld [smem:$0x3F9A];
	_ =	swait.ge [sflag:s4], $0x0  }
0x19: {  	s7 =	sld [smem:$0x3F9B]  }
0x1a: {  	s8 =	sadd.s32 $0xFFFFE003, lr  }
0x1b: {  	s9 =	sadd.s32 $0xFFFFFEF7, lr;
	s5 =	simm.s32 $0xFFFFFFFF;
	p2 =	slt.u32 s8, $0xFFFFF086  }
0x1c: {  	p1 =	slt.u32 s9, $0xF7A;
	s5 =	simm.s32 @!p2 $0x0  }
0x1d: {  	s5 =	simm.s32 @p1 $0x1;
	p0 =	seq.s32 s7, s2  }
0x1e: {  	s7 =	smul.u32 @!p0 $0xF7A, s2;
	p2 =	seq.s32 @!p0 s5, $0x0  }
0x1f: {  	s9 =	smul.u32 $0xF7A, s1;
	s8 =	simm.s32 @!p0 $0x1BF5;
	p2 =	por !p2, p0  }
0x20: {  	[sflag:s8] =	ssyncset.s32 @!p0 $0xFFFFF086;
	s6 =	sadd.s32 @!p0 s3, s7;
	s7 =	simm.s32 @!p0 $0x108  }
0x21: {  	s3 =	sadd.s32 s3, s9;
	s6 =	sadd.s32 @!p0 $0x88, s6;
	s7 =	simm.s32 @p2 $0x1082  }
0x22: {  	[simem:s7], [sflag:s8] =	dma.local @!p0 [hbm:s6], $0xF7A  }
0x23: {  	s9 =	sor.u32 $0xD0000000, s2;
	s6 =	simm.s32 $0x108;
	_ =	swait.ge @!p0 [sflag:s8], $0x0  }
0x24: {  	s3 =	sadd.s32 $0x88, s3;
	s6 =	simm.s32 @!p1 $0x1082;
	[sflag:s4] =	ssyncset.s32 $0xFFFFF086  }
0x25: {  	[simem:s6], [sflag:s4] =	dma.local [hbm:s3], $0xF7A  }
0x26: {  	[smem:$0x3F9B] =	sst s1;
	(tag) =	ssettag s2;
	_ =	strace s9  }
0x27: {  	s1 =	sld [smem:$0x3FAB]  }
0x28: {  	s2 =	sld [smem:$0x3FAC]  }
0x29: {  	s4 =	sld [smem:$0x3FAE]  }
0x2a: {  	p0 =	seq.s32 s5, $0x0;
	s5 =	sld [smem:$0x3FAF]  }
0x2b: {  	s6 =	sld [smem:$0x3FB0]  }
0x2c: {  	s7 =	sld [smem:$0x3FB1]  }
0x2d: {  	s3 =	simm.s32 $0x108;
	s8 =	sld [smem:$0x3FB2]  }
0x2e: {  	s3 =	simm.s32 @!p0 $0x1082;
	s9 =	sld [smem:$0x3FB3]  }
0x2f: {  	lr =	sadd.s32 s0, s3;
	s0 =	sld [smem:$0x3FAA]  }
0x30: {  	s3 =	sld [smem:$0x3FAD]  }
0x31: {  	[smem:$0x3FB6] =	sst s10  }
0x32: {  	s10 =	sld [smem:$0x3FB4];
	_ =	sdelay $0x3  }
0x33: {  	p0 =	seq.s32 s10, $0x1;
	s10 =	sld [smem:$0x3FB6];
	_ =	sdelay $0x3  }
0x34: {  	[smem:$0x3FB6] =	sst s10  }
0x35: {  	s10 =	sld [smem:$0x3FB5];
	_ =	sdelay $0x3  }
0x36: {  	p1 =	seq.s32 s10, $0x1;
	s10 =	sld [smem:$0x3FB6];
	_ =	sdelay $0x3  }
0x37: {  	[smem:$0x3FB6] =	sst s10  }
0x38: {  	s10 =	sld [smem:$0x3FB7]  }
0x39: {  	_ = 	snop;
	(pc) =	sbr.ind lr, $3  }
0x3a: {  	_ = 	snop  }
0x3b: {  	_ = 	snop  }
0x3c: {  	p2 =	seq.s32 s10, $0x1;
	s10 =	sld [smem:$0x3FB6]  }
0x3d: {  	_ =	shalt  }
0x3e: {  	_ =	shalt  }
0x3f: {  	_ =	shalt  }
0x40: {  	_ =	shalt  }
0x41: {  	_ =	shalt  }
0x42: {  	_ =	shalt  }
0x43: {  	_ =	shalt  }
0x44: {  	_ =	shalt  }
0x45: {  	_ =	shalt  }
0x46: {  	_ =	shalt  }
0x47: {  	_ =	shalt  }
0x48: {  	_ =	shalt  }
0x49: {  	_ =	shalt  }
0x4a: {  	_ =	shalt  }
0x4b: {  	_ =	shalt  }
0x4c: {  	_ =	shalt  }
0x4d: {  	_ =	shalt  }
0x4e: {  	_ =	shalt  }
0x4f: {  	_ =	shalt  }
0x50: {  	_ =	shalt  }
0x51: {  	_ =	shalt  }
0x52: {  	_ =	shalt  }
0x53: {  	_ =	shalt  }
0x54: {  	_ =	shalt  }
0x55: {  	_ =	shalt  }
0x56: {  	_ =	shalt  }
0x57: {  	_ =	shalt  }
0x58: {  	_ =	shalt  }
0x59: {  	_ =	shalt  }
0x5a: {  	_ =	shalt  }
0x5b: {  	_ =	shalt  }
0x5c: {  	_ =	shalt  }
0x5d: {  	_ =	shalt  }
0x5e: {  	_ =	shalt  }
0x5f: {  	_ =	shalt  }
0x60: {  	_ =	shalt  }
0x61: {  	_ =	shalt  }
0x62: {  	_ =	shalt  }
0x63: {  	_ =	shalt  }
0x64: {  	_ =	shalt  }
0x65: {  	_ =	shalt  }
0x66: {  	_ =	shalt  }
0x67: {  	_ =	shalt  }
0x68: {  	_ =	shalt  }
0x69: {  	_ =	shalt  }
0x6a: {  	_ =	shalt  }
0x6b: {  	_ =	shalt  }
0x6c: {  	_ =	shalt  }
0x6d: {  	_ =	shalt  }
0x6e: {  	_ =	shalt  }
0x6f: {  	_ =	shalt  }
0x70: {  	_ =	shalt  }
0x71: {  	_ =	shalt  }
0x72: {  	_ =	shalt  }
0x73: {  	_ =	shalt  }
0x74: {  	_ =	shalt  }
0x75: {  	_ =	shalt  }
0x76: {  	_ =	shalt  }
0x77: {  	_ =	shalt  }
0x78: {  	_ =	shalt  }
0x79: {  	_ =	shalt  }
0x7a: {  	_ =	shalt  }
0x7b: {  	_ =	shalt  }
0x7c: {  	_ =	shalt  }
0x7d: {  	_ =	shalt  }
0x7e: {  	_ =	shalt  }
0x7f: {  	_ =	shalt  }
0x80: {  	_ =	shalt  }
0x81: {  	_ =	shalt  }
0x82: {  	_ =	shalt  }
0x83: {  	_ =	shalt  }
0x84: {  	_ =	shalt  }
0x85: {  	_ =	shalt  }
0x86: {  	_ =	shalt  }
0x87: {  	_ =	shalt  }
.Lfunc_end0:
.L_simem_size_0:
called_computation_lowered:
.L_overlay_start_0:
0x88: {  	s2 =	sld [smem:$0x3FD9]  }
0x89: {  	s3 =	sld [smem:$0x3FFE];
	_ =	sdelay $0x1  }
0x8a: {  	s1 =	srdreg.scid  }
0x8b: {  	s0 =	sand.u32 $0x1, s1  }
0x8c: {  	s16 =	sshll.u32 s0, $0xA;
	s2 =	sadd.s32 s3, s2  }
0x8d: {  	s2 =	sadd.s32 s2, s16  }
0x8e: {  	[smem:$0x3FC2] =	sst s2  }
0x8f: {  	_ = 	snop  }
0x90: {  	(tm) =	ssettm $0x1  }
0x91: {  	s17 =	sld [smem:$0x3FFB];
	_ =	sdelay $0x3  }
0x92: {  	_ =	strace s17  }
0x93: {  	s2 =	sld [smem:$0x3FFC];
	_ =	sdelay $0x3  }
0x94: {  	_ =	strace s2  }
0x95: {  	s2 =	sld [smem:$0x3FFD];
	_ =	sdelay $0x3  }
0x96: {  	_ =	strace s2  }
0x97: {  	_ =	strace $0x8FFFFFFF  }
0x98: {  	s18 =	sld [smem:$0x3FDB];
	_ =	sdelay $0x1  }
0x99: {  	s19 =	simm.s32 $_scs_section_size  }
0x9a: {  	s4 =	simm.s32 $_size__tile_overlayer_lowered;
	s5 =	simm.s32 $_tile_overlayer_lowered  }
0x9b: {  	s22 =	simm.s32 $0x1BFF;
	s21 =	sshll.u32 s5, $0x1;
	s2 =	sadd.s32 s19, s18  }
0x9c: {  	s6 =	simm.s32 $0x0;
	s20 =	sshll.u32 s4, $0x1;
	s4 =	sadd.s32 s21, s2  }
0x9d: {  	[timem:s6], [sflag:s22] =	dma.local [hbm:s4], s20  }
0x9e: {  	_ =	swait.ge [sflag:s22], s20  }
0x9f: {  	s3 =	ssub.s32 $0x0, s20;
	[sflag:s22] =	ssyncset.done $0x0  }
0xa0: {  	[sflag:s22] =	ssyncadd.s32 s3;
	_ =	sdelay $0x1  }
0xa1: {  	s23 =	simm.s32 $0x1B8B  }
0xa2: {  	_ =	swait.ge [sflag:s23], $0x1  }
0xa3: {  	[sflag:s23] =	ssyncset.done $0x0  }
0xa4: {  	s25 =	simm.s32 $0x1B8E;
	s24 =	sld [smem:$0x3FFE];
	[sflag:s23] =	ssyncadd.s32 $0xFFFFFFFF  }
0xa5: {  	s26 =	simm.s32 $execute0_lowered;
	[smem:$0x3FD2] =	sst s25  }
0xa6: {  	s4 =	sshll.u32 s26, $0x1;
	_ =	strace $0x80000046;
	[dreg:$0x1] =	wrdreg $0xFFFFFFFF  }
0xa7: {  	s28 =	simm.s32 $_size_execute0_lowered;
	s2 =	sadd.s32 s2, s4;
	[dreg:$0x0] =	wrdreg $0x0  }
0xa8: {  	s4 =	sshll.u32 s28, $0x1;
	[dreg:$0x2] =	wrdreg s2  }
0xa9: {  	[dreg:$0x3] =	wrdreg s4  }
0xaa: {  	[dreg:$0x4] =	wrdreg $0xC0  }
0xab: {  	_ =	task [dreg:s6], $0x5FFFF  }
0xac: {  	[dreg:$0x1] =	wrdreg $0xFFFFFFFF  }
0xad: {  	[dreg:$0x0] =	wrdreg $0x60  }
0xae: {  	[dreg:$0x2] =	wrdreg s24  }
0xaf: {  	[dreg:$0x3] =	wrdreg $0x9  }
0xb0: {  	_ =	task.clear_ibuf [dreg:s6], $0x4FFFF;
	_ =	strace $0x90000046  }
0xb1: {  	s29 =	simm.s32 $0x9;
	_ =	strace $0x80000048  }
0xb2: {  	_ =	swait.ge [sflag:s29], $0x1  }
0xb3: {  	[sflag:s29] =	ssyncadd.s32 $0xFFFFFFFF  }
0xb4: {  	_ =	strace $0x90000048  }
0xb5: {  	_ =	sfence  }
0xb6: {  	s30 =	sld [smem:$0x0];
	_ =	sdelay $0x2  }
0xb7: {  	s31 =	sshll.u32 s1, $0xD;
	s1 =	sshrl.u32 s1, $0x2  }
0xb8: {  	s3 =	sand.u32 $0x4000, s31;
	s1 =	sadd.s32 s1, s30  }
0xb9: {  	s0 =	sor.u32 s3, s0;
	s1 =	sshll.u32 s1, $0x11  }
0xba: {  	s0 =	sor.u32 s1, s0  }
0xbb: {  	s0 =	sadd.s32 $0x8F2B, s0  }
0xbc: {  	[sflag:s0] =	ssyncadd.remote.s32 $0x1  }
0xbd: {  	_ =	sfence.sel $0xFFFF  }
0xbe: {  	[dreg:$0x0] =	wrdreg $0xFFFFFFFF;
	(pc) =	sbr.abs _section_cstart, $3  }
0xbf: {  	[dreg:$0x1] =	wrdreg $0xFFFFFFFF  }
0xc0: {  	_ =	task.clear_ibuf [dreg:s6], $0x2FFFF;
	_ =	strace $0x9FFFFFFF  }
0xc1: {  	(tm) =	ssettm $0x7FFFFFFF  }
tec
execute0_lowered:
.L_overlay_start_1:
0x0: {  	(tag) =	ssettag $0x1  }
0x1: {  	s0 =	rddreg [dreg:$0x0];
	s1 =	srdreg.scid  }
0x2: {  	s3 =	stileid.u32;
	s2 =	simm.s32 $0x0;
	s10 =	simm.s32 $0x6  }
0x3: {  	s11 =	simm.s32 $0x6800;
	s12 =	simm.s32 $0x64;
	s13 =	simm.s32 $0xD000  }
0x4: {  	s15 =	simm.s32 $0xE900;
	s16 =	simm.s32 $0xD0;
	s17 =	simm.s32 $0x10200  }
0x5: {  	s18 =	simm.s32 $0x138;
	s19 =	simm.s32 $0x11B00;
	s20 =	simm.s32 $0x2  }
0x6: {  	s21 =	simm.s32 $0x3;
	s22 =	simm.s32 $0x4;
	s23 =	simm.s32 $0x5  }
0x7: {  	s24 =	simm.s32 $0x1;
	s25 =	simm.s32 $0x6868;
	s26 =	simm.s32 $0x68D0  }
0x8: {  	s28 =	simm.s32 $0x6938;
	s1 =	sand.u32 $0x1, s1;
	s3 =	sshll.u32 s3, $0x1  }
0x9: {  	s30 =	simm.s32 $0x0;
	[smem:$0x7FF] =	sst s2;
	s4 =	sor.u32 s1, s3  }
0xa: {  	s6 =	sadd.s32 $0xC00, s0;
	_ =	strace $0x80000047;
	s5 =	smul.u32 $0x1A000, s4  }
0xb: {  	s3 =	sadd.s32 $0x68C00, s0;
	s1 =	ssub.s32 $0x2, s1;
	s7 =	sshll.u32 s4, $0xC  }
0xc: {  	s4 =	smul.u32 $0x3400, s4;
	s31 =	sshrl.u32 s1, $0x1;
	s5 =	sshrl.u32 s5, $0x3  }
0xd: {  	s0 =	sadd.s32 s7, s0;
	s1 =	ssub.s32 s1, s31;
	s8 =	sadd.s32 s6, s5  }
0xe: {  	s4 =	sadd.s32 s6, s4;
	s9 =	smax.u32 s1, $0x1;
	s5 =	sadd.s32 $0xD00, s8  }
0xf: {  	s6 =	sadd.s32 $0x1A00, s8;
	s7 =	sadd.s32 $0x2700, s8;
	s8 =	sadd.s32 $0x809E00, s0  }
.LBB2_1:
0x10: {  	[tilespmem:s2], [sflag:$0x6] =	stream.linear.gather [hbm4b:s4+s2], $0x6800, $0x38;
	[tilespmem:$0x1B400] =	vst v63  }
0x11: {  	_ =	swait.ge [sflag:s10], $0x6800  }
0x12: {  	[sflag:s10] =	ssyncset.done $0x0  }
0x13: {  	[sflag:s10] =	ssyncadd.s32 $0xFFFF9800  }
0x14: {  	[tilespmem:s11], [sflag:$0x1] =	stream.linear.gather [hbm4b:s5+s2], $0x6800, $0x38;
	[tilespmem:$0x1B400] =	vst v63  }
0x15: {  	_ = 	snop  }
0x16: {  	[tilespmem:s13], [sflag:$0x2] =	stream.indirect.gather [hbm4b:s3+s12], $0x40, s2, s12, $0xb8;
	[tilespmem:$0x1B400] =	vst v63  }
0x17: {  	s0 =	simm.s32 $0x68  }
0x18: {  	[tilespmem:s15], [sflag:$0x3] =	stream.indirect.gather [hbm4b:s3+s12], $0x40, s0, s12, $0xb8;
	[tilespmem:$0x1B400] =	vst v63  }
0x19: {  	_ = 	snop  }
0x1a: {  	[tilespmem:s17], [sflag:$0x4] =	stream.indirect.gather [hbm4b:s3+s12], $0x40, s16, s12, $0xb8;
	[tilespmem:$0x1B400] =	vst v63  }
0x1b: {  	s31 =	simm.s32 $0x0  }
0x1c: {  	[tilespmem:s19], [sflag:$0x5] =	stream.indirect.gather [hbm4b:s3+s12], $0x40, s18, s12, $0xb8;
	[tilespmem:$0x1B400] =	vst v63  }
.LBB2_2:
0x1d: {  	_ =	swait.ge [sflag:s20], $0x1900  }
0x1e: {  	[sflag:s20] =	ssyncset.done $0x0  }
0x1f: {  	[sflag:s20] =	ssyncadd.s32 $0xFFFFE700  }
0x20: {  	_ =	swait.ge [sflag:s21], $0x1900  }
0x21: {  	[sflag:s21] =	ssyncset.done $0x0  }
0x22: {  	s0 =	simm.s32 $0x20;
	[sflag:s21] =	ssyncadd.s32 $0xFFFFE700  }
0x23: {  	v1 =	vld [tilespmem:s0+$0xE8E0]  }
0x24: {  	v0 =	vld [tilespmem:s0+$0xE8F0]  }
0x25: {  	v2 =	vld [tilespmem:s0+$0xCFE0]  }
0x26: {  	v5 =	vimm.f32 $0.0e+00;
	v3 =	vld [tilespmem:s0+$0xCFF0]  }
0x27: {  	s1 =	simm.s32 $0x180;
	v6 =	vimm.f32 $0.0e+00;
	v8 =	vimm.f32 $0.0e+00;
	v7 =	vimm.f32 $0.0e+00;
	v4 =	vld [tilespmem:s0+$0xD000]  }
.LBB2_3:
0x28: {  	p0 =	sne.s32 s1, $0x6380;
	v9 =	vld [tilespmem:s0+$0xD010];
	v10 =	vmov v1  }
0x29: {  	v11 =	vld [tilespmem:s0+$0xE900];
	v12 =	vmov v0  }
0x2a: {  	v13 =	vld [tilespmem:s0+$0xE910];
	s0 =	sshra.s32 s1, $0x2  }
.Ltmp0:
0x2b: {  	v1 =	vld [tilespmem:s0+$0xE8E0];
	(pc) =	sbr.rel @p0 .LBB2_3-.Ltmp0, $4  }
0x2c: {  	v5 =	vadd.f32 v2, v5;
	v6 =	vadd.f32 v3, v6;
	v0 =	vld [tilespmem:s0+$0xE8F0]  }
0x2d: {  	v8 =	vadd.f32 v4, v8;
	v2 =	vld [tilespmem:s0+$0xCFE0];
	v7 =	vadd.f32 v9, v7  }
0x2e: {  	v5 =	vadd.f32 v10, v5;
	v6 =	vadd.f32 v12, v6;
	v3 =	vld [tilespmem:s0+$0xCFF0]  }
0x2f: {  	s1 =	sadd.s32 $0x100, s1;
	v8 =	vadd.f32 v11, v8;
	v4 =	vld [tilespmem:s0+$0xD000];
	v7 =	vadd.f32 v13, v7  }
0x30: {  	v9 =	vld [tilespmem:s0+$0xD010]  }
0x31: {  	v10 =	vld [tilespmem:s0+$0xE900]  }
0x32: {  	v11 =	vld [tilespmem:s0+$0xE910];
	v2 =	vadd.f32 v2, v5  }
0x33: {  	v3 =	vadd.f32 v3, v6  }
0x34: {  	v4 =	vadd.f32 v4, v8;
	v1 =	vadd.f32 v1, v2  }
0x35: {  	v2 =	vadd.f32 v9, v7;
	v0 =	vadd.f32 v0, v3  }
0x36: {  	s14 =	sshll.u32 s31, $0x7;
	v3 =	vadd.f32 v10, v4;
	v1 =	vmul.f32 $4.999999890e-03, v1  }
0x37: {  	s0 =	sand.u32 $0x3FFFFF80, s14;
	v2 =	vadd.f32 v11, v2;
	v0 =	vmul.f32 $4.999999890e-03, v0  }
0x38: {  	s1 =	smul.u32 $0x680, s31;
	[tilespmem:s0+$0x13400] =	vst v1;
	v1 =	vmul.f32 $4.999999890e-03, v3  }
0x39: {  	[tilespmem:s0+$0x13410] =	vst v0;
	v0 =	vmul.f32 $4.999999890e-03, v2  }
0x3a: {  	s1 =	sshra.s32 s1, $0x2;
	[tilespmem:s0+$0x13420] =	vst v1  }
0x3b: {  	s14 =	sadd.s32 $0x1A0, s1;
	[tilespmem:s0+$0x13430] =	vst v0  }
0x3c: {  	[tilespmem:s13], [sflag:$0x2] =	stream.indirect.gather [hbm4b:s3+s12], $0x40, s14, s12, $0xb8;
	[tilespmem:$0x1B400] =	vst v63  }
0x3d: {  	s14 =	sadd.s32 $0x208, s1  }
0x3e: {  	[tilespmem:s15], [sflag:$0x3] =	stream.indirect.gather [hbm4b:s3+s12], $0x40, s14, s12, $0xb8;
	[tilespmem:$0x1B400] =	vst v63  }
0x3f: {  	_ =	swait.ge [sflag:s22], $0x1900  }
0x40: {  	[sflag:s22] =	ssyncset.done $0x0  }
0x41: {  	[sflag:s22] =	ssyncadd.s32 $0xFFFFE700  }
0x42: {  	_ =	swait.ge [sflag:s23], $0x1900  }
0x43: {  	[sflag:s23] =	ssyncset.done $0x0  }
0x44: {  	s29 =	simm.s32 $0x0;
	[sflag:s23] =	ssyncadd.s32 $0xFFFFE700  }
0x45: {  	v1 =	vld [tilespmem:s29+$0x11B00]  }
0x46: {  	v0 =	vld [tilespmem:s29+$0x11B10]  }
0x47: {  	v2 =	vld [tilespmem:s29+$0x10200]  }
0x48: {  	v5 =	vimm.f32 $0.0e+00;
	v3 =	vld [tilespmem:s29+$0x10210]  }
0x49: {  	v6 =	vimm.f32 $0.0e+00;
	v8 =	vimm.f32 $0.0e+00;
	v7 =	vimm.f32 $0.0e+00;
	s14 =	simm.s32 $0x100;
	v4 =	vld [tilespmem:s29+$0x10220]  }
.LBB2_5:
0x4a: {  	p0 =	sne.s32 s14, $0x6300;
	v9 =	vld [tilespmem:s29+$0x10230];
	v10 =	vmov v1  }
0x4b: {  	v11 =	vld [tilespmem:s29+$0x11B20];
	v12 =	vmov v0  }
0x4c: {  	v13 =	vld [tilespmem:s29+$0x11B30];
	s29 =	sshra.s32 s14, $0x2  }
.Ltmp1:
0x4d: {  	v1 =	vld [tilespmem:s29+$0x11B00];
	(pc) =	sbr.rel @p0 .LBB2_5-.Ltmp1, $4  }
0x4e: {  	v5 =	vadd.f32 v2, v5;
	v6 =	vadd.f32 v3, v6;
	v0 =	vld [tilespmem:s29+$0x11B10]  }
0x4f: {  	v8 =	vadd.f32 v4, v8;
	v2 =	vld [tilespmem:s29+$0x10200];
	v7 =	vadd.f32 v9, v7  }
0x50: {  	v5 =	vadd.f32 v10, v5;
	v6 =	vadd.f32 v12, v6;
	v3 =	vld [tilespmem:s29+$0x10210]  }
0x51: {  	s14 =	sadd.s32 $0x100, s14;
	v8 =	vadd.f32 v11, v8;
	v4 =	vld [tilespmem:s29+$0x10220];
	v7 =	vadd.f32 v13, v7  }
0x52: {  	v9 =	vld [tilespmem:s29+$0x10230]  }
0x53: {  	v10 =	vld [tilespmem:s29+$0x11B20]  }
0x54: {  	v11 =	vld [tilespmem:s29+$0x11B30];
	v2 =	vadd.f32 v2, v5  }
0x55: {  	v3 =	vadd.f32 v3, v6  }
0x56: {  	v4 =	vadd.f32 v4, v8;
	v1 =	vadd.f32 v1, v2  }
0x57: {  	v60 =	vadd.f32 v9, v7;
	v0 =	vadd.f32 v0, v3  }
0x58: {  	v61 =	vadd.f32 v10, v4;
	v1 =	vmul.f32 $4.999999890e-03, v1  }
0x59: {  	v2 =	vadd.f32 v11, v60;
	v0 =	vmul.f32 $4.999999890e-03, v0  }
0x5a: {  	s31 =	sadd.s32 $0x1, s31;
	[tilespmem:s0+$0x13440] =	vst v1;
	v62 =	vmul.f32 $4.999999890e-03, v61  }
0x5b: {  	p0 =	sne.s32 s31, $0x3F;
	[tilespmem:s0+$0x13450] =	vst v0;
	v63 =	vmul.f32 $4.999999890e-03, v2  }
.Ltmp2:
0x5c: {  	[tilespmem:s0+$0x13460] =	vst v62;
	(pc) =	sbr.rel @p0 .LBB2_2-.Ltmp2, $4  }
0x5d: {  	s14 =	sadd.s32 $0x270, s1;
	[tilespmem:s0+$0x13470] =	vst v63  }
0x5e: {  	[tilespmem:s17], [sflag:$0x4] =	stream.indirect.gather [hbm4b:s3+s12], $0x40, s14, s12, $0xb8;
	[tilespmem:$0x1B400] =	vst v63  }
0x5f: {  	s29 =	sadd.s32 $0x2D8, s1  }
0x60: {  	[tilespmem:s19], [sflag:$0x5] =	stream.indirect.gather [hbm4b:s3+s12], $0x40, s29, s12, $0xb8;
	[tilespmem:$0x1B400] =	vst v63  }
0x61: {  	_ =	swait.ge [sflag:s20], $0x1900  }
0x62: {  	[sflag:s20] =	ssyncset.done $0x0  }
0x63: {  	[sflag:s20] =	ssyncadd.s32 $0xFFFFE700  }
0x64: {  	_ =	swait.ge [sflag:s21], $0x1900  }
0x65: {  	[sflag:s21] =	ssyncset.done $0x0  }
0x66: {  	s0 =	simm.s32 $0x20;
	[sflag:s21] =	ssyncadd.s32 $0xFFFFE700  }
0x67: {  	v1 =	vld [tilespmem:s0+$0xE8E0]  }
0x68: {  	v0 =	vld [tilespmem:s0+$0xE8F0]  }
0x69: {  	v2 =	vld [tilespmem:s0+$0xCFE0]  }
0x6a: {  	v5 =	vimm.f32 $0.0e+00;
	v3 =	vld [tilespmem:s0+$0xCFF0]  }
0x6b: {  	s1 =	simm.s32 $0x180;
	v6 =	vimm.f32 $0.0e+00;
	v8 =	vimm.f32 $0.0e+00;
	v7 =	vimm.f32 $0.0e+00;
	v4 =	vld [tilespmem:s0+$0xD000]  }
.LBB2_8:
0x6c: {  	p0 =	sne.s32 s1, $0x6380;
	v9 =	vld [tilespmem:s0+$0xD010];
	v10 =	vmov v1  }
0x6d: {  	v11 =	vld [tilespmem:s0+$0xE900];
	v12 =	vmov v0  }
0x6e: {  	v13 =	vld [tilespmem:s0+$0xE910];
	s0 =	sshra.s32 s1, $0x2  }
.Ltmp3:
0x6f: {  	v1 =	vld [tilespmem:s0+$0xE8E0];
	(pc) =	sbr.rel @p0 .LBB2_8-.Ltmp3, $4  }
0x70: {  	v5 =	vadd.f32 v2, v5;
	v6 =	vadd.f32 v3, v6;
	v0 =	vld [tilespmem:s0+$0xE8F0]  }
0x71: {  	v8 =	vadd.f32 v4, v8;
	v2 =	vld [tilespmem:s0+$0xCFE0];
	v7 =	vadd.f32 v9, v7  }
0x72: {  	v5 =	vadd.f32 v10, v5;
	v6 =	vadd.f32 v12, v6;
	v3 =	vld [tilespmem:s0+$0xCFF0]  }
0x73: {  	s1 =	sadd.s32 $0x100, s1;
	v8 =	vadd.f32 v11, v8;
	v4 =	vld [tilespmem:s0+$0xD000];
	v7 =	vadd.f32 v13, v7  }
0x74: {  	v9 =	vld [tilespmem:s0+$0xD010]  }
0x75: {  	v10 =	vld [tilespmem:s0+$0xE900]  }
0x76: {  	v11 =	vld [tilespmem:s0+$0xE910];
	v2 =	vadd.f32 v2, v5  }
0x77: {  	v3 =	vadd.f32 v3, v6  }
0x78: {  	v4 =	vadd.f32 v4, v8;
	v1 =	vadd.f32 v1, v2  }
0x79: {  	v2 =	vadd.f32 v9, v7;
	v0 =	vadd.f32 v0, v3  }
0x7a: {  	v3 =	vadd.f32 v10, v4;
	v1 =	vmul.f32 $4.999999890e-03, v1  }
0x7b: {  	v2 =	vadd.f32 v11, v2;
	v0 =	vmul.f32 $4.999999890e-03, v0  }
0x7c: {  	[tilespmem:$0x15380] =	vst v1;
	v1 =	vmul.f32 $4.999999890e-03, v3  }
0x7d: {  	[tilespmem:$0x15390] =	vst v0;
	v0 =	vmul.f32 $4.999999890e-03, v2  }
0x7e: {  	[tilespmem:$0x153A0] =	vst v1  }
0x7f: {  	[tilespmem:$0x153B0] =	vst v0  }
0x80: {  	_ =	swait.ge [sflag:s22], $0x1900  }
0x81: {  	[sflag:s22] =	ssyncset.done $0x0  }
0x82: {  	[sflag:s22] =	ssyncadd.s32 $0xFFFFE700  }
0x83: {  	_ =	swait.ge [sflag:s23], $0x1900  }
0x84: {  	[sflag:s23] =	ssyncset.done $0x0  }
0x85: {  	s0 =	simm.s32 $0x0;
	[sflag:s23] =	ssyncadd.s32 $0xFFFFE700  }
0x86: {  	v1 =	vld [tilespmem:s0+$0x11B00]  }
0x87: {  	v0 =	vld [tilespmem:s0+$0x11B10]  }
0x88: {  	v2 =	vld [tilespmem:s0+$0x10200]  }
0x89: {  	v5 =	vimm.f32 $0.0e+00;
	v3 =	vld [tilespmem:s0+$0x10210]  }
0x8a: {  	s1 =	simm.s32 $0x100;
	v6 =	vimm.f32 $0.0e+00;
	v8 =	vimm.f32 $0.0e+00;
	v7 =	vimm.f32 $0.0e+00;
	v4 =	vld [tilespmem:s0+$0x10220]  }
.LBB2_10:
0x8b: {  	p0 =	sne.s32 s1, $0x6300;
	v9 =	vld [tilespmem:s0+$0x10230];
	v10 =	vmov v1  }
0x8c: {  	v11 =	vld [tilespmem:s0+$0x11B20];
	v12 =	vmov v0  }
0x8d: {  	v13 =	vld [tilespmem:s0+$0x11B30];
	s0 =	sshra.s32 s1, $0x2  }
.Ltmp4:
0x8e: {  	v1 =	vld [tilespmem:s0+$0x11B00];
	(pc) =	sbr.rel @p0 .LBB2_10-.Ltmp4, $4  }
0x8f: {  	v5 =	vadd.f32 v2, v5;
	v6 =	vadd.f32 v3, v6;
	v0 =	vld [tilespmem:s0+$0x11B10]  }
0x90: {  	v8 =	vadd.f32 v4, v8;
	v2 =	vld [tilespmem:s0+$0x10200];
	v7 =	vadd.f32 v9, v7  }
0x91: {  	v5 =	vadd.f32 v10, v5;
	v6 =	vadd.f32 v12, v6;
	v3 =	vld [tilespmem:s0+$0x10210]  }
0x92: {  	s1 =	sadd.s32 $0x100, s1;
	v8 =	vadd.f32 v11, v8;
	v4 =	vld [tilespmem:s0+$0x10220];
	v7 =	vadd.f32 v13, v7  }
0x93: {  	v9 =	vld [tilespmem:s0+$0x10230]  }
0x94: {  	v10 =	vld [tilespmem:s0+$0x11B20]  }
0x95: {  	v11 =	vld [tilespmem:s0+$0x11B30];
	v2 =	vadd.f32 v2, v5  }
0x96: {  	v3 =	vadd.f32 v3, v6  }
0x97: {  	v4 =	vadd.f32 v4, v8;
	v1 =	vadd.f32 v1, v2  }
0x98: {  	v60 =	vadd.f32 v9, v7;
	v0 =	vadd.f32 v0, v3  }
0x99: {  	v61 =	vadd.f32 v10, v4;
	v1 =	vmul.f32 $4.999999890e-03, v1  }
0x9a: {  	v2 =	vadd.f32 v11, v60;
	v0 =	vmul.f32 $4.999999890e-03, v0  }
0x9b: {  	[tilespmem:$0x153C0] =	vst v1;
	v62 =	vmul.f32 $4.999999890e-03, v61  }
0x9c: {  	[tilespmem:$0x153D0] =	vst v0;
	v63 =	vmul.f32 $4.999999890e-03, v2  }
0x9d: {  	[tilespmem:$0x153E0] =	vst v62  }
0x9e: {  	[tilespmem:$0x153F0] =	vst v63  }
0x9f: {  	_ =	swait.ge [sflag:s24], $0x6800  }
0xa0: {  	[sflag:s24] =	ssyncset.done $0x0  }
0xa1: {  	s31 =	simm.s32 $0x0;
	[sflag:s24] =	ssyncadd.s32 $0xFFFF9800  }
0xa2: {  	[tilespmem:s31], [sflag:$0x1] =	stream.linear.gather [hbm4b:s6+s31], $0x6800, $0x38;
	[tilespmem:$0x1B400] =	vst v63  }
0xa3: {  	_ = 	snop  }
0xa4: {  	[tilespmem:s13], [sflag:$0x2] =	stream.indirect.gather [hbm4b:s3+s12], $0x40, s11, s12, $0xb8;
	[tilespmem:$0x1B400] =	vst v63  }
0xa5: {  	_ = 	snop  }
0xa6: {  	[tilespmem:s15], [sflag:$0x3] =	stream.indirect.gather [hbm4b:s3+s12], $0x40, s25, s12, $0xb8;
	[tilespmem:$0x1B400] =	vst v63  }
0xa7: {  	_ = 	snop  }
0xa8: {  	[tilespmem:s17], [sflag:$0x4] =	stream.indirect.gather [hbm4b:s3+s12], $0x40, s26, s12, $0xb8;
	[tilespmem:$0x1B400] =	vst v63  }
0xa9: {  	_ = 	snop  }
0xaa: {  	[tilespmem:s19], [sflag:$0x5] =	stream.indirect.gather [hbm4b:s3+s12], $0x40, s28, s12, $0xb8;
	[tilespmem:$0x1B400] =	vst v63  }
.LBB2_12:
0xab: {  	_ =	swait.ge [sflag:s20], $0x1900  }
0xac: {  	[sflag:s20] =	ssyncset.done $0x0  }
0xad: {  	[sflag:s20] =	ssyncadd.s32 $0xFFFFE700  }
0xae: {  	_ =	swait.ge [sflag:s21], $0x1900  }
0xaf: {  	[sflag:s21] =	ssyncset.done $0x0  }
0xb0: {  	s0 =	simm.s32 $0x20;
	[sflag:s21] =	ssyncadd.s32 $0xFFFFE700  }
0xb1: {  	v1 =	vld [tilespmem:s0+$0xE8E0]  }
0xb2: {  	v0 =	vld [tilespmem:s0+$0xE8F0]  }
0xb3: {  	v2 =	vld [tilespmem:s0+$0xCFE0]  }
0xb4: {  	v5 =	vimm.f32 $0.0e+00;
	v3 =	vld [tilespmem:s0+$0xCFF0]  }
0xb5: {  	s1 =	simm.s32 $0x180;
	v6 =	vimm.f32 $0.0e+00;
	v8 =	vimm.f32 $0.0e+00;
	v7 =	vimm.f32 $0.0e+00;
	v4 =	vld [tilespmem:s0+$0xD000]  }
.LBB2_13:
0xb6: {  	p0 =	sne.s32 s1, $0x6380;
	v9 =	vld [tilespmem:s0+$0xD010];
	v10 =	vmov v1  }
0xb7: {  	v11 =	vld [tilespmem:s0+$0xE900];
	v12 =	vmov v0  }
0xb8: {  	v13 =	vld [tilespmem:s0+$0xE910];
	s0 =	sshra.s32 s1, $0x2  }
.Ltmp5:
0xb9: {  	v1 =	vld [tilespmem:s0+$0xE8E0];
	(pc) =	sbr.rel @p0 .LBB2_13-.Ltmp5, $4  }
0xba: {  	v5 =	vadd.f32 v2, v5;
	v6 =	vadd.f32 v3, v6;
	v0 =	vld [tilespmem:s0+$0xE8F0]  }
0xbb: {  	v8 =	vadd.f32 v4, v8;
	v2 =	vld [tilespmem:s0+$0xCFE0];
	v7 =	vadd.f32 v9, v7  }
0xbc: {  	v5 =	vadd.f32 v10, v5;
	v6 =	vadd.f32 v12, v6;
	v3 =	vld [tilespmem:s0+$0xCFF0]  }
0xbd: {  	s1 =	sadd.s32 $0x100, s1;
	v8 =	vadd.f32 v11, v8;
	v4 =	vld [tilespmem:s0+$0xD000];
	v7 =	vadd.f32 v13, v7  }
0xbe: {  	v9 =	vld [tilespmem:s0+$0xD010]  }
0xbf: {  	v10 =	vld [tilespmem:s0+$0xE900]  }
0xc0: {  	v11 =	vld [tilespmem:s0+$0xE910];
	v2 =	vadd.f32 v2, v5  }
0xc1: {  	v3 =	vadd.f32 v3, v6  }
0xc2: {  	v4 =	vadd.f32 v4, v8;
	v1 =	vadd.f32 v1, v2  }
0xc3: {  	v2 =	vadd.f32 v9, v7;
	v0 =	vadd.f32 v0, v3  }
0xc4: {  	s14 =	sshll.u32 s31, $0x7;
	v3 =	vadd.f32 v10, v4;
	v1 =	vmul.f32 $4.999999890e-03, v1  }
0xc5: {  	s0 =	sand.u32 $0x3FFFFF80, s14;
	v2 =	vadd.f32 v11, v2;
	v0 =	vmul.f32 $4.999999890e-03, v0  }
0xc6: {  	s1 =	smul.u32 $0x680, s31;
	[tilespmem:s0+$0x15400] =	vst v1;
	v1 =	vmul.f32 $4.999999890e-03, v3  }
0xc7: {  	[tilespmem:s0+$0x15410] =	vst v0;
	v0 =	vmul.f32 $4.999999890e-03, v2  }
0xc8: {  	s1 =	sshra.s32 s1, $0x2;
	[tilespmem:s0+$0x15420] =	vst v1  }
0xc9: {  	s14 =	sadd.s32 $0x69A0, s1;
	[tilespmem:s0+$0x15430] =	vst v0  }
0xca: {  	[tilespmem:s13], [sflag:$0x2] =	stream.indirect.gather [hbm4b:s3+s12], $0x40, s14, s12, $0xb8;
	[tilespmem:$0x1B400] =	vst v63  }
0xcb: {  	s14 =	sadd.s32 $0x6A08, s1  }
0xcc: {  	[tilespmem:s15], [sflag:$0x3] =	stream.indirect.gather [hbm4b:s3+s12], $0x40, s14, s12, $0xb8;
	[tilespmem:$0x1B400] =	vst v63  }
0xcd: {  	_ =	swait.ge [sflag:s22], $0x1900  }
0xce: {  	[sflag:s22] =	ssyncset.done $0x0  }
0xcf: {  	[sflag:s22] =	ssyncadd.s32 $0xFFFFE700  }
0xd0: {  	_ =	swait.ge [sflag:s23], $0x1900  }
0xd1: {  	[sflag:s23] =	ssyncset.done $0x0  }
0xd2: {  	s29 =	simm.s32 $0x0;
	[sflag:s23] =	ssyncadd.s32 $0xFFFFE700  }
0xd3: {  	v1 =	vld [tilespmem:s29+$0x11B00]  }
0xd4: {  	v0 =	vld [tilespmem:s29+$0x11B10]  }
0xd5: {  	v2 =	vld [tilespmem:s29+$0x10200]  }
0xd6: {  	v5 =	vimm.f32 $0.0e+00;
	v3 =	vld [tilespmem:s29+$0x10210]  }
0xd7: {  	v6 =	vimm.f32 $0.0e+00;
	v8 =	vimm.f32 $0.0e+00;
	v7 =	vimm.f32 $0.0e+00;
	s14 =	simm.s32 $0x100;
	v4 =	vld [tilespmem:s29+$0x10220]  }
.LBB2_15:
0xd8: {  	p0 =	sne.s32 s14, $0x6300;
	v9 =	vld [tilespmem:s29+$0x10230];
	v10 =	vmov v1  }
0xd9: {  	v11 =	vld [tilespmem:s29+$0x11B20];
	v12 =	vmov v0  }
0xda: {  	v13 =	vld [tilespmem:s29+$0x11B30];
	s29 =	sshra.s32 s14, $0x2  }
.Ltmp6:
0xdb: {  	v1 =	vld [tilespmem:s29+$0x11B00];
	(pc) =	sbr.rel @p0 .LBB2_15-.Ltmp6, $4  }
0xdc: {  	v5 =	vadd.f32 v2, v5;
	v6 =	vadd.f32 v3, v6;
	v0 =	vld [tilespmem:s29+$0x11B10]  }
0xdd: {  	v8 =	vadd.f32 v4, v8;
	v2 =	vld [tilespmem:s29+$0x10200];
	v7 =	vadd.f32 v9, v7  }
0xde: {  	v5 =	vadd.f32 v10, v5;
	v6 =	vadd.f32 v12, v6;
	v3 =	vld [tilespmem:s29+$0x10210]  }
0xdf: {  	s14 =	sadd.s32 $0x100, s14;
	v8 =	vadd.f32 v11, v8;
	v4 =	vld [tilespmem:s29+$0x10220];
	v7 =	vadd.f32 v13, v7  }
0xe0: {  	v9 =	vld [tilespmem:s29+$0x10230]  }
0xe1: {  	v10 =	vld [tilespmem:s29+$0x11B20]  }
0xe2: {  	v11 =	vld [tilespmem:s29+$0x11B30];
	v2 =	vadd.f32 v2, v5  }
0xe3: {  	v3 =	vadd.f32 v3, v6  }
0xe4: {  	v4 =	vadd.f32 v4, v8;
	v1 =	vadd.f32 v1, v2  }
0xe5: {  	v60 =	vadd.f32 v9, v7;
	v0 =	vadd.f32 v0, v3  }
0xe6: {  	v61 =	vadd.f32 v10, v4;
	v1 =	vmul.f32 $4.999999890e-03, v1  }
0xe7: {  	v2 =	vadd.f32 v11, v60;
	v0 =	vmul.f32 $4.999999890e-03, v0  }
0xe8: {  	s31 =	sadd.s32 $0x1, s31;
	[tilespmem:s0+$0x15440] =	vst v1;
	v62 =	vmul.f32 $4.999999890e-03, v61  }
0xe9: {  	p0 =	sne.s32 s31, $0x3F;
	[tilespmem:s0+$0x15450] =	vst v0;
	v63 =	vmul.f32 $4.999999890e-03, v2  }
.Ltmp7:
0xea: {  	[tilespmem:s0+$0x15460] =	vst v62;
	(pc) =	sbr.rel @p0 .LBB2_12-.Ltmp7, $4  }
0xeb: {  	s14 =	sadd.s32 $0x6A70, s1;
	[tilespmem:s0+$0x15470] =	vst v63  }
0xec: {  	[tilespmem:s17], [sflag:$0x4] =	stream.indirect.gather [hbm4b:s3+s12], $0x40, s14, s12, $0xb8;
	[tilespmem:$0x1B400] =	vst v63  }
0xed: {  	s29 =	sadd.s32 $0x6AD8, s1  }
0xee: {  	[tilespmem:s19], [sflag:$0x5] =	stream.indirect.gather [hbm4b:s3+s12], $0x40, s29, s12, $0xb8;
	[tilespmem:$0x1B400] =	vst v63  }
0xef: {  	_ =	swait.ge [sflag:s20], $0x1900  }
0xf0: {  	[sflag:s20] =	ssyncset.done $0x0  }
0xf1: {  	[sflag:s20] =	ssyncadd.s32 $0xFFFFE700  }
0xf2: {  	_ =	swait.ge [sflag:s21], $0x1900  }
0xf3: {  	[sflag:s21] =	ssyncset.done $0x0  }
0xf4: {  	s0 =	simm.s32 $0x20;
	[sflag:s21] =	ssyncadd.s32 $0xFFFFE700  }
0xf5: {  	v1 =	vld [tilespmem:s0+$0xE8E0]  }
0xf6: {  	v0 =	vld [tilespmem:s0+$0xE8F0]  }
0xf7: {  	v2 =	vld [tilespmem:s0+$0xCFE0]  }
0xf8: {  	v5 =	vimm.f32 $0.0e+00;
	v3 =	vld [tilespmem:s0+$0xCFF0]  }
0xf9: {  	s1 =	simm.s32 $0x180;
	v6 =	vimm.f32 $0.0e+00;
	v8 =	vimm.f32 $0.0e+00;
	v7 =	vimm.f32 $0.0e+00;
	v4 =	vld [tilespmem:s0+$0xD000]  }
.LBB2_18:
0xfa: {  	p0 =	sne.s32 s1, $0x6380;
	v9 =	vld [tilespmem:s0+$0xD010];
	v10 =	vmov v1  }
0xfb: {  	v11 =	vld [tilespmem:s0+$0xE900];
	v12 =	vmov v0  }
0xfc: {  	v13 =	vld [tilespmem:s0+$0xE910];
	s0 =	sshra.s32 s1, $0x2  }
.Ltmp8:
0xfd: {  	v1 =	vld [tilespmem:s0+$0xE8E0];
	(pc) =	sbr.rel @p0 .LBB2_18-.Ltmp8, $4  }
0xfe: {  	v5 =	vadd.f32 v2, v5;
	v6 =	vadd.f32 v3, v6;
	v0 =	vld [tilespmem:s0+$0xE8F0]  }
0xff: {  	v8 =	vadd.f32 v4, v8;
	v2 =	vld [tilespmem:s0+$0xCFE0];
	v7 =	vadd.f32 v9, v7  }
0x100: {  	v5 =	vadd.f32 v10, v5;
	v6 =	vadd.f32 v12, v6;
	v3 =	vld [tilespmem:s0+$0xCFF0]  }
0x101: {  	s1 =	sadd.s32 $0x100, s1;
	v8 =	vadd.f32 v11, v8;
	v4 =	vld [tilespmem:s0+$0xD000];
	v7 =	vadd.f32 v13, v7  }
0x102: {  	v9 =	vld [tilespmem:s0+$0xD010]  }
0x103: {  	v10 =	vld [tilespmem:s0+$0xE900]  }
0x104: {  	v11 =	vld [tilespmem:s0+$0xE910];
	v2 =	vadd.f32 v2, v5  }
0x105: {  	v3 =	vadd.f32 v3, v6  }
0x106: {  	v4 =	vadd.f32 v4, v8;
	v1 =	vadd.f32 v1, v2  }
0x107: {  	v2 =	vadd.f32 v9, v7;
	v0 =	vadd.f32 v0, v3  }
0x108: {  	v3 =	vadd.f32 v10, v4;
	v1 =	vmul.f32 $4.999999890e-03, v1  }
0x109: {  	v2 =	vadd.f32 v11, v2;
	v0 =	vmul.f32 $4.999999890e-03, v0  }
0x10a: {  	[tilespmem:$0x17380] =	vst v1;
	v1 =	vmul.f32 $4.999999890e-03, v3  }
0x10b: {  	[tilespmem:$0x17390] =	vst v0;
	v0 =	vmul.f32 $4.999999890e-03, v2  }
0x10c: {  	[tilespmem:$0x173A0] =	vst v1  }
0x10d: {  	[tilespmem:$0x173B0] =	vst v0  }
0x10e: {  	_ =	swait.ge [sflag:s22], $0x1900  }
0x10f: {  	[sflag:s22] =	ssyncset.done $0x0  }
0x110: {  	[sflag:s22] =	ssyncadd.s32 $0xFFFFE700  }
0x111: {  	_ =	swait.ge [sflag:s23], $0x1900  }
0x112: {  	[sflag:s23] =	ssyncset.done $0x0  }
0x113: {  	s0 =	simm.s32 $0x0;
	[sflag:s23] =	ssyncadd.s32 $0xFFFFE700  }
0x114: {  	v1 =	vld [tilespmem:s0+$0x11B00]  }
0x115: {  	v0 =	vld [tilespmem:s0+$0x11B10]  }
0x116: {  	v2 =	vld [tilespmem:s0+$0x10200]  }
0x117: {  	v5 =	vimm.f32 $0.0e+00;
	v3 =	vld [tilespmem:s0+$0x10210]  }
0x118: {  	s1 =	simm.s32 $0x100;
	v6 =	vimm.f32 $0.0e+00;
	v8 =	vimm.f32 $0.0e+00;
	v7 =	vimm.f32 $0.0e+00;
	v4 =	vld [tilespmem:s0+$0x10220]  }
.LBB2_20:
0x119: {  	p0 =	sne.s32 s1, $0x6300;
	v9 =	vld [tilespmem:s0+$0x10230];
	v10 =	vmov v1  }
0x11a: {  	v11 =	vld [tilespmem:s0+$0x11B20];
	v12 =	vmov v0  }
0x11b: {  	v13 =	vld [tilespmem:s0+$0x11B30];
	s0 =	sshra.s32 s1, $0x2  }
.Ltmp9:
0x11c: {  	v1 =	vld [tilespmem:s0+$0x11B00];
	(pc) =	sbr.rel @p0 .LBB2_20-.Ltmp9, $4  }
0x11d: {  	v5 =	vadd.f32 v2, v5;
	v6 =	vadd.f32 v3, v6;
	v0 =	vld [tilespmem:s0+$0x11B10]  }
0x11e: {  	v8 =	vadd.f32 v4, v8;
	v2 =	vld [tilespmem:s0+$0x10200];
	v7 =	vadd.f32 v9, v7  }
0x11f: {  	v5 =	vadd.f32 v10, v5;
	v6 =	vadd.f32 v12, v6;
	v3 =	vld [tilespmem:s0+$0x10210]  }
0x120: {  	s1 =	sadd.s32 $0x100, s1;
	v8 =	vadd.f32 v11, v8;
	v4 =	vld [tilespmem:s0+$0x10220];
	v7 =	vadd.f32 v13, v7  }
0x121: {  	v9 =	vld [tilespmem:s0+$0x10230]  }
0x122: {  	v10 =	vld [tilespmem:s0+$0x11B20]  }
0x123: {  	v11 =	vld [tilespmem:s0+$0x11B30];
	v2 =	vadd.f32 v2, v5  }
0x124: {  	v3 =	vadd.f32 v3, v6  }
0x125: {  	v4 =	vadd.f32 v4, v8;
	v1 =	vadd.f32 v1, v2  }
0x126: {  	v60 =	vadd.f32 v9, v7;
	v0 =	vadd.f32 v0, v3  }
0x127: {  	v61 =	vadd.f32 v10, v4;
	v1 =	vmul.f32 $4.999999890e-03, v1  }
0x128: {  	v2 =	vadd.f32 v11, v60;
	v0 =	vmul.f32 $4.999999890e-03, v0  }
0x129: {  	[tilespmem:$0x173C0] =	vst v1;
	v62 =	vmul.f32 $4.999999890e-03, v61  }
0x12a: {  	[tilespmem:$0x173D0] =	vst v0;
	v63 =	vmul.f32 $4.999999890e-03, v2  }
0x12b: {  	[tilespmem:$0x173E0] =	vst v62  }
0x12c: {  	[tilespmem:$0x173F0] =	vst v63  }
0x12d: {  	_ =	swait.ge [sflag:s24], $0x6800  }
0x12e: {  	[sflag:s24] =	ssyncset.done $0x0  }
0x12f: {  	s31 =	simm.s32 $0x0;
	[sflag:s24] =	ssyncadd.s32 $0xFFFF9800  }
0x130: {  	[tilespmem:s11], [sflag:$0x1] =	stream.linear.gather [hbm4b:s7+s31], $0x6800, $0x38;
	[tilespmem:$0x1B400] =	vst v63  }
0x131: {  	_ = 	snop  }
0x132: {  	[tilespmem:s13], [sflag:$0x2] =	stream.indirect.gather [hbm4b:s3+s12], $0x40, s31, s12, $0xb8;
	[tilespmem:$0x1B400] =	vst v63  }
0x133: {  	s29 =	simm.s32 $0x68  }
0x134: {  	[tilespmem:s15], [sflag:$0x3] =	stream.indirect.gather [hbm4b:s3+s12], $0x40, s29, s12, $0xb8;
	[tilespmem:$0x1B400] =	vst v63  }
0x135: {  	_ = 	snop  }
0x136: {  	[tilespmem:s17], [sflag:$0x4] =	stream.indirect.gather [hbm4b:s3+s12], $0x40, s16, s12, $0xb8;
	[tilespmem:$0x1B400] =	vst v63  }
0x137: {  	_ = 	snop  }
0x138: {  	[tilespmem:s19], [sflag:$0x5] =	stream.indirect.gather [hbm4b:s3+s12], $0x40, s18, s12, $0xb8;
	[tilespmem:$0x1B400] =	vst v63  }
.LBB2_22:
0x139: {  	_ =	swait.ge [sflag:s20], $0x1900  }
0x13a: {  	[sflag:s20] =	ssyncset.done $0x0  }
0x13b: {  	[sflag:s20] =	ssyncadd.s32 $0xFFFFE700  }
0x13c: {  	_ =	swait.ge [sflag:s21], $0x1900  }
0x13d: {  	[sflag:s21] =	ssyncset.done $0x0  }
0x13e: {  	s0 =	simm.s32 $0x20;
	[sflag:s21] =	ssyncadd.s32 $0xFFFFE700  }
0x13f: {  	v1 =	vld [tilespmem:s0+$0xE8E0]  }
0x140: {  	v0 =	vld [tilespmem:s0+$0xE8F0]  }
0x141: {  	v2 =	vld [tilespmem:s0+$0xCFE0]  }
0x142: {  	v5 =	vimm.f32 $0.0e+00;
	v3 =	vld [tilespmem:s0+$0xCFF0]  }
0x143: {  	s1 =	simm.s32 $0x180;
	v6 =	vimm.f32 $0.0e+00;
	v8 =	vimm.f32 $0.0e+00;
	v7 =	vimm.f32 $0.0e+00;
	v4 =	vld [tilespmem:s0+$0xD000]  }
.LBB2_23:
0x144: {  	p0 =	sne.s32 s1, $0x6380;
	v9 =	vld [tilespmem:s0+$0xD010];
	v10 =	vmov v1  }
0x145: {  	v11 =	vld [tilespmem:s0+$0xE900];
	v12 =	vmov v0  }
0x146: {  	v13 =	vld [tilespmem:s0+$0xE910];
	s0 =	sshra.s32 s1, $0x2  }
.Ltmp10:
0x147: {  	v1 =	vld [tilespmem:s0+$0xE8E0];
	(pc) =	sbr.rel @p0 .LBB2_23-.Ltmp10, $4  }
0x148: {  	v5 =	vadd.f32 v2, v5;
	v6 =	vadd.f32 v3, v6;
	v0 =	vld [tilespmem:s0+$0xE8F0]  }
0x149: {  	v8 =	vadd.f32 v4, v8;
	v2 =	vld [tilespmem:s0+$0xCFE0];
	v7 =	vadd.f32 v9, v7  }
0x14a: {  	v5 =	vadd.f32 v10, v5;
	v6 =	vadd.f32 v12, v6;
	v3 =	vld [tilespmem:s0+$0xCFF0]  }
0x14b: {  	s1 =	sadd.s32 $0x100, s1;
	v8 =	vadd.f32 v11, v8;
	v4 =	vld [tilespmem:s0+$0xD000];
	v7 =	vadd.f32 v13, v7  }
0x14c: {  	v9 =	vld [tilespmem:s0+$0xD010]  }
0x14d: {  	v10 =	vld [tilespmem:s0+$0xE900]  }
0x14e: {  	v11 =	vld [tilespmem:s0+$0xE910];
	v2 =	vadd.f32 v2, v5  }
0x14f: {  	v3 =	vadd.f32 v3, v6  }
0x150: {  	v4 =	vadd.f32 v4, v8;
	v1 =	vadd.f32 v1, v2  }
0x151: {  	v2 =	vadd.f32 v9, v7;
	v0 =	vadd.f32 v0, v3  }
0x152: {  	s14 =	sshll.u32 s31, $0x7;
	v3 =	vadd.f32 v10, v4;
	v1 =	vmul.f32 $4.999999890e-03, v1  }
0x153: {  	s0 =	sand.u32 $0x3FFFFF80, s14;
	v2 =	vadd.f32 v11, v2;
	v0 =	vmul.f32 $4.999999890e-03, v0  }
0x154: {  	s1 =	smul.u32 $0x680, s31;
	[tilespmem:s0+$0x17400] =	vst v1;
	v1 =	vmul.f32 $4.999999890e-03, v3  }
0x155: {  	[tilespmem:s0+$0x17410] =	vst v0;
	v0 =	vmul.f32 $4.999999890e-03, v2  }
0x156: {  	s1 =	sshra.s32 s1, $0x2;
	[tilespmem:s0+$0x17420] =	vst v1  }
0x157: {  	s14 =	sadd.s32 $0x1A0, s1;
	[tilespmem:s0+$0x17430] =	vst v0  }
0x158: {  	[tilespmem:s13], [sflag:$0x2] =	stream.indirect.gather [hbm4b:s3+s12], $0x40, s14, s12, $0xb8;
	[tilespmem:$0x1B400] =	vst v63  }
0x159: {  	s14 =	sadd.s32 $0x208, s1  }
0x15a: {  	[tilespmem:s15], [sflag:$0x3] =	stream.indirect.gather [hbm4b:s3+s12], $0x40, s14, s12, $0xb8;
	[tilespmem:$0x1B400] =	vst v63  }
0x15b: {  	_ =	swait.ge [sflag:s22], $0x1900  }
0x15c: {  	[sflag:s22] =	ssyncset.done $0x0  }
0x15d: {  	[sflag:s22] =	ssyncadd.s32 $0xFFFFE700  }
0x15e: {  	_ =	swait.ge [sflag:s23], $0x1900  }
0x15f: {  	[sflag:s23] =	ssyncset.done $0x0  }
0x160: {  	s29 =	simm.s32 $0x0;
	[sflag:s23] =	ssyncadd.s32 $0xFFFFE700  }
0x161: {  	v1 =	vld [tilespmem:s29+$0x11B00]  }
0x162: {  	v0 =	vld [tilespmem:s29+$0x11B10]  }
0x163: {  	v2 =	vld [tilespmem:s29+$0x10200]  }
0x164: {  	v5 =	vimm.f32 $0.0e+00;
	v3 =	vld [tilespmem:s29+$0x10210]  }
0x165: {  	v6 =	vimm.f32 $0.0e+00;
	v8 =	vimm.f32 $0.0e+00;
	v7 =	vimm.f32 $0.0e+00;
	s14 =	simm.s32 $0x100;
	v4 =	vld [tilespmem:s29+$0x10220]  }
.LBB2_25:
0x166: {  	p0 =	sne.s32 s14, $0x6300;
	v9 =	vld [tilespmem:s29+$0x10230];
	v10 =	vmov v1  }
0x167: {  	v11 =	vld [tilespmem:s29+$0x11B20];
	v12 =	vmov v0  }
0x168: {  	v13 =	vld [tilespmem:s29+$0x11B30];
	s29 =	sshra.s32 s14, $0x2  }
.Ltmp11:
0x169: {  	v1 =	vld [tilespmem:s29+$0x11B00];
	(pc) =	sbr.rel @p0 .LBB2_25-.Ltmp11, $4  }
0x16a: {  	v5 =	vadd.f32 v2, v5;
	v6 =	vadd.f32 v3, v6;
	v0 =	vld [tilespmem:s29+$0x11B10]  }
0x16b: {  	v8 =	vadd.f32 v4, v8;
	v2 =	vld [tilespmem:s29+$0x10200];
	v7 =	vadd.f32 v9, v7  }
0x16c: {  	v5 =	vadd.f32 v10, v5;
	v6 =	vadd.f32 v12, v6;
	v3 =	vld [tilespmem:s29+$0x10210]  }
0x16d: {  	s14 =	sadd.s32 $0x100, s14;
	v8 =	vadd.f32 v11, v8;
	v4 =	vld [tilespmem:s29+$0x10220];
	v7 =	vadd.f32 v13, v7  }
0x16e: {  	v9 =	vld [tilespmem:s29+$0x10230]  }
0x16f: {  	v10 =	vld [tilespmem:s29+$0x11B20]  }
0x170: {  	v11 =	vld [tilespmem:s29+$0x11B30];
	v2 =	vadd.f32 v2, v5  }
0x171: {  	v3 =	vadd.f32 v3, v6  }
0x172: {  	v4 =	vadd.f32 v4, v8;
	v1 =	vadd.f32 v1, v2  }
0x173: {  	v60 =	vadd.f32 v9, v7;
	v0 =	vadd.f32 v0, v3  }
0x174: {  	v61 =	vadd.f32 v10, v4;
	v1 =	vmul.f32 $4.999999890e-03, v1  }
0x175: {  	v2 =	vadd.f32 v11, v60;
	v0 =	vmul.f32 $4.999999890e-03, v0  }
0x176: {  	s31 =	sadd.s32 $0x1, s31;
	[tilespmem:s0+$0x17440] =	vst v1;
	v62 =	vmul.f32 $4.999999890e-03, v61  }
0x177: {  	p0 =	sne.s32 s31, $0x3F;
	[tilespmem:s0+$0x17450] =	vst v0;
	v63 =	vmul.f32 $4.999999890e-03, v2  }
.Ltmp12:
0x178: {  	[tilespmem:s0+$0x17460] =	vst v62;
	(pc) =	sbr.rel @p0 .LBB2_22-.Ltmp12, $4  }
0x179: {  	s14 =	sadd.s32 $0x270, s1;
	[tilespmem:s0+$0x17470] =	vst v63  }
0x17a: {  	[tilespmem:s17], [sflag:$0x4] =	stream.indirect.gather [hbm4b:s3+s12], $0x40, s14, s12, $0xb8;
	[tilespmem:$0x1B400] =	vst v63  }
0x17b: {  	s29 =	sadd.s32 $0x2D8, s1  }
0x17c: {  	[tilespmem:s19], [sflag:$0x5] =	stream.indirect.gather [hbm4b:s3+s12], $0x40, s29, s12, $0xb8;
	[tilespmem:$0x1B400] =	vst v63  }
0x17d: {  	_ =	swait.ge [sflag:s20], $0x1900  }
0x17e: {  	[sflag:s20] =	ssyncset.done $0x0  }
0x17f: {  	[sflag:s20] =	ssyncadd.s32 $0xFFFFE700  }
0x180: {  	_ =	swait.ge [sflag:s21], $0x1900  }
0x181: {  	[sflag:s21] =	ssyncset.done $0x0  }
0x182: {  	s0 =	simm.s32 $0x20;
	[sflag:s21] =	ssyncadd.s32 $0xFFFFE700  }
0x183: {  	v1 =	vld [tilespmem:s0+$0xE8E0]  }
0x184: {  	v0 =	vld [tilespmem:s0+$0xE8F0]  }
0x185: {  	v2 =	vld [tilespmem:s0+$0xCFE0]  }
0x186: {  	v5 =	vimm.f32 $0.0e+00;
	v3 =	vld [tilespmem:s0+$0xCFF0]  }
0x187: {  	s1 =	simm.s32 $0x180;
	v6 =	vimm.f32 $0.0e+00;
	v8 =	vimm.f32 $0.0e+00;
	v7 =	vimm.f32 $0.0e+00;
	v4 =	vld [tilespmem:s0+$0xD000]  }
.LBB2_28:
0x188: {  	p0 =	sne.s32 s1, $0x6380;
	v9 =	vld [tilespmem:s0+$0xD010];
	v10 =	vmov v1  }
0x189: {  	v11 =	vld [tilespmem:s0+$0xE900];
	v12 =	vmov v0  }
0x18a: {  	v13 =	vld [tilespmem:s0+$0xE910];
	s0 =	sshra.s32 s1, $0x2  }
.Ltmp13:
0x18b: {  	v1 =	vld [tilespmem:s0+$0xE8E0];
	(pc) =	sbr.rel @p0 .LBB2_28-.Ltmp13, $4  }
0x18c: {  	v5 =	vadd.f32 v2, v5;
	v6 =	vadd.f32 v3, v6;
	v0 =	vld [tilespmem:s0+$0xE8F0]  }
0x18d: {  	v8 =	vadd.f32 v4, v8;
	v2 =	vld [tilespmem:s0+$0xCFE0];
	v7 =	vadd.f32 v9, v7  }
0x18e: {  	v5 =	vadd.f32 v10, v5;
	v6 =	vadd.f32 v12, v6;
	v3 =	vld [tilespmem:s0+$0xCFF0]  }
0x18f: {  	s1 =	sadd.s32 $0x100, s1;
	v8 =	vadd.f32 v11, v8;
	v4 =	vld [tilespmem:s0+$0xD000];
	v7 =	vadd.f32 v13, v7  }
0x190: {  	v9 =	vld [tilespmem:s0+$0xD010]  }
0x191: {  	v10 =	vld [tilespmem:s0+$0xE900]  }
0x192: {  	v11 =	vld [tilespmem:s0+$0xE910];
	v2 =	vadd.f32 v2, v5  }
0x193: {  	v3 =	vadd.f32 v3, v6  }
0x194: {  	v4 =	vadd.f32 v4, v8;
	v1 =	vadd.f32 v1, v2  }
0x195: {  	v2 =	vadd.f32 v9, v7;
	v0 =	vadd.f32 v0, v3  }
0x196: {  	v3 =	vadd.f32 v10, v4;
	v1 =	vmul.f32 $4.999999890e-03, v1  }
0x197: {  	v2 =	vadd.f32 v11, v2;
	v0 =	vmul.f32 $4.999999890e-03, v0  }
0x198: {  	[tilespmem:$0x19380] =	vst v1;
	v1 =	vmul.f32 $4.999999890e-03, v3  }
0x199: {  	[tilespmem:$0x19390] =	vst v0;
	v0 =	vmul.f32 $4.999999890e-03, v2  }
0x19a: {  	[tilespmem:$0x193A0] =	vst v1  }
0x19b: {  	[tilespmem:$0x193B0] =	vst v0  }
0x19c: {  	_ =	swait.ge [sflag:s22], $0x1900  }
0x19d: {  	[sflag:s22] =	ssyncset.done $0x0  }
0x19e: {  	[sflag:s22] =	ssyncadd.s32 $0xFFFFE700  }
0x19f: {  	_ =	swait.ge [sflag:s23], $0x1900  }
0x1a0: {  	[sflag:s23] =	ssyncset.done $0x0  }
0x1a1: {  	s0 =	simm.s32 $0x0;
	[sflag:s23] =	ssyncadd.s32 $0xFFFFE700  }
0x1a2: {  	v1 =	vld [tilespmem:s0+$0x11B00]  }
0x1a3: {  	v0 =	vld [tilespmem:s0+$0x11B10]  }
0x1a4: {  	v2 =	vld [tilespmem:s0+$0x10200]  }
0x1a5: {  	v5 =	vimm.f32 $0.0e+00;
	v3 =	vld [tilespmem:s0+$0x10210]  }
0x1a6: {  	s1 =	simm.s32 $0x100;
	v6 =	vimm.f32 $0.0e+00;
	v8 =	vimm.f32 $0.0e+00;
	v7 =	vimm.f32 $0.0e+00;
	v4 =	vld [tilespmem:s0+$0x10220]  }
.LBB2_30:
0x1a7: {  	p0 =	sne.s32 s1, $0x6300;
	v9 =	vld [tilespmem:s0+$0x10230];
	v10 =	vmov v1  }
0x1a8: {  	v11 =	vld [tilespmem:s0+$0x11B20];
	v12 =	vmov v0  }
0x1a9: {  	v13 =	vld [tilespmem:s0+$0x11B30];
	s0 =	sshra.s32 s1, $0x2  }
.Ltmp14:
0x1aa: {  	v1 =	vld [tilespmem:s0+$0x11B00];
	(pc) =	sbr.rel @p0 .LBB2_30-.Ltmp14, $4  }
0x1ab: {  	v5 =	vadd.f32 v2, v5;
	v6 =	vadd.f32 v3, v6;
	v0 =	vld [tilespmem:s0+$0x11B10]  }
0x1ac: {  	v8 =	vadd.f32 v4, v8;
	v2 =	vld [tilespmem:s0+$0x10200];
	v7 =	vadd.f32 v9, v7  }
0x1ad: {  	v5 =	vadd.f32 v10, v5;
	v6 =	vadd.f32 v12, v6;
	v3 =	vld [tilespmem:s0+$0x10210]  }
0x1ae: {  	s1 =	sadd.s32 $0x100, s1;
	v8 =	vadd.f32 v11, v8;
	v4 =	vld [tilespmem:s0+$0x10220];
	v7 =	vadd.f32 v13, v7  }
0x1af: {  	v9 =	vld [tilespmem:s0+$0x10230]  }
0x1b0: {  	v10 =	vld [tilespmem:s0+$0x11B20]  }
0x1b1: {  	v11 =	vld [tilespmem:s0+$0x11B30];
	v2 =	vadd.f32 v2, v5  }
0x1b2: {  	v3 =	vadd.f32 v3, v6  }
0x1b3: {  	v4 =	vadd.f32 v4, v8;
	v1 =	vadd.f32 v1, v2  }
0x1b4: {  	v60 =	vadd.f32 v9, v7;
	v0 =	vadd.f32 v0, v3  }
0x1b5: {  	v61 =	vadd.f32 v10, v4;
	v1 =	vmul.f32 $4.999999890e-03, v1  }
0x1b6: {  	v2 =	vadd.f32 v11, v60;
	v0 =	vmul.f32 $4.999999890e-03, v0  }
0x1b7: {  	[tilespmem:$0x193C0] =	vst v1;
	v62 =	vmul.f32 $4.999999890e-03, v61  }
0x1b8: {  	[tilespmem:$0x193D0] =	vst v0;
	v63 =	vmul.f32 $4.999999890e-03, v2  }
0x1b9: {  	[tilespmem:$0x193E0] =	vst v62  }
0x1ba: {  	[tilespmem:$0x193F0] =	vst v63  }
0x1bb: {  	_ =	swait.ge [sflag:s24], $0x6800  }
0x1bc: {  	[sflag:s24] =	ssyncset.done $0x0  }
0x1bd: {  	[sflag:s24] =	ssyncadd.s32 $0xFFFF9800  }
0x1be: {  	[tilespmem:s13], [sflag:$0x2] =	stream.indirect.gather [hbm4b:s3+s12], $0x40, s11, s12, $0xb8;
	[tilespmem:$0x1B400] =	vst v63  }
0x1bf: {  	_ = 	snop  }
0x1c0: {  	[tilespmem:s15], [sflag:$0x3] =	stream.indirect.gather [hbm4b:s3+s12], $0x40, s25, s12, $0xb8;
	[tilespmem:$0x1B400] =	vst v63  }
0x1c1: {  	_ = 	snop  }
0x1c2: {  	[tilespmem:s17], [sflag:$0x4] =	stream.indirect.gather [hbm4b:s3+s12], $0x40, s26, s12, $0xb8;
	[tilespmem:$0x1B400] =	vst v63  }
0x1c3: {  	s31 =	simm.s32 $0x0  }
0x1c4: {  	[tilespmem:s19], [sflag:$0x5] =	stream.indirect.gather [hbm4b:s3+s12], $0x40, s28, s12, $0xb8;
	[tilespmem:$0x1B400] =	vst v63  }
.LBB2_32:
0x1c5: {  	_ =	swait.ge [sflag:s20], $0x1900  }
0x1c6: {  	[sflag:s20] =	ssyncset.done $0x0  }
0x1c7: {  	[sflag:s20] =	ssyncadd.s32 $0xFFFFE700  }
0x1c8: {  	_ =	swait.ge [sflag:s21], $0x1900  }
0x1c9: {  	[sflag:s21] =	ssyncset.done $0x0  }
0x1ca: {  	s0 =	simm.s32 $0x20;
	[sflag:s21] =	ssyncadd.s32 $0xFFFFE700  }
0x1cb: {  	v1 =	vld [tilespmem:s0+$0xE8E0]  }
0x1cc: {  	v0 =	vld [tilespmem:s0+$0xE8F0]  }
0x1cd: {  	v2 =	vld [tilespmem:s0+$0xCFE0]  }
0x1ce: {  	v5 =	vimm.f32 $0.0e+00;
	v3 =	vld [tilespmem:s0+$0xCFF0]  }
0x1cf: {  	s1 =	simm.s32 $0x180;
	v6 =	vimm.f32 $0.0e+00;
	v8 =	vimm.f32 $0.0e+00;
	v7 =	vimm.f32 $0.0e+00;
	v4 =	vld [tilespmem:s0+$0xD000]  }
.LBB2_33:
0x1d0: {  	p0 =	sne.s32 s1, $0x6380;
	v9 =	vld [tilespmem:s0+$0xD010];
	v10 =	vmov v1  }
0x1d1: {  	v11 =	vld [tilespmem:s0+$0xE900];
	v12 =	vmov v0  }
0x1d2: {  	v13 =	vld [tilespmem:s0+$0xE910];
	s0 =	sshra.s32 s1, $0x2  }
.Ltmp15:
0x1d3: {  	v1 =	vld [tilespmem:s0+$0xE8E0];
	(pc) =	sbr.rel @p0 .LBB2_33-.Ltmp15, $4  }
0x1d4: {  	v5 =	vadd.f32 v2, v5;
	v6 =	vadd.f32 v3, v6;
	v0 =	vld [tilespmem:s0+$0xE8F0]  }
0x1d5: {  	v8 =	vadd.f32 v4, v8;
	v2 =	vld [tilespmem:s0+$0xCFE0];
	v7 =	vadd.f32 v9, v7  }
0x1d6: {  	v5 =	vadd.f32 v10, v5;
	v6 =	vadd.f32 v12, v6;
	v3 =	vld [tilespmem:s0+$0xCFF0]  }
0x1d7: {  	s1 =	sadd.s32 $0x100, s1;
	v8 =	vadd.f32 v11, v8;
	v4 =	vld [tilespmem:s0+$0xD000];
	v7 =	vadd.f32 v13, v7  }
0x1d8: {  	v9 =	vld [tilespmem:s0+$0xD010]  }
0x1d9: {  	v10 =	vld [tilespmem:s0+$0xE900]  }
0x1da: {  	v11 =	vld [tilespmem:s0+$0xE910];
	v2 =	vadd.f32 v2, v5  }
0x1db: {  	v3 =	vadd.f32 v3, v6  }
0x1dc: {  	v4 =	vadd.f32 v4, v8;
	v1 =	vadd.f32 v1, v2  }
0x1dd: {  	v2 =	vadd.f32 v9, v7;
	v0 =	vadd.f32 v0, v3  }
0x1de: {  	s14 =	sshll.u32 s31, $0x7;
	v3 =	vadd.f32 v10, v4;
	v1 =	vmul.f32 $4.999999890e-03, v1  }
0x1df: {  	s0 =	sand.u32 $0x3FFFFF80, s14;
	v2 =	vadd.f32 v11, v2;
	v0 =	vmul.f32 $4.999999890e-03, v0  }
0x1e0: {  	s1 =	smul.u32 $0x680, s31;
	[tilespmem:s0+$0x19400] =	vst v1;
	v1 =	vmul.f32 $4.999999890e-03, v3  }
0x1e1: {  	[tilespmem:s0+$0x19410] =	vst v0;
	v0 =	vmul.f32 $4.999999890e-03, v2  }
0x1e2: {  	s1 =	sshra.s32 s1, $0x2;
	[tilespmem:s0+$0x19420] =	vst v1  }
0x1e3: {  	s14 =	sadd.s32 $0x69A0, s1;
	[tilespmem:s0+$0x19430] =	vst v0  }
0x1e4: {  	[tilespmem:s13], [sflag:$0x2] =	stream.indirect.gather [hbm4b:s3+s12], $0x40, s14, s12, $0xb8;
	[tilespmem:$0x1B400] =	vst v63  }
0x1e5: {  	s14 =	sadd.s32 $0x6A08, s1  }
0x1e6: {  	[tilespmem:s15], [sflag:$0x3] =	stream.indirect.gather [hbm4b:s3+s12], $0x40, s14, s12, $0xb8;
	[tilespmem:$0x1B400] =	vst v63  }
0x1e7: {  	_ =	swait.ge [sflag:s22], $0x1900  }
0x1e8: {  	[sflag:s22] =	ssyncset.done $0x0  }
0x1e9: {  	[sflag:s22] =	ssyncadd.s32 $0xFFFFE700  }
0x1ea: {  	_ =	swait.ge [sflag:s23], $0x1900  }
0x1eb: {  	[sflag:s23] =	ssyncset.done $0x0  }
0x1ec: {  	s29 =	simm.s32 $0x0;
	[sflag:s23] =	ssyncadd.s32 $0xFFFFE700  }
0x1ed: {  	v1 =	vld [tilespmem:s29+$0x11B00]  }
0x1ee: {  	v0 =	vld [tilespmem:s29+$0x11B10]  }
0x1ef: {  	v2 =	vld [tilespmem:s29+$0x10200]  }
0x1f0: {  	v5 =	vimm.f32 $0.0e+00;
	v3 =	vld [tilespmem:s29+$0x10210]  }
0x1f1: {  	v6 =	vimm.f32 $0.0e+00;
	v8 =	vimm.f32 $0.0e+00;
	v7 =	vimm.f32 $0.0e+00;
	s14 =	simm.s32 $0x100;
	v4 =	vld [tilespmem:s29+$0x10220]  }
.LBB2_35:
0x1f2: {  	p0 =	sne.s32 s14, $0x6300;
	v9 =	vld [tilespmem:s29+$0x10230];
	v10 =	vmov v1  }
0x1f3: {  	v11 =	vld [tilespmem:s29+$0x11B20];
	v12 =	vmov v0  }
0x1f4: {  	v13 =	vld [tilespmem:s29+$0x11B30];
	s29 =	sshra.s32 s14, $0x2  }
.Ltmp16:
0x1f5: {  	v1 =	vld [tilespmem:s29+$0x11B00];
	(pc) =	sbr.rel @p0 .LBB2_35-.Ltmp16, $4  }
0x1f6: {  	v5 =	vadd.f32 v2, v5;
	v6 =	vadd.f32 v3, v6;
	v0 =	vld [tilespmem:s29+$0x11B10]  }
0x1f7: {  	v8 =	vadd.f32 v4, v8;
	v2 =	vld [tilespmem:s29+$0x10200];
	v7 =	vadd.f32 v9, v7  }
0x1f8: {  	v5 =	vadd.f32 v10, v5;
	v6 =	vadd.f32 v12, v6;
	v3 =	vld [tilespmem:s29+$0x10210]  }
0x1f9: {  	s14 =	sadd.s32 $0x100, s14;
	v8 =	vadd.f32 v11, v8;
	v4 =	vld [tilespmem:s29+$0x10220];
	v7 =	vadd.f32 v13, v7  }
0x1fa: {  	v9 =	vld [tilespmem:s29+$0x10230]  }
0x1fb: {  	v10 =	vld [tilespmem:s29+$0x11B20]  }
0x1fc: {  	v11 =	vld [tilespmem:s29+$0x11B30];
	v2 =	vadd.f32 v2, v5  }
0x1fd: {  	v3 =	vadd.f32 v3, v6  }
0x1fe: {  	v4 =	vadd.f32 v4, v8;
	v1 =	vadd.f32 v1, v2  }
0x1ff: {  	v60 =	vadd.f32 v9, v7;
	v0 =	vadd.f32 v0, v3  }
0x200: {  	v61 =	vadd.f32 v10, v4;
	v1 =	vmul.f32 $4.999999890e-03, v1  }
0x201: {  	v2 =	vadd.f32 v11, v60;
	v0 =	vmul.f32 $4.999999890e-03, v0  }
0x202: {  	s31 =	sadd.s32 $0x1, s31;
	[tilespmem:s0+$0x19440] =	vst v1;
	v62 =	vmul.f32 $4.999999890e-03, v61  }
0x203: {  	p0 =	sne.s32 s31, $0x3F;
	[tilespmem:s0+$0x19450] =	vst v0;
	v63 =	vmul.f32 $4.999999890e-03, v2  }
.Ltmp17:
0x204: {  	[tilespmem:s0+$0x19460] =	vst v62;
	(pc) =	sbr.rel @p0 .LBB2_32-.Ltmp17, $4  }
0x205: {  	s14 =	sadd.s32 $0x6A70, s1;
	[tilespmem:s0+$0x19470] =	vst v63  }
0x206: {  	[tilespmem:s17], [sflag:$0x4] =	stream.indirect.gather [hbm4b:s3+s12], $0x40, s14, s12, $0xb8;
	[tilespmem:$0x1B400] =	vst v63  }
0x207: {  	s29 =	sadd.s32 $0x6AD8, s1  }
0x208: {  	[tilespmem:s19], [sflag:$0x5] =	stream.indirect.gather [hbm4b:s3+s12], $0x40, s29, s12, $0xb8;
	[tilespmem:$0x1B400] =	vst v63  }
0x209: {  	_ =	swait.ge [sflag:s20], $0x1900  }
0x20a: {  	[sflag:s20] =	ssyncset.done $0x0  }
0x20b: {  	[sflag:s20] =	ssyncadd.s32 $0xFFFFE700  }
0x20c: {  	_ =	swait.ge [sflag:s21], $0x1900  }
0x20d: {  	[sflag:s21] =	ssyncset.done $0x0  }
0x20e: {  	s0 =	simm.s32 $0x20;
	[sflag:s21] =	ssyncadd.s32 $0xFFFFE700  }
0x20f: {  	v1 =	vld [tilespmem:s0+$0xE8E0]  }
0x210: {  	v0 =	vld [tilespmem:s0+$0xE8F0]  }
0x211: {  	v2 =	vld [tilespmem:s0+$0xCFE0]  }
0x212: {  	v5 =	vimm.f32 $0.0e+00;
	v3 =	vld [tilespmem:s0+$0xCFF0]  }
0x213: {  	s1 =	simm.s32 $0x180;
	v6 =	vimm.f32 $0.0e+00;
	v8 =	vimm.f32 $0.0e+00;
	v7 =	vimm.f32 $0.0e+00;
	v4 =	vld [tilespmem:s0+$0xD000]  }
.LBB2_38:
0x214: {  	p0 =	sne.s32 s1, $0x6380;
	v9 =	vld [tilespmem:s0+$0xD010];
	v10 =	vmov v1  }
0x215: {  	v11 =	vld [tilespmem:s0+$0xE900];
	v12 =	vmov v0  }
0x216: {  	v13 =	vld [tilespmem:s0+$0xE910];
	s0 =	sshra.s32 s1, $0x2  }
.Ltmp18:
0x217: {  	v1 =	vld [tilespmem:s0+$0xE8E0];
	(pc) =	sbr.rel @p0 .LBB2_38-.Ltmp18, $4  }
0x218: {  	v5 =	vadd.f32 v2, v5;
	v6 =	vadd.f32 v3, v6;
	v0 =	vld [tilespmem:s0+$0xE8F0]  }
0x219: {  	v8 =	vadd.f32 v4, v8;
	v2 =	vld [tilespmem:s0+$0xCFE0];
	v7 =	vadd.f32 v9, v7  }
0x21a: {  	v5 =	vadd.f32 v10, v5;
	v6 =	vadd.f32 v12, v6;
	v3 =	vld [tilespmem:s0+$0xCFF0]  }
0x21b: {  	s1 =	sadd.s32 $0x100, s1;
	v8 =	vadd.f32 v11, v8;
	v4 =	vld [tilespmem:s0+$0xD000];
	v7 =	vadd.f32 v13, v7  }
0x21c: {  	v9 =	vld [tilespmem:s0+$0xD010]  }
0x21d: {  	v10 =	vld [tilespmem:s0+$0xE900]  }
0x21e: {  	v11 =	vld [tilespmem:s0+$0xE910];
	v2 =	vadd.f32 v2, v5  }
0x21f: {  	v3 =	vadd.f32 v3, v6  }
0x220: {  	v4 =	vadd.f32 v4, v8;
	v1 =	vadd.f32 v1, v2  }
0x221: {  	v2 =	vadd.f32 v9, v7;
	v0 =	vadd.f32 v0, v3  }
0x222: {  	v3 =	vadd.f32 v10, v4;
	v1 =	vmul.f32 $4.999999890e-03, v1  }
0x223: {  	v2 =	vadd.f32 v11, v2;
	v0 =	vmul.f32 $4.999999890e-03, v0  }
0x224: {  	[tilespmem:$0x1B380] =	vst v1;
	v1 =	vmul.f32 $4.999999890e-03, v3  }
0x225: {  	[tilespmem:$0x1B390] =	vst v0;
	v0 =	vmul.f32 $4.999999890e-03, v2  }
0x226: {  	[tilespmem:$0x1B3A0] =	vst v1  }
0x227: {  	[tilespmem:$0x1B3B0] =	vst v0  }
0x228: {  	_ =	swait.ge [sflag:s22], $0x1900  }
0x229: {  	[sflag:s22] =	ssyncset.done $0x0  }
0x22a: {  	[sflag:s22] =	ssyncadd.s32 $0xFFFFE700  }
0x22b: {  	_ =	swait.ge [sflag:s23], $0x1900  }
0x22c: {  	[sflag:s23] =	ssyncset.done $0x0  }
0x22d: {  	s0 =	simm.s32 $0x0;
	[sflag:s23] =	ssyncadd.s32 $0xFFFFE700  }
0x22e: {  	v1 =	vld [tilespmem:s0+$0x11B00]  }
0x22f: {  	v0 =	vld [tilespmem:s0+$0x11B10]  }
0x230: {  	v2 =	vld [tilespmem:s0+$0x10200]  }
0x231: {  	v5 =	vimm.f32 $0.0e+00;
	v3 =	vld [tilespmem:s0+$0x10210]  }
0x232: {  	s1 =	simm.s32 $0x100;
	v6 =	vimm.f32 $0.0e+00;
	v8 =	vimm.f32 $0.0e+00;
	v7 =	vimm.f32 $0.0e+00;
	v4 =	vld [tilespmem:s0+$0x10220]  }
.LBB2_40:
0x233: {  	p0 =	sne.s32 s1, $0x6300;
	v9 =	vld [tilespmem:s0+$0x10230];
	v10 =	vmov v1  }
0x234: {  	v11 =	vld [tilespmem:s0+$0x11B20];
	v12 =	vmov v0  }
0x235: {  	v13 =	vld [tilespmem:s0+$0x11B30];
	s0 =	sshra.s32 s1, $0x2  }
.Ltmp19:
0x236: {  	v1 =	vld [tilespmem:s0+$0x11B00];
	(pc) =	sbr.rel @p0 .LBB2_40-.Ltmp19, $4  }
0x237: {  	v5 =	vadd.f32 v2, v5;
	v6 =	vadd.f32 v3, v6;
	v0 =	vld [tilespmem:s0+$0x11B10]  }
0x238: {  	v8 =	vadd.f32 v4, v8;
	v2 =	vld [tilespmem:s0+$0x10200];
	v7 =	vadd.f32 v9, v7  }
0x239: {  	v5 =	vadd.f32 v10, v5;
	v6 =	vadd.f32 v12, v6;
	v3 =	vld [tilespmem:s0+$0x10210]  }
0x23a: {  	s1 =	sadd.s32 $0x100, s1;
	v8 =	vadd.f32 v11, v8;
	v4 =	vld [tilespmem:s0+$0x10220];
	v7 =	vadd.f32 v13, v7  }
0x23b: {  	v9 =	vld [tilespmem:s0+$0x10230]  }
0x23c: {  	v10 =	vld [tilespmem:s0+$0x11B20]  }
0x23d: {  	v11 =	vld [tilespmem:s0+$0x11B30];
	v2 =	vadd.f32 v2, v5  }
0x23e: {  	v3 =	vadd.f32 v3, v6  }
0x23f: {  	v4 =	vadd.f32 v4, v8;
	v1 =	vadd.f32 v1, v2  }
0x240: {  	v60 =	vadd.f32 v9, v7;
	v0 =	vadd.f32 v0, v3  }
0x241: {  	v61 =	vadd.f32 v10, v4;
	v1 =	vmul.f32 $4.999999890e-03, v1  }
0x242: {  	v2 =	vadd.f32 v11, v60;
	v0 =	vmul.f32 $4.999999890e-03, v0  }
0x243: {  	[tilespmem:$0x1B3C0] =	vst v1;
	v62 =	vmul.f32 $4.999999890e-03, v61  }
0x244: {  	s30 =	sadd.s32 $0x1, s30;
	[tilespmem:$0x1B3D0] =	vst v0;
	v63 =	vmul.f32 $4.999999890e-03, v2  }
0x245: {  	p0 =	sne.s32 s30, s9;
	[tilespmem:$0x1B3E0] =	vst v62  }
.Ltmp20:
0x246: {  	s31 =	simm.s32 $0x13400;
	[tilespmem:$0x1B3F0] =	vst v63;
	(pc) =	sbr.rel @p0 .LBB2_1-.Ltmp20, $4  }
0x247: {  	[hbm4b:s8+s2] =	stream.linear.scatter [tilespmem:s31], [sflag:$0x6], $0x8000, $0x38;
	[tilespmem:$0x1B400] =	vst v63  }
0x248: {  	_ =	swait.ge [sflag:s10], $0x8000  }
0x249: {  	[sflag:s10] =	ssyncset.done $0x0  }
0x24a: {  	[sflag:s10] =	ssyncadd.s32 $0xFFFF8000  }
0x24b: {  	_ =	sfence.sel $0x180000  }
0x24c: {  	[bflag:$0x0] =	sbarrier.arrive $0xFFFF  }
0x24d: {  	_ =	strace $0x90000047  }
0x24e: {  	s0 =	stileid.u32;
	[bflag:$0x2] =	sbarrier.arrive $0xFFFF  }
0x24f: {  	p0 =	sne.s32 s0, $0x0;
	s0 =	rddreg [dreg:$0x1]  }
0x250: {  	s0 =	sadd.s32 @!p0 $0x100000, s0  }
0x251: {  	[sflag:s0] =	ssyncadd.tile.s32 @!p0 $0x1;
	_ =	shalt  }
.Lfunc_end2:
_tile_overlayer_lowered:
.L_overlay_start_2:
0x252: {  	(tag) =	ssettag $0x2  }
0x253: {  	s0 =	rddreg [dreg:$0x0];
	s2 =	stileid.u32  }
0x254: {  	s1 =	rddreg [dreg:$0x1];
	p0 =	sne.s32 s2, $0x0  }
0x255: {  	s3 =	rddreg [dreg:$0x2];
	[bflag:$0x3] =	sbarrier.arrive $0xFFFF;
	s2 =	simm.s32 @!p0 $0x1C06  }
0x256: {  	[timem:s3], [sflag:s2] =	dma.local @!p0 [hbm:s0], s1  }
0x257: {  	s0 =	simm.s32 @!p0 $0x6  }
0x258: {  	_ =	swait.ge @!p0 [sflag:s0], s1  }
0x259: {  	s1 =	ssub.s32 @!p0 $0x0, s1;
	[sflag:s0] =	ssyncset.done @!p0 $0x0  }
0x25a: {  	[sflag:s0] =	ssyncadd.s32 @!p0 s1  }
0x25b: {  	[bflag:$0x3] =	sbarrier.arrive $0xFFFF  }
0x25c: {  	_ =	shalt  }

</sc_bundles>
